<compile_context>
chip_gen: v7x
topology: tpu7x:2x2x1
jax: 0.10.2.dev20260603
libtpu: 0.0.44.dev20260713+nightly
codegen_flags: <defaults>
</compile_context>

<pallas_src>
import functools
import math

import jax
import jax.numpy as jnp
from jax import lax
from jax.experimental import pallas as pl
from jax.experimental.pallas import tpu as pltpu
from jax.experimental.pallas import tpu_sc as plsc

_D = 64
_V = 1000000
_SEQ = 200
_BATCH = 4096
_NC = 2
_NS = 16
_NW = _NC * _NS
_C = _BATCH // _NW
_SCALE = math.sqrt(_D)

_R = 256
_T = _R // 8
_DBLK = _V // _R
_DFULL = _DBLK // _NW
_DEXTRA = _DBLK - _DFULL * _NW
_TAIL_ROWS = _V - _DBLK * _R


def _detile_body(src_hbm, out_hbm, in_v, out_v, sem_i0, sem_i1,
                 sem_o0, sem_o1):
    wid = lax.axis_index("c") * _NS + lax.axis_index("s")
    sem_i = (sem_i0, sem_i1)
    sem_o = (sem_o0, sem_o1)

    def in_slice(blk, n):
        off = pl.multiple_of(blk * _T, 1)
        return src_hbm.at[pl.ds(off, n // 8), :, :]

    def out_slice(blk, n):
        off = pl.multiple_of(blk * (_R // 2), 8)
        return out_hbm.at[pl.ds(off, n // 2), :]

    def start_in(blk, bb, n=_R):
        pltpu.async_copy(in_slice(blk, n), in_v.at[bb, pl.ds(0, n // 8)],
                         sem_i[bb])

    def wait_in(blk, bb, n=_R):
        pltpu.make_async_copy(in_slice(blk, n),
                              in_v.at[bb, pl.ds(0, n // 8)],
                              sem_i[bb]).wait()

    def start_out(blk, bb, n=_R):
        pltpu.async_copy(out_v.at[bb, pl.ds(0, n // 2), :], out_slice(blk, n),
                         sem_o[bb])

    def wait_out(blk, bb, n=_R):
        pltpu.make_async_copy(out_v.at[bb, pl.ds(0, n // 2), :],
                              out_slice(blk, n), sem_o[bb]).wait()

    def compact(bb, n=_R):
        iv = in_v.at[bb]
        ov = out_v.at[bb]

        @plsc.parallel_loop(0, n // 2, step=1, unroll=4)
        def _(k):
            for j in range(8):
                r = 2 * k + (j >= 4)
                ov[k, pl.ds(16 * j, 16)] = iv[
                    lax.shift_right_logical(r, 3), lax.bitwise_and(r, 7),
                    pl.ds(16 * (j % 4), 16)]

    start_in(wid, 0)

    def pair_body(i2, carry):
        for bb in range(2):
            i = 2 * i2 + bb
            blk = wid + _NW * i

            @pl.when(i + 1 < _DFULL)
            def _():
                start_in(wid + _NW * (i + 1), 1 - bb)

            wait_in(blk, bb)

            @pl.when(i2 > 0)
            def _():
                wait_out(wid + _NW * (i - 2), bb)

            compact(bb)
            start_out(blk, bb)
        return carry

    lax.fori_loop(0, _DFULL // 2, pair_body, 0)
    for bb in range(2):
        wait_out(wid + _NW * (_DFULL - 2 + bb), bb)

    @pl.when(wid < _DEXTRA)
    def _():
        blk = _DFULL * _NW + wid
        start_in(blk, 0)
        wait_in(blk, 0)
        compact(0)
        start_out(blk, 0)
        wait_out(blk, 0)

    @pl.when(wid == _DEXTRA)
    def _():
        blk = _DBLK
        start_in(blk, 0, _TAIL_ROWS)
        wait_in(blk, 0, _TAIL_ROWS)
        compact(0, _TAIL_ROWS)
        start_out(blk, 0, _TAIL_ROWS)
        wait_out(blk, 0, _TAIL_ROWS)


def _gather_body(idx_hbm, pe_hbm, table_hbm, out_hbm,
                 idx_v, pe_v, rows_v, trans_v,
                 sem_g0, sem_g1, sem_o0, sem_o1):
    wid = lax.axis_index("c") * _NS + lax.axis_index("s")
    sem_g = (sem_g0, sem_g1)
    sem_o = (sem_o0, sem_o1)

    pltpu.sync_copy(idx_hbm.at[wid], idx_v)
    pltpu.sync_copy(pe_hbm, pe_v)

    lane = lax.iota(jnp.int32, 16)
    dhi = [lax.shift_right_logical(lane + 16 * j, 3) for j in range(_D // 16)]
    dlo = [lax.bitwise_and(lane + 16 * j, 7) for j in range(_D // 16)]

    pltpu.async_copy(table_hbm.at[idx_v.at[0]], rows_v.at[0], sem_g[0])

    def pair_body(s2, carry):
        for b in range(2):
            s = 2 * s2 + b

            @pl.when(s + 1 < _SEQ)
            def _():
                pltpu.async_copy(table_hbm.at[idx_v.at[s + 1]],
                                 rows_v.at[1 - b], sem_g[1 - b])

            pltpu.make_async_copy(table_hbm.at[idx_v.at[s]],
                                  rows_v.at[b], sem_g[b]).wait()

            @pl.when(s2 > 0)
            def _():
                pltpu.make_async_copy(trans_v.at[b, :, :, pl.ds(0, _C)],
                                      out_hbm.at[s - 2, :, wid],
                                      sem_o[b]).wait()

            rv = rows_v.at[b]
            tv = trans_v.at[b]
            pe_s = [pe_v[s, pl.ds(16 * j, 16)] for j in range(_D // 16)]

            @plsc.parallel_loop(0, _C, step=1, unroll=8)
            def _(t):
                col = jnp.full((16,), t, jnp.int32)
                for j in range(_D // 16):
                    v = rv[t, pl.ds(16 * j, 16)] * _SCALE + pe_s[j]
                    plsc.store_scatter(tv, [dhi[j], dlo[j], col], v)

            pltpu.async_copy(tv.at[:, :, pl.ds(0, _C)],
                             out_hbm.at[s, :, wid], sem_o[b])
        return carry

    lax.fori_loop(0, _SEQ // 2, pair_body, 0)
    for b in range(2):
        pltpu.make_async_copy(trans_v.at[b, :, :, pl.ds(0, _C)],
                              out_hbm.at[_SEQ - 2 + b, :, wid],
                              sem_o[b]).wait()


def kernel(x, table, pe):
    mesh = plsc.VectorSubcoreMesh(core_axis_name="c", subcore_axis_name="s")

    detile = functools.partial(
        pl.kernel,
        mesh=mesh,
        out_type=jax.ShapeDtypeStruct((_V // 2, 2 * _D), jnp.float32),
        scratch_types=[
            pltpu.VMEM((2, _T, 8, _D), jnp.float32),
            pltpu.VMEM((2, _R // 2, 2 * _D), jnp.float32),
            pltpu.SemaphoreType.DMA,
            pltpu.SemaphoreType.DMA,
            pltpu.SemaphoreType.DMA,
            pltpu.SemaphoreType.DMA,
        ],
        compiler_params=pltpu.CompilerParams(use_tc_tiling_on_sc=True,
                                             needs_layout_passes=False),
    )(_detile_body)

    gather = functools.partial(
        pl.kernel,
        mesh=mesh,
        out_type=jax.ShapeDtypeStruct((_SEQ, _D // 8, _NW, 8, _C),
                                      jnp.float32),
        scratch_types=[
            pltpu.VMEM((_SEQ, _C), jnp.int32),
            pltpu.VMEM((_SEQ, _D), jnp.float32),
            pltpu.VMEM((2, _C, _D), jnp.float32),
            pltpu.VMEM((2, _D // 8, 8, _C + 1), jnp.float32),
            pltpu.SemaphoreType.DMA,
            pltpu.SemaphoreType.DMA,
            pltpu.SemaphoreType.DMA,
            pltpu.SemaphoreType.DMA,
        ],
        compiler_params=pltpu.CompilerParams(use_tc_tiling_on_sc=False,
                                             needs_layout_passes=False),
    )(_gather_body)

    tbl = detile(table.reshape(_V // 8, 8, _D)).reshape(_V, _D)

    idx = x.astype(jnp.int32).reshape(_NW, _C, _SEQ).transpose(0, 2, 1)
    pe2 = pe[0, :_SEQ, :]
    out5 = gather(idx, pe2, tbl)
    return out5.transpose(2, 4, 0, 1, 3).reshape(_BATCH, _SEQ, _D)

# --- scband reference (transcript-rebuilt; emitter-appended) ---
"""Pipeline reference for scband-transformer-embedding-44530220925307 (READ-ONLY COPY).

The authoritative reference and input builder live on the scoring server;
editing this copy changes nothing except your own understanding.
"""

import jax, jax.numpy as jnp
import numpy as np
import math

VOCAB = 1000000
EMBED_DIM = 64
MAX_SEQ = 5000

def _build_pe(max_seq_length, embedding_dim):
    position = jnp.arange(0, max_seq_length, dtype=jnp.float32)[:, None]
    div_term = jnp.exp(jnp.arange(0, embedding_dim, 2, dtype=jnp.float32) * (-math.log(10000.0) / embedding_dim))
    pe = jnp.zeros((max_seq_length, embedding_dim), dtype=jnp.float32)
    pe = pe.at[:, 0::2].set(jnp.sin(position * div_term))
    pe = pe.at[:, 1::2].set(jnp.cos(position * div_term))
    return pe[None, :, :]

def setup_inputs(seed: int = 0) -> dict:
    key = jax.random.key(seed)
    k1, k2 = jax.random.split(key)
    x = jax.random.randint(k1, (4096, 200), 0, VOCAB, dtype=jnp.int64)
    table = jax.random.normal(k2, (VOCAB, EMBED_DIM), dtype=jnp.float32)
    pe = _build_pe(MAX_SEQ, EMBED_DIM)
    return {"x": x, "table": table, "pe": pe}

def reference(x, table, pe):
    # TokenEmbedding: embedding lookup scaled by sqrt(d)
    embedded = jnp.take(table, x, axis=0) * math.sqrt(EMBED_DIM)
    # PositionalEncoding: add pe[:, :seq_len, :]
    seq_len = x.shape[1]
    embedded = embedded + pe[:, :seq_len, :]
    # Dropout with p=0.0 is identity
    return embedded

if __name__ == "__main__":
    import jax
    _d = setup_inputs()
    print(jax.jit(kernel)(*tuple(_d.values())))

</pallas_src>

<mosaic_0001>
#map = affine_map<(d0, d1) -> (0, 0, 0)>
#map1 = affine_map<(d0, d1) -> (0, 0)>
#map2 = affine_map<(d0, d1) -> (0, 0, 0, 0, 0)>
module attributes {stable_mosaic.version = 14 : i64} {
  func.func @_gather_body(%arg0: i32, %arg1: i32, %arg2: memref<32x200x128xi32, #tpu.memory_space<hbm>>, %arg3: memref<200x64xf32, #tpu.memory_space<hbm>>, %arg4: memref<1000000x64xf32, #tpu.memory_space<hbm>>, %arg5: memref<200x8x32x8x128xf32, #tpu.memory_space<hbm>>, %arg6: memref<200x128xi32, #tpu.memory_space<vmem>>, %arg7: memref<200x64xf32, #tpu.memory_space<vmem>>, %arg8: memref<2x128x64xf32, #tpu.memory_space<vmem>>, %arg9: memref<2x8x8x129xf32, #tpu.memory_space<vmem>>, %arg10: memref<!tpu.dma_semaphore, #tpu.memory_space<semaphore_mem>>, %arg11: memref<!tpu.dma_semaphore, #tpu.memory_space<semaphore_mem>>, %arg12: memref<!tpu.dma_semaphore, #tpu.memory_space<semaphore_mem>>, %arg13: memref<!tpu.dma_semaphore, #tpu.memory_space<semaphore_mem>>) attributes {dimension_semantics = [#tpu.dimension_semantics<core_parallel>, #tpu.dimension_semantics<subcore_parallel>], iteration_bounds = array<i64: 2, 16>, scalar_prefetch = 0 : i64, scratch_operands = 8 : i64, tpu.core_type = #tpu.core_type<sc_vector_subcore>, window_params = [{transform_indices = #map}, {transform_indices = #map1}, {transform_indices = #map1}, {transform_indices = #map2}]} {
    %mul3A = arith.constant 16 : i32
    %mul3A_0 = arith.muli %arg0, %mul3A : i32
    %add3A = arith.addi %mul3A_0, %arg1 : i32
    "tpu.region"() ({
      %run_scoped3A = tpu.sem_alloc : memref<!tpu.dma_semaphore, #tpu.memory_space<semaphore_mem>>
      %dma_start3A_106 = arith.constant 0 : i32
      %dma_start3A_107 = arith.constant 0 : i32
      %dma_start3A_108 = tpu.memref_slice %arg2[%add3A, %dma_start3A_106, %dma_start3A_107] : memref<32x200x128xi32, #tpu.memory_space<hbm>> -> memref<1x200x128xi32, #tpu.memory_space<hbm>>
      %dma_start3A_109 = tpu.memref_squeeze %dma_start3A_108 : memref<1x200x128xi32, #tpu.memory_space<hbm>> -> memref<200x128xi32, #tpu.memory_space<hbm>>
      %dma_start3A_110 = arith.constant 0 : i32
      %dma_start3A_111 = arith.constant 0 : i32
      %dma_start3A_112 = tpu.memref_slice %arg2[%add3A, %dma_start3A_110, %dma_start3A_111] : memref<32x200x128xi32, #tpu.memory_space<hbm>> -> memref<1x200x128xi32, #tpu.memory_space<hbm>>
      %dma_start3A_113 = tpu.memref_squeeze %dma_start3A_112 : memref<1x200x128xi32, #tpu.memory_space<hbm>> -> memref<200x128xi32, #tpu.memory_space<hbm>>
      tpu.enqueue_dma source(%dma_start3A_113 : memref<200x128xi32, #tpu.memory_space<hbm>>) target(%arg6 : memref<200x128xi32, #tpu.memory_space<vmem>>) target_semaphore(%run_scoped3A : memref<!tpu.dma_semaphore, #tpu.memory_space<semaphore_mem>>)
      %dma_wait3A_114 = arith.constant 0 : i32
      %dma_wait3A_115 = arith.constant 0 : i32
      %dma_wait3A_116 = tpu.memref_slice %arg2[%add3A, %dma_wait3A_114, %dma_wait3A_115] : memref<32x200x128xi32, #tpu.memory_space<hbm>> -> memref<1x200x128xi32, #tpu.memory_space<hbm>>
      %dma_wait3A_117 = tpu.memref_squeeze %dma_wait3A_116 : memref<1x200x128xi32, #tpu.memory_space<hbm>> -> memref<200x128xi32, #tpu.memory_space<hbm>>
      %dma_wait3A_118 = arith.constant 0 : i32
      %dma_wait3A_119 = arith.constant 0 : i32
      %dma_wait3A_120 = tpu.memref_slice %arg2[%add3A, %dma_wait3A_118, %dma_wait3A_119] : memref<32x200x128xi32, #tpu.memory_space<hbm>> -> memref<1x200x128xi32, #tpu.memory_space<hbm>>
      %dma_wait3A_121 = tpu.memref_squeeze %dma_wait3A_120 : memref<1x200x128xi32, #tpu.memory_space<hbm>> -> memref<200x128xi32, #tpu.memory_space<hbm>>
      tpu.wait_dma2 semaphore(%run_scoped3A : memref<!tpu.dma_semaphore, #tpu.memory_space<semaphore_mem>>) src(%dma_wait3A_121 : memref<200x128xi32, #tpu.memory_space<hbm>>) dst(%arg6 : memref<200x128xi32, #tpu.memory_space<vmem>>)
      tpu.yield
    }) : () -> ()
    "tpu.region"() ({
      %run_scoped3A = tpu.sem_alloc : memref<!tpu.dma_semaphore, #tpu.memory_space<semaphore_mem>>
      tpu.enqueue_dma source(%arg3 : memref<200x64xf32, #tpu.memory_space<hbm>>) target(%arg7 : memref<200x64xf32, #tpu.memory_space<vmem>>) target_semaphore(%run_scoped3A : memref<!tpu.dma_semaphore, #tpu.memory_space<semaphore_mem>>)
      tpu.wait_dma2 semaphore(%run_scoped3A : memref<!tpu.dma_semaphore, #tpu.memory_space<semaphore_mem>>) src(%arg3 : memref<200x64xf32, #tpu.memory_space<hbm>>) dst(%arg7 : memref<200x64xf32, #tpu.memory_space<vmem>>)
      tpu.yield
    }) : () -> ()
    %iota3A = tpu.iota {dimensions = array<i32: 0>} : vector<16xi32>
    %add3A_1 = arith.constant 0 : i32
    %add3A_2 = vector.broadcast %add3A_1 : i32 to vector<16xi32>
    %add3A_3 = arith.addi %iota3A, %add3A_2 : vector<16xi32>
    %shift_right_logical3A = arith.constant 3 : i32
    %shift_right_logical3A_4 = vector.broadcast %shift_right_logical3A : i32 to vector<16xi32>
    %shift_right_logical3A_5 = arith.shrui %add3A_3, %shift_right_logical3A_4 : vector<16xi32>
    %add3A_6 = arith.constant 16 : i32
    %add3A_7 = vector.broadcast %add3A_6 : i32 to vector<16xi32>
    %add3A_8 = arith.addi %iota3A, %add3A_7 : vector<16xi32>
    %shift_right_logical3A_9 = arith.constant 3 : i32
    %shift_right_logical3A_10 = vector.broadcast %shift_right_logical3A_9 : i32 to vector<16xi32>
    %shift_right_logical3A_11 = arith.shrui %add3A_8, %shift_right_logical3A_10 : vector<16xi32>
    %add3A_12 = arith.constant 32 : i32
    %add3A_13 = vector.broadcast %add3A_12 : i32 to vector<16xi32>
    %add3A_14 = arith.addi %iota3A, %add3A_13 : vector<16xi32>
    %shift_right_logical3A_15 = arith.constant 3 : i32
    %shift_right_logical3A_16 = vector.broadcast %shift_right_logical3A_15 : i32 to vector<16xi32>
    %shift_right_logical3A_17 = arith.shrui %add3A_14, %shift_right_logical3A_16 : vector<16xi32>
    %add3A_18 = arith.constant 48 : i32
    %add3A_19 = vector.broadcast %add3A_18 : i32 to vector<16xi32>
    %add3A_20 = arith.addi %iota3A, %add3A_19 : vector<16xi32>
    %shift_right_logical3A_21 = arith.constant 3 : i32
    %shift_right_logical3A_22 = vector.broadcast %shift_right_logical3A_21 : i32 to vector<16xi32>
    %shift_right_logical3A_23 = arith.shrui %add3A_20, %shift_right_logical3A_22 : vector<16xi32>
    %add3A_24 = arith.constant 0 : i32
    %add3A_25 = vector.broadcast %add3A_24 : i32 to vector<16xi32>
    %add3A_26 = arith.addi %iota3A, %add3A_25 : vector<16xi32>
    %and3A = arith.constant 7 : i32
    %and3A_27 = vector.broadcast %and3A : i32 to vector<16xi32>
    %and3A_28 = arith.andi %add3A_26, %and3A_27 : vector<16xi32>
    %add3A_29 = arith.constant 16 : i32
    %add3A_30 = vector.broadcast %add3A_29 : i32 to vector<16xi32>
    %add3A_31 = arith.addi %iota3A, %add3A_30 : vector<16xi32>
    %and3A_32 = arith.constant 7 : i32
    %and3A_33 = vector.broadcast %and3A_32 : i32 to vector<16xi32>
    %and3A_34 = arith.andi %add3A_31, %and3A_33 : vector<16xi32>
    %add3A_35 = arith.constant 32 : i32
    %add3A_36 = vector.broadcast %add3A_35 : i32 to vector<16xi32>
    %add3A_37 = arith.addi %iota3A, %add3A_36 : vector<16xi32>
    %and3A_38 = arith.constant 7 : i32
    %and3A_39 = vector.broadcast %and3A_38 : i32 to vector<16xi32>
    %and3A_40 = arith.andi %add3A_37, %and3A_39 : vector<16xi32>
    %add3A_41 = arith.constant 48 : i32
    %add3A_42 = vector.broadcast %add3A_41 : i32 to vector<16xi32>
    %add3A_43 = arith.addi %iota3A, %add3A_42 : vector<16xi32>
    %and3A_44 = arith.constant 7 : i32
    %and3A_45 = vector.broadcast %and3A_44 : i32 to vector<16xi32>
    %and3A_46 = arith.andi %add3A_43, %and3A_45 : vector<16xi32>
    %dma_start3A = arith.constant 0 : i32
    %dma_start3A_47 = arith.constant 0 : i32
    %dma_start3A_48 = arith.constant 0 : i32
    %dma_start3A_49 = arith.constant 0 : i32
    %dma_start3A_50 = tpu.memref_slice %arg8[%dma_start3A_47, %dma_start3A_48, %dma_start3A_49] : memref<2x128x64xf32, #tpu.memory_space<vmem>> -> memref<1x128x64xf32, #tpu.memory_space<vmem>>
    %dma_start3A_51 = tpu.memref_squeeze %dma_start3A_50 : memref<1x128x64xf32, #tpu.memory_space<vmem>> -> memref<128x64xf32, #tpu.memory_space<vmem>>
    %dma_start3A_52 = arith.constant 0 : i32
    %dma_start3A_53 = tpu.memref_slice %arg6[%dma_start3A, %dma_start3A_52] : memref<200x128xi32, #tpu.memory_space<vmem>> -> memref<1x128xi32, #tpu.memory_space<vmem>>
    %dma_start3A_54 = tpu.memref_squeeze %dma_start3A_53 : memref<1x128xi32, #tpu.memory_space<vmem>> -> memref<128xi32, #tpu.memory_space<vmem>>
    %dma_start3A_55 = arith.constant 0 : i32
    %dma_start3A_56 = arith.constant 0 : i32
    %dma_start3A_57 = tpu.memref_slice %arg4[%dma_start3A_55, %dma_start3A_56] : memref<1000000x64xf32, #tpu.memory_space<hbm>> -> memref<1000000x64xf32, #tpu.memory_space<hbm>>
    tpu.enqueue_indirect_dma source(%dma_start3A_57 : memref<1000000x64xf32, #tpu.memory_space<hbm>>) target(%dma_start3A_51 : memref<128x64xf32, #tpu.memory_space<vmem>>) offsets(%dma_start3A_54 : memref<128xi32, #tpu.memory_space<vmem>>) semaphore(%arg10 : memref<!tpu.dma_semaphore, #tpu.memory_space<semaphore_mem>>)
    %scan3A = arith.constant 0 : i32
    %scan3A_58 = arith.constant 0 : i32
    %scan3A_59 = arith.constant 100 : i32
    %scan3A_60 = arith.addi %scan3A_58, %scan3A_59 : i32
    %scan3A_61 = arith.constant 1 : i32
    scf.for %scan3A_106 = %scan3A_58 to %scan3A_60 step %scan3A_61  : i32 {
      %mul3A_107 = arith.constant 2 : i32
      %mul3A_108 = arith.muli %mul3A_107, %scan3A_106 : i32
      %add3A_109 = arith.constant 0 : i32
      %add3A_110 = arith.addi %mul3A_108, %add3A_109 : i32
      %add3A_111 = arith.constant 1 : i32
      %add3A_112 = arith.addi %add3A_110, %add3A_111 : i32
      %lt3A = arith.constant 200 : i32
      %lt3A_113 = arith.cmpi slt, %add3A_112, %lt3A : i32
      %convert_element_type3A = arith.extui %lt3A_113 : i1 to i32
      %cond3A = arith.constant 0 : i32
      %cond3A_114 = arith.cmpi ne, %convert_element_type3A, %cond3A : i32
      scf.if %cond3A_114 {
        %add3A_247 = arith.constant 1 : i32
        %add3A_248 = arith.addi %add3A_110, %add3A_247 : i32
        %dma_start3A_249 = arith.constant 1 : i32
        %dma_start3A_250 = arith.constant 0 : i32
        %dma_start3A_251 = arith.constant 0 : i32
        %dma_start3A_252 = tpu.memref_slice %arg8[%dma_start3A_249, %dma_start3A_250, %dma_start3A_251] : memref<2x128x64xf32, #tpu.memory_space<vmem>> -> memref<1x128x64xf32, #tpu.memory_space<vmem>>
        %dma_start3A_253 = tpu.memref_squeeze %dma_start3A_252 : memref<1x128x64xf32, #tpu.memory_space<vmem>> -> memref<128x64xf32, #tpu.memory_space<vmem>>
        %dma_start3A_254 = arith.constant 0 : i32
        %dma_start3A_255 = tpu.memref_slice %arg6[%add3A_248, %dma_start3A_254] : memref<200x128xi32, #tpu.memory_space<vmem>> -> memref<1x128xi32, #tpu.memory_space<vmem>>
        %dma_start3A_256 = tpu.memref_squeeze %dma_start3A_255 : memref<1x128xi32, #tpu.memory_space<vmem>> -> memref<128xi32, #tpu.memory_space<vmem>>
        %dma_start3A_257 = arith.constant 0 : i32
        %dma_start3A_258 = arith.constant 0 : i32
        %dma_start3A_259 = tpu.memref_slice %arg4[%dma_start3A_257, %dma_start3A_258] : memref<1000000x64xf32, #tpu.memory_space<hbm>> -> memref<1000000x64xf32, #tpu.memory_space<hbm>>
        tpu.enqueue_indirect_dma source(%dma_start3A_259 : memref<1000000x64xf32, #tpu.memory_space<hbm>>) target(%dma_start3A_253 : memref<128x64xf32, #tpu.memory_space<vmem>>) offsets(%dma_start3A_256 : memref<128xi32, #tpu.memory_space<vmem>>) semaphore(%arg11 : memref<!tpu.dma_semaphore, #tpu.memory_space<semaphore_mem>>)
      } else {
      }
      %dma_wait3A_115 = arith.constant 0 : i32
      %dma_wait3A_116 = arith.constant 0 : i32
      %dma_wait3A_117 = arith.constant 0 : i32
      %dma_wait3A_118 = tpu.memref_slice %arg8[%dma_wait3A_115, %dma_wait3A_116, %dma_wait3A_117] : memref<2x128x64xf32, #tpu.memory_space<vmem>> -> memref<1x128x64xf32, #tpu.memory_space<vmem>>
      %dma_wait3A_119 = tpu.memref_squeeze %dma_wait3A_118 : memref<1x128x64xf32, #tpu.memory_space<vmem>> -> memref<128x64xf32, #tpu.memory_space<vmem>>
      %dma_wait3A_120 = arith.constant 0 : i32
      %dma_wait3A_121 = tpu.memref_slice %arg6[%add3A_110, %dma_wait3A_120] : memref<200x128xi32, #tpu.memory_space<vmem>> -> memref<1x128xi32, #tpu.memory_space<vmem>>
      %dma_wait3A_122 = tpu.memref_squeeze %dma_wait3A_121 : memref<1x128xi32, #tpu.memory_space<vmem>> -> memref<128xi32, #tpu.memory_space<vmem>>
      %dma_wait3A_123 = arith.constant 0 : i32
      %dma_wait3A_124 = arith.constant 0 : i32
      %dma_wait3A_125 = tpu.memref_slice %arg4[%dma_wait3A_123, %dma_wait3A_124] : memref<1000000x64xf32, #tpu.memory_space<hbm>> -> memref<1000000x64xf32, #tpu.memory_space<hbm>>
      tpu.wait_indirect_dma semaphore(%arg10 : memref<!tpu.dma_semaphore, #tpu.memory_space<semaphore_mem>>) src(%dma_wait3A_125 : memref<1000000x64xf32, #tpu.memory_space<hbm>>) dst(%dma_wait3A_119 : memref<128x64xf32, #tpu.memory_space<vmem>>)
      %gt3A = arith.constant 0 : i32
      %gt3A_126 = arith.cmpi sgt, %scan3A_106, %gt3A : i32
      %convert_element_type3A_127 = arith.extui %gt3A_126 : i1 to i32
      %cond3A_128 = arith.constant 0 : i32
      %cond3A_129 = arith.cmpi ne, %convert_element_type3A_127, %cond3A_128 : i32
      scf.if %cond3A_129 {
        %sub3A = arith.constant 2 : i32
        %sub3A_247 = arith.subi %add3A_110, %sub3A : i32
        %dma_wait3A_248 = arith.constant 0 : i32
        %dma_wait3A_249 = arith.constant 0 : i32
        %dma_wait3A_250 = arith.constant 0 : i32
        %dma_wait3A_251 = arith.constant 0 : i32
        %dma_wait3A_252 = tpu.memref_slice %arg9[%dma_wait3A_248, %dma_wait3A_249, %dma_wait3A_250, %dma_wait3A_251] : memref<2x8x8x129xf32, #tpu.memory_space<vmem>> -> memref<1x8x8x128xf32, #tpu.memory_space<vmem>>
        %dma_wait3A_253 = tpu.memref_squeeze %dma_wait3A_252 : memref<1x8x8x128xf32, #tpu.memory_space<vmem>> -> memref<8x8x128xf32, #tpu.memory_space<vmem>>
        %dma_wait3A_254 = arith.constant 0 : i32
        %dma_wait3A_255 = arith.constant 0 : i32
        %dma_wait3A_256 = arith.constant 0 : i32
        %dma_wait3A_257 = tpu.memref_slice %arg5[%sub3A_247, %dma_wait3A_254, %add3A, %dma_wait3A_255, %dma_wait3A_256] : memref<200x8x32x8x128xf32, #tpu.memory_space<hbm>> -> memref<1x8x1x8x128xf32, #tpu.memory_space<hbm>>
        %dma_wait3A_258 = tpu.memref_squeeze %dma_wait3A_257 : memref<1x8x1x8x128xf32, #tpu.memory_space<hbm>> -> memref<8x8x128xf32, #tpu.memory_space<hbm>>
        %dma_wait3A_259 = arith.constant 0 : i32
        %dma_wait3A_260 = arith.constant 0 : i32
        %dma_wait3A_261 = arith.constant 0 : i32
        %dma_wait3A_262 = tpu.memref_slice %arg5[%sub3A_247, %dma_wait3A_259, %add3A, %dma_wait3A_260, %dma_wait3A_261] : memref<200x8x32x8x128xf32, #tpu.memory_space<hbm>> -> memref<1x8x1x8x128xf32, #tpu.memory_space<hbm>>
        %dma_wait3A_263 = tpu.memref_squeeze %dma_wait3A_262 : memref<1x8x1x8x128xf32, #tpu.memory_space<hbm>> -> memref<8x8x128xf32, #tpu.memory_space<hbm>>
        %dma_wait3A_264 = arith.constant 0 : i32
        %dma_wait3A_265 = arith.constant 0 : i32
        %dma_wait3A_266 = arith.constant 0 : i32
        %dma_wait3A_267 = tpu.memref_slice %arg9[%dma_wait3A_248, %dma_wait3A_264, %dma_wait3A_265, %dma_wait3A_266] : memref<2x8x8x129xf32, #tpu.memory_space<vmem>> -> memref<1x8x8x128xf32, #tpu.memory_space<vmem>>
        %dma_wait3A_268 = tpu.memref_squeeze %dma_wait3A_267 : memref<1x8x8x128xf32, #tpu.memory_space<vmem>> -> memref<8x8x128xf32, #tpu.memory_space<vmem>>
        tpu.wait_dma2 semaphore(%arg12 : memref<!tpu.dma_semaphore, #tpu.memory_space<semaphore_mem>>) src(%dma_wait3A_268 : memref<8x8x128xf32, #tpu.memory_space<vmem>>) dst(%dma_wait3A_263 : memref<8x8x128xf32, #tpu.memory_space<hbm>>)
      } else {
      }
      %get3A = arith.index_cast %add3A_110 : i32 to index
      %get3A_130 = arith.constant 0 : index
      %get3A_131 = tpu.vector_load %arg7[%get3A, %get3A_130] {strides = array<i32>} : memref<200x64xf32, #tpu.memory_space<vmem>>, vector<16xf32>,
      %get3A_132 = arith.index_cast %add3A_110 : i32 to index
      %get3A_133 = arith.constant 16 : index
      %get3A_134 = tpu.vector_load %arg7[%get3A_132, %get3A_133] {strides = array<i32>} : memref<200x64xf32, #tpu.memory_space<vmem>>, vector<16xf32>,
      %get3A_135 = arith.index_cast %add3A_110 : i32 to index
      %get3A_136 = arith.constant 32 : index
      %get3A_137 = tpu.vector_load %arg7[%get3A_135, %get3A_136] {strides = array<i32>} : memref<200x64xf32, #tpu.memory_space<vmem>>, vector<16xf32>,
      %get3A_138 = arith.index_cast %add3A_110 : i32 to index
      %get3A_139 = arith.constant 48 : index
      %get3A_140 = tpu.vector_load %arg7[%get3A_138, %get3A_139] {strides = array<i32>} : memref<200x64xf32, #tpu.memory_space<vmem>>, vector<16xf32>,
      %parallel_loop3A = arith.constant 0 : i32
      %parallel_loop3A_141 = arith.constant 128 : i32
      %parallel_loop3A_142 = arith.constant 1 : i32
      %parallel_loop3A_143 = arith.constant 0 : i32
      %parallel_loop3A_144 = arith.constant 0 : i32
      scf.for %parallel_loop3A_247 = %parallel_loop3A to %parallel_loop3A_141 step %parallel_loop3A_142  : i32 {
        %parallel_loop3A_248 = vector.broadcast %parallel_loop3A_247 : i32 to vector<16xi32>
        %parallel_loop3A_249 = arith.constant 0 : i32
        %parallel_loop3A_250 = arith.constant 0 : i32
        %parallel_loop3A_251 = tpu.memref_slice %arg8[%parallel_loop3A_143, %parallel_loop3A_249, %parallel_loop3A_250] : memref<2x128x64xf32, #tpu.memory_space<vmem>> -> memref<1x128x64xf32, #tpu.memory_space<vmem>>
        %parallel_loop3A_252 = tpu.memref_squeeze %parallel_loop3A_251 : memref<1x128x64xf32, #tpu.memory_space<vmem>> -> memref<128x64xf32, #tpu.memory_space<vmem>>
        %parallel_loop3A_253 = arith.index_cast %parallel_loop3A_247 : i32 to index
        %parallel_loop3A_254 = arith.constant 0 : index
        %parallel_loop3A_255 = tpu.vector_load %parallel_loop3A_252[%parallel_loop3A_253, %parallel_loop3A_254] {strides = array<i32>} : memref<128x64xf32, #tpu.memory_space<vmem>>, vector<16xf32>,
        %parallel_loop3A_256 = arith.constant 8.000000e+00 : f32
        %parallel_loop3A_257 = vector.broadcast %parallel_loop3A_256 : f32 to vector<16xf32>
        %parallel_loop3A_258 = arith.mulf %parallel_loop3A_255, %parallel_loop3A_257 : vector<16xf32>
        %parallel_loop3A_259 = arith.addf %parallel_loop3A_258, %get3A_131 : vector<16xf32>
        %parallel_loop3A_260 = arith.constant 0 : i32
        %parallel_loop3A_261 = arith.constant 0 : i32
        %parallel_loop3A_262 = arith.constant 0 : i32
        %parallel_loop3A_263 = tpu.memref_slice %arg9[%parallel_loop3A_144, %parallel_loop3A_260, %parallel_loop3A_261, %parallel_loop3A_262] : memref<2x8x8x129xf32, #tpu.memory_space<vmem>> -> memref<1x8x8x129xf32, #tpu.memory_space<vmem>>
        %parallel_loop3A_264 = tpu.memref_squeeze %parallel_loop3A_263 : memref<1x8x8x129xf32, #tpu.memory_space<vmem>> -> memref<8x8x129xf32, #tpu.memory_space<vmem>>
        tpu.vector_store_idx %parallel_loop3A_264[%shift_right_logical3A_5, %and3A_28, %parallel_loop3A_248], %parallel_loop3A_259 : memref<8x8x129xf32, #tpu.memory_space<vmem>>[vector<16xi32>, vector<16xi32>, vector<16xi32>], vector<16xf32>,
        %parallel_loop3A_265 = arith.constant 0 : i32
        %parallel_loop3A_266 = arith.constant 0 : i32
        %parallel_loop3A_267 = tpu.memref_slice %arg8[%parallel_loop3A_143, %parallel_loop3A_265, %parallel_loop3A_266] : memref<2x128x64xf32, #tpu.memory_space<vmem>> -> memref<1x128x64xf32, #tpu.memory_space<vmem>>
        %parallel_loop3A_268 = tpu.memref_squeeze %parallel_loop3A_267 : memref<1x128x64xf32, #tpu.memory_space<vmem>> -> memref<128x64xf32, #tpu.memory_space<vmem>>
        %parallel_loop3A_269 = arith.index_cast %parallel_loop3A_247 : i32 to index
        %parallel_loop3A_270 = arith.constant 16 : index
        %parallel_loop3A_271 = tpu.vector_load %parallel_loop3A_268[%parallel_loop3A_269, %parallel_loop3A_270] {strides = array<i32>} : memref<128x64xf32, #tpu.memory_space<vmem>>, vector<16xf32>,
        %parallel_loop3A_272 = arith.constant 8.000000e+00 : f32
        %parallel_loop3A_273 = vector.broadcast %parallel_loop3A_272 : f32 to vector<16xf32>
        %parallel_loop3A_274 = arith.mulf %parallel_loop3A_271, %parallel_loop3A_273 : vector<16xf32>
        %parallel_loop3A_275 = arith.addf %parallel_loop3A_274, %get3A_134 : vector<16xf32>
        %parallel_loop3A_276 = arith.constant 0 : i32
        %parallel_loop3A_277 = arith.constant 0 : i32
        %parallel_loop3A_278 = arith.constant 0 : i32
        %parallel_loop3A_279 = tpu.memref_slice %arg9[%parallel_loop3A_144, %parallel_loop3A_276, %parallel_loop3A_277, %parallel_loop3A_278] : memref<2x8x8x129xf32, #tpu.memory_space<vmem>> -> memref<1x8x8x129xf32, #tpu.memory_space<vmem>>
        %parallel_loop3A_280 = tpu.memref_squeeze %parallel_loop3A_279 : memref<1x8x8x129xf32, #tpu.memory_space<vmem>> -> memref<8x8x129xf32, #tpu.memory_space<vmem>>
        tpu.vector_store_idx %parallel_loop3A_280[%shift_right_logical3A_11, %and3A_34, %parallel_loop3A_248], %parallel_loop3A_275 : memref<8x8x129xf32, #tpu.memory_space<vmem>>[vector<16xi32>, vector<16xi32>, vector<16xi32>], vector<16xf32>,
        %parallel_loop3A_281 = arith.constant 0 : i32
        %parallel_loop3A_282 = arith.constant 0 : i32
        %parallel_loop3A_283 = tpu.memref_slice %arg8[%parallel_loop3A_143, %parallel_loop3A_281, %parallel_loop3A_282] : memref<2x128x64xf32, #tpu.memory_space<vmem>> -> memref<1x128x64xf32, #tpu.memory_space<vmem>>
        %parallel_loop3A_284 = tpu.memref_squeeze %parallel_loop3A_283 : memref<1x128x64xf32, #tpu.memory_space<vmem>> -> memref<128x64xf32, #tpu.memory_space<vmem>>
        %parallel_loop3A_285 = arith.index_cast %parallel_loop3A_247 : i32 to index
        %parallel_loop3A_286 = arith.constant 32 : index
        %parallel_loop3A_287 = tpu.vector_load %parallel_loop3A_284[%parallel_loop3A_285, %parallel_loop3A_286] {strides = array<i32>} : memref<128x64xf32, #tpu.memory_space<vmem>>, vector<16xf32>,
        %parallel_loop3A_288 = arith.constant 8.000000e+00 : f32
        %parallel_loop3A_289 = vector.broadcast %parallel_loop3A_288 : f32 to vector<16xf32>
        %parallel_loop3A_290 = arith.mulf %parallel_loop3A_287, %parallel_loop3A_289 : vector<16xf32>
        %parallel_loop3A_291 = arith.addf %parallel_loop3A_290, %get3A_137 : vector<16xf32>
        %parallel_loop3A_292 = arith.constant 0 : i32
        %parallel_loop3A_293 = arith.constant 0 : i32
        %parallel_loop3A_294 = arith.constant 0 : i32
        %parallel_loop3A_295 = tpu.memref_slice %arg9[%parallel_loop3A_144, %parallel_loop3A_292, %parallel_loop3A_293, %parallel_loop3A_294] : memref<2x8x8x129xf32, #tpu.memory_space<vmem>> -> memref<1x8x8x129xf32, #tpu.memory_space<vmem>>
        %parallel_loop3A_296 = tpu.memref_squeeze %parallel_loop3A_295 : memref<1x8x8x129xf32, #tpu.memory_space<vmem>> -> memref<8x8x129xf32, #tpu.memory_space<vmem>>
        tpu.vector_store_idx %parallel_loop3A_296[%shift_right_logical3A_17, %and3A_40, %parallel_loop3A_248], %parallel_loop3A_291 : memref<8x8x129xf32, #tpu.memory_space<vmem>>[vector<16xi32>, vector<16xi32>, vector<16xi32>], vector<16xf32>,
        %parallel_loop3A_297 = arith.constant 0 : i32
        %parallel_loop3A_298 = arith.constant 0 : i32
        %parallel_loop3A_299 = tpu.memref_slice %arg8[%parallel_loop3A_143, %parallel_loop3A_297, %parallel_loop3A_298] : memref<2x128x64xf32, #tpu.memory_space<vmem>> -> memref<1x128x64xf32, #tpu.memory_space<vmem>>
        %parallel_loop3A_300 = tpu.memref_squeeze %parallel_loop3A_299 : memref<1x128x64xf32, #tpu.memory_space<vmem>> -> memref<128x64xf32, #tpu.memory_space<vmem>>
        %parallel_loop3A_301 = arith.index_cast %parallel_loop3A_247 : i32 to index
        %parallel_loop3A_302 = arith.constant 48 : index
        %parallel_loop3A_303 = tpu.vector_load %parallel_loop3A_300[%parallel_loop3A_301, %parallel_loop3A_302] {strides = array<i32>} : memref<128x64xf32, #tpu.memory_space<vmem>>, vector<16xf32>,
        %parallel_loop3A_304 = arith.constant 8.000000e+00 : f32
        %parallel_loop3A_305 = vector.broadcast %parallel_loop3A_304 : f32 to vector<16xf32>
        %parallel_loop3A_306 = arith.mulf %parallel_loop3A_303, %parallel_loop3A_305 : vector<16xf32>
        %parallel_loop3A_307 = arith.addf %parallel_loop3A_306, %get3A_140 : vector<16xf32>
        %parallel_loop3A_308 = arith.constant 0 : i32
        %parallel_loop3A_309 = arith.constant 0 : i32
        %parallel_loop3A_310 = arith.constant 0 : i32
        %parallel_loop3A_311 = tpu.memref_slice %arg9[%parallel_loop3A_144, %parallel_loop3A_308, %parallel_loop3A_309, %parallel_loop3A_310] : memref<2x8x8x129xf32, #tpu.memory_space<vmem>> -> memref<1x8x8x129xf32, #tpu.memory_space<vmem>>
        %parallel_loop3A_312 = tpu.memref_squeeze %parallel_loop3A_311 : memref<1x8x8x129xf32, #tpu.memory_space<vmem>> -> memref<8x8x129xf32, #tpu.memory_space<vmem>>
        tpu.vector_store_idx %parallel_loop3A_312[%shift_right_logical3A_23, %and3A_46, %parallel_loop3A_248], %parallel_loop3A_307 : memref<8x8x129xf32, #tpu.memory_space<vmem>>[vector<16xi32>, vector<16xi32>, vector<16xi32>], vector<16xf32>,
      } {sc.loop_unroll_factor = 8 : i64, sc.parallel_access}
      %dma_start3A_145 = arith.constant 0 : i32
      %dma_start3A_146 = arith.constant 0 : i32
      %dma_start3A_147 = arith.constant 0 : i32
      %dma_start3A_148 = arith.constant 0 : i32
      %dma_start3A_149 = tpu.memref_slice %arg9[%dma_start3A_145, %dma_start3A_146, %dma_start3A_147, %dma_start3A_148] : memref<2x8x8x129xf32, #tpu.memory_space<vmem>> -> memref<1x8x8x129xf32, #tpu.memory_space<vmem>>
      %dma_start3A_150 = tpu.memref_squeeze %dma_start3A_149 : memref<1x8x8x129xf32, #tpu.memory_space<vmem>> -> memref<8x8x129xf32, #tpu.memory_space<vmem>>
      %dma_start3A_151 = arith.constant 0 : i32
      %dma_start3A_152 = arith.constant 0 : i32
      %dma_start3A_153 = arith.constant 0 : i32
      %dma_start3A_154 = tpu.memref_slice %dma_start3A_150[%dma_start3A_151, %dma_start3A_152, %dma_start3A_153] : memref<8x8x129xf32, #tpu.memory_space<vmem>> -> memref<8x8x128xf32, #tpu.memory_space<vmem>>
      %dma_start3A_155 = arith.constant 0 : i32
      %dma_start3A_156 = arith.constant 0 : i32
      %dma_start3A_157 = arith.constant 0 : i32
      %dma_start3A_158 = tpu.memref_slice %arg5[%add3A_110, %dma_start3A_155, %add3A, %dma_start3A_156, %dma_start3A_157] : memref<200x8x32x8x128xf32, #tpu.memory_space<hbm>> -> memref<1x8x1x8x128xf32, #tpu.memory_space<hbm>>
      %dma_start3A_159 = tpu.memref_squeeze %dma_start3A_158 : memref<1x8x1x8x128xf32, #tpu.memory_space<hbm>> -> memref<8x8x128xf32, #tpu.memory_space<hbm>>
      %dma_start3A_160 = arith.constant 0 : i32
      %dma_start3A_161 = arith.constant 0 : i32
      %dma_start3A_162 = arith.constant 0 : i32
      %dma_start3A_163 = tpu.memref_slice %arg5[%add3A_110, %dma_start3A_160, %add3A, %dma_start3A_161, %dma_start3A_162] : memref<200x8x32x8x128xf32, #tpu.memory_space<hbm>> -> memref<1x8x1x8x128xf32, #tpu.memory_space<hbm>>
      %dma_start3A_164 = tpu.memref_squeeze %dma_start3A_163 : memref<1x8x1x8x128xf32, #tpu.memory_space<hbm>> -> memref<8x8x128xf32, #tpu.memory_space<hbm>>
      %dma_start3A_165 = arith.constant 0 : i32
      %dma_start3A_166 = arith.constant 0 : i32
      %dma_start3A_167 = arith.constant 0 : i32
      %dma_start3A_168 = tpu.memref_slice %arg9[%dma_start3A_145, %dma_start3A_165, %dma_start3A_166, %dma_start3A_167] : memref<2x8x8x129xf32, #tpu.memory_space<vmem>> -> memref<1x8x8x129xf32, #tpu.memory_space<vmem>>
      %dma_start3A_169 = tpu.memref_squeeze %dma_start3A_168 : memref<1x8x8x129xf32, #tpu.memory_space<vmem>> -> memref<8x8x129xf32, #tpu.memory_space<vmem>>
      %dma_start3A_170 = arith.constant 0 : i32
      %dma_start3A_171 = arith.constant 0 : i32
      %dma_start3A_172 = arith.constant 0 : i32
      %dma_start3A_173 = tpu.memref_slice %dma_start3A_169[%dma_start3A_170, %dma_start3A_171, %dma_start3A_172] : memref<8x8x129xf32, #tpu.memory_space<vmem>> -> memref<8x8x128xf32, #tpu.memory_space<vmem>>
      tpu.enqueue_dma source(%dma_start3A_173 : memref<8x8x128xf32, #tpu.memory_space<vmem>>) target(%dma_start3A_164 : memref<8x8x128xf32, #tpu.memory_space<hbm>>) target_semaphore(%arg12 : memref<!tpu.dma_semaphore, #tpu.memory_space<semaphore_mem>>)
      %mul3A_174 = arith.constant 2 : i32
      %mul3A_175 = arith.muli %mul3A_174, %scan3A_106 : i32
      %add3A_176 = arith.constant 1 : i32
      %add3A_177 = arith.addi %mul3A_175, %add3A_176 : i32
      %add3A_178 = arith.constant 1 : i32
      %add3A_179 = arith.addi %add3A_177, %add3A_178 : i32
      %lt3A_180 = arith.constant 200 : i32
      %lt3A_181 = arith.cmpi slt, %add3A_179, %lt3A_180 : i32
      %convert_element_type3A_182 = arith.extui %lt3A_181 : i1 to i32
      %cond3A_183 = arith.constant 0 : i32
      %cond3A_184 = arith.cmpi ne, %convert_element_type3A_182, %cond3A_183 : i32
      scf.if %cond3A_184 {
        %add3A_247 = arith.constant 1 : i32
        %add3A_248 = arith.addi %add3A_177, %add3A_247 : i32
        %dma_start3A_249 = arith.constant 0 : i32
        %dma_start3A_250 = arith.constant 0 : i32
        %dma_start3A_251 = arith.constant 0 : i32
        %dma_start3A_252 = tpu.memref_slice %arg8[%dma_start3A_249, %dma_start3A_250, %dma_start3A_251] : memref<2x128x64xf32, #tpu.memory_space<vmem>> -> memref<1x128x64xf32, #tpu.memory_space<vmem>>
        %dma_start3A_253 = tpu.memref_squeeze %dma_start3A_252 : memref<1x128x64xf32, #tpu.memory_space<vmem>> -> memref<128x64xf32, #tpu.memory_space<vmem>>
        %dma_start3A_254 = arith.constant 0 : i32
        %dma_start3A_255 = tpu.memref_slice %arg6[%add3A_248, %dma_start3A_254] : memref<200x128xi32, #tpu.memory_space<vmem>> -> memref<1x128xi32, #tpu.memory_space<vmem>>
        %dma_start3A_256 = tpu.memref_squeeze %dma_start3A_255 : memref<1x128xi32, #tpu.memory_space<vmem>> -> memref<128xi32, #tpu.memory_space<vmem>>
        %dma_start3A_257 = arith.constant 0 : i32
        %dma_start3A_258 = arith.constant 0 : i32
        %dma_start3A_259 = tpu.memref_slice %arg4[%dma_start3A_257, %dma_start3A_258] : memref<1000000x64xf32, #tpu.memory_space<hbm>> -> memref<1000000x64xf32, #tpu.memory_space<hbm>>
        tpu.enqueue_indirect_dma source(%dma_start3A_259 : memref<1000000x64xf32, #tpu.memory_space<hbm>>) target(%dma_start3A_253 : memref<128x64xf32, #tpu.memory_space<vmem>>) offsets(%dma_start3A_256 : memref<128xi32, #tpu.memory_space<vmem>>) semaphore(%arg10 : memref<!tpu.dma_semaphore, #tpu.memory_space<semaphore_mem>>)
      } else {
      }
      %dma_wait3A_185 = arith.constant 1 : i32
      %dma_wait3A_186 = arith.constant 0 : i32
      %dma_wait3A_187 = arith.constant 0 : i32
      %dma_wait3A_188 = tpu.memref_slice %arg8[%dma_wait3A_185, %dma_wait3A_186, %dma_wait3A_187] : memref<2x128x64xf32, #tpu.memory_space<vmem>> -> memref<1x128x64xf32, #tpu.memory_space<vmem>>
      %dma_wait3A_189 = tpu.memref_squeeze %dma_wait3A_188 : memref<1x128x64xf32, #tpu.memory_space<vmem>> -> memref<128x64xf32, #tpu.memory_space<vmem>>
      %dma_wait3A_190 = arith.constant 0 : i32
      %dma_wait3A_191 = tpu.memref_slice %arg6[%add3A_177, %dma_wait3A_190] : memref<200x128xi32, #tpu.memory_space<vmem>> -> memref<1x128xi32, #tpu.memory_space<vmem>>
      %dma_wait3A_192 = tpu.memref_squeeze %dma_wait3A_191 : memref<1x128xi32, #tpu.memory_space<vmem>> -> memref<128xi32, #tpu.memory_space<vmem>>
      %dma_wait3A_193 = arith.constant 0 : i32
      %dma_wait3A_194 = arith.constant 0 : i32
      %dma_wait3A_195 = tpu.memref_slice %arg4[%dma_wait3A_193, %dma_wait3A_194] : memref<1000000x64xf32, #tpu.memory_space<hbm>> -> memref<1000000x64xf32, #tpu.memory_space<hbm>>
      tpu.wait_indirect_dma semaphore(%arg11 : memref<!tpu.dma_semaphore, #tpu.memory_space<semaphore_mem>>) src(%dma_wait3A_195 : memref<1000000x64xf32, #tpu.memory_space<hbm>>) dst(%dma_wait3A_189 : memref<128x64xf32, #tpu.memory_space<vmem>>)
      %gt3A_196 = arith.constant 0 : i32
      %gt3A_197 = arith.cmpi sgt, %scan3A_106, %gt3A_196 : i32
      %convert_element_type3A_198 = arith.extui %gt3A_197 : i1 to i32
      %cond3A_199 = arith.constant 0 : i32
      %cond3A_200 = arith.cmpi ne, %convert_element_type3A_198, %cond3A_199 : i32
      scf.if %cond3A_200 {
        %sub3A = arith.constant 2 : i32
        %sub3A_247 = arith.subi %add3A_177, %sub3A : i32
        %dma_wait3A_248 = arith.constant 1 : i32
        %dma_wait3A_249 = arith.constant 0 : i32
        %dma_wait3A_250 = arith.constant 0 : i32
        %dma_wait3A_251 = arith.constant 0 : i32
        %dma_wait3A_252 = tpu.memref_slice %arg9[%dma_wait3A_248, %dma_wait3A_249, %dma_wait3A_250, %dma_wait3A_251] : memref<2x8x8x129xf32, #tpu.memory_space<vmem>> -> memref<1x8x8x128xf32, #tpu.memory_space<vmem>>
        %dma_wait3A_253 = tpu.memref_squeeze %dma_wait3A_252 : memref<1x8x8x128xf32, #tpu.memory_space<vmem>> -> memref<8x8x128xf32, #tpu.memory_space<vmem>>
        %dma_wait3A_254 = arith.constant 0 : i32
        %dma_wait3A_255 = arith.constant 0 : i32
        %dma_wait3A_256 = arith.constant 0 : i32
        %dma_wait3A_257 = tpu.memref_slice %arg5[%sub3A_247, %dma_wait3A_254, %add3A, %dma_wait3A_255, %dma_wait3A_256] : memref<200x8x32x8x128xf32, #tpu.memory_space<hbm>> -> memref<1x8x1x8x128xf32, #tpu.memory_space<hbm>>
        %dma_wait3A_258 = tpu.memref_squeeze %dma_wait3A_257 : memref<1x8x1x8x128xf32, #tpu.memory_space<hbm>> -> memref<8x8x128xf32, #tpu.memory_space<hbm>>
        %dma_wait3A_259 = arith.constant 0 : i32
        %dma_wait3A_260 = arith.constant 0 : i32
        %dma_wait3A_261 = arith.constant 0 : i32
        %dma_wait3A_262 = tpu.memref_slice %arg5[%sub3A_247, %dma_wait3A_259, %add3A, %dma_wait3A_260, %dma_wait3A_261] : memref<200x8x32x8x128xf32, #tpu.memory_space<hbm>> -> memref<1x8x1x8x128xf32, #tpu.memory_space<hbm>>
        %dma_wait3A_263 = tpu.memref_squeeze %dma_wait3A_262 : memref<1x8x1x8x128xf32, #tpu.memory_space<hbm>> -> memref<8x8x128xf32, #tpu.memory_space<hbm>>
        %dma_wait3A_264 = arith.constant 0 : i32
        %dma_wait3A_265 = arith.constant 0 : i32
        %dma_wait3A_266 = arith.constant 0 : i32
        %dma_wait3A_267 = tpu.memref_slice %arg9[%dma_wait3A_248, %dma_wait3A_264, %dma_wait3A_265, %dma_wait3A_266] : memref<2x8x8x129xf32, #tpu.memory_space<vmem>> -> memref<1x8x8x128xf32, #tpu.memory_space<vmem>>
        %dma_wait3A_268 = tpu.memref_squeeze %dma_wait3A_267 : memref<1x8x8x128xf32, #tpu.memory_space<vmem>> -> memref<8x8x128xf32, #tpu.memory_space<vmem>>
        tpu.wait_dma2 semaphore(%arg13 : memref<!tpu.dma_semaphore, #tpu.memory_space<semaphore_mem>>) src(%dma_wait3A_268 : memref<8x8x128xf32, #tpu.memory_space<vmem>>) dst(%dma_wait3A_263 : memref<8x8x128xf32, #tpu.memory_space<hbm>>)
      } else {
      }
      %get3A_201 = arith.index_cast %add3A_177 : i32 to index
      %get3A_202 = arith.constant 0 : index
      %get3A_203 = tpu.vector_load %arg7[%get3A_201, %get3A_202] {strides = array<i32>} : memref<200x64xf32, #tpu.memory_space<vmem>>, vector<16xf32>,
      %get3A_204 = arith.index_cast %add3A_177 : i32 to index
      %get3A_205 = arith.constant 16 : index
      %get3A_206 = tpu.vector_load %arg7[%get3A_204, %get3A_205] {strides = array<i32>} : memref<200x64xf32, #tpu.memory_space<vmem>>, vector<16xf32>,
      %get3A_207 = arith.index_cast %add3A_177 : i32 to index
      %get3A_208 = arith.constant 32 : index
      %get3A_209 = tpu.vector_load %arg7[%get3A_207, %get3A_208] {strides = array<i32>} : memref<200x64xf32, #tpu.memory_space<vmem>>, vector<16xf32>,
      %get3A_210 = arith.index_cast %add3A_177 : i32 to index
      %get3A_211 = arith.constant 48 : index
      %get3A_212 = tpu.vector_load %arg7[%get3A_210, %get3A_211] {strides = array<i32>} : memref<200x64xf32, #tpu.memory_space<vmem>>, vector<16xf32>,
      %parallel_loop3A_213 = arith.constant 0 : i32
      %parallel_loop3A_214 = arith.constant 128 : i32
      %parallel_loop3A_215 = arith.constant 1 : i32
      %parallel_loop3A_216 = arith.constant 1 : i32
      %parallel_loop3A_217 = arith.constant 1 : i32
      scf.for %parallel_loop3A_247 = %parallel_loop3A_213 to %parallel_loop3A_214 step %parallel_loop3A_215  : i32 {
        %parallel_loop3A_248 = vector.broadcast %parallel_loop3A_247 : i32 to vector<16xi32>
        %parallel_loop3A_249 = arith.constant 0 : i32
        %parallel_loop3A_250 = arith.constant 0 : i32
        %parallel_loop3A_251 = tpu.memref_slice %arg8[%parallel_loop3A_216, %parallel_loop3A_249, %parallel_loop3A_250] : memref<2x128x64xf32, #tpu.memory_space<vmem>> -> memref<1x128x64xf32, #tpu.memory_space<vmem>>
        %parallel_loop3A_252 = tpu.memref_squeeze %parallel_loop3A_251 : memref<1x128x64xf32, #tpu.memory_space<vmem>> -> memref<128x64xf32, #tpu.memory_space<vmem>>
        %parallel_loop3A_253 = arith.index_cast %parallel_loop3A_247 : i32 to index
        %parallel_loop3A_254 = arith.constant 0 : index
        %parallel_loop3A_255 = tpu.vector_load %parallel_loop3A_252[%parallel_loop3A_253, %parallel_loop3A_254] {strides = array<i32>} : memref<128x64xf32, #tpu.memory_space<vmem>>, vector<16xf32>,
        %parallel_loop3A_256 = arith.constant 8.000000e+00 : f32
        %parallel_loop3A_257 = vector.broadcast %parallel_loop3A_256 : f32 to vector<16xf32>
        %parallel_loop3A_258 = arith.mulf %parallel_loop3A_255, %parallel_loop3A_257 : vector<16xf32>
        %parallel_loop3A_259 = arith.addf %parallel_loop3A_258, %get3A_203 : vector<16xf32>
        %parallel_loop3A_260 = arith.constant 0 : i32
        %parallel_loop3A_261 = arith.constant 0 : i32
        %parallel_loop3A_262 = arith.constant 0 : i32
        %parallel_loop3A_263 = tpu.memref_slice %arg9[%parallel_loop3A_217, %parallel_loop3A_260, %parallel_loop3A_261, %parallel_loop3A_262] : memref<2x8x8x129xf32, #tpu.memory_space<vmem>> -> memref<1x8x8x129xf32, #tpu.memory_space<vmem>>
        %parallel_loop3A_264 = tpu.memref_squeeze %parallel_loop3A_263 : memref<1x8x8x129xf32, #tpu.memory_space<vmem>> -> memref<8x8x129xf32, #tpu.memory_space<vmem>>
        tpu.vector_store_idx %parallel_loop3A_264[%shift_right_logical3A_5, %and3A_28, %parallel_loop3A_248], %parallel_loop3A_259 : memref<8x8x129xf32, #tpu.memory_space<vmem>>[vector<16xi32>, vector<16xi32>, vector<16xi32>], vector<16xf32>,
        %parallel_loop3A_265 = arith.constant 0 : i32
        %parallel_loop3A_266 = arith.constant 0 : i32
        %parallel_loop3A_267 = tpu.memref_slice %arg8[%parallel_loop3A_216, %parallel_loop3A_265, %parallel_loop3A_266] : memref<2x128x64xf32, #tpu.memory_space<vmem>> -> memref<1x128x64xf32, #tpu.memory_space<vmem>>
        %parallel_loop3A_268 = tpu.memref_squeeze %parallel_loop3A_267 : memref<1x128x64xf32, #tpu.memory_space<vmem>> -> memref<128x64xf32, #tpu.memory_space<vmem>>
        %parallel_loop3A_269 = arith.index_cast %parallel_loop3A_247 : i32 to index
        %parallel_loop3A_270 = arith.constant 16 : index
        %parallel_loop3A_271 = tpu.vector_load %parallel_loop3A_268[%parallel_loop3A_269, %parallel_loop3A_270] {strides = array<i32>} : memref<128x64xf32, #tpu.memory_space<vmem>>, vector<16xf32>,
        %parallel_loop3A_272 = arith.constant 8.000000e+00 : f32
        %parallel_loop3A_273 = vector.broadcast %parallel_loop3A_272 : f32 to vector<16xf32>
        %parallel_loop3A_274 = arith.mulf %parallel_loop3A_271, %parallel_loop3A_273 : vector<16xf32>
        %parallel_loop3A_275 = arith.addf %parallel_loop3A_274, %get3A_206 : vector<16xf32>
        %parallel_loop3A_276 = arith.constant 0 : i32
        %parallel_loop3A_277 = arith.constant 0 : i32
        %parallel_loop3A_278 = arith.constant 0 : i32
        %parallel_loop3A_279 = tpu.memref_slice %arg9[%parallel_loop3A_217, %parallel_loop3A_276, %parallel_loop3A_277, %parallel_loop3A_278] : memref<2x8x8x129xf32, #tpu.memory_space<vmem>> -> memref<1x8x8x129xf32, #tpu.memory_space<vmem>>
        %parallel_loop3A_280 = tpu.memref_squeeze %parallel_loop3A_279 : memref<1x8x8x129xf32, #tpu.memory_space<vmem>> -> memref<8x8x129xf32, #tpu.memory_space<vmem>>
        tpu.vector_store_idx %parallel_loop3A_280[%shift_right_logical3A_11, %and3A_34, %parallel_loop3A_248], %parallel_loop3A_275 : memref<8x8x129xf32, #tpu.memory_space<vmem>>[vector<16xi32>, vector<16xi32>, vector<16xi32>], vector<16xf32>,
        %parallel_loop3A_281 = arith.constant 0 : i32
        %parallel_loop3A_282 = arith.constant 0 : i32
        %parallel_loop3A_283 = tpu.memref_slice %arg8[%parallel_loop3A_216, %parallel_loop3A_281, %parallel_loop3A_282] : memref<2x128x64xf32, #tpu.memory_space<vmem>> -> memref<1x128x64xf32, #tpu.memory_space<vmem>>
        %parallel_loop3A_284 = tpu.memref_squeeze %parallel_loop3A_283 : memref<1x128x64xf32, #tpu.memory_space<vmem>> -> memref<128x64xf32, #tpu.memory_space<vmem>>
        %parallel_loop3A_285 = arith.index_cast %parallel_loop3A_247 : i32 to index
        %parallel_loop3A_286 = arith.constant 32 : index
        %parallel_loop3A_287 = tpu.vector_load %parallel_loop3A_284[%parallel_loop3A_285, %parallel_loop3A_286] {strides = array<i32>} : memref<128x64xf32, #tpu.memory_space<vmem>>, vector<16xf32>,
        %parallel_loop3A_288 = arith.constant 8.000000e+00 : f32
        %parallel_loop3A_289 = vector.broadcast %parallel_loop3A_288 : f32 to vector<16xf32>
        %parallel_loop3A_290 = arith.mulf %parallel_loop3A_287, %parallel_loop3A_289 : vector<16xf32>
        %parallel_loop3A_291 = arith.addf %parallel_loop3A_290, %get3A_209 : vector<16xf32>
        %parallel_loop3A_292 = arith.constant 0 : i32
        %parallel_loop3A_293 = arith.constant 0 : i32
        %parallel_loop3A_294 = arith.constant 0 : i32
        %parallel_loop3A_295 = tpu.memref_slice %arg9[%parallel_loop3A_217, %parallel_loop3A_292, %parallel_loop3A_293, %parallel_loop3A_294] : memref<2x8x8x129xf32, #tpu.memory_space<vmem>> -> memref<1x8x8x129xf32, #tpu.memory_space<vmem>>
        %parallel_loop3A_296 = tpu.memref_squeeze %parallel_loop3A_295 : memref<1x8x8x129xf32, #tpu.memory_space<vmem>> -> memref<8x8x129xf32, #tpu.memory_space<vmem>>
        tpu.vector_store_idx %parallel_loop3A_296[%shift_right_logical3A_17, %and3A_40, %parallel_loop3A_248], %parallel_loop3A_291 : memref<8x8x129xf32, #tpu.memory_space<vmem>>[vector<16xi32>, vector<16xi32>, vector<16xi32>], vector<16xf32>,
        %parallel_loop3A_297 = arith.constant 0 : i32
        %parallel_loop3A_298 = arith.constant 0 : i32
        %parallel_loop3A_299 = tpu.memref_slice %arg8[%parallel_loop3A_216, %parallel_loop3A_297, %parallel_loop3A_298] : memref<2x128x64xf32, #tpu.memory_space<vmem>> -> memref<1x128x64xf32, #tpu.memory_space<vmem>>
        %parallel_loop3A_300 = tpu.memref_squeeze %parallel_loop3A_299 : memref<1x128x64xf32, #tpu.memory_space<vmem>> -> memref<128x64xf32, #tpu.memory_space<vmem>>
        %parallel_loop3A_301 = arith.index_cast %parallel_loop3A_247 : i32 to index
        %parallel_loop3A_302 = arith.constant 48 : index
        %parallel_loop3A_303 = tpu.vector_load %parallel_loop3A_300[%parallel_loop3A_301, %parallel_loop3A_302] {strides = array<i32>} : memref<128x64xf32, #tpu.memory_space<vmem>>, vector<16xf32>,
        %parallel_loop3A_304 = arith.constant 8.000000e+00 : f32
        %parallel_loop3A_305 = vector.broadcast %parallel_loop3A_304 : f32 to vector<16xf32>
        %parallel_loop3A_306 = arith.mulf %parallel_loop3A_303, %parallel_loop3A_305 : vector<16xf32>
        %parallel_loop3A_307 = arith.addf %parallel_loop3A_306, %get3A_212 : vector<16xf32>
        %parallel_loop3A_308 = arith.constant 0 : i32
        %parallel_loop3A_309 = arith.constant 0 : i32
        %parallel_loop3A_310 = arith.constant 0 : i32
        %parallel_loop3A_311 = tpu.memref_slice %arg9[%parallel_loop3A_217, %parallel_loop3A_308, %parallel_loop3A_309, %parallel_loop3A_310] : memref<2x8x8x129xf32, #tpu.memory_space<vmem>> -> memref<1x8x8x129xf32, #tpu.memory_space<vmem>>
        %parallel_loop3A_312 = tpu.memref_squeeze %parallel_loop3A_311 : memref<1x8x8x129xf32, #tpu.memory_space<vmem>> -> memref<8x8x129xf32, #tpu.memory_space<vmem>>
        tpu.vector_store_idx %parallel_loop3A_312[%shift_right_logical3A_23, %and3A_46, %parallel_loop3A_248], %parallel_loop3A_307 : memref<8x8x129xf32, #tpu.memory_space<vmem>>[vector<16xi32>, vector<16xi32>, vector<16xi32>], vector<16xf32>,
      } {sc.loop_unroll_factor = 8 : i64, sc.parallel_access}
      %dma_start3A_218 = arith.constant 1 : i32
      %dma_start3A_219 = arith.constant 0 : i32
      %dma_start3A_220 = arith.constant 0 : i32
      %dma_start3A_221 = arith.constant 0 : i32
      %dma_start3A_222 = tpu.memref_slice %arg9[%dma_start3A_218, %dma_start3A_219, %dma_start3A_220, %dma_start3A_221] : memref<2x8x8x129xf32, #tpu.memory_space<vmem>> -> memref<1x8x8x129xf32, #tpu.memory_space<vmem>>
      %dma_start3A_223 = tpu.memref_squeeze %dma_start3A_222 : memref<1x8x8x129xf32, #tpu.memory_space<vmem>> -> memref<8x8x129xf32, #tpu.memory_space<vmem>>
      %dma_start3A_224 = arith.constant 0 : i32
      %dma_start3A_225 = arith.constant 0 : i32
      %dma_start3A_226 = arith.constant 0 : i32
      %dma_start3A_227 = tpu.memref_slice %dma_start3A_223[%dma_start3A_224, %dma_start3A_225, %dma_start3A_226] : memref<8x8x129xf32, #tpu.memory_space<vmem>> -> memref<8x8x128xf32, #tpu.memory_space<vmem>>
      %dma_start3A_228 = arith.constant 0 : i32
      %dma_start3A_229 = arith.constant 0 : i32
      %dma_start3A_230 = arith.constant 0 : i32
      %dma_start3A_231 = tpu.memref_slice %arg5[%add3A_177, %dma_start3A_228, %add3A, %dma_start3A_229, %dma_start3A_230] : memref<200x8x32x8x128xf32, #tpu.memory_space<hbm>> -> memref<1x8x1x8x128xf32, #tpu.memory_space<hbm>>
      %dma_start3A_232 = tpu.memref_squeeze %dma_start3A_231 : memref<1x8x1x8x128xf32, #tpu.memory_space<hbm>> -> memref<8x8x128xf32, #tpu.memory_space<hbm>>
      %dma_start3A_233 = arith.constant 0 : i32
      %dma_start3A_234 = arith.constant 0 : i32
      %dma_start3A_235 = arith.constant 0 : i32
      %dma_start3A_236 = tpu.memref_slice %arg5[%add3A_177, %dma_start3A_233, %add3A, %dma_start3A_234, %dma_start3A_235] : memref<200x8x32x8x128xf32, #tpu.memory_space<hbm>> -> memref<1x8x1x8x128xf32, #tpu.memory_space<hbm>>
      %dma_start3A_237 = tpu.memref_squeeze %dma_start3A_236 : memref<1x8x1x8x128xf32, #tpu.memory_space<hbm>> -> memref<8x8x128xf32, #tpu.memory_space<hbm>>
      %dma_start3A_238 = arith.constant 0 : i32
      %dma_start3A_239 = arith.constant 0 : i32
      %dma_start3A_240 = arith.constant 0 : i32
      %dma_start3A_241 = tpu.memref_slice %arg9[%dma_start3A_218, %dma_start3A_238, %dma_start3A_239, %dma_start3A_240] : memref<2x8x8x129xf32, #tpu.memory_space<vmem>> -> memref<1x8x8x129xf32, #tpu.memory_space<vmem>>
      %dma_start3A_242 = tpu.memref_squeeze %dma_start3A_241 : memref<1x8x8x129xf32, #tpu.memory_space<vmem>> -> memref<8x8x129xf32, #tpu.memory_space<vmem>>
      %dma_start3A_243 = arith.constant 0 : i32
      %dma_start3A_244 = arith.constant 0 : i32
      %dma_start3A_245 = arith.constant 0 : i32
      %dma_start3A_246 = tpu.memref_slice %dma_start3A_242[%dma_start3A_243, %dma_start3A_244, %dma_start3A_245] : memref<8x8x129xf32, #tpu.memory_space<vmem>> -> memref<8x8x128xf32, #tpu.memory_space<vmem>>
      tpu.enqueue_dma source(%dma_start3A_246 : memref<8x8x128xf32, #tpu.memory_space<vmem>>) target(%dma_start3A_237 : memref<8x8x128xf32, #tpu.memory_space<hbm>>) target_semaphore(%arg13 : memref<!tpu.dma_semaphore, #tpu.memory_space<semaphore_mem>>)
    }
    %scan3A_62 = arith.constant 100 : i32
    %dma_wait3A = arith.constant 0 : i32
    %dma_wait3A_63 = arith.constant 198 : i32
    %dma_wait3A_64 = arith.constant 0 : i32
    %dma_wait3A_65 = arith.constant 0 : i32
    %dma_wait3A_66 = arith.constant 0 : i32
    %dma_wait3A_67 = tpu.memref_slice %arg9[%dma_wait3A, %dma_wait3A_64, %dma_wait3A_65, %dma_wait3A_66] : memref<2x8x8x129xf32, #tpu.memory_space<vmem>> -> memref<1x8x8x128xf32, #tpu.memory_space<vmem>>
    %dma_wait3A_68 = tpu.memref_squeeze %dma_wait3A_67 : memref<1x8x8x128xf32, #tpu.memory_space<vmem>> -> memref<8x8x128xf32, #tpu.memory_space<vmem>>
    %dma_wait3A_69 = arith.constant 0 : i32
    %dma_wait3A_70 = arith.constant 0 : i32
    %dma_wait3A_71 = arith.constant 0 : i32
    %dma_wait3A_72 = tpu.memref_slice %arg5[%dma_wait3A_63, %dma_wait3A_69, %add3A, %dma_wait3A_70, %dma_wait3A_71] : memref<200x8x32x8x128xf32, #tpu.memory_space<hbm>> -> memref<1x8x1x8x128xf32, #tpu.memory_space<hbm>>
    %dma_wait3A_73 = tpu.memref_squeeze %dma_wait3A_72 : memref<1x8x1x8x128xf32, #tpu.memory_space<hbm>> -> memref<8x8x128xf32, #tpu.memory_space<hbm>>
    %dma_wait3A_74 = arith.constant 0 : i32
    %dma_wait3A_75 = arith.constant 0 : i32
    %dma_wait3A_76 = arith.constant 0 : i32
    %dma_wait3A_77 = tpu.memref_slice %arg5[%dma_wait3A_63, %dma_wait3A_74, %add3A, %dma_wait3A_75, %dma_wait3A_76] : memref<200x8x32x8x128xf32, #tpu.memory_space<hbm>> -> memref<1x8x1x8x128xf32, #tpu.memory_space<hbm>>
    %dma_wait3A_78 = tpu.memref_squeeze %dma_wait3A_77 : memref<1x8x1x8x128xf32, #tpu.memory_space<hbm>> -> memref<8x8x128xf32, #tpu.memory_space<hbm>>
    %dma_wait3A_79 = arith.constant 0 : i32
    %dma_wait3A_80 = arith.constant 0 : i32
    %dma_wait3A_81 = arith.constant 0 : i32
    %dma_wait3A_82 = tpu.memref_slice %arg9[%dma_wait3A, %dma_wait3A_79, %dma_wait3A_80, %dma_wait3A_81] : memref<2x8x8x129xf32, #tpu.memory_space<vmem>> -> memref<1x8x8x128xf32, #tpu.memory_space<vmem>>
    %dma_wait3A_83 = tpu.memref_squeeze %dma_wait3A_82 : memref<1x8x8x128xf32, #tpu.memory_space<vmem>> -> memref<8x8x128xf32, #tpu.memory_space<vmem>>
    tpu.wait_dma2 semaphore(%arg12 : memref<!tpu.dma_semaphore, #tpu.memory_space<semaphore_mem>>) src(%dma_wait3A_83 : memref<8x8x128xf32, #tpu.memory_space<vmem>>) dst(%dma_wait3A_78 : memref<8x8x128xf32, #tpu.memory_space<hbm>>)
    %dma_wait3A_84 = arith.constant 1 : i32
    %dma_wait3A_85 = arith.constant 199 : i32
    %dma_wait3A_86 = arith.constant 0 : i32
    %dma_wait3A_87 = arith.constant 0 : i32
    %dma_wait3A_88 = arith.constant 0 : i32
    %dma_wait3A_89 = tpu.memref_slice %arg9[%dma_wait3A_84, %dma_wait3A_86, %dma_wait3A_87, %dma_wait3A_88] : memref<2x8x8x129xf32, #tpu.memory_space<vmem>> -> memref<1x8x8x128xf32, #tpu.memory_space<vmem>>
    %dma_wait3A_90 = tpu.memref_squeeze %dma_wait3A_89 : memref<1x8x8x128xf32, #tpu.memory_space<vmem>> -> memref<8x8x128xf32, #tpu.memory_space<vmem>>
    %dma_wait3A_91 = arith.constant 0 : i32
    %dma_wait3A_92 = arith.constant 0 : i32
    %dma_wait3A_93 = arith.constant 0 : i32
    %dma_wait3A_94 = tpu.memref_slice %arg5[%dma_wait3A_85, %dma_wait3A_91, %add3A, %dma_wait3A_92, %dma_wait3A_93] : memref<200x8x32x8x128xf32, #tpu.memory_space<hbm>> -> memref<1x8x1x8x128xf32, #tpu.memory_space<hbm>>
    %dma_wait3A_95 = tpu.memref_squeeze %dma_wait3A_94 : memref<1x8x1x8x128xf32, #tpu.memory_space<hbm>> -> memref<8x8x128xf32, #tpu.memory_space<hbm>>
    %dma_wait3A_96 = arith.constant 0 : i32
    %dma_wait3A_97 = arith.constant 0 : i32
    %dma_wait3A_98 = arith.constant 0 : i32
    %dma_wait3A_99 = tpu.memref_slice %arg5[%dma_wait3A_85, %dma_wait3A_96, %add3A, %dma_wait3A_97, %dma_wait3A_98] : memref<200x8x32x8x128xf32, #tpu.memory_space<hbm>> -> memref<1x8x1x8x128xf32, #tpu.memory_space<hbm>>
    %dma_wait3A_100 = tpu.memref_squeeze %dma_wait3A_99 : memref<1x8x1x8x128xf32, #tpu.memory_space<hbm>> -> memref<8x8x128xf32, #tpu.memory_space<hbm>>
    %dma_wait3A_101 = arith.constant 0 : i32
    %dma_wait3A_102 = arith.constant 0 : i32
    %dma_wait3A_103 = arith.constant 0 : i32
    %dma_wait3A_104 = tpu.memref_slice %arg9[%dma_wait3A_84, %dma_wait3A_101, %dma_wait3A_102, %dma_wait3A_103] : memref<2x8x8x129xf32, #tpu.memory_space<vmem>> -> memref<1x8x8x128xf32, #tpu.memory_space<vmem>>
    %dma_wait3A_105 = tpu.memref_squeeze %dma_wait3A_104 : memref<1x8x8x128xf32, #tpu.memory_space<vmem>> -> memref<8x8x128xf32, #tpu.memory_space<vmem>>
    tpu.wait_dma2 semaphore(%arg13 : memref<!tpu.dma_semaphore, #tpu.memory_space<semaphore_mem>>) src(%dma_wait3A_105 : memref<8x8x128xf32, #tpu.memory_space<vmem>>) dst(%dma_wait3A_100 : memref<8x8x128xf32, #tpu.memory_space<hbm>>)
    return
  }
}

#map = affine_map<(d0, d1) -> (0, 0, 0)>
#map1 = affine_map<(d0, d1) -> (0, 0)>
module attributes {stable_mosaic.version = 14 : i64} {
  func.func @_detile_body(%arg0: i32, %arg1: i32, %arg2: memref<125000x8x64xf32, #tpu.memory_space<hbm>>, %arg3: memref<500000x128xf32, #tpu.memory_space<hbm>>, %arg4: memref<2x32x8x64xf32, #tpu.memory_space<vmem>>, %arg5: memref<2x128x128xf32, #tpu.memory_space<vmem>>, %arg6: memref<!tpu.dma_semaphore, #tpu.memory_space<semaphore_mem>>, %arg7: memref<!tpu.dma_semaphore, #tpu.memory_space<semaphore_mem>>, %arg8: memref<!tpu.dma_semaphore, #tpu.memory_space<semaphore_mem>>, %arg9: memref<!tpu.dma_semaphore, #tpu.memory_space<semaphore_mem>>) attributes {dimension_semantics = [#tpu.dimension_semantics<core_parallel>, #tpu.dimension_semantics<subcore_parallel>], iteration_bounds = array<i64: 2, 16>, scalar_prefetch = 0 : i64, scratch_operands = 6 : i64, tpu.core_type = #tpu.core_type<sc_vector_subcore>, window_params = [{transform_indices = #map}, {transform_indices = #map1}]} {
    %mul3A = arith.constant 16 : i32
    %mul3A_0 = arith.muli %arg0, %mul3A : i32
    %add3A = arith.addi %mul3A_0, %arg1 : i32
    %mul3A_1 = arith.constant 32 : i32
    %mul3A_2 = arith.muli %add3A, %mul3A_1 : i32
    %multiple_of3A = tpu.assume_multiple %mul3A_2, 1 : i32
    %dma_start3A = arith.constant 0 : i32
    %dma_start3A_3 = arith.constant 0 : i32
    %dma_start3A_4 = arith.constant 0 : i32
    %dma_start3A_5 = arith.constant 0 : i32
    %dma_start3A_6 = tpu.memref_slice %arg4[%dma_start3A, %dma_start3A_3, %dma_start3A_4, %dma_start3A_5] : memref<2x32x8x64xf32, #tpu.memory_space<vmem>> -> memref<1x32x8x64xf32, #tpu.memory_space<vmem>>
    %dma_start3A_7 = tpu.memref_squeeze %dma_start3A_6 : memref<1x32x8x64xf32, #tpu.memory_space<vmem>> -> memref<32x8x64xf32, #tpu.memory_space<vmem>>
    %dma_start3A_8 = arith.constant 0 : i32
    %dma_start3A_9 = arith.constant 0 : i32
    %dma_start3A_10 = tpu.memref_slice %arg2[%multiple_of3A, %dma_start3A_8, %dma_start3A_9] : memref<125000x8x64xf32, #tpu.memory_space<hbm>> -> memref<32x8x64xf32, #tpu.memory_space<hbm>>
    %dma_start3A_11 = arith.constant 0 : i32
    %dma_start3A_12 = arith.constant 0 : i32
    %dma_start3A_13 = arith.constant 0 : i32
    %dma_start3A_14 = tpu.memref_slice %arg4[%dma_start3A, %dma_start3A_11, %dma_start3A_12, %dma_start3A_13] : memref<2x32x8x64xf32, #tpu.memory_space<vmem>> -> memref<1x32x8x64xf32, #tpu.memory_space<vmem>>
    %dma_start3A_15 = tpu.memref_squeeze %dma_start3A_14 : memref<1x32x8x64xf32, #tpu.memory_space<vmem>> -> memref<32x8x64xf32, #tpu.memory_space<vmem>>
    %dma_start3A_16 = arith.constant 0 : i32
    %dma_start3A_17 = arith.constant 0 : i32
    %dma_start3A_18 = tpu.memref_slice %arg2[%multiple_of3A, %dma_start3A_16, %dma_start3A_17] : memref<125000x8x64xf32, #tpu.memory_space<hbm>> -> memref<32x8x64xf32, #tpu.memory_space<hbm>>
    tpu.enqueue_dma source(%dma_start3A_18 : memref<32x8x64xf32, #tpu.memory_space<hbm>>) target(%dma_start3A_15 : memref<32x8x64xf32, #tpu.memory_space<vmem>>) target_semaphore(%arg6 : memref<!tpu.dma_semaphore, #tpu.memory_space<semaphore_mem>>)
    %scan3A = arith.constant 0 : i32
    %scan3A_19 = arith.constant 0 : i32
    %scan3A_20 = arith.constant 61 : i32
    %scan3A_21 = arith.addi %scan3A_19, %scan3A_20 : i32
    %scan3A_22 = arith.constant 1 : i32
    scf.for %scan3A_65 = %scan3A_19 to %scan3A_21 step %scan3A_22  : i32 {
      %mul3A_66 = arith.constant 2 : i32
      %mul3A_67 = arith.muli %mul3A_66, %scan3A_65 : i32
      %add3A_68 = arith.constant 0 : i32
      %add3A_69 = arith.addi %mul3A_67, %add3A_68 : i32
      %mul3A_70 = arith.constant 32 : i32
      %mul3A_71 = arith.muli %mul3A_70, %add3A_69 : i32
      %add3A_72 = arith.addi %add3A, %mul3A_71 : i32
      %add3A_73 = arith.constant 1 : i32
      %add3A_74 = arith.addi %add3A_69, %add3A_73 : i32
      %lt3A_75 = arith.constant 122 : i32
      %lt3A_76 = arith.cmpi slt, %add3A_74, %lt3A_75 : i32
      %convert_element_type3A_77 = arith.extui %lt3A_76 : i1 to i32
      %cond3A_78 = arith.constant 0 : i32
      %cond3A_79 = arith.cmpi ne, %convert_element_type3A_77, %cond3A_78 : i32
      scf.if %cond3A_79 {
        %add3A_184 = arith.constant 1 : i32
        %add3A_185 = arith.addi %add3A_69, %add3A_184 : i32
        %mul3A_186 = arith.constant 32 : i32
        %mul3A_187 = arith.muli %mul3A_186, %add3A_185 : i32
        %add3A_188 = arith.addi %add3A, %mul3A_187 : i32
        %mul3A_189 = arith.constant 32 : i32
        %mul3A_190 = arith.muli %add3A_188, %mul3A_189 : i32
        %multiple_of3A_191 = tpu.assume_multiple %mul3A_190, 1 : i32
        %dma_start3A_192 = arith.constant 1 : i32
        %dma_start3A_193 = arith.constant 0 : i32
        %dma_start3A_194 = arith.constant 0 : i32
        %dma_start3A_195 = arith.constant 0 : i32
        %dma_start3A_196 = tpu.memref_slice %arg4[%dma_start3A_192, %dma_start3A_193, %dma_start3A_194, %dma_start3A_195] : memref<2x32x8x64xf32, #tpu.memory_space<vmem>> -> memref<1x32x8x64xf32, #tpu.memory_space<vmem>>
        %dma_start3A_197 = tpu.memref_squeeze %dma_start3A_196 : memref<1x32x8x64xf32, #tpu.memory_space<vmem>> -> memref<32x8x64xf32, #tpu.memory_space<vmem>>
        %dma_start3A_198 = arith.constant 0 : i32
        %dma_start3A_199 = arith.constant 0 : i32
        %dma_start3A_200 = tpu.memref_slice %arg2[%multiple_of3A_191, %dma_start3A_198, %dma_start3A_199] : memref<125000x8x64xf32, #tpu.memory_space<hbm>> -> memref<32x8x64xf32, #tpu.memory_space<hbm>>
        %dma_start3A_201 = arith.constant 0 : i32
        %dma_start3A_202 = arith.constant 0 : i32
        %dma_start3A_203 = arith.constant 0 : i32
        %dma_start3A_204 = tpu.memref_slice %arg4[%dma_start3A_192, %dma_start3A_201, %dma_start3A_202, %dma_start3A_203] : memref<2x32x8x64xf32, #tpu.memory_space<vmem>> -> memref<1x32x8x64xf32, #tpu.memory_space<vmem>>
        %dma_start3A_205 = tpu.memref_squeeze %dma_start3A_204 : memref<1x32x8x64xf32, #tpu.memory_space<vmem>> -> memref<32x8x64xf32, #tpu.memory_space<vmem>>
        %dma_start3A_206 = arith.constant 0 : i32
        %dma_start3A_207 = arith.constant 0 : i32
        %dma_start3A_208 = tpu.memref_slice %arg2[%multiple_of3A_191, %dma_start3A_206, %dma_start3A_207] : memref<125000x8x64xf32, #tpu.memory_space<hbm>> -> memref<32x8x64xf32, #tpu.memory_space<hbm>>
        tpu.enqueue_dma source(%dma_start3A_208 : memref<32x8x64xf32, #tpu.memory_space<hbm>>) target(%dma_start3A_205 : memref<32x8x64xf32, #tpu.memory_space<vmem>>) target_semaphore(%arg7 : memref<!tpu.dma_semaphore, #tpu.memory_space<semaphore_mem>>)
      } else {
      }
      %mul3A_80 = arith.constant 32 : i32
      %mul3A_81 = arith.muli %add3A_72, %mul3A_80 : i32
      %multiple_of3A_82 = tpu.assume_multiple %mul3A_81, 1 : i32
      %dma_wait3A_83 = arith.constant 0 : i32
      %dma_wait3A_84 = arith.constant 0 : i32
      %dma_wait3A_85 = arith.constant 0 : i32
      %dma_wait3A_86 = arith.constant 0 : i32
      %dma_wait3A_87 = tpu.memref_slice %arg4[%dma_wait3A_83, %dma_wait3A_84, %dma_wait3A_85, %dma_wait3A_86] : memref<2x32x8x64xf32, #tpu.memory_space<vmem>> -> memref<1x32x8x64xf32, #tpu.memory_space<vmem>>
      %dma_wait3A_88 = tpu.memref_squeeze %dma_wait3A_87 : memref<1x32x8x64xf32, #tpu.memory_space<vmem>> -> memref<32x8x64xf32, #tpu.memory_space<vmem>>
      %dma_wait3A_89 = arith.constant 0 : i32
      %dma_wait3A_90 = arith.constant 0 : i32
      %dma_wait3A_91 = tpu.memref_slice %arg2[%multiple_of3A_82, %dma_wait3A_89, %dma_wait3A_90] : memref<125000x8x64xf32, #tpu.memory_space<hbm>> -> memref<32x8x64xf32, #tpu.memory_space<hbm>>
      %dma_wait3A_92 = arith.constant 0 : i32
      %dma_wait3A_93 = arith.constant 0 : i32
      %dma_wait3A_94 = arith.constant 0 : i32
      %dma_wait3A_95 = tpu.memref_slice %arg4[%dma_wait3A_83, %dma_wait3A_92, %dma_wait3A_93, %dma_wait3A_94] : memref<2x32x8x64xf32, #tpu.memory_space<vmem>> -> memref<1x32x8x64xf32, #tpu.memory_space<vmem>>
      %dma_wait3A_96 = tpu.memref_squeeze %dma_wait3A_95 : memref<1x32x8x64xf32, #tpu.memory_space<vmem>> -> memref<32x8x64xf32, #tpu.memory_space<vmem>>
      %dma_wait3A_97 = arith.constant 0 : i32
      %dma_wait3A_98 = arith.constant 0 : i32
      %dma_wait3A_99 = tpu.memref_slice %arg2[%multiple_of3A_82, %dma_wait3A_97, %dma_wait3A_98] : memref<125000x8x64xf32, #tpu.memory_space<hbm>> -> memref<32x8x64xf32, #tpu.memory_space<hbm>>
      tpu.wait_dma2 semaphore(%arg6 : memref<!tpu.dma_semaphore, #tpu.memory_space<semaphore_mem>>) src(%dma_wait3A_99 : memref<32x8x64xf32, #tpu.memory_space<hbm>>) dst(%dma_wait3A_96 : memref<32x8x64xf32, #tpu.memory_space<vmem>>)
      %gt3A = arith.constant 0 : i32
      %gt3A_100 = arith.cmpi sgt, %scan3A_65, %gt3A : i32
      %convert_element_type3A_101 = arith.extui %gt3A_100 : i1 to i32
      %cond3A_102 = arith.constant 0 : i32
      %cond3A_103 = arith.cmpi ne, %convert_element_type3A_101, %cond3A_102 : i32
      scf.if %cond3A_103 {
        %sub3A = arith.constant 2 : i32
        %sub3A_184 = arith.subi %add3A_69, %sub3A : i32
        %mul3A_185 = arith.constant 32 : i32
        %mul3A_186 = arith.muli %mul3A_185, %sub3A_184 : i32
        %add3A_187 = arith.addi %add3A, %mul3A_186 : i32
        %mul3A_188 = arith.constant 128 : i32
        %mul3A_189 = arith.muli %add3A_187, %mul3A_188 : i32
        %multiple_of3A_190 = tpu.assume_multiple %mul3A_189, 8 : i32
        %dma_wait3A_191 = arith.constant 0 : i32
        %dma_wait3A_192 = arith.constant 0 : i32
        %dma_wait3A_193 = arith.constant 0 : i32
        %dma_wait3A_194 = tpu.memref_slice %arg5[%dma_wait3A_191, %dma_wait3A_192, %dma_wait3A_193] : memref<2x128x128xf32, #tpu.memory_space<vmem>> -> memref<1x128x128xf32, #tpu.memory_space<vmem>>
        %dma_wait3A_195 = tpu.memref_squeeze %dma_wait3A_194 : memref<1x128x128xf32, #tpu.memory_space<vmem>> -> memref<128x128xf32, #tpu.memory_space<vmem>>
        %dma_wait3A_196 = arith.constant 0 : i32
        %dma_wait3A_197 = tpu.memref_slice %arg3[%multiple_of3A_190, %dma_wait3A_196] : memref<500000x128xf32, #tpu.memory_space<hbm>> -> memref<128x128xf32, #tpu.memory_space<hbm>>
        %dma_wait3A_198 = arith.constant 0 : i32
        %dma_wait3A_199 = tpu.memref_slice %arg3[%multiple_of3A_190, %dma_wait3A_198] : memref<500000x128xf32, #tpu.memory_space<hbm>> -> memref<128x128xf32, #tpu.memory_space<hbm>>
        %dma_wait3A_200 = arith.constant 0 : i32
        %dma_wait3A_201 = arith.constant 0 : i32
        %dma_wait3A_202 = tpu.memref_slice %arg5[%dma_wait3A_191, %dma_wait3A_200, %dma_wait3A_201] : memref<2x128x128xf32, #tpu.memory_space<vmem>> -> memref<1x128x128xf32, #tpu.memory_space<vmem>>
        %dma_wait3A_203 = tpu.memref_squeeze %dma_wait3A_202 : memref<1x128x128xf32, #tpu.memory_space<vmem>> -> memref<128x128xf32, #tpu.memory_space<vmem>>
        tpu.wait_dma2 semaphore(%arg8 : memref<!tpu.dma_semaphore, #tpu.memory_space<semaphore_mem>>) src(%dma_wait3A_203 : memref<128x128xf32, #tpu.memory_space<vmem>>) dst(%dma_wait3A_199 : memref<128x128xf32, #tpu.memory_space<hbm>>)
      } else {
      }
      %parallel_loop3A = arith.constant 0 : i32
      %parallel_loop3A_104 = arith.constant 128 : i32
      %parallel_loop3A_105 = arith.constant 1 : i32
      %parallel_loop3A_106 = arith.constant 0 : i32
      %parallel_loop3A_107 = arith.constant 0 : i32
      scf.for %parallel_loop3A_184 = %parallel_loop3A to %parallel_loop3A_104 step %parallel_loop3A_105  : i32 {
        %parallel_loop3A_185 = arith.constant 2 : i32
        %parallel_loop3A_186 = arith.muli %parallel_loop3A_185, %parallel_loop3A_184 : i32
        %parallel_loop3A_187 = arith.constant 0 : i32
        %parallel_loop3A_188 = arith.addi %parallel_loop3A_186, %parallel_loop3A_187 : i32
        %parallel_loop3A_189 = arith.constant 3 : i32
        %parallel_loop3A_190 = arith.shrui %parallel_loop3A_188, %parallel_loop3A_189 : i32
        %parallel_loop3A_191 = arith.constant 7 : i32
        %parallel_loop3A_192 = arith.andi %parallel_loop3A_188, %parallel_loop3A_191 : i32
        %parallel_loop3A_193 = arith.constant 0 : i32
        %parallel_loop3A_194 = arith.constant 0 : i32
        %parallel_loop3A_195 = arith.constant 0 : i32
        %parallel_loop3A_196 = tpu.memref_slice %arg4[%parallel_loop3A_106, %parallel_loop3A_193, %parallel_loop3A_194, %parallel_loop3A_195] : memref<2x32x8x64xf32, #tpu.memory_space<vmem>> -> memref<1x32x8x64xf32, #tpu.memory_space<vmem>>
        %parallel_loop3A_197 = tpu.memref_squeeze %parallel_loop3A_196 : memref<1x32x8x64xf32, #tpu.memory_space<vmem>> -> memref<32x8x64xf32, #tpu.memory_space<vmem>>
        %parallel_loop3A_198 = arith.index_cast %parallel_loop3A_190 : i32 to index
        %parallel_loop3A_199 = arith.index_cast %parallel_loop3A_192 : i32 to index
        %parallel_loop3A_200 = arith.constant 0 : index
        %parallel_loop3A_201 = tpu.vector_load %parallel_loop3A_197[%parallel_loop3A_198, %parallel_loop3A_199, %parallel_loop3A_200] {strides = array<i32>} : memref<32x8x64xf32, #tpu.memory_space<vmem>>, vector<16xf32>,
        %parallel_loop3A_202 = arith.constant 0 : i32
        %parallel_loop3A_203 = arith.constant 0 : i32
        %parallel_loop3A_204 = tpu.memref_slice %arg5[%parallel_loop3A_107, %parallel_loop3A_202, %parallel_loop3A_203] : memref<2x128x128xf32, #tpu.memory_space<vmem>> -> memref<1x128x128xf32, #tpu.memory_space<vmem>>
        %parallel_loop3A_205 = tpu.memref_squeeze %parallel_loop3A_204 : memref<1x128x128xf32, #tpu.memory_space<vmem>> -> memref<128x128xf32, #tpu.memory_space<vmem>>
        %parallel_loop3A_206 = arith.index_cast %parallel_loop3A_184 : i32 to index
        %parallel_loop3A_207 = arith.constant 0 : index
        %parallel_loop3A_208 = tpu.vector_load %parallel_loop3A_205[%parallel_loop3A_206, %parallel_loop3A_207] {strides = array<i32>} : memref<128x128xf32, #tpu.memory_space<vmem>>, vector<16xf32>,
        tpu.vector_store %parallel_loop3A_205[%parallel_loop3A_206, %parallel_loop3A_207], %parallel_loop3A_201 {strides = array<i32>} : memref<128x128xf32, #tpu.memory_space<vmem>>, vector<16xf32>,
        %parallel_loop3A_209 = arith.constant 2 : i32
        %parallel_loop3A_210 = arith.muli %parallel_loop3A_209, %parallel_loop3A_184 : i32
        %parallel_loop3A_211 = arith.constant 0 : i32
        %parallel_loop3A_212 = arith.addi %parallel_loop3A_210, %parallel_loop3A_211 : i32
        %parallel_loop3A_213 = arith.constant 3 : i32
        %parallel_loop3A_214 = arith.shrui %parallel_loop3A_212, %parallel_loop3A_213 : i32
        %parallel_loop3A_215 = arith.constant 7 : i32
        %parallel_loop3A_216 = arith.andi %parallel_loop3A_212, %parallel_loop3A_215 : i32
        %parallel_loop3A_217 = arith.constant 0 : i32
        %parallel_loop3A_218 = arith.constant 0 : i32
        %parallel_loop3A_219 = arith.constant 0 : i32
        %parallel_loop3A_220 = tpu.memref_slice %arg4[%parallel_loop3A_106, %parallel_loop3A_217, %parallel_loop3A_218, %parallel_loop3A_219] : memref<2x32x8x64xf32, #tpu.memory_space<vmem>> -> memref<1x32x8x64xf32, #tpu.memory_space<vmem>>
        %parallel_loop3A_221 = tpu.memref_squeeze %parallel_loop3A_220 : memref<1x32x8x64xf32, #tpu.memory_space<vmem>> -> memref<32x8x64xf32, #tpu.memory_space<vmem>>
        %parallel_loop3A_222 = arith.index_cast %parallel_loop3A_214 : i32 to index
        %parallel_loop3A_223 = arith.index_cast %parallel_loop3A_216 : i32 to index
        %parallel_loop3A_224 = arith.constant 16 : index
        %parallel_loop3A_225 = tpu.vector_load %parallel_loop3A_221[%parallel_loop3A_222, %parallel_loop3A_223, %parallel_loop3A_224] {strides = array<i32>} : memref<32x8x64xf32, #tpu.memory_space<vmem>>, vector<16xf32>,
        %parallel_loop3A_226 = arith.constant 0 : i32
        %parallel_loop3A_227 = arith.constant 0 : i32
        %parallel_loop3A_228 = tpu.memref_slice %arg5[%parallel_loop3A_107, %parallel_loop3A_226, %parallel_loop3A_227] : memref<2x128x128xf32, #tpu.memory_space<vmem>> -> memref<1x128x128xf32, #tpu.memory_space<vmem>>
        %parallel_loop3A_229 = tpu.memref_squeeze %parallel_loop3A_228 : memref<1x128x128xf32, #tpu.memory_space<vmem>> -> memref<128x128xf32, #tpu.memory_space<vmem>>
        %parallel_loop3A_230 = arith.index_cast %parallel_loop3A_184 : i32 to index
        %parallel_loop3A_231 = arith.constant 16 : index
        %parallel_loop3A_232 = tpu.vector_load %parallel_loop3A_229[%parallel_loop3A_230, %parallel_loop3A_231] {strides = array<i32>} : memref<128x128xf32, #tpu.memory_space<vmem>>, vector<16xf32>,
        tpu.vector_store %parallel_loop3A_229[%parallel_loop3A_230, %parallel_loop3A_231], %parallel_loop3A_225 {strides = array<i32>} : memref<128x128xf32, #tpu.memory_space<vmem>>, vector<16xf32>,
        %parallel_loop3A_233 = arith.constant 2 : i32
        %parallel_loop3A_234 = arith.muli %parallel_loop3A_233, %parallel_loop3A_184 : i32
        %parallel_loop3A_235 = arith.constant 0 : i32
        %parallel_loop3A_236 = arith.addi %parallel_loop3A_234, %parallel_loop3A_235 : i32
        %parallel_loop3A_237 = arith.constant 3 : i32
        %parallel_loop3A_238 = arith.shrui %parallel_loop3A_236, %parallel_loop3A_237 : i32
        %parallel_loop3A_239 = arith.constant 7 : i32
        %parallel_loop3A_240 = arith.andi %parallel_loop3A_236, %parallel_loop3A_239 : i32
        %parallel_loop3A_241 = arith.constant 0 : i32
        %parallel_loop3A_242 = arith.constant 0 : i32
        %parallel_loop3A_243 = arith.constant 0 : i32
        %parallel_loop3A_244 = tpu.memref_slice %arg4[%parallel_loop3A_106, %parallel_loop3A_241, %parallel_loop3A_242, %parallel_loop3A_243] : memref<2x32x8x64xf32, #tpu.memory_space<vmem>> -> memref<1x32x8x64xf32, #tpu.memory_space<vmem>>
        %parallel_loop3A_245 = tpu.memref_squeeze %parallel_loop3A_244 : memref<1x32x8x64xf32, #tpu.memory_space<vmem>> -> memref<32x8x64xf32, #tpu.memory_space<vmem>>
        %parallel_loop3A_246 = arith.index_cast %parallel_loop3A_238 : i32 to index
        %parallel_loop3A_247 = arith.index_cast %parallel_loop3A_240 : i32 to index
        %parallel_loop3A_248 = arith.constant 32 : index
        %parallel_loop3A_249 = tpu.vector_load %parallel_loop3A_245[%parallel_loop3A_246, %parallel_loop3A_247, %parallel_loop3A_248] {strides = array<i32>} : memref<32x8x64xf32, #tpu.memory_space<vmem>>, vector<16xf32>,
        %parallel_loop3A_250 = arith.constant 0 : i32
        %parallel_loop3A_251 = arith.constant 0 : i32
        %parallel_loop3A_252 = tpu.memref_slice %arg5[%parallel_loop3A_107, %parallel_loop3A_250, %parallel_loop3A_251] : memref<2x128x128xf32, #tpu.memory_space<vmem>> -> memref<1x128x128xf32, #tpu.memory_space<vmem>>
        %parallel_loop3A_253 = tpu.memref_squeeze %parallel_loop3A_252 : memref<1x128x128xf32, #tpu.memory_space<vmem>> -> memref<128x128xf32, #tpu.memory_space<vmem>>
        %parallel_loop3A_254 = arith.index_cast %parallel_loop3A_184 : i32 to index
        %parallel_loop3A_255 = arith.constant 32 : index
        %parallel_loop3A_256 = tpu.vector_load %parallel_loop3A_253[%parallel_loop3A_254, %parallel_loop3A_255] {strides = array<i32>} : memref<128x128xf32, #tpu.memory_space<vmem>>, vector<16xf32>,
        tpu.vector_store %parallel_loop3A_253[%parallel_loop3A_254, %parallel_loop3A_255], %parallel_loop3A_249 {strides = array<i32>} : memref<128x128xf32, #tpu.memory_space<vmem>>, vector<16xf32>,
        %parallel_loop3A_257 = arith.constant 2 : i32
        %parallel_loop3A_258 = arith.muli %parallel_loop3A_257, %parallel_loop3A_184 : i32
        %parallel_loop3A_259 = arith.constant 0 : i32
        %parallel_loop3A_260 = arith.addi %parallel_loop3A_258, %parallel_loop3A_259 : i32
        %parallel_loop3A_261 = arith.constant 3 : i32
        %parallel_loop3A_262 = arith.shrui %parallel_loop3A_260, %parallel_loop3A_261 : i32
        %parallel_loop3A_263 = arith.constant 7 : i32
        %parallel_loop3A_264 = arith.andi %parallel_loop3A_260, %parallel_loop3A_263 : i32
        %parallel_loop3A_265 = arith.constant 0 : i32
        %parallel_loop3A_266 = arith.constant 0 : i32
        %parallel_loop3A_267 = arith.constant 0 : i32
        %parallel_loop3A_268 = tpu.memref_slice %arg4[%parallel_loop3A_106, %parallel_loop3A_265, %parallel_loop3A_266, %parallel_loop3A_267] : memref<2x32x8x64xf32, #tpu.memory_space<vmem>> -> memref<1x32x8x64xf32, #tpu.memory_space<vmem>>
        %parallel_loop3A_269 = tpu.memref_squeeze %parallel_loop3A_268 : memref<1x32x8x64xf32, #tpu.memory_space<vmem>> -> memref<32x8x64xf32, #tpu.memory_space<vmem>>
        %parallel_loop3A_270 = arith.index_cast %parallel_loop3A_262 : i32 to index
        %parallel_loop3A_271 = arith.index_cast %parallel_loop3A_264 : i32 to index
        %parallel_loop3A_272 = arith.constant 48 : index
        %parallel_loop3A_273 = tpu.vector_load %parallel_loop3A_269[%parallel_loop3A_270, %parallel_loop3A_271, %parallel_loop3A_272] {strides = array<i32>} : memref<32x8x64xf32, #tpu.memory_space<vmem>>, vector<16xf32>,
        %parallel_loop3A_274 = arith.constant 0 : i32
        %parallel_loop3A_275 = arith.constant 0 : i32
        %parallel_loop3A_276 = tpu.memref_slice %arg5[%parallel_loop3A_107, %parallel_loop3A_274, %parallel_loop3A_275] : memref<2x128x128xf32, #tpu.memory_space<vmem>> -> memref<1x128x128xf32, #tpu.memory_space<vmem>>
        %parallel_loop3A_277 = tpu.memref_squeeze %parallel_loop3A_276 : memref<1x128x128xf32, #tpu.memory_space<vmem>> -> memref<128x128xf32, #tpu.memory_space<vmem>>
        %parallel_loop3A_278 = arith.index_cast %parallel_loop3A_184 : i32 to index
        %parallel_loop3A_279 = arith.constant 48 : index
        %parallel_loop3A_280 = tpu.vector_load %parallel_loop3A_277[%parallel_loop3A_278, %parallel_loop3A_279] {strides = array<i32>} : memref<128x128xf32, #tpu.memory_space<vmem>>, vector<16xf32>,
        tpu.vector_store %parallel_loop3A_277[%parallel_loop3A_278, %parallel_loop3A_279], %parallel_loop3A_273 {strides = array<i32>} : memref<128x128xf32, #tpu.memory_space<vmem>>, vector<16xf32>,
        %parallel_loop3A_281 = arith.constant 2 : i32
        %parallel_loop3A_282 = arith.muli %parallel_loop3A_281, %parallel_loop3A_184 : i32
        %parallel_loop3A_283 = arith.constant 1 : i32
        %parallel_loop3A_284 = arith.addi %parallel_loop3A_282, %parallel_loop3A_283 : i32
        %parallel_loop3A_285 = arith.constant 3 : i32
        %parallel_loop3A_286 = arith.shrui %parallel_loop3A_284, %parallel_loop3A_285 : i32
        %parallel_loop3A_287 = arith.constant 7 : i32
        %parallel_loop3A_288 = arith.andi %parallel_loop3A_284, %parallel_loop3A_287 : i32
        %parallel_loop3A_289 = arith.constant 0 : i32
        %parallel_loop3A_290 = arith.constant 0 : i32
        %parallel_loop3A_291 = arith.constant 0 : i32
        %parallel_loop3A_292 = tpu.memref_slice %arg4[%parallel_loop3A_106, %parallel_loop3A_289, %parallel_loop3A_290, %parallel_loop3A_291] : memref<2x32x8x64xf32, #tpu.memory_space<vmem>> -> memref<1x32x8x64xf32, #tpu.memory_space<vmem>>
        %parallel_loop3A_293 = tpu.memref_squeeze %parallel_loop3A_292 : memref<1x32x8x64xf32, #tpu.memory_space<vmem>> -> memref<32x8x64xf32, #tpu.memory_space<vmem>>
        %parallel_loop3A_294 = arith.index_cast %parallel_loop3A_286 : i32 to index
        %parallel_loop3A_295 = arith.index_cast %parallel_loop3A_288 : i32 to index
        %parallel_loop3A_296 = arith.constant 0 : index
        %parallel_loop3A_297 = tpu.vector_load %parallel_loop3A_293[%parallel_loop3A_294, %parallel_loop3A_295, %parallel_loop3A_296] {strides = array<i32>} : memref<32x8x64xf32, #tpu.memory_space<vmem>>, vector<16xf32>,
        %parallel_loop3A_298 = arith.constant 0 : i32
        %parallel_loop3A_299 = arith.constant 0 : i32
        %parallel_loop3A_300 = tpu.memref_slice %arg5[%parallel_loop3A_107, %parallel_loop3A_298, %parallel_loop3A_299] : memref<2x128x128xf32, #tpu.memory_space<vmem>> -> memref<1x128x128xf32, #tpu.memory_space<vmem>>
        %parallel_loop3A_301 = tpu.memref_squeeze %parallel_loop3A_300 : memref<1x128x128xf32, #tpu.memory_space<vmem>> -> memref<128x128xf32, #tpu.memory_space<vmem>>
        %parallel_loop3A_302 = arith.index_cast %parallel_loop3A_184 : i32 to index
        %parallel_loop3A_303 = arith.constant 64 : index
        %parallel_loop3A_304 = tpu.vector_load %parallel_loop3A_301[%parallel_loop3A_302, %parallel_loop3A_303] {strides = array<i32>} : memref<128x128xf32, #tpu.memory_space<vmem>>, vector<16xf32>,
        tpu.vector_store %parallel_loop3A_301[%parallel_loop3A_302, %parallel_loop3A_303], %parallel_loop3A_297 {strides = array<i32>} : memref<128x128xf32, #tpu.memory_space<vmem>>, vector<16xf32>,
        %parallel_loop3A_305 = arith.constant 2 : i32
        %parallel_loop3A_306 = arith.muli %parallel_loop3A_305, %parallel_loop3A_184 : i32
        %parallel_loop3A_307 = arith.constant 1 : i32
        %parallel_loop3A_308 = arith.addi %parallel_loop3A_306, %parallel_loop3A_307 : i32
        %parallel_loop3A_309 = arith.constant 3 : i32
        %parallel_loop3A_310 = arith.shrui %parallel_loop3A_308, %parallel_loop3A_309 : i32
        %parallel_loop3A_311 = arith.constant 7 : i32
        %parallel_loop3A_312 = arith.andi %parallel_loop3A_308, %parallel_loop3A_311 : i32
        %parallel_loop3A_313 = arith.constant 0 : i32
        %parallel_loop3A_314 = arith.constant 0 : i32
        %parallel_loop3A_315 = arith.constant 0 : i32
        %parallel_loop3A_316 = tpu.memref_slice %arg4[%parallel_loop3A_106, %parallel_loop3A_313, %parallel_loop3A_314, %parallel_loop3A_315] : memref<2x32x8x64xf32, #tpu.memory_space<vmem>> -> memref<1x32x8x64xf32, #tpu.memory_space<vmem>>
        %parallel_loop3A_317 = tpu.memref_squeeze %parallel_loop3A_316 : memref<1x32x8x64xf32, #tpu.memory_space<vmem>> -> memref<32x8x64xf32, #tpu.memory_space<vmem>>
        %parallel_loop3A_318 = arith.index_cast %parallel_loop3A_310 : i32 to index
        %parallel_loop3A_319 = arith.index_cast %parallel_loop3A_312 : i32 to index
        %parallel_loop3A_320 = arith.constant 16 : index
        %parallel_loop3A_321 = tpu.vector_load %parallel_loop3A_317[%parallel_loop3A_318, %parallel_loop3A_319, %parallel_loop3A_320] {strides = array<i32>} : memref<32x8x64xf32, #tpu.memory_space<vmem>>, vector<16xf32>,
        %parallel_loop3A_322 = arith.constant 0 : i32
        %parallel_loop3A_323 = arith.constant 0 : i32
        %parallel_loop3A_324 = tpu.memref_slice %arg5[%parallel_loop3A_107, %parallel_loop3A_322, %parallel_loop3A_323] : memref<2x128x128xf32, #tpu.memory_space<vmem>> -> memref<1x128x128xf32, #tpu.memory_space<vmem>>
        %parallel_loop3A_325 = tpu.memref_squeeze %parallel_loop3A_324 : memref<1x128x128xf32, #tpu.memory_space<vmem>> -> memref<128x128xf32, #tpu.memory_space<vmem>>
        %parallel_loop3A_326 = arith.index_cast %parallel_loop3A_184 : i32 to index
        %parallel_loop3A_327 = arith.constant 80 : index
        %parallel_loop3A_328 = tpu.vector_load %parallel_loop3A_325[%parallel_loop3A_326, %parallel_loop3A_327] {strides = array<i32>} : memref<128x128xf32, #tpu.memory_space<vmem>>, vector<16xf32>,
        tpu.vector_store %parallel_loop3A_325[%parallel_loop3A_326, %parallel_loop3A_327], %parallel_loop3A_321 {strides = array<i32>} : memref<128x128xf32, #tpu.memory_space<vmem>>, vector<16xf32>,
        %parallel_loop3A_329 = arith.constant 2 : i32
        %parallel_loop3A_330 = arith.muli %parallel_loop3A_329, %parallel_loop3A_184 : i32
        %parallel_loop3A_331 = arith.constant 1 : i32
        %parallel_loop3A_332 = arith.addi %parallel_loop3A_330, %parallel_loop3A_331 : i32
        %parallel_loop3A_333 = arith.constant 3 : i32
        %parallel_loop3A_334 = arith.shrui %parallel_loop3A_332, %parallel_loop3A_333 : i32
        %parallel_loop3A_335 = arith.constant 7 : i32
        %parallel_loop3A_336 = arith.andi %parallel_loop3A_332, %parallel_loop3A_335 : i32
        %parallel_loop3A_337 = arith.constant 0 : i32
        %parallel_loop3A_338 = arith.constant 0 : i32
        %parallel_loop3A_339 = arith.constant 0 : i32
        %parallel_loop3A_340 = tpu.memref_slice %arg4[%parallel_loop3A_106, %parallel_loop3A_337, %parallel_loop3A_338, %parallel_loop3A_339] : memref<2x32x8x64xf32, #tpu.memory_space<vmem>> -> memref<1x32x8x64xf32, #tpu.memory_space<vmem>>
        %parallel_loop3A_341 = tpu.memref_squeeze %parallel_loop3A_340 : memref<1x32x8x64xf32, #tpu.memory_space<vmem>> -> memref<32x8x64xf32, #tpu.memory_space<vmem>>
        %parallel_loop3A_342 = arith.index_cast %parallel_loop3A_334 : i32 to index
        %parallel_loop3A_343 = arith.index_cast %parallel_loop3A_336 : i32 to index
        %parallel_loop3A_344 = arith.constant 32 : index
        %parallel_loop3A_345 = tpu.vector_load %parallel_loop3A_341[%parallel_loop3A_342, %parallel_loop3A_343, %parallel_loop3A_344] {strides = array<i32>} : memref<32x8x64xf32, #tpu.memory_space<vmem>>, vector<16xf32>,
        %parallel_loop3A_346 = arith.constant 0 : i32
        %parallel_loop3A_347 = arith.constant 0 : i32
        %parallel_loop3A_348 = tpu.memref_slice %arg5[%parallel_loop3A_107, %parallel_loop3A_346, %parallel_loop3A_347] : memref<2x128x128xf32, #tpu.memory_space<vmem>> -> memref<1x128x128xf32, #tpu.memory_space<vmem>>
        %parallel_loop3A_349 = tpu.memref_squeeze %parallel_loop3A_348 : memref<1x128x128xf32, #tpu.memory_space<vmem>> -> memref<128x128xf32, #tpu.memory_space<vmem>>
        %parallel_loop3A_350 = arith.index_cast %parallel_loop3A_184 : i32 to index
        %parallel_loop3A_351 = arith.constant 96 : index
        %parallel_loop3A_352 = tpu.vector_load %parallel_loop3A_349[%parallel_loop3A_350, %parallel_loop3A_351] {strides = array<i32>} : memref<128x128xf32, #tpu.memory_space<vmem>>, vector<16xf32>,
        tpu.vector_store %parallel_loop3A_349[%parallel_loop3A_350, %parallel_loop3A_351], %parallel_loop3A_345 {strides = array<i32>} : memref<128x128xf32, #tpu.memory_space<vmem>>, vector<16xf32>,
        %parallel_loop3A_353 = arith.constant 2 : i32
        %parallel_loop3A_354 = arith.muli %parallel_loop3A_353, %parallel_loop3A_184 : i32
        %parallel_loop3A_355 = arith.constant 1 : i32
        %parallel_loop3A_356 = arith.addi %parallel_loop3A_354, %parallel_loop3A_355 : i32
        %parallel_loop3A_357 = arith.constant 3 : i32
        %parallel_loop3A_358 = arith.shrui %parallel_loop3A_356, %parallel_loop3A_357 : i32
        %parallel_loop3A_359 = arith.constant 7 : i32
        %parallel_loop3A_360 = arith.andi %parallel_loop3A_356, %parallel_loop3A_359 : i32
        %parallel_loop3A_361 = arith.constant 0 : i32
        %parallel_loop3A_362 = arith.constant 0 : i32
        %parallel_loop3A_363 = arith.constant 0 : i32
        %parallel_loop3A_364 = tpu.memref_slice %arg4[%parallel_loop3A_106, %parallel_loop3A_361, %parallel_loop3A_362, %parallel_loop3A_363] : memref<2x32x8x64xf32, #tpu.memory_space<vmem>> -> memref<1x32x8x64xf32, #tpu.memory_space<vmem>>
        %parallel_loop3A_365 = tpu.memref_squeeze %parallel_loop3A_364 : memref<1x32x8x64xf32, #tpu.memory_space<vmem>> -> memref<32x8x64xf32, #tpu.memory_space<vmem>>
        %parallel_loop3A_366 = arith.index_cast %parallel_loop3A_358 : i32 to index
        %parallel_loop3A_367 = arith.index_cast %parallel_loop3A_360 : i32 to index
        %parallel_loop3A_368 = arith.constant 48 : index
        %parallel_loop3A_369 = tpu.vector_load %parallel_loop3A_365[%parallel_loop3A_366, %parallel_loop3A_367, %parallel_loop3A_368] {strides = array<i32>} : memref<32x8x64xf32, #tpu.memory_space<vmem>>, vector<16xf32>,
        %parallel_loop3A_370 = arith.constant 0 : i32
        %parallel_loop3A_371 = arith.constant 0 : i32
        %parallel_loop3A_372 = tpu.memref_slice %arg5[%parallel_loop3A_107, %parallel_loop3A_370, %parallel_loop3A_371] : memref<2x128x128xf32, #tpu.memory_space<vmem>> -> memref<1x128x128xf32, #tpu.memory_space<vmem>>
        %parallel_loop3A_373 = tpu.memref_squeeze %parallel_loop3A_372 : memref<1x128x128xf32, #tpu.memory_space<vmem>> -> memref<128x128xf32, #tpu.memory_space<vmem>>
        %parallel_loop3A_374 = arith.index_cast %parallel_loop3A_184 : i32 to index
        %parallel_loop3A_375 = arith.constant 112 : index
        %parallel_loop3A_376 = tpu.vector_load %parallel_loop3A_373[%parallel_loop3A_374, %parallel_loop3A_375] {strides = array<i32>} : memref<128x128xf32, #tpu.memory_space<vmem>>, vector<16xf32>,
        tpu.vector_store %parallel_loop3A_373[%parallel_loop3A_374, %parallel_loop3A_375], %parallel_loop3A_369 {strides = array<i32>} : memref<128x128xf32, #tpu.memory_space<vmem>>, vector<16xf32>,
      } {sc.loop_unroll_factor = 4 : i64, sc.parallel_access}
      %mul3A_108 = arith.constant 128 : i32
      %mul3A_109 = arith.muli %add3A_72, %mul3A_108 : i32
      %multiple_of3A_110 = tpu.assume_multiple %mul3A_109, 8 : i32
      %dma_start3A_111 = arith.constant 0 : i32
      %dma_start3A_112 = arith.constant 0 : i32
      %dma_start3A_113 = arith.constant 0 : i32
      %dma_start3A_114 = tpu.memref_slice %arg5[%dma_start3A_111, %dma_start3A_112, %dma_start3A_113] : memref<2x128x128xf32, #tpu.memory_space<vmem>> -> memref<1x128x128xf32, #tpu.memory_space<vmem>>
      %dma_start3A_115 = tpu.memref_squeeze %dma_start3A_114 : memref<1x128x128xf32, #tpu.memory_space<vmem>> -> memref<128x128xf32, #tpu.memory_space<vmem>>
      %dma_start3A_116 = arith.constant 0 : i32
      %dma_start3A_117 = tpu.memref_slice %arg3[%multiple_of3A_110, %dma_start3A_116] : memref<500000x128xf32, #tpu.memory_space<hbm>> -> memref<128x128xf32, #tpu.memory_space<hbm>>
      %dma_start3A_118 = arith.constant 0 : i32
      %dma_start3A_119 = tpu.memref_slice %arg3[%multiple_of3A_110, %dma_start3A_118] : memref<500000x128xf32, #tpu.memory_space<hbm>> -> memref<128x128xf32, #tpu.memory_space<hbm>>
      %dma_start3A_120 = arith.constant 0 : i32
      %dma_start3A_121 = arith.constant 0 : i32
      %dma_start3A_122 = tpu.memref_slice %arg5[%dma_start3A_111, %dma_start3A_120, %dma_start3A_121] : memref<2x128x128xf32, #tpu.memory_space<vmem>> -> memref<1x128x128xf32, #tpu.memory_space<vmem>>
      %dma_start3A_123 = tpu.memref_squeeze %dma_start3A_122 : memref<1x128x128xf32, #tpu.memory_space<vmem>> -> memref<128x128xf32, #tpu.memory_space<vmem>>
      tpu.enqueue_dma source(%dma_start3A_123 : memref<128x128xf32, #tpu.memory_space<vmem>>) target(%dma_start3A_119 : memref<128x128xf32, #tpu.memory_space<hbm>>) target_semaphore(%arg8 : memref<!tpu.dma_semaphore, #tpu.memory_space<semaphore_mem>>)
      %mul3A_124 = arith.constant 2 : i32
      %mul3A_125 = arith.muli %mul3A_124, %scan3A_65 : i32
      %add3A_126 = arith.constant 1 : i32
      %add3A_127 = arith.addi %mul3A_125, %add3A_126 : i32
      %mul3A_128 = arith.constant 32 : i32
      %mul3A_129 = arith.muli %mul3A_128, %add3A_127 : i32
      %add3A_130 = arith.addi %add3A, %mul3A_129 : i32
      %add3A_131 = arith.constant 1 : i32
      %add3A_132 = arith.addi %add3A_127, %add3A_131 : i32
      %lt3A_133 = arith.constant 122 : i32
      %lt3A_134 = arith.cmpi slt, %add3A_132, %lt3A_133 : i32
      %convert_element_type3A_135 = arith.extui %lt3A_134 : i1 to i32
      %cond3A_136 = arith.constant 0 : i32
      %cond3A_137 = arith.cmpi ne, %convert_element_type3A_135, %cond3A_136 : i32
      scf.if %cond3A_137 {
        %add3A_184 = arith.constant 1 : i32
        %add3A_185 = arith.addi %add3A_127, %add3A_184 : i32
        %mul3A_186 = arith.constant 32 : i32
        %mul3A_187 = arith.muli %mul3A_186, %add3A_185 : i32
        %add3A_188 = arith.addi %add3A, %mul3A_187 : i32
        %mul3A_189 = arith.constant 32 : i32
        %mul3A_190 = arith.muli %add3A_188, %mul3A_189 : i32
        %multiple_of3A_191 = tpu.assume_multiple %mul3A_190, 1 : i32
        %dma_start3A_192 = arith.constant 0 : i32
        %dma_start3A_193 = arith.constant 0 : i32
        %dma_start3A_194 = arith.constant 0 : i32
        %dma_start3A_195 = arith.constant 0 : i32
        %dma_start3A_196 = tpu.memref_slice %arg4[%dma_start3A_192, %dma_start3A_193, %dma_start3A_194, %dma_start3A_195] : memref<2x32x8x64xf32, #tpu.memory_space<vmem>> -> memref<1x32x8x64xf32, #tpu.memory_space<vmem>>
        %dma_start3A_197 = tpu.memref_squeeze %dma_start3A_196 : memref<1x32x8x64xf32, #tpu.memory_space<vmem>> -> memref<32x8x64xf32, #tpu.memory_space<vmem>>
        %dma_start3A_198 = arith.constant 0 : i32
        %dma_start3A_199 = arith.constant 0 : i32
        %dma_start3A_200 = tpu.memref_slice %arg2[%multiple_of3A_191, %dma_start3A_198, %dma_start3A_199] : memref<125000x8x64xf32, #tpu.memory_space<hbm>> -> memref<32x8x64xf32, #tpu.memory_space<hbm>>
        %dma_start3A_201 = arith.constant 0 : i32
        %dma_start3A_202 = arith.constant 0 : i32
        %dma_start3A_203 = arith.constant 0 : i32
        %dma_start3A_204 = tpu.memref_slice %arg4[%dma_start3A_192, %dma_start3A_201, %dma_start3A_202, %dma_start3A_203] : memref<2x32x8x64xf32, #tpu.memory_space<vmem>> -> memref<1x32x8x64xf32, #tpu.memory_space<vmem>>
        %dma_start3A_205 = tpu.memref_squeeze %dma_start3A_204 : memref<1x32x8x64xf32, #tpu.memory_space<vmem>> -> memref<32x8x64xf32, #tpu.memory_space<vmem>>
        %dma_start3A_206 = arith.constant 0 : i32
        %dma_start3A_207 = arith.constant 0 : i32
        %dma_start3A_208 = tpu.memref_slice %arg2[%multiple_of3A_191, %dma_start3A_206, %dma_start3A_207] : memref<125000x8x64xf32, #tpu.memory_space<hbm>> -> memref<32x8x64xf32, #tpu.memory_space<hbm>>
        tpu.enqueue_dma source(%dma_start3A_208 : memref<32x8x64xf32, #tpu.memory_space<hbm>>) target(%dma_start3A_205 : memref<32x8x64xf32, #tpu.memory_space<vmem>>) target_semaphore(%arg6 : memref<!tpu.dma_semaphore, #tpu.memory_space<semaphore_mem>>)
      } else {
      }
      %mul3A_138 = arith.constant 32 : i32
      %mul3A_139 = arith.muli %add3A_130, %mul3A_138 : i32
      %multiple_of3A_140 = tpu.assume_multiple %mul3A_139, 1 : i32
      %dma_wait3A_141 = arith.constant 1 : i32
      %dma_wait3A_142 = arith.constant 0 : i32
      %dma_wait3A_143 = arith.constant 0 : i32
      %dma_wait3A_144 = arith.constant 0 : i32
      %dma_wait3A_145 = tpu.memref_slice %arg4[%dma_wait3A_141, %dma_wait3A_142, %dma_wait3A_143, %dma_wait3A_144] : memref<2x32x8x64xf32, #tpu.memory_space<vmem>> -> memref<1x32x8x64xf32, #tpu.memory_space<vmem>>
      %dma_wait3A_146 = tpu.memref_squeeze %dma_wait3A_145 : memref<1x32x8x64xf32, #tpu.memory_space<vmem>> -> memref<32x8x64xf32, #tpu.memory_space<vmem>>
      %dma_wait3A_147 = arith.constant 0 : i32
      %dma_wait3A_148 = arith.constant 0 : i32
      %dma_wait3A_149 = tpu.memref_slice %arg2[%multiple_of3A_140, %dma_wait3A_147, %dma_wait3A_148] : memref<125000x8x64xf32, #tpu.memory_space<hbm>> -> memref<32x8x64xf32, #tpu.memory_space<hbm>>
      %dma_wait3A_150 = arith.constant 0 : i32
      %dma_wait3A_151 = arith.constant 0 : i32
      %dma_wait3A_152 = arith.constant 0 : i32
      %dma_wait3A_153 = tpu.memref_slice %arg4[%dma_wait3A_141, %dma_wait3A_150, %dma_wait3A_151, %dma_wait3A_152] : memref<2x32x8x64xf32, #tpu.memory_space<vmem>> -> memref<1x32x8x64xf32, #tpu.memory_space<vmem>>
      %dma_wait3A_154 = tpu.memref_squeeze %dma_wait3A_153 : memref<1x32x8x64xf32, #tpu.memory_space<vmem>> -> memref<32x8x64xf32, #tpu.memory_space<vmem>>
      %dma_wait3A_155 = arith.constant 0 : i32
      %dma_wait3A_156 = arith.constant 0 : i32
      %dma_wait3A_157 = tpu.memref_slice %arg2[%multiple_of3A_140, %dma_wait3A_155, %dma_wait3A_156] : memref<125000x8x64xf32, #tpu.memory_space<hbm>> -> memref<32x8x64xf32, #tpu.memory_space<hbm>>
      tpu.wait_dma2 semaphore(%arg7 : memref<!tpu.dma_semaphore, #tpu.memory_space<semaphore_mem>>) src(%dma_wait3A_157 : memref<32x8x64xf32, #tpu.memory_space<hbm>>) dst(%dma_wait3A_154 : memref<32x8x64xf32, #tpu.memory_space<vmem>>)
      %gt3A_158 = arith.constant 0 : i32
      %gt3A_159 = arith.cmpi sgt, %scan3A_65, %gt3A_158 : i32
      %convert_element_type3A_160 = arith.extui %gt3A_159 : i1 to i32
      %cond3A_161 = arith.constant 0 : i32
      %cond3A_162 = arith.cmpi ne, %convert_element_type3A_160, %cond3A_161 : i32
      scf.if %cond3A_162 {
        %sub3A = arith.constant 2 : i32
        %sub3A_184 = arith.subi %add3A_127, %sub3A : i32
        %mul3A_185 = arith.constant 32 : i32
        %mul3A_186 = arith.muli %mul3A_185, %sub3A_184 : i32
        %add3A_187 = arith.addi %add3A, %mul3A_186 : i32
        %mul3A_188 = arith.constant 128 : i32
        %mul3A_189 = arith.muli %add3A_187, %mul3A_188 : i32
        %multiple_of3A_190 = tpu.assume_multiple %mul3A_189, 8 : i32
        %dma_wait3A_191 = arith.constant 1 : i32
        %dma_wait3A_192 = arith.constant 0 : i32
        %dma_wait3A_193 = arith.constant 0 : i32
        %dma_wait3A_194 = tpu.memref_slice %arg5[%dma_wait3A_191, %dma_wait3A_192, %dma_wait3A_193] : memref<2x128x128xf32, #tpu.memory_space<vmem>> -> memref<1x128x128xf32, #tpu.memory_space<vmem>>
        %dma_wait3A_195 = tpu.memref_squeeze %dma_wait3A_194 : memref<1x128x128xf32, #tpu.memory_space<vmem>> -> memref<128x128xf32, #tpu.memory_space<vmem>>
        %dma_wait3A_196 = arith.constant 0 : i32
        %dma_wait3A_197 = tpu.memref_slice %arg3[%multiple_of3A_190, %dma_wait3A_196] : memref<500000x128xf32, #tpu.memory_space<hbm>> -> memref<128x128xf32, #tpu.memory_space<hbm>>
        %dma_wait3A_198 = arith.constant 0 : i32
        %dma_wait3A_199 = tpu.memref_slice %arg3[%multiple_of3A_190, %dma_wait3A_198] : memref<500000x128xf32, #tpu.memory_space<hbm>> -> memref<128x128xf32, #tpu.memory_space<hbm>>
        %dma_wait3A_200 = arith.constant 0 : i32
        %dma_wait3A_201 = arith.constant 0 : i32
        %dma_wait3A_202 = tpu.memref_slice %arg5[%dma_wait3A_191, %dma_wait3A_200, %dma_wait3A_201] : memref<2x128x128xf32, #tpu.memory_space<vmem>> -> memref<1x128x128xf32, #tpu.memory_space<vmem>>
        %dma_wait3A_203 = tpu.memref_squeeze %dma_wait3A_202 : memref<1x128x128xf32, #tpu.memory_space<vmem>> -> memref<128x128xf32, #tpu.memory_space<vmem>>
        tpu.wait_dma2 semaphore(%arg9 : memref<!tpu.dma_semaphore, #tpu.memory_space<semaphore_mem>>) src(%dma_wait3A_203 : memref<128x128xf32, #tpu.memory_space<vmem>>) dst(%dma_wait3A_199 : memref<128x128xf32, #tpu.memory_space<hbm>>)
      } else {
      }
      %parallel_loop3A_163 = arith.constant 0 : i32
      %parallel_loop3A_164 = arith.constant 128 : i32
      %parallel_loop3A_165 = arith.constant 1 : i32
      %parallel_loop3A_166 = arith.constant 1 : i32
      %parallel_loop3A_167 = arith.constant 1 : i32
      scf.for %parallel_loop3A_184 = %parallel_loop3A_163 to %parallel_loop3A_164 step %parallel_loop3A_165  : i32 {
        %parallel_loop3A_185 = arith.constant 2 : i32
        %parallel_loop3A_186 = arith.muli %parallel_loop3A_185, %parallel_loop3A_184 : i32
        %parallel_loop3A_187 = arith.constant 0 : i32
        %parallel_loop3A_188 = arith.addi %parallel_loop3A_186, %parallel_loop3A_187 : i32
        %parallel_loop3A_189 = arith.constant 3 : i32
        %parallel_loop3A_190 = arith.shrui %parallel_loop3A_188, %parallel_loop3A_189 : i32
        %parallel_loop3A_191 = arith.constant 7 : i32
        %parallel_loop3A_192 = arith.andi %parallel_loop3A_188, %parallel_loop3A_191 : i32
        %parallel_loop3A_193 = arith.constant 0 : i32
        %parallel_loop3A_194 = arith.constant 0 : i32
        %parallel_loop3A_195 = arith.constant 0 : i32
        %parallel_loop3A_196 = tpu.memref_slice %arg4[%parallel_loop3A_166, %parallel_loop3A_193, %parallel_loop3A_194, %parallel_loop3A_195] : memref<2x32x8x64xf32, #tpu.memory_space<vmem>> -> memref<1x32x8x64xf32, #tpu.memory_space<vmem>>
        %parallel_loop3A_197 = tpu.memref_squeeze %parallel_loop3A_196 : memref<1x32x8x64xf32, #tpu.memory_space<vmem>> -> memref<32x8x64xf32, #tpu.memory_space<vmem>>
        %parallel_loop3A_198 = arith.index_cast %parallel_loop3A_190 : i32 to index
        %parallel_loop3A_199 = arith.index_cast %parallel_loop3A_192 : i32 to index
        %parallel_loop3A_200 = arith.constant 0 : index
        %parallel_loop3A_201 = tpu.vector_load %parallel_loop3A_197[%parallel_loop3A_198, %parallel_loop3A_199, %parallel_loop3A_200] {strides = array<i32>} : memref<32x8x64xf32, #tpu.memory_space<vmem>>, vector<16xf32>,
        %parallel_loop3A_202 = arith.constant 0 : i32
        %parallel_loop3A_203 = arith.constant 0 : i32
        %parallel_loop3A_204 = tpu.memref_slice %arg5[%parallel_loop3A_167, %parallel_loop3A_202, %parallel_loop3A_203] : memref<2x128x128xf32, #tpu.memory_space<vmem>> -> memref<1x128x128xf32, #tpu.memory_space<vmem>>
        %parallel_loop3A_205 = tpu.memref_squeeze %parallel_loop3A_204 : memref<1x128x128xf32, #tpu.memory_space<vmem>> -> memref<128x128xf32, #tpu.memory_space<vmem>>
        %parallel_loop3A_206 = arith.index_cast %parallel_loop3A_184 : i32 to index
        %parallel_loop3A_207 = arith.constant 0 : index
        %parallel_loop3A_208 = tpu.vector_load %parallel_loop3A_205[%parallel_loop3A_206, %parallel_loop3A_207] {strides = array<i32>} : memref<128x128xf32, #tpu.memory_space<vmem>>, vector<16xf32>,
        tpu.vector_store %parallel_loop3A_205[%parallel_loop3A_206, %parallel_loop3A_207], %parallel_loop3A_201 {strides = array<i32>} : memref<128x128xf32, #tpu.memory_space<vmem>>, vector<16xf32>,
        %parallel_loop3A_209 = arith.constant 2 : i32
        %parallel_loop3A_210 = arith.muli %parallel_loop3A_209, %parallel_loop3A_184 : i32
        %parallel_loop3A_211 = arith.constant 0 : i32
        %parallel_loop3A_212 = arith.addi %parallel_loop3A_210, %parallel_loop3A_211 : i32
        %parallel_loop3A_213 = arith.constant 3 : i32
        %parallel_loop3A_214 = arith.shrui %parallel_loop3A_212, %parallel_loop3A_213 : i32
        %parallel_loop3A_215 = arith.constant 7 : i32
        %parallel_loop3A_216 = arith.andi %parallel_loop3A_212, %parallel_loop3A_215 : i32
        %parallel_loop3A_217 = arith.constant 0 : i32
        %parallel_loop3A_218 = arith.constant 0 : i32
        %parallel_loop3A_219 = arith.constant 0 : i32
        %parallel_loop3A_220 = tpu.memref_slice %arg4[%parallel_loop3A_166, %parallel_loop3A_217, %parallel_loop3A_218, %parallel_loop3A_219] : memref<2x32x8x64xf32, #tpu.memory_space<vmem>> -> memref<1x32x8x64xf32, #tpu.memory_space<vmem>>
        %parallel_loop3A_221 = tpu.memref_squeeze %parallel_loop3A_220 : memref<1x32x8x64xf32, #tpu.memory_space<vmem>> -> memref<32x8x64xf32, #tpu.memory_space<vmem>>
        %parallel_loop3A_222 = arith.index_cast %parallel_loop3A_214 : i32 to index
        %parallel_loop3A_223 = arith.index_cast %parallel_loop3A_216 : i32 to index
        %parallel_loop3A_224 = arith.constant 16 : index
        %parallel_loop3A_225 = tpu.vector_load %parallel_loop3A_221[%parallel_loop3A_222, %parallel_loop3A_223, %parallel_loop3A_224] {strides = array<i32>} : memref<32x8x64xf32, #tpu.memory_space<vmem>>, vector<16xf32>,
        %parallel_loop3A_226 = arith.constant 0 : i32
        %parallel_loop3A_227 = arith.constant 0 : i32
        %parallel_loop3A_228 = tpu.memref_slice %arg5[%parallel_loop3A_167, %parallel_loop3A_226, %parallel_loop3A_227] : memref<2x128x128xf32, #tpu.memory_space<vmem>> -> memref<1x128x128xf32, #tpu.memory_space<vmem>>
        %parallel_loop3A_229 = tpu.memref_squeeze %parallel_loop3A_228 : memref<1x128x128xf32, #tpu.memory_space<vmem>> -> memref<128x128xf32, #tpu.memory_space<vmem>>
        %parallel_loop3A_230 = arith.index_cast %parallel_loop3A_184 : i32 to index
        %parallel_loop3A_231 = arith.constant 16 : index
        %parallel_loop3A_232 = tpu.vector_load %parallel_loop3A_229[%parallel_loop3A_230, %parallel_loop3A_231] {strides = array<i32>} : memref<128x128xf32, #tpu.memory_space<vmem>>, vector<16xf32>,
        tpu.vector_store %parallel_loop3A_229[%parallel_loop3A_230, %parallel_loop3A_231], %parallel_loop3A_225 {strides = array<i32>} : memref<128x128xf32, #tpu.memory_space<vmem>>, vector<16xf32>,
        %parallel_loop3A_233 = arith.constant 2 : i32
        %parallel_loop3A_234 = arith.muli %parallel_loop3A_233, %parallel_loop3A_184 : i32
        %parallel_loop3A_235 = arith.constant 0 : i32
        %parallel_loop3A_236 = arith.addi %parallel_loop3A_234, %parallel_loop3A_235 : i32
        %parallel_loop3A_237 = arith.constant 3 : i32
        %parallel_loop3A_238 = arith.shrui %parallel_loop3A_236, %parallel_loop3A_237 : i32
        %parallel_loop3A_239 = arith.constant 7 : i32
        %parallel_loop3A_240 = arith.andi %parallel_loop3A_236, %parallel_loop3A_239 : i32
        %parallel_loop3A_241 = arith.constant 0 : i32
        %parallel_loop3A_242 = arith.constant 0 : i32
        %parallel_loop3A_243 = arith.constant 0 : i32
        %parallel_loop3A_244 = tpu.memref_slice %arg4[%parallel_loop3A_166, %parallel_loop3A_241, %parallel_loop3A_242, %parallel_loop3A_243] : memref<2x32x8x64xf32, #tpu.memory_space<vmem>> -> memref<1x32x8x64xf32, #tpu.memory_space<vmem>>
        %parallel_loop3A_245 = tpu.memref_squeeze %parallel_loop3A_244 : memref<1x32x8x64xf32, #tpu.memory_space<vmem>> -> memref<32x8x64xf32, #tpu.memory_space<vmem>>
        %parallel_loop3A_246 = arith.index_cast %parallel_loop3A_238 : i32 to index
        %parallel_loop3A_247 = arith.index_cast %parallel_loop3A_240 : i32 to index
        %parallel_loop3A_248 = arith.constant 32 : index
        %parallel_loop3A_249 = tpu.vector_load %parallel_loop3A_245[%parallel_loop3A_246, %parallel_loop3A_247, %parallel_loop3A_248] {strides = array<i32>} : memref<32x8x64xf32, #tpu.memory_space<vmem>>, vector<16xf32>,
        %parallel_loop3A_250 = arith.constant 0 : i32
        %parallel_loop3A_251 = arith.constant 0 : i32
        %parallel_loop3A_252 = tpu.memref_slice %arg5[%parallel_loop3A_167, %parallel_loop3A_250, %parallel_loop3A_251] : memref<2x128x128xf32, #tpu.memory_space<vmem>> -> memref<1x128x128xf32, #tpu.memory_space<vmem>>
        %parallel_loop3A_253 = tpu.memref_squeeze %parallel_loop3A_252 : memref<1x128x128xf32, #tpu.memory_space<vmem>> -> memref<128x128xf32, #tpu.memory_space<vmem>>
        %parallel_loop3A_254 = arith.index_cast %parallel_loop3A_184 : i32 to index
        %parallel_loop3A_255 = arith.constant 32 : index
        %parallel_loop3A_256 = tpu.vector_load %parallel_loop3A_253[%parallel_loop3A_254, %parallel_loop3A_255] {strides = array<i32>} : memref<128x128xf32, #tpu.memory_space<vmem>>, vector<16xf32>,
        tpu.vector_store %parallel_loop3A_253[%parallel_loop3A_254, %parallel_loop3A_255], %parallel_loop3A_249 {strides = array<i32>} : memref<128x128xf32, #tpu.memory_space<vmem>>, vector<16xf32>,
        %parallel_loop3A_257 = arith.constant 2 : i32
        %parallel_loop3A_258 = arith.muli %parallel_loop3A_257, %parallel_loop3A_184 : i32
        %parallel_loop3A_259 = arith.constant 0 : i32
        %parallel_loop3A_260 = arith.addi %parallel_loop3A_258, %parallel_loop3A_259 : i32
        %parallel_loop3A_261 = arith.constant 3 : i32
        %parallel_loop3A_262 = arith.shrui %parallel_loop3A_260, %parallel_loop3A_261 : i32
        %parallel_loop3A_263 = arith.constant 7 : i32
        %parallel_loop3A_264 = arith.andi %parallel_loop3A_260, %parallel_loop3A_263 : i32
        %parallel_loop3A_265 = arith.constant 0 : i32
        %parallel_loop3A_266 = arith.constant 0 : i32
        %parallel_loop3A_267 = arith.constant 0 : i32
        %parallel_loop3A_268 = tpu.memref_slice %arg4[%parallel_loop3A_166, %parallel_loop3A_265, %parallel_loop3A_266, %parallel_loop3A_267] : memref<2x32x8x64xf32, #tpu.memory_space<vmem>> -> memref<1x32x8x64xf32, #tpu.memory_space<vmem>>
        %parallel_loop3A_269 = tpu.memref_squeeze %parallel_loop3A_268 : memref<1x32x8x64xf32, #tpu.memory_space<vmem>> -> memref<32x8x64xf32, #tpu.memory_space<vmem>>
        %parallel_loop3A_270 = arith.index_cast %parallel_loop3A_262 : i32 to index
        %parallel_loop3A_271 = arith.index_cast %parallel_loop3A_264 : i32 to index
        %parallel_loop3A_272 = arith.constant 48 : index
        %parallel_loop3A_273 = tpu.vector_load %parallel_loop3A_269[%parallel_loop3A_270, %parallel_loop3A_271, %parallel_loop3A_272] {strides = array<i32>} : memref<32x8x64xf32, #tpu.memory_space<vmem>>, vector<16xf32>,
        %parallel_loop3A_274 = arith.constant 0 : i32
        %parallel_loop3A_275 = arith.constant 0 : i32
        %parallel_loop3A_276 = tpu.memref_slice %arg5[%parallel_loop3A_167, %parallel_loop3A_274, %parallel_loop3A_275] : memref<2x128x128xf32, #tpu.memory_space<vmem>> -> memref<1x128x128xf32, #tpu.memory_space<vmem>>
        %parallel_loop3A_277 = tpu.memref_squeeze %parallel_loop3A_276 : memref<1x128x128xf32, #tpu.memory_space<vmem>> -> memref<128x128xf32, #tpu.memory_space<vmem>>
        %parallel_loop3A_278 = arith.index_cast %parallel_loop3A_184 : i32 to index
        %parallel_loop3A_279 = arith.constant 48 : index
        %parallel_loop3A_280 = tpu.vector_load %parallel_loop3A_277[%parallel_loop3A_278, %parallel_loop3A_279] {strides = array<i32>} : memref<128x128xf32, #tpu.memory_space<vmem>>, vector<16xf32>,
        tpu.vector_store %parallel_loop3A_277[%parallel_loop3A_278, %parallel_loop3A_279], %parallel_loop3A_273 {strides = array<i32>} : memref<128x128xf32, #tpu.memory_space<vmem>>, vector<16xf32>,
        %parallel_loop3A_281 = arith.constant 2 : i32
        %parallel_loop3A_282 = arith.muli %parallel_loop3A_281, %parallel_loop3A_184 : i32
        %parallel_loop3A_283 = arith.constant 1 : i32
        %parallel_loop3A_284 = arith.addi %parallel_loop3A_282, %parallel_loop3A_283 : i32
        %parallel_loop3A_285 = arith.constant 3 : i32
        %parallel_loop3A_286 = arith.shrui %parallel_loop3A_284, %parallel_loop3A_285 : i32
        %parallel_loop3A_287 = arith.constant 7 : i32
        %parallel_loop3A_288 = arith.andi %parallel_loop3A_284, %parallel_loop3A_287 : i32
        %parallel_loop3A_289 = arith.constant 0 : i32
        %parallel_loop3A_290 = arith.constant 0 : i32
        %parallel_loop3A_291 = arith.constant 0 : i32
        %parallel_loop3A_292 = tpu.memref_slice %arg4[%parallel_loop3A_166, %parallel_loop3A_289, %parallel_loop3A_290, %parallel_loop3A_291] : memref<2x32x8x64xf32, #tpu.memory_space<vmem>> -> memref<1x32x8x64xf32, #tpu.memory_space<vmem>>
        %parallel_loop3A_293 = tpu.memref_squeeze %parallel_loop3A_292 : memref<1x32x8x64xf32, #tpu.memory_space<vmem>> -> memref<32x8x64xf32, #tpu.memory_space<vmem>>
        %parallel_loop3A_294 = arith.index_cast %parallel_loop3A_286 : i32 to index
        %parallel_loop3A_295 = arith.index_cast %parallel_loop3A_288 : i32 to index
        %parallel_loop3A_296 = arith.constant 0 : index
        %parallel_loop3A_297 = tpu.vector_load %parallel_loop3A_293[%parallel_loop3A_294, %parallel_loop3A_295, %parallel_loop3A_296] {strides = array<i32>} : memref<32x8x64xf32, #tpu.memory_space<vmem>>, vector<16xf32>,
        %parallel_loop3A_298 = arith.constant 0 : i32
        %parallel_loop3A_299 = arith.constant 0 : i32
        %parallel_loop3A_300 = tpu.memref_slice %arg5[%parallel_loop3A_167, %parallel_loop3A_298, %parallel_loop3A_299] : memref<2x128x128xf32, #tpu.memory_space<vmem>> -> memref<1x128x128xf32, #tpu.memory_space<vmem>>
        %parallel_loop3A_301 = tpu.memref_squeeze %parallel_loop3A_300 : memref<1x128x128xf32, #tpu.memory_space<vmem>> -> memref<128x128xf32, #tpu.memory_space<vmem>>
        %parallel_loop3A_302 = arith.index_cast %parallel_loop3A_184 : i32 to index
        %parallel_loop3A_303 = arith.constant 64 : index
        %parallel_loop3A_304 = tpu.vector_load %parallel_loop3A_301[%parallel_loop3A_302, %parallel_loop3A_303] {strides = array<i32>} : memref<128x128xf32, #tpu.memory_space<vmem>>, vector<16xf32>,
        tpu.vector_store %parallel_loop3A_301[%parallel_loop3A_302, %parallel_loop3A_303], %parallel_loop3A_297 {strides = array<i32>} : memref<128x128xf32, #tpu.memory_space<vmem>>, vector<16xf32>,
        %parallel_loop3A_305 = arith.constant 2 : i32
        %parallel_loop3A_306 = arith.muli %parallel_loop3A_305, %parallel_loop3A_184 : i32
        %parallel_loop3A_307 = arith.constant 1 : i32
        %parallel_loop3A_308 = arith.addi %parallel_loop3A_306, %parallel_loop3A_307 : i32
        %parallel_loop3A_309 = arith.constant 3 : i32
        %parallel_loop3A_310 = arith.shrui %parallel_loop3A_308, %parallel_loop3A_309 : i32
        %parallel_loop3A_311 = arith.constant 7 : i32
        %parallel_loop3A_312 = arith.andi %parallel_loop3A_308, %parallel_loop3A_311 : i32
        %parallel_loop3A_313 = arith.constant 0 : i32
        %parallel_loop3A_314 = arith.constant 0 : i32
        %parallel_loop3A_315 = arith.constant 0 : i32
        %parallel_loop3A_316 = tpu.memref_slice %arg4[%parallel_loop3A_166, %parallel_loop3A_313, %parallel_loop3A_314, %parallel_loop3A_315] : memref<2x32x8x64xf32, #tpu.memory_space<vmem>> -> memref<1x32x8x64xf32, #tpu.memory_space<vmem>>
        %parallel_loop3A_317 = tpu.memref_squeeze %parallel_loop3A_316 : memref<1x32x8x64xf32, #tpu.memory_space<vmem>> -> memref<32x8x64xf32, #tpu.memory_space<vmem>>
        %parallel_loop3A_318 = arith.index_cast %parallel_loop3A_310 : i32 to index
        %parallel_loop3A_319 = arith.index_cast %parallel_loop3A_312 : i32 to index
        %parallel_loop3A_320 = arith.constant 16 : index
        %parallel_loop3A_321 = tpu.vector_load %parallel_loop3A_317[%parallel_loop3A_318, %parallel_loop3A_319, %parallel_loop3A_320] {strides = array<i32>} : memref<32x8x64xf32, #tpu.memory_space<vmem>>, vector<16xf32>,
        %parallel_loop3A_322 = arith.constant 0 : i32
        %parallel_loop3A_323 = arith.constant 0 : i32
        %parallel_loop3A_324 = tpu.memref_slice %arg5[%parallel_loop3A_167, %parallel_loop3A_322, %parallel_loop3A_323] : memref<2x128x128xf32, #tpu.memory_space<vmem>> -> memref<1x128x128xf32, #tpu.memory_space<vmem>>
        %parallel_loop3A_325 = tpu.memref_squeeze %parallel_loop3A_324 : memref<1x128x128xf32, #tpu.memory_space<vmem>> -> memref<128x128xf32, #tpu.memory_space<vmem>>
        %parallel_loop3A_326 = arith.index_cast %parallel_loop3A_184 : i32 to index
        %parallel_loop3A_327 = arith.constant 80 : index
        %parallel_loop3A_328 = tpu.vector_load %parallel_loop3A_325[%parallel_loop3A_326, %parallel_loop3A_327] {strides = array<i32>} : memref<128x128xf32, #tpu.memory_space<vmem>>, vector<16xf32>,
        tpu.vector_store %parallel_loop3A_325[%parallel_loop3A_326, %parallel_loop3A_327], %parallel_loop3A_321 {strides = array<i32>} : memref<128x128xf32, #tpu.memory_space<vmem>>, vector<16xf32>,
        %parallel_loop3A_329 = arith.constant 2 : i32
        %parallel_loop3A_330 = arith.muli %parallel_loop3A_329, %parallel_loop3A_184 : i32
        %parallel_loop3A_331 = arith.constant 1 : i32
        %parallel_loop3A_332 = arith.addi %parallel_loop3A_330, %parallel_loop3A_331 : i32
        %parallel_loop3A_333 = arith.constant 3 : i32
        %parallel_loop3A_334 = arith.shrui %parallel_loop3A_332, %parallel_loop3A_333 : i32
        %parallel_loop3A_335 = arith.constant 7 : i32
        %parallel_loop3A_336 = arith.andi %parallel_loop3A_332, %parallel_loop3A_335 : i32
        %parallel_loop3A_337 = arith.constant 0 : i32
        %parallel_loop3A_338 = arith.constant 0 : i32
        %parallel_loop3A_339 = arith.constant 0 : i32
        %parallel_loop3A_340 = tpu.memref_slice %arg4[%parallel_loop3A_166, %parallel_loop3A_337, %parallel_loop3A_338, %parallel_loop3A_339] : memref<2x32x8x64xf32, #tpu.memory_space<vmem>> -> memref<1x32x8x64xf32, #tpu.memory_space<vmem>>
        %parallel_loop3A_341 = tpu.memref_squeeze %parallel_loop3A_340 : memref<1x32x8x64xf32, #tpu.memory_space<vmem>> -> memref<32x8x64xf32, #tpu.memory_space<vmem>>
        %parallel_loop3A_342 = arith.index_cast %parallel_loop3A_334 : i32 to index
        %parallel_loop3A_343 = arith.index_cast %parallel_loop3A_336 : i32 to index
        %parallel_loop3A_344 = arith.constant 32 : index
        %parallel_loop3A_345 = tpu.vector_load %parallel_loop3A_341[%parallel_loop3A_342, %parallel_loop3A_343, %parallel_loop3A_344] {strides = array<i32>} : memref<32x8x64xf32, #tpu.memory_space<vmem>>, vector<16xf32>,
        %parallel_loop3A_346 = arith.constant 0 : i32
        %parallel_loop3A_347 = arith.constant 0 : i32
        %parallel_loop3A_348 = tpu.memref_slice %arg5[%parallel_loop3A_167, %parallel_loop3A_346, %parallel_loop3A_347] : memref<2x128x128xf32, #tpu.memory_space<vmem>> -> memref<1x128x128xf32, #tpu.memory_space<vmem>>
        %parallel_loop3A_349 = tpu.memref_squeeze %parallel_loop3A_348 : memref<1x128x128xf32, #tpu.memory_space<vmem>> -> memref<128x128xf32, #tpu.memory_space<vmem>>
        %parallel_loop3A_350 = arith.index_cast %parallel_loop3A_184 : i32 to index
        %parallel_loop3A_351 = arith.constant 96 : index
        %parallel_loop3A_352 = tpu.vector_load %parallel_loop3A_349[%parallel_loop3A_350, %parallel_loop3A_351] {strides = array<i32>} : memref<128x128xf32, #tpu.memory_space<vmem>>, vector<16xf32>,
        tpu.vector_store %parallel_loop3A_349[%parallel_loop3A_350, %parallel_loop3A_351], %parallel_loop3A_345 {strides = array<i32>} : memref<128x128xf32, #tpu.memory_space<vmem>>, vector<16xf32>,
        %parallel_loop3A_353 = arith.constant 2 : i32
        %parallel_loop3A_354 = arith.muli %parallel_loop3A_353, %parallel_loop3A_184 : i32
        %parallel_loop3A_355 = arith.constant 1 : i32
        %parallel_loop3A_356 = arith.addi %parallel_loop3A_354, %parallel_loop3A_355 : i32
        %parallel_loop3A_357 = arith.constant 3 : i32
        %parallel_loop3A_358 = arith.shrui %parallel_loop3A_356, %parallel_loop3A_357 : i32
        %parallel_loop3A_359 = arith.constant 7 : i32
        %parallel_loop3A_360 = arith.andi %parallel_loop3A_356, %parallel_loop3A_359 : i32
        %parallel_loop3A_361 = arith.constant 0 : i32
        %parallel_loop3A_362 = arith.constant 0 : i32
        %parallel_loop3A_363 = arith.constant 0 : i32
        %parallel_loop3A_364 = tpu.memref_slice %arg4[%parallel_loop3A_166, %parallel_loop3A_361, %parallel_loop3A_362, %parallel_loop3A_363] : memref<2x32x8x64xf32, #tpu.memory_space<vmem>> -> memref<1x32x8x64xf32, #tpu.memory_space<vmem>>
        %parallel_loop3A_365 = tpu.memref_squeeze %parallel_loop3A_364 : memref<1x32x8x64xf32, #tpu.memory_space<vmem>> -> memref<32x8x64xf32, #tpu.memory_space<vmem>>
        %parallel_loop3A_366 = arith.index_cast %parallel_loop3A_358 : i32 to index
        %parallel_loop3A_367 = arith.index_cast %parallel_loop3A_360 : i32 to index
        %parallel_loop3A_368 = arith.constant 48 : index
        %parallel_loop3A_369 = tpu.vector_load %parallel_loop3A_365[%parallel_loop3A_366, %parallel_loop3A_367, %parallel_loop3A_368] {strides = array<i32>} : memref<32x8x64xf32, #tpu.memory_space<vmem>>, vector<16xf32>,
        %parallel_loop3A_370 = arith.constant 0 : i32
        %parallel_loop3A_371 = arith.constant 0 : i32
        %parallel_loop3A_372 = tpu.memref_slice %arg5[%parallel_loop3A_167, %parallel_loop3A_370, %parallel_loop3A_371] : memref<2x128x128xf32, #tpu.memory_space<vmem>> -> memref<1x128x128xf32, #tpu.memory_space<vmem>>
        %parallel_loop3A_373 = tpu.memref_squeeze %parallel_loop3A_372 : memref<1x128x128xf32, #tpu.memory_space<vmem>> -> memref<128x128xf32, #tpu.memory_space<vmem>>
        %parallel_loop3A_374 = arith.index_cast %parallel_loop3A_184 : i32 to index
        %parallel_loop3A_375 = arith.constant 112 : index
        %parallel_loop3A_376 = tpu.vector_load %parallel_loop3A_373[%parallel_loop3A_374, %parallel_loop3A_375] {strides = array<i32>} : memref<128x128xf32, #tpu.memory_space<vmem>>, vector<16xf32>,
        tpu.vector_store %parallel_loop3A_373[%parallel_loop3A_374, %parallel_loop3A_375], %parallel_loop3A_369 {strides = array<i32>} : memref<128x128xf32, #tpu.memory_space<vmem>>, vector<16xf32>,
      } {sc.loop_unroll_factor = 4 : i64, sc.parallel_access}
      %mul3A_168 = arith.constant 128 : i32
      %mul3A_169 = arith.muli %add3A_130, %mul3A_168 : i32
      %multiple_of3A_170 = tpu.assume_multiple %mul3A_169, 8 : i32
      %dma_start3A_171 = arith.constant 1 : i32
      %dma_start3A_172 = arith.constant 0 : i32
      %dma_start3A_173 = arith.constant 0 : i32
      %dma_start3A_174 = tpu.memref_slice %arg5[%dma_start3A_171, %dma_start3A_172, %dma_start3A_173] : memref<2x128x128xf32, #tpu.memory_space<vmem>> -> memref<1x128x128xf32, #tpu.memory_space<vmem>>
      %dma_start3A_175 = tpu.memref_squeeze %dma_start3A_174 : memref<1x128x128xf32, #tpu.memory_space<vmem>> -> memref<128x128xf32, #tpu.memory_space<vmem>>
      %dma_start3A_176 = arith.constant 0 : i32
      %dma_start3A_177 = tpu.memref_slice %arg3[%multiple_of3A_170, %dma_start3A_176] : memref<500000x128xf32, #tpu.memory_space<hbm>> -> memref<128x128xf32, #tpu.memory_space<hbm>>
      %dma_start3A_178 = arith.constant 0 : i32
      %dma_start3A_179 = tpu.memref_slice %arg3[%multiple_of3A_170, %dma_start3A_178] : memref<500000x128xf32, #tpu.memory_space<hbm>> -> memref<128x128xf32, #tpu.memory_space<hbm>>
      %dma_start3A_180 = arith.constant 0 : i32
      %dma_start3A_181 = arith.constant 0 : i32
      %dma_start3A_182 = tpu.memref_slice %arg5[%dma_start3A_171, %dma_start3A_180, %dma_start3A_181] : memref<2x128x128xf32, #tpu.memory_space<vmem>> -> memref<1x128x128xf32, #tpu.memory_space<vmem>>
      %dma_start3A_183 = tpu.memref_squeeze %dma_start3A_182 : memref<1x128x128xf32, #tpu.memory_space<vmem>> -> memref<128x128xf32, #tpu.memory_space<vmem>>
      tpu.enqueue_dma source(%dma_start3A_183 : memref<128x128xf32, #tpu.memory_space<vmem>>) target(%dma_start3A_179 : memref<128x128xf32, #tpu.memory_space<hbm>>) target_semaphore(%arg9 : memref<!tpu.dma_semaphore, #tpu.memory_space<semaphore_mem>>)
    }
    %scan3A_23 = arith.constant 61 : i32
    %add3A_24 = arith.constant 3840 : i32
    %add3A_25 = arith.addi %add3A, %add3A_24 : i32
    %mul3A_26 = arith.constant 128 : i32
    %mul3A_27 = arith.muli %add3A_25, %mul3A_26 : i32
    %multiple_of3A_28 = tpu.assume_multiple %mul3A_27, 8 : i32
    %dma_wait3A = arith.constant 0 : i32
    %dma_wait3A_29 = arith.constant 0 : i32
    %dma_wait3A_30 = arith.constant 0 : i32
    %dma_wait3A_31 = tpu.memref_slice %arg5[%dma_wait3A, %dma_wait3A_29, %dma_wait3A_30] : memref<2x128x128xf32, #tpu.memory_space<vmem>> -> memref<1x128x128xf32, #tpu.memory_space<vmem>>
    %dma_wait3A_32 = tpu.memref_squeeze %dma_wait3A_31 : memref<1x128x128xf32, #tpu.memory_space<vmem>> -> memref<128x128xf32, #tpu.memory_space<vmem>>
    %dma_wait3A_33 = arith.constant 0 : i32
    %dma_wait3A_34 = tpu.memref_slice %arg3[%multiple_of3A_28, %dma_wait3A_33] : memref<500000x128xf32, #tpu.memory_space<hbm>> -> memref<128x128xf32, #tpu.memory_space<hbm>>
    %dma_wait3A_35 = arith.constant 0 : i32
    %dma_wait3A_36 = tpu.memref_slice %arg3[%multiple_of3A_28, %dma_wait3A_35] : memref<500000x128xf32, #tpu.memory_space<hbm>> -> memref<128x128xf32, #tpu.memory_space<hbm>>
    %dma_wait3A_37 = arith.constant 0 : i32
    %dma_wait3A_38 = arith.constant 0 : i32
    %dma_wait3A_39 = tpu.memref_slice %arg5[%dma_wait3A, %dma_wait3A_37, %dma_wait3A_38] : memref<2x128x128xf32, #tpu.memory_space<vmem>> -> memref<1x128x128xf32, #tpu.memory_space<vmem>>
    %dma_wait3A_40 = tpu.memref_squeeze %dma_wait3A_39 : memref<1x128x128xf32, #tpu.memory_space<vmem>> -> memref<128x128xf32, #tpu.memory_space<vmem>>
    tpu.wait_dma2 semaphore(%arg8 : memref<!tpu.dma_semaphore, #tpu.memory_space<semaphore_mem>>) src(%dma_wait3A_40 : memref<128x128xf32, #tpu.memory_space<vmem>>) dst(%dma_wait3A_36 : memref<128x128xf32, #tpu.memory_space<hbm>>)
    %add3A_41 = arith.constant 3872 : i32
    %add3A_42 = arith.addi %add3A, %add3A_41 : i32
    %mul3A_43 = arith.constant 128 : i32
    %mul3A_44 = arith.muli %add3A_42, %mul3A_43 : i32
    %multiple_of3A_45 = tpu.assume_multiple %mul3A_44, 8 : i32
    %dma_wait3A_46 = arith.constant 1 : i32
    %dma_wait3A_47 = arith.constant 0 : i32
    %dma_wait3A_48 = arith.constant 0 : i32
    %dma_wait3A_49 = tpu.memref_slice %arg5[%dma_wait3A_46, %dma_wait3A_47, %dma_wait3A_48] : memref<2x128x128xf32, #tpu.memory_space<vmem>> -> memref<1x128x128xf32, #tpu.memory_space<vmem>>
    %dma_wait3A_50 = tpu.memref_squeeze %dma_wait3A_49 : memref<1x128x128xf32, #tpu.memory_space<vmem>> -> memref<128x128xf32, #tpu.memory_space<vmem>>
    %dma_wait3A_51 = arith.constant 0 : i32
    %dma_wait3A_52 = tpu.memref_slice %arg3[%multiple_of3A_45, %dma_wait3A_51] : memref<500000x128xf32, #tpu.memory_space<hbm>> -> memref<128x128xf32, #tpu.memory_space<hbm>>
    %dma_wait3A_53 = arith.constant 0 : i32
    %dma_wait3A_54 = tpu.memref_slice %arg3[%multiple_of3A_45, %dma_wait3A_53] : memref<500000x128xf32, #tpu.memory_space<hbm>> -> memref<128x128xf32, #tpu.memory_space<hbm>>
    %dma_wait3A_55 = arith.constant 0 : i32
    %dma_wait3A_56 = arith.constant 0 : i32
    %dma_wait3A_57 = tpu.memref_slice %arg5[%dma_wait3A_46, %dma_wait3A_55, %dma_wait3A_56] : memref<2x128x128xf32, #tpu.memory_space<vmem>> -> memref<1x128x128xf32, #tpu.memory_space<vmem>>
    %dma_wait3A_58 = tpu.memref_squeeze %dma_wait3A_57 : memref<1x128x128xf32, #tpu.memory_space<vmem>> -> memref<128x128xf32, #tpu.memory_space<vmem>>
    tpu.wait_dma2 semaphore(%arg9 : memref<!tpu.dma_semaphore, #tpu.memory_space<semaphore_mem>>) src(%dma_wait3A_58 : memref<128x128xf32, #tpu.memory_space<vmem>>) dst(%dma_wait3A_54 : memref<128x128xf32, #tpu.memory_space<hbm>>)
    %lt3A = arith.constant 2 : i32
    %lt3A_59 = arith.cmpi slt, %add3A, %lt3A : i32
    %convert_element_type3A = arith.extui %lt3A_59 : i1 to i32
    %cond3A = arith.constant 0 : i32
    %cond3A_60 = arith.cmpi ne, %convert_element_type3A, %cond3A : i32
    scf.if %cond3A_60 {
      %add3A_65 = arith.constant 3904 : i32
      %add3A_66 = arith.addi %add3A_65, %add3A : i32
      %mul3A_67 = arith.constant 32 : i32
      %mul3A_68 = arith.muli %add3A_66, %mul3A_67 : i32
      %multiple_of3A_69 = tpu.assume_multiple %mul3A_68, 1 : i32
      %dma_start3A_70 = arith.constant 0 : i32
      %dma_start3A_71 = arith.constant 0 : i32
      %dma_start3A_72 = arith.constant 0 : i32
      %dma_start3A_73 = arith.constant 0 : i32
      %dma_start3A_74 = tpu.memref_slice %arg4[%dma_start3A_70, %dma_start3A_71, %dma_start3A_72, %dma_start3A_73] : memref<2x32x8x64xf32, #tpu.memory_space<vmem>> -> memref<1x32x8x64xf32, #tpu.memory_space<vmem>>
      %dma_start3A_75 = tpu.memref_squeeze %dma_start3A_74 : memref<1x32x8x64xf32, #tpu.memory_space<vmem>> -> memref<32x8x64xf32, #tpu.memory_space<vmem>>
      %dma_start3A_76 = arith.constant 0 : i32
      %dma_start3A_77 = arith.constant 0 : i32
      %dma_start3A_78 = tpu.memref_slice %arg2[%multiple_of3A_69, %dma_start3A_76, %dma_start3A_77] : memref<125000x8x64xf32, #tpu.memory_space<hbm>> -> memref<32x8x64xf32, #tpu.memory_space<hbm>>
      %dma_start3A_79 = arith.constant 0 : i32
      %dma_start3A_80 = arith.constant 0 : i32
      %dma_start3A_81 = arith.constant 0 : i32
      %dma_start3A_82 = tpu.memref_slice %arg4[%dma_start3A_70, %dma_start3A_79, %dma_start3A_80, %dma_start3A_81] : memref<2x32x8x64xf32, #tpu.memory_space<vmem>> -> memref<1x32x8x64xf32, #tpu.memory_space<vmem>>
      %dma_start3A_83 = tpu.memref_squeeze %dma_start3A_82 : memref<1x32x8x64xf32, #tpu.memory_space<vmem>> -> memref<32x8x64xf32, #tpu.memory_space<vmem>>
      %dma_start3A_84 = arith.constant 0 : i32
      %dma_start3A_85 = arith.constant 0 : i32
      %dma_start3A_86 = tpu.memref_slice %arg2[%multiple_of3A_69, %dma_start3A_84, %dma_start3A_85] : memref<125000x8x64xf32, #tpu.memory_space<hbm>> -> memref<32x8x64xf32, #tpu.memory_space<hbm>>
      tpu.enqueue_dma source(%dma_start3A_86 : memref<32x8x64xf32, #tpu.memory_space<hbm>>) target(%dma_start3A_83 : memref<32x8x64xf32, #tpu.memory_space<vmem>>) target_semaphore(%arg6 : memref<!tpu.dma_semaphore, #tpu.memory_space<semaphore_mem>>)
      %mul3A_87 = arith.constant 32 : i32
      %mul3A_88 = arith.muli %add3A_66, %mul3A_87 : i32
      %multiple_of3A_89 = tpu.assume_multiple %mul3A_88, 1 : i32
      %dma_wait3A_90 = arith.constant 0 : i32
      %dma_wait3A_91 = arith.constant 0 : i32
      %dma_wait3A_92 = arith.constant 0 : i32
      %dma_wait3A_93 = arith.constant 0 : i32
      %dma_wait3A_94 = tpu.memref_slice %arg4[%dma_wait3A_90, %dma_wait3A_91, %dma_wait3A_92, %dma_wait3A_93] : memref<2x32x8x64xf32, #tpu.memory_space<vmem>> -> memref<1x32x8x64xf32, #tpu.memory_space<vmem>>
      %dma_wait3A_95 = tpu.memref_squeeze %dma_wait3A_94 : memref<1x32x8x64xf32, #tpu.memory_space<vmem>> -> memref<32x8x64xf32, #tpu.memory_space<vmem>>
      %dma_wait3A_96 = arith.constant 0 : i32
      %dma_wait3A_97 = arith.constant 0 : i32
      %dma_wait3A_98 = tpu.memref_slice %arg2[%multiple_of3A_89, %dma_wait3A_96, %dma_wait3A_97] : memref<125000x8x64xf32, #tpu.memory_space<hbm>> -> memref<32x8x64xf32, #tpu.memory_space<hbm>>
      %dma_wait3A_99 = arith.constant 0 : i32
      %dma_wait3A_100 = arith.constant 0 : i32
      %dma_wait3A_101 = arith.constant 0 : i32
      %dma_wait3A_102 = tpu.memref_slice %arg4[%dma_wait3A_90, %dma_wait3A_99, %dma_wait3A_100, %dma_wait3A_101] : memref<2x32x8x64xf32, #tpu.memory_space<vmem>> -> memref<1x32x8x64xf32, #tpu.memory_space<vmem>>
      %dma_wait3A_103 = tpu.memref_squeeze %dma_wait3A_102 : memref<1x32x8x64xf32, #tpu.memory_space<vmem>> -> memref<32x8x64xf32, #tpu.memory_space<vmem>>
      %dma_wait3A_104 = arith.constant 0 : i32
      %dma_wait3A_105 = arith.constant 0 : i32
      %dma_wait3A_106 = tpu.memref_slice %arg2[%multiple_of3A_89, %dma_wait3A_104, %dma_wait3A_105] : memref<125000x8x64xf32, #tpu.memory_space<hbm>> -> memref<32x8x64xf32, #tpu.memory_space<hbm>>
      tpu.wait_dma2 semaphore(%arg6 : memref<!tpu.dma_semaphore, #tpu.memory_space<semaphore_mem>>) src(%dma_wait3A_106 : memref<32x8x64xf32, #tpu.memory_space<hbm>>) dst(%dma_wait3A_103 : memref<32x8x64xf32, #tpu.memory_space<vmem>>)
      %parallel_loop3A = arith.constant 0 : i32
      %parallel_loop3A_107 = arith.constant 128 : i32
      %parallel_loop3A_108 = arith.constant 1 : i32
      %parallel_loop3A_109 = arith.constant 0 : i32
      %parallel_loop3A_110 = arith.constant 0 : i32
      scf.for %parallel_loop3A_143 = %parallel_loop3A to %parallel_loop3A_107 step %parallel_loop3A_108  : i32 {
        %parallel_loop3A_144 = arith.constant 2 : i32
        %parallel_loop3A_145 = arith.muli %parallel_loop3A_144, %parallel_loop3A_143 : i32
        %parallel_loop3A_146 = arith.constant 0 : i32
        %parallel_loop3A_147 = arith.addi %parallel_loop3A_145, %parallel_loop3A_146 : i32
        %parallel_loop3A_148 = arith.constant 3 : i32
        %parallel_loop3A_149 = arith.shrui %parallel_loop3A_147, %parallel_loop3A_148 : i32
        %parallel_loop3A_150 = arith.constant 7 : i32
        %parallel_loop3A_151 = arith.andi %parallel_loop3A_147, %parallel_loop3A_150 : i32
        %parallel_loop3A_152 = arith.constant 0 : i32
        %parallel_loop3A_153 = arith.constant 0 : i32
        %parallel_loop3A_154 = arith.constant 0 : i32
        %parallel_loop3A_155 = tpu.memref_slice %arg4[%parallel_loop3A_109, %parallel_loop3A_152, %parallel_loop3A_153, %parallel_loop3A_154] : memref<2x32x8x64xf32, #tpu.memory_space<vmem>> -> memref<1x32x8x64xf32, #tpu.memory_space<vmem>>
        %parallel_loop3A_156 = tpu.memref_squeeze %parallel_loop3A_155 : memref<1x32x8x64xf32, #tpu.memory_space<vmem>> -> memref<32x8x64xf32, #tpu.memory_space<vmem>>
        %parallel_loop3A_157 = arith.index_cast %parallel_loop3A_149 : i32 to index
        %parallel_loop3A_158 = arith.index_cast %parallel_loop3A_151 : i32 to index
        %parallel_loop3A_159 = arith.constant 0 : index
        %parallel_loop3A_160 = tpu.vector_load %parallel_loop3A_156[%parallel_loop3A_157, %parallel_loop3A_158, %parallel_loop3A_159] {strides = array<i32>} : memref<32x8x64xf32, #tpu.memory_space<vmem>>, vector<16xf32>,
        %parallel_loop3A_161 = arith.constant 0 : i32
        %parallel_loop3A_162 = arith.constant 0 : i32
        %parallel_loop3A_163 = tpu.memref_slice %arg5[%parallel_loop3A_110, %parallel_loop3A_161, %parallel_loop3A_162] : memref<2x128x128xf32, #tpu.memory_space<vmem>> -> memref<1x128x128xf32, #tpu.memory_space<vmem>>
        %parallel_loop3A_164 = tpu.memref_squeeze %parallel_loop3A_163 : memref<1x128x128xf32, #tpu.memory_space<vmem>> -> memref<128x128xf32, #tpu.memory_space<vmem>>
        %parallel_loop3A_165 = arith.index_cast %parallel_loop3A_143 : i32 to index
        %parallel_loop3A_166 = arith.constant 0 : index
        %parallel_loop3A_167 = tpu.vector_load %parallel_loop3A_164[%parallel_loop3A_165, %parallel_loop3A_166] {strides = array<i32>} : memref<128x128xf32, #tpu.memory_space<vmem>>, vector<16xf32>,
        tpu.vector_store %parallel_loop3A_164[%parallel_loop3A_165, %parallel_loop3A_166], %parallel_loop3A_160 {strides = array<i32>} : memref<128x128xf32, #tpu.memory_space<vmem>>, vector<16xf32>,
        %parallel_loop3A_168 = arith.constant 2 : i32
        %parallel_loop3A_169 = arith.muli %parallel_loop3A_168, %parallel_loop3A_143 : i32
        %parallel_loop3A_170 = arith.constant 0 : i32
        %parallel_loop3A_171 = arith.addi %parallel_loop3A_169, %parallel_loop3A_170 : i32
        %parallel_loop3A_172 = arith.constant 3 : i32
        %parallel_loop3A_173 = arith.shrui %parallel_loop3A_171, %parallel_loop3A_172 : i32
        %parallel_loop3A_174 = arith.constant 7 : i32
        %parallel_loop3A_175 = arith.andi %parallel_loop3A_171, %parallel_loop3A_174 : i32
        %parallel_loop3A_176 = arith.constant 0 : i32
        %parallel_loop3A_177 = arith.constant 0 : i32
        %parallel_loop3A_178 = arith.constant 0 : i32
        %parallel_loop3A_179 = tpu.memref_slice %arg4[%parallel_loop3A_109, %parallel_loop3A_176, %parallel_loop3A_177, %parallel_loop3A_178] : memref<2x32x8x64xf32, #tpu.memory_space<vmem>> -> memref<1x32x8x64xf32, #tpu.memory_space<vmem>>
        %parallel_loop3A_180 = tpu.memref_squeeze %parallel_loop3A_179 : memref<1x32x8x64xf32, #tpu.memory_space<vmem>> -> memref<32x8x64xf32, #tpu.memory_space<vmem>>
        %parallel_loop3A_181 = arith.index_cast %parallel_loop3A_173 : i32 to index
        %parallel_loop3A_182 = arith.index_cast %parallel_loop3A_175 : i32 to index
        %parallel_loop3A_183 = arith.constant 16 : index
        %parallel_loop3A_184 = tpu.vector_load %parallel_loop3A_180[%parallel_loop3A_181, %parallel_loop3A_182, %parallel_loop3A_183] {strides = array<i32>} : memref<32x8x64xf32, #tpu.memory_space<vmem>>, vector<16xf32>,
        %parallel_loop3A_185 = arith.constant 0 : i32
        %parallel_loop3A_186 = arith.constant 0 : i32
        %parallel_loop3A_187 = tpu.memref_slice %arg5[%parallel_loop3A_110, %parallel_loop3A_185, %parallel_loop3A_186] : memref<2x128x128xf32, #tpu.memory_space<vmem>> -> memref<1x128x128xf32, #tpu.memory_space<vmem>>
        %parallel_loop3A_188 = tpu.memref_squeeze %parallel_loop3A_187 : memref<1x128x128xf32, #tpu.memory_space<vmem>> -> memref<128x128xf32, #tpu.memory_space<vmem>>
        %parallel_loop3A_189 = arith.index_cast %parallel_loop3A_143 : i32 to index
        %parallel_loop3A_190 = arith.constant 16 : index
        %parallel_loop3A_191 = tpu.vector_load %parallel_loop3A_188[%parallel_loop3A_189, %parallel_loop3A_190] {strides = array<i32>} : memref<128x128xf32, #tpu.memory_space<vmem>>, vector<16xf32>,
        tpu.vector_store %parallel_loop3A_188[%parallel_loop3A_189, %parallel_loop3A_190], %parallel_loop3A_184 {strides = array<i32>} : memref<128x128xf32, #tpu.memory_space<vmem>>, vector<16xf32>,
        %parallel_loop3A_192 = arith.constant 2 : i32
        %parallel_loop3A_193 = arith.muli %parallel_loop3A_192, %parallel_loop3A_143 : i32
        %parallel_loop3A_194 = arith.constant 0 : i32
        %parallel_loop3A_195 = arith.addi %parallel_loop3A_193, %parallel_loop3A_194 : i32
        %parallel_loop3A_196 = arith.constant 3 : i32
        %parallel_loop3A_197 = arith.shrui %parallel_loop3A_195, %parallel_loop3A_196 : i32
        %parallel_loop3A_198 = arith.constant 7 : i32
        %parallel_loop3A_199 = arith.andi %parallel_loop3A_195, %parallel_loop3A_198 : i32
        %parallel_loop3A_200 = arith.constant 0 : i32
        %parallel_loop3A_201 = arith.constant 0 : i32
        %parallel_loop3A_202 = arith.constant 0 : i32
        %parallel_loop3A_203 = tpu.memref_slice %arg4[%parallel_loop3A_109, %parallel_loop3A_200, %parallel_loop3A_201, %parallel_loop3A_202] : memref<2x32x8x64xf32, #tpu.memory_space<vmem>> -> memref<1x32x8x64xf32, #tpu.memory_space<vmem>>
        %parallel_loop3A_204 = tpu.memref_squeeze %parallel_loop3A_203 : memref<1x32x8x64xf32, #tpu.memory_space<vmem>> -> memref<32x8x64xf32, #tpu.memory_space<vmem>>
        %parallel_loop3A_205 = arith.index_cast %parallel_loop3A_197 : i32 to index
        %parallel_loop3A_206 = arith.index_cast %parallel_loop3A_199 : i32 to index
        %parallel_loop3A_207 = arith.constant 32 : index
        %parallel_loop3A_208 = tpu.vector_load %parallel_loop3A_204[%parallel_loop3A_205, %parallel_loop3A_206, %parallel_loop3A_207] {strides = array<i32>} : memref<32x8x64xf32, #tpu.memory_space<vmem>>, vector<16xf32>,
        %parallel_loop3A_209 = arith.constant 0 : i32
        %parallel_loop3A_210 = arith.constant 0 : i32
        %parallel_loop3A_211 = tpu.memref_slice %arg5[%parallel_loop3A_110, %parallel_loop3A_209, %parallel_loop3A_210] : memref<2x128x128xf32, #tpu.memory_space<vmem>> -> memref<1x128x128xf32, #tpu.memory_space<vmem>>
        %parallel_loop3A_212 = tpu.memref_squeeze %parallel_loop3A_211 : memref<1x128x128xf32, #tpu.memory_space<vmem>> -> memref<128x128xf32, #tpu.memory_space<vmem>>
        %parallel_loop3A_213 = arith.index_cast %parallel_loop3A_143 : i32 to index
        %parallel_loop3A_214 = arith.constant 32 : index
        %parallel_loop3A_215 = tpu.vector_load %parallel_loop3A_212[%parallel_loop3A_213, %parallel_loop3A_214] {strides = array<i32>} : memref<128x128xf32, #tpu.memory_space<vmem>>, vector<16xf32>,
        tpu.vector_store %parallel_loop3A_212[%parallel_loop3A_213, %parallel_loop3A_214], %parallel_loop3A_208 {strides = array<i32>} : memref<128x128xf32, #tpu.memory_space<vmem>>, vector<16xf32>,
        %parallel_loop3A_216 = arith.constant 2 : i32
        %parallel_loop3A_217 = arith.muli %parallel_loop3A_216, %parallel_loop3A_143 : i32
        %parallel_loop3A_218 = arith.constant 0 : i32
        %parallel_loop3A_219 = arith.addi %parallel_loop3A_217, %parallel_loop3A_218 : i32
        %parallel_loop3A_220 = arith.constant 3 : i32
        %parallel_loop3A_221 = arith.shrui %parallel_loop3A_219, %parallel_loop3A_220 : i32
        %parallel_loop3A_222 = arith.constant 7 : i32
        %parallel_loop3A_223 = arith.andi %parallel_loop3A_219, %parallel_loop3A_222 : i32
        %parallel_loop3A_224 = arith.constant 0 : i32
        %parallel_loop3A_225 = arith.constant 0 : i32
        %parallel_loop3A_226 = arith.constant 0 : i32
        %parallel_loop3A_227 = tpu.memref_slice %arg4[%parallel_loop3A_109, %parallel_loop3A_224, %parallel_loop3A_225, %parallel_loop3A_226] : memref<2x32x8x64xf32, #tpu.memory_space<vmem>> -> memref<1x32x8x64xf32, #tpu.memory_space<vmem>>
        %parallel_loop3A_228 = tpu.memref_squeeze %parallel_loop3A_227 : memref<1x32x8x64xf32, #tpu.memory_space<vmem>> -> memref<32x8x64xf32, #tpu.memory_space<vmem>>
        %parallel_loop3A_229 = arith.index_cast %parallel_loop3A_221 : i32 to index
        %parallel_loop3A_230 = arith.index_cast %parallel_loop3A_223 : i32 to index
        %parallel_loop3A_231 = arith.constant 48 : index
        %parallel_loop3A_232 = tpu.vector_load %parallel_loop3A_228[%parallel_loop3A_229, %parallel_loop3A_230, %parallel_loop3A_231] {strides = array<i32>} : memref<32x8x64xf32, #tpu.memory_space<vmem>>, vector<16xf32>,
        %parallel_loop3A_233 = arith.constant 0 : i32
        %parallel_loop3A_234 = arith.constant 0 : i32
        %parallel_loop3A_235 = tpu.memref_slice %arg5[%parallel_loop3A_110, %parallel_loop3A_233, %parallel_loop3A_234] : memref<2x128x128xf32, #tpu.memory_space<vmem>> -> memref<1x128x128xf32, #tpu.memory_space<vmem>>
        %parallel_loop3A_236 = tpu.memref_squeeze %parallel_loop3A_235 : memref<1x128x128xf32, #tpu.memory_space<vmem>> -> memref<128x128xf32, #tpu.memory_space<vmem>>
        %parallel_loop3A_237 = arith.index_cast %parallel_loop3A_143 : i32 to index
        %parallel_loop3A_238 = arith.constant 48 : index
        %parallel_loop3A_239 = tpu.vector_load %parallel_loop3A_236[%parallel_loop3A_237, %parallel_loop3A_238] {strides = array<i32>} : memref<128x128xf32, #tpu.memory_space<vmem>>, vector<16xf32>,
        tpu.vector_store %parallel_loop3A_236[%parallel_loop3A_237, %parallel_loop3A_238], %parallel_loop3A_232 {strides = array<i32>} : memref<128x128xf32, #tpu.memory_space<vmem>>, vector<16xf32>,
        %parallel_loop3A_240 = arith.constant 2 : i32
        %parallel_loop3A_241 = arith.muli %parallel_loop3A_240, %parallel_loop3A_143 : i32
        %parallel_loop3A_242 = arith.constant 1 : i32
        %parallel_loop3A_243 = arith.addi %parallel_loop3A_241, %parallel_loop3A_242 : i32
        %parallel_loop3A_244 = arith.constant 3 : i32
        %parallel_loop3A_245 = arith.shrui %parallel_loop3A_243, %parallel_loop3A_244 : i32
        %parallel_loop3A_246 = arith.constant 7 : i32
        %parallel_loop3A_247 = arith.andi %parallel_loop3A_243, %parallel_loop3A_246 : i32
        %parallel_loop3A_248 = arith.constant 0 : i32
        %parallel_loop3A_249 = arith.constant 0 : i32
        %parallel_loop3A_250 = arith.constant 0 : i32
        %parallel_loop3A_251 = tpu.memref_slice %arg4[%parallel_loop3A_109, %parallel_loop3A_248, %parallel_loop3A_249, %parallel_loop3A_250] : memref<2x32x8x64xf32, #tpu.memory_space<vmem>> -> memref<1x32x8x64xf32, #tpu.memory_space<vmem>>
        %parallel_loop3A_252 = tpu.memref_squeeze %parallel_loop3A_251 : memref<1x32x8x64xf32, #tpu.memory_space<vmem>> -> memref<32x8x64xf32, #tpu.memory_space<vmem>>
        %parallel_loop3A_253 = arith.index_cast %parallel_loop3A_245 : i32 to index
        %parallel_loop3A_254 = arith.index_cast %parallel_loop3A_247 : i32 to index
        %parallel_loop3A_255 = arith.constant 0 : index
        %parallel_loop3A_256 = tpu.vector_load %parallel_loop3A_252[%parallel_loop3A_253, %parallel_loop3A_254, %parallel_loop3A_255] {strides = array<i32>} : memref<32x8x64xf32, #tpu.memory_space<vmem>>, vector<16xf32>,
        %parallel_loop3A_257 = arith.constant 0 : i32
        %parallel_loop3A_258 = arith.constant 0 : i32
        %parallel_loop3A_259 = tpu.memref_slice %arg5[%parallel_loop3A_110, %parallel_loop3A_257, %parallel_loop3A_258] : memref<2x128x128xf32, #tpu.memory_space<vmem>> -> memref<1x128x128xf32, #tpu.memory_space<vmem>>
        %parallel_loop3A_260 = tpu.memref_squeeze %parallel_loop3A_259 : memref<1x128x128xf32, #tpu.memory_space<vmem>> -> memref<128x128xf32, #tpu.memory_space<vmem>>
        %parallel_loop3A_261 = arith.index_cast %parallel_loop3A_143 : i32 to index
        %parallel_loop3A_262 = arith.constant 64 : index
        %parallel_loop3A_263 = tpu.vector_load %parallel_loop3A_260[%parallel_loop3A_261, %parallel_loop3A_262] {strides = array<i32>} : memref<128x128xf32, #tpu.memory_space<vmem>>, vector<16xf32>,
        tpu.vector_store %parallel_loop3A_260[%parallel_loop3A_261, %parallel_loop3A_262], %parallel_loop3A_256 {strides = array<i32>} : memref<128x128xf32, #tpu.memory_space<vmem>>, vector<16xf32>,
        %parallel_loop3A_264 = arith.constant 2 : i32
        %parallel_loop3A_265 = arith.muli %parallel_loop3A_264, %parallel_loop3A_143 : i32
        %parallel_loop3A_266 = arith.constant 1 : i32
        %parallel_loop3A_267 = arith.addi %parallel_loop3A_265, %parallel_loop3A_266 : i32
        %parallel_loop3A_268 = arith.constant 3 : i32
        %parallel_loop3A_269 = arith.shrui %parallel_loop3A_267, %parallel_loop3A_268 : i32
        %parallel_loop3A_270 = arith.constant 7 : i32
        %parallel_loop3A_271 = arith.andi %parallel_loop3A_267, %parallel_loop3A_270 : i32
        %parallel_loop3A_272 = arith.constant 0 : i32
        %parallel_loop3A_273 = arith.constant 0 : i32
        %parallel_loop3A_274 = arith.constant 0 : i32
        %parallel_loop3A_275 = tpu.memref_slice %arg4[%parallel_loop3A_109, %parallel_loop3A_272, %parallel_loop3A_273, %parallel_loop3A_274] : memref<2x32x8x64xf32, #tpu.memory_space<vmem>> -> memref<1x32x8x64xf32, #tpu.memory_space<vmem>>
        %parallel_loop3A_276 = tpu.memref_squeeze %parallel_loop3A_275 : memref<1x32x8x64xf32, #tpu.memory_space<vmem>> -> memref<32x8x64xf32, #tpu.memory_space<vmem>>
        %parallel_loop3A_277 = arith.index_cast %parallel_loop3A_269 : i32 to index
        %parallel_loop3A_278 = arith.index_cast %parallel_loop3A_271 : i32 to index
        %parallel_loop3A_279 = arith.constant 16 : index
        %parallel_loop3A_280 = tpu.vector_load %parallel_loop3A_276[%parallel_loop3A_277, %parallel_loop3A_278, %parallel_loop3A_279] {strides = array<i32>} : memref<32x8x64xf32, #tpu.memory_space<vmem>>, vector<16xf32>,
        %parallel_loop3A_281 = arith.constant 0 : i32
        %parallel_loop3A_282 = arith.constant 0 : i32
        %parallel_loop3A_283 = tpu.memref_slice %arg5[%parallel_loop3A_110, %parallel_loop3A_281, %parallel_loop3A_282] : memref<2x128x128xf32, #tpu.memory_space<vmem>> -> memref<1x128x128xf32, #tpu.memory_space<vmem>>
        %parallel_loop3A_284 = tpu.memref_squeeze %parallel_loop3A_283 : memref<1x128x128xf32, #tpu.memory_space<vmem>> -> memref<128x128xf32, #tpu.memory_space<vmem>>
        %parallel_loop3A_285 = arith.index_cast %parallel_loop3A_143 : i32 to index
        %parallel_loop3A_286 = arith.constant 80 : index
        %parallel_loop3A_287 = tpu.vector_load %parallel_loop3A_284[%parallel_loop3A_285, %parallel_loop3A_286] {strides = array<i32>} : memref<128x128xf32, #tpu.memory_space<vmem>>, vector<16xf32>,
        tpu.vector_store %parallel_loop3A_284[%parallel_loop3A_285, %parallel_loop3A_286], %parallel_loop3A_280 {strides = array<i32>} : memref<128x128xf32, #tpu.memory_space<vmem>>, vector<16xf32>,
        %parallel_loop3A_288 = arith.constant 2 : i32
        %parallel_loop3A_289 = arith.muli %parallel_loop3A_288, %parallel_loop3A_143 : i32
        %parallel_loop3A_290 = arith.constant 1 : i32
        %parallel_loop3A_291 = arith.addi %parallel_loop3A_289, %parallel_loop3A_290 : i32
        %parallel_loop3A_292 = arith.constant 3 : i32
        %parallel_loop3A_293 = arith.shrui %parallel_loop3A_291, %parallel_loop3A_292 : i32
        %parallel_loop3A_294 = arith.constant 7 : i32
        %parallel_loop3A_295 = arith.andi %parallel_loop3A_291, %parallel_loop3A_294 : i32
        %parallel_loop3A_296 = arith.constant 0 : i32
        %parallel_loop3A_297 = arith.constant 0 : i32
        %parallel_loop3A_298 = arith.constant 0 : i32
        %parallel_loop3A_299 = tpu.memref_slice %arg4[%parallel_loop3A_109, %parallel_loop3A_296, %parallel_loop3A_297, %parallel_loop3A_298] : memref<2x32x8x64xf32, #tpu.memory_space<vmem>> -> memref<1x32x8x64xf32, #tpu.memory_space<vmem>>
        %parallel_loop3A_300 = tpu.memref_squeeze %parallel_loop3A_299 : memref<1x32x8x64xf32, #tpu.memory_space<vmem>> -> memref<32x8x64xf32, #tpu.memory_space<vmem>>
        %parallel_loop3A_301 = arith.index_cast %parallel_loop3A_293 : i32 to index
        %parallel_loop3A_302 = arith.index_cast %parallel_loop3A_295 : i32 to index
        %parallel_loop3A_303 = arith.constant 32 : index
        %parallel_loop3A_304 = tpu.vector_load %parallel_loop3A_300[%parallel_loop3A_301, %parallel_loop3A_302, %parallel_loop3A_303] {strides = array<i32>} : memref<32x8x64xf32, #tpu.memory_space<vmem>>, vector<16xf32>,
        %parallel_loop3A_305 = arith.constant 0 : i32
        %parallel_loop3A_306 = arith.constant 0 : i32
        %parallel_loop3A_307 = tpu.memref_slice %arg5[%parallel_loop3A_110, %parallel_loop3A_305, %parallel_loop3A_306] : memref<2x128x128xf32, #tpu.memory_space<vmem>> -> memref<1x128x128xf32, #tpu.memory_space<vmem>>
        %parallel_loop3A_308 = tpu.memref_squeeze %parallel_loop3A_307 : memref<1x128x128xf32, #tpu.memory_space<vmem>> -> memref<128x128xf32, #tpu.memory_space<vmem>>
        %parallel_loop3A_309 = arith.index_cast %parallel_loop3A_143 : i32 to index
        %parallel_loop3A_310 = arith.constant 96 : index
        %parallel_loop3A_311 = tpu.vector_load %parallel_loop3A_308[%parallel_loop3A_309, %parallel_loop3A_310] {strides = array<i32>} : memref<128x128xf32, #tpu.memory_space<vmem>>, vector<16xf32>,
        tpu.vector_store %parallel_loop3A_308[%parallel_loop3A_309, %parallel_loop3A_310], %parallel_loop3A_304 {strides = array<i32>} : memref<128x128xf32, #tpu.memory_space<vmem>>, vector<16xf32>,
        %parallel_loop3A_312 = arith.constant 2 : i32
        %parallel_loop3A_313 = arith.muli %parallel_loop3A_312, %parallel_loop3A_143 : i32
        %parallel_loop3A_314 = arith.constant 1 : i32
        %parallel_loop3A_315 = arith.addi %parallel_loop3A_313, %parallel_loop3A_314 : i32
        %parallel_loop3A_316 = arith.constant 3 : i32
        %parallel_loop3A_317 = arith.shrui %parallel_loop3A_315, %parallel_loop3A_316 : i32
        %parallel_loop3A_318 = arith.constant 7 : i32
        %parallel_loop3A_319 = arith.andi %parallel_loop3A_315, %parallel_loop3A_318 : i32
        %parallel_loop3A_320 = arith.constant 0 : i32
        %parallel_loop3A_321 = arith.constant 0 : i32
        %parallel_loop3A_322 = arith.constant 0 : i32
        %parallel_loop3A_323 = tpu.memref_slice %arg4[%parallel_loop3A_109, %parallel_loop3A_320, %parallel_loop3A_321, %parallel_loop3A_322] : memref<2x32x8x64xf32, #tpu.memory_space<vmem>> -> memref<1x32x8x64xf32, #tpu.memory_space<vmem>>
        %parallel_loop3A_324 = tpu.memref_squeeze %parallel_loop3A_323 : memref<1x32x8x64xf32, #tpu.memory_space<vmem>> -> memref<32x8x64xf32, #tpu.memory_space<vmem>>
        %parallel_loop3A_325 = arith.index_cast %parallel_loop3A_317 : i32 to index
        %parallel_loop3A_326 = arith.index_cast %parallel_loop3A_319 : i32 to index
        %parallel_loop3A_327 = arith.constant 48 : index
        %parallel_loop3A_328 = tpu.vector_load %parallel_loop3A_324[%parallel_loop3A_325, %parallel_loop3A_326, %parallel_loop3A_327] {strides = array<i32>} : memref<32x8x64xf32, #tpu.memory_space<vmem>>, vector<16xf32>,
        %parallel_loop3A_329 = arith.constant 0 : i32
        %parallel_loop3A_330 = arith.constant 0 : i32
        %parallel_loop3A_331 = tpu.memref_slice %arg5[%parallel_loop3A_110, %parallel_loop3A_329, %parallel_loop3A_330] : memref<2x128x128xf32, #tpu.memory_space<vmem>> -> memref<1x128x128xf32, #tpu.memory_space<vmem>>
        %parallel_loop3A_332 = tpu.memref_squeeze %parallel_loop3A_331 : memref<1x128x128xf32, #tpu.memory_space<vmem>> -> memref<128x128xf32, #tpu.memory_space<vmem>>
        %parallel_loop3A_333 = arith.index_cast %parallel_loop3A_143 : i32 to index
        %parallel_loop3A_334 = arith.constant 112 : index
        %parallel_loop3A_335 = tpu.vector_load %parallel_loop3A_332[%parallel_loop3A_333, %parallel_loop3A_334] {strides = array<i32>} : memref<128x128xf32, #tpu.memory_space<vmem>>, vector<16xf32>,
        tpu.vector_store %parallel_loop3A_332[%parallel_loop3A_333, %parallel_loop3A_334], %parallel_loop3A_328 {strides = array<i32>} : memref<128x128xf32, #tpu.memory_space<vmem>>, vector<16xf32>,
      } {sc.loop_unroll_factor = 4 : i64, sc.parallel_access}
      %mul3A_111 = arith.constant 128 : i32
      %mul3A_112 = arith.muli %add3A_66, %mul3A_111 : i32
      %multiple_of3A_113 = tpu.assume_multiple %mul3A_112, 8 : i32
      %dma_start3A_114 = arith.constant 0 : i32
      %dma_start3A_115 = arith.constant 0 : i32
      %dma_start3A_116 = arith.constant 0 : i32
      %dma_start3A_117 = tpu.memref_slice %arg5[%dma_start3A_114, %dma_start3A_115, %dma_start3A_116] : memref<2x128x128xf32, #tpu.memory_space<vmem>> -> memref<1x128x128xf32, #tpu.memory_space<vmem>>
      %dma_start3A_118 = tpu.memref_squeeze %dma_start3A_117 : memref<1x128x128xf32, #tpu.memory_space<vmem>> -> memref<128x128xf32, #tpu.memory_space<vmem>>
      %dma_start3A_119 = arith.constant 0 : i32
      %dma_start3A_120 = tpu.memref_slice %arg3[%multiple_of3A_113, %dma_start3A_119] : memref<500000x128xf32, #tpu.memory_space<hbm>> -> memref<128x128xf32, #tpu.memory_space<hbm>>
      %dma_start3A_121 = arith.constant 0 : i32
      %dma_start3A_122 = tpu.memref_slice %arg3[%multiple_of3A_113, %dma_start3A_121] : memref<500000x128xf32, #tpu.memory_space<hbm>> -> memref<128x128xf32, #tpu.memory_space<hbm>>
      %dma_start3A_123 = arith.constant 0 : i32
      %dma_start3A_124 = arith.constant 0 : i32
      %dma_start3A_125 = tpu.memref_slice %arg5[%dma_start3A_114, %dma_start3A_123, %dma_start3A_124] : memref<2x128x128xf32, #tpu.memory_space<vmem>> -> memref<1x128x128xf32, #tpu.memory_space<vmem>>
      %dma_start3A_126 = tpu.memref_squeeze %dma_start3A_125 : memref<1x128x128xf32, #tpu.memory_space<vmem>> -> memref<128x128xf32, #tpu.memory_space<vmem>>
      tpu.enqueue_dma source(%dma_start3A_126 : memref<128x128xf32, #tpu.memory_space<vmem>>) target(%dma_start3A_122 : memref<128x128xf32, #tpu.memory_space<hbm>>) target_semaphore(%arg8 : memref<!tpu.dma_semaphore, #tpu.memory_space<semaphore_mem>>)
      %mul3A_127 = arith.constant 128 : i32
      %mul3A_128 = arith.muli %add3A_66, %mul3A_127 : i32
      %multiple_of3A_129 = tpu.assume_multiple %mul3A_128, 8 : i32
      %dma_wait3A_130 = arith.constant 0 : i32
      %dma_wait3A_131 = arith.constant 0 : i32
      %dma_wait3A_132 = arith.constant 0 : i32
      %dma_wait3A_133 = tpu.memref_slice %arg5[%dma_wait3A_130, %dma_wait3A_131, %dma_wait3A_132] : memref<2x128x128xf32, #tpu.memory_space<vmem>> -> memref<1x128x128xf32, #tpu.memory_space<vmem>>
      %dma_wait3A_134 = tpu.memref_squeeze %dma_wait3A_133 : memref<1x128x128xf32, #tpu.memory_space<vmem>> -> memref<128x128xf32, #tpu.memory_space<vmem>>
      %dma_wait3A_135 = arith.constant 0 : i32
      %dma_wait3A_136 = tpu.memref_slice %arg3[%multiple_of3A_129, %dma_wait3A_135] : memref<500000x128xf32, #tpu.memory_space<hbm>> -> memref<128x128xf32, #tpu.memory_space<hbm>>
      %dma_wait3A_137 = arith.constant 0 : i32
      %dma_wait3A_138 = tpu.memref_slice %arg3[%multiple_of3A_129, %dma_wait3A_137] : memref<500000x128xf32, #tpu.memory_space<hbm>> -> memref<128x128xf32, #tpu.memory_space<hbm>>
      %dma_wait3A_139 = arith.constant 0 : i32
      %dma_wait3A_140 = arith.constant 0 : i32
      %dma_wait3A_141 = tpu.memref_slice %arg5[%dma_wait3A_130, %dma_wait3A_139, %dma_wait3A_140] : memref<2x128x128xf32, #tpu.memory_space<vmem>> -> memref<1x128x128xf32, #tpu.memory_space<vmem>>
      %dma_wait3A_142 = tpu.memref_squeeze %dma_wait3A_141 : memref<1x128x128xf32, #tpu.memory_space<vmem>> -> memref<128x128xf32, #tpu.memory_space<vmem>>
      tpu.wait_dma2 semaphore(%arg8 : memref<!tpu.dma_semaphore, #tpu.memory_space<semaphore_mem>>) src(%dma_wait3A_142 : memref<128x128xf32, #tpu.memory_space<vmem>>) dst(%dma_wait3A_138 : memref<128x128xf32, #tpu.memory_space<hbm>>)
    } else {
    }
    %eq3A = arith.constant 2 : i32
    %eq3A_61 = arith.cmpi eq, %add3A, %eq3A : i32
    %convert_element_type3A_62 = arith.extui %eq3A_61 : i1 to i32
    %cond3A_63 = arith.constant 0 : i32
    %cond3A_64 = arith.cmpi ne, %convert_element_type3A_62, %cond3A_63 : i32
    scf.if %cond3A_64 {
      %multiple_of3A_65 = arith.constant 124992 : i32
      %multiple_of3A_66 = tpu.assume_multiple %multiple_of3A_65, 1 : i32
      %dma_start3A_67 = arith.constant 0 : i32
      %dma_start3A_68 = arith.constant 0 : i32
      %dma_start3A_69 = arith.constant 0 : i32
      %dma_start3A_70 = arith.constant 0 : i32
      %dma_start3A_71 = tpu.memref_slice %arg4[%dma_start3A_67, %dma_start3A_68, %dma_start3A_69, %dma_start3A_70] : memref<2x32x8x64xf32, #tpu.memory_space<vmem>> -> memref<1x8x8x64xf32, #tpu.memory_space<vmem>>
      %dma_start3A_72 = tpu.memref_squeeze %dma_start3A_71 : memref<1x8x8x64xf32, #tpu.memory_space<vmem>> -> memref<8x8x64xf32, #tpu.memory_space<vmem>>
      %dma_start3A_73 = arith.constant 0 : i32
      %dma_start3A_74 = arith.constant 0 : i32
      %dma_start3A_75 = tpu.memref_slice %arg2[%multiple_of3A_66, %dma_start3A_73, %dma_start3A_74] : memref<125000x8x64xf32, #tpu.memory_space<hbm>> -> memref<8x8x64xf32, #tpu.memory_space<hbm>>
      %dma_start3A_76 = arith.constant 0 : i32
      %dma_start3A_77 = arith.constant 0 : i32
      %dma_start3A_78 = arith.constant 0 : i32
      %dma_start3A_79 = tpu.memref_slice %arg4[%dma_start3A_67, %dma_start3A_76, %dma_start3A_77, %dma_start3A_78] : memref<2x32x8x64xf32, #tpu.memory_space<vmem>> -> memref<1x8x8x64xf32, #tpu.memory_space<vmem>>
      %dma_start3A_80 = tpu.memref_squeeze %dma_start3A_79 : memref<1x8x8x64xf32, #tpu.memory_space<vmem>> -> memref<8x8x64xf32, #tpu.memory_space<vmem>>
      %dma_start3A_81 = arith.constant 0 : i32
      %dma_start3A_82 = arith.constant 0 : i32
      %dma_start3A_83 = tpu.memref_slice %arg2[%multiple_of3A_66, %dma_start3A_81, %dma_start3A_82] : memref<125000x8x64xf32, #tpu.memory_space<hbm>> -> memref<8x8x64xf32, #tpu.memory_space<hbm>>
      tpu.enqueue_dma source(%dma_start3A_83 : memref<8x8x64xf32, #tpu.memory_space<hbm>>) target(%dma_start3A_80 : memref<8x8x64xf32, #tpu.memory_space<vmem>>) target_semaphore(%arg6 : memref<!tpu.dma_semaphore, #tpu.memory_space<semaphore_mem>>)
      %multiple_of3A_84 = arith.constant 124992 : i32
      %multiple_of3A_85 = tpu.assume_multiple %multiple_of3A_84, 1 : i32
      %dma_wait3A_86 = arith.constant 0 : i32
      %dma_wait3A_87 = arith.constant 0 : i32
      %dma_wait3A_88 = arith.constant 0 : i32
      %dma_wait3A_89 = arith.constant 0 : i32
      %dma_wait3A_90 = tpu.memref_slice %arg4[%dma_wait3A_86, %dma_wait3A_87, %dma_wait3A_88, %dma_wait3A_89] : memref<2x32x8x64xf32, #tpu.memory_space<vmem>> -> memref<1x8x8x64xf32, #tpu.memory_space<vmem>>
      %dma_wait3A_91 = tpu.memref_squeeze %dma_wait3A_90 : memref<1x8x8x64xf32, #tpu.memory_space<vmem>> -> memref<8x8x64xf32, #tpu.memory_space<vmem>>
      %dma_wait3A_92 = arith.constant 0 : i32
      %dma_wait3A_93 = arith.constant 0 : i32
      %dma_wait3A_94 = tpu.memref_slice %arg2[%multiple_of3A_85, %dma_wait3A_92, %dma_wait3A_93] : memref<125000x8x64xf32, #tpu.memory_space<hbm>> -> memref<8x8x64xf32, #tpu.memory_space<hbm>>
      %dma_wait3A_95 = arith.constant 0 : i32
      %dma_wait3A_96 = arith.constant 0 : i32
      %dma_wait3A_97 = arith.constant 0 : i32
      %dma_wait3A_98 = tpu.memref_slice %arg4[%dma_wait3A_86, %dma_wait3A_95, %dma_wait3A_96, %dma_wait3A_97] : memref<2x32x8x64xf32, #tpu.memory_space<vmem>> -> memref<1x8x8x64xf32, #tpu.memory_space<vmem>>
      %dma_wait3A_99 = tpu.memref_squeeze %dma_wait3A_98 : memref<1x8x8x64xf32, #tpu.memory_space<vmem>> -> memref<8x8x64xf32, #tpu.memory_space<vmem>>
      %dma_wait3A_100 = arith.constant 0 : i32
      %dma_wait3A_101 = arith.constant 0 : i32
      %dma_wait3A_102 = tpu.memref_slice %arg2[%multiple_of3A_85, %dma_wait3A_100, %dma_wait3A_101] : memref<125000x8x64xf32, #tpu.memory_space<hbm>> -> memref<8x8x64xf32, #tpu.memory_space<hbm>>
      tpu.wait_dma2 semaphore(%arg6 : memref<!tpu.dma_semaphore, #tpu.memory_space<semaphore_mem>>) src(%dma_wait3A_102 : memref<8x8x64xf32, #tpu.memory_space<hbm>>) dst(%dma_wait3A_99 : memref<8x8x64xf32, #tpu.memory_space<vmem>>)
      %parallel_loop3A = arith.constant 0 : i32
      %parallel_loop3A_103 = arith.constant 32 : i32
      %parallel_loop3A_104 = arith.constant 1 : i32
      %parallel_loop3A_105 = arith.constant 0 : i32
      %parallel_loop3A_106 = arith.constant 0 : i32
      scf.for %parallel_loop3A_137 = %parallel_loop3A to %parallel_loop3A_103 step %parallel_loop3A_104  : i32 {
        %parallel_loop3A_138 = arith.constant 2 : i32
        %parallel_loop3A_139 = arith.muli %parallel_loop3A_138, %parallel_loop3A_137 : i32
        %parallel_loop3A_140 = arith.constant 0 : i32
        %parallel_loop3A_141 = arith.addi %parallel_loop3A_139, %parallel_loop3A_140 : i32
        %parallel_loop3A_142 = arith.constant 3 : i32
        %parallel_loop3A_143 = arith.shrui %parallel_loop3A_141, %parallel_loop3A_142 : i32
        %parallel_loop3A_144 = arith.constant 7 : i32
        %parallel_loop3A_145 = arith.andi %parallel_loop3A_141, %parallel_loop3A_144 : i32
        %parallel_loop3A_146 = arith.constant 0 : i32
        %parallel_loop3A_147 = arith.constant 0 : i32
        %parallel_loop3A_148 = arith.constant 0 : i32
        %parallel_loop3A_149 = tpu.memref_slice %arg4[%parallel_loop3A_105, %parallel_loop3A_146, %parallel_loop3A_147, %parallel_loop3A_148] : memref<2x32x8x64xf32, #tpu.memory_space<vmem>> -> memref<1x32x8x64xf32, #tpu.memory_space<vmem>>
        %parallel_loop3A_150 = tpu.memref_squeeze %parallel_loop3A_149 : memref<1x32x8x64xf32, #tpu.memory_space<vmem>> -> memref<32x8x64xf32, #tpu.memory_space<vmem>>
        %parallel_loop3A_151 = arith.index_cast %parallel_loop3A_143 : i32 to index
        %parallel_loop3A_152 = arith.index_cast %parallel_loop3A_145 : i32 to index
        %parallel_loop3A_153 = arith.constant 0 : index
        %parallel_loop3A_154 = tpu.vector_load %parallel_loop3A_150[%parallel_loop3A_151, %parallel_loop3A_152, %parallel_loop3A_153] {strides = array<i32>} : memref<32x8x64xf32, #tpu.memory_space<vmem>>, vector<16xf32>,
        %parallel_loop3A_155 = arith.constant 0 : i32
        %parallel_loop3A_156 = arith.constant 0 : i32
        %parallel_loop3A_157 = tpu.memref_slice %arg5[%parallel_loop3A_106, %parallel_loop3A_155, %parallel_loop3A_156] : memref<2x128x128xf32, #tpu.memory_space<vmem>> -> memref<1x128x128xf32, #tpu.memory_space<vmem>>
        %parallel_loop3A_158 = tpu.memref_squeeze %parallel_loop3A_157 : memref<1x128x128xf32, #tpu.memory_space<vmem>> -> memref<128x128xf32, #tpu.memory_space<vmem>>
        %parallel_loop3A_159 = arith.index_cast %parallel_loop3A_137 : i32 to index
        %parallel_loop3A_160 = arith.constant 0 : index
        %parallel_loop3A_161 = tpu.vector_load %parallel_loop3A_158[%parallel_loop3A_159, %parallel_loop3A_160] {strides = array<i32>} : memref<128x128xf32, #tpu.memory_space<vmem>>, vector<16xf32>,
        tpu.vector_store %parallel_loop3A_158[%parallel_loop3A_159, %parallel_loop3A_160], %parallel_loop3A_154 {strides = array<i32>} : memref<128x128xf32, #tpu.memory_space<vmem>>, vector<16xf32>,
        %parallel_loop3A_162 = arith.constant 2 : i32
        %parallel_loop3A_163 = arith.muli %parallel_loop3A_162, %parallel_loop3A_137 : i32
        %parallel_loop3A_164 = arith.constant 0 : i32
        %parallel_loop3A_165 = arith.addi %parallel_loop3A_163, %parallel_loop3A_164 : i32
        %parallel_loop3A_166 = arith.constant 3 : i32
        %parallel_loop3A_167 = arith.shrui %parallel_loop3A_165, %parallel_loop3A_166 : i32
        %parallel_loop3A_168 = arith.constant 7 : i32
        %parallel_loop3A_169 = arith.andi %parallel_loop3A_165, %parallel_loop3A_168 : i32
        %parallel_loop3A_170 = arith.constant 0 : i32
        %parallel_loop3A_171 = arith.constant 0 : i32
        %parallel_loop3A_172 = arith.constant 0 : i32
        %parallel_loop3A_173 = tpu.memref_slice %arg4[%parallel_loop3A_105, %parallel_loop3A_170, %parallel_loop3A_171, %parallel_loop3A_172] : memref<2x32x8x64xf32, #tpu.memory_space<vmem>> -> memref<1x32x8x64xf32, #tpu.memory_space<vmem>>
        %parallel_loop3A_174 = tpu.memref_squeeze %parallel_loop3A_173 : memref<1x32x8x64xf32, #tpu.memory_space<vmem>> -> memref<32x8x64xf32, #tpu.memory_space<vmem>>
        %parallel_loop3A_175 = arith.index_cast %parallel_loop3A_167 : i32 to index
        %parallel_loop3A_176 = arith.index_cast %parallel_loop3A_169 : i32 to index
        %parallel_loop3A_177 = arith.constant 16 : index
        %parallel_loop3A_178 = tpu.vector_load %parallel_loop3A_174[%parallel_loop3A_175, %parallel_loop3A_176, %parallel_loop3A_177] {strides = array<i32>} : memref<32x8x64xf32, #tpu.memory_space<vmem>>, vector<16xf32>,
        %parallel_loop3A_179 = arith.constant 0 : i32
        %parallel_loop3A_180 = arith.constant 0 : i32
        %parallel_loop3A_181 = tpu.memref_slice %arg5[%parallel_loop3A_106, %parallel_loop3A_179, %parallel_loop3A_180] : memref<2x128x128xf32, #tpu.memory_space<vmem>> -> memref<1x128x128xf32, #tpu.memory_space<vmem>>
        %parallel_loop3A_182 = tpu.memref_squeeze %parallel_loop3A_181 : memref<1x128x128xf32, #tpu.memory_space<vmem>> -> memref<128x128xf32, #tpu.memory_space<vmem>>
        %parallel_loop3A_183 = arith.index_cast %parallel_loop3A_137 : i32 to index
        %parallel_loop3A_184 = arith.constant 16 : index
        %parallel_loop3A_185 = tpu.vector_load %parallel_loop3A_182[%parallel_loop3A_183, %parallel_loop3A_184] {strides = array<i32>} : memref<128x128xf32, #tpu.memory_space<vmem>>, vector<16xf32>,
        tpu.vector_store %parallel_loop3A_182[%parallel_loop3A_183, %parallel_loop3A_184], %parallel_loop3A_178 {strides = array<i32>} : memref<128x128xf32, #tpu.memory_space<vmem>>, vector<16xf32>,
        %parallel_loop3A_186 = arith.constant 2 : i32
        %parallel_loop3A_187 = arith.muli %parallel_loop3A_186, %parallel_loop3A_137 : i32
        %parallel_loop3A_188 = arith.constant 0 : i32
        %parallel_loop3A_189 = arith.addi %parallel_loop3A_187, %parallel_loop3A_188 : i32
        %parallel_loop3A_190 = arith.constant 3 : i32
        %parallel_loop3A_191 = arith.shrui %parallel_loop3A_189, %parallel_loop3A_190 : i32
        %parallel_loop3A_192 = arith.constant 7 : i32
        %parallel_loop3A_193 = arith.andi %parallel_loop3A_189, %parallel_loop3A_192 : i32
        %parallel_loop3A_194 = arith.constant 0 : i32
        %parallel_loop3A_195 = arith.constant 0 : i32
        %parallel_loop3A_196 = arith.constant 0 : i32
        %parallel_loop3A_197 = tpu.memref_slice %arg4[%parallel_loop3A_105, %parallel_loop3A_194, %parallel_loop3A_195, %parallel_loop3A_196] : memref<2x32x8x64xf32, #tpu.memory_space<vmem>> -> memref<1x32x8x64xf32, #tpu.memory_space<vmem>>
        %parallel_loop3A_198 = tpu.memref_squeeze %parallel_loop3A_197 : memref<1x32x8x64xf32, #tpu.memory_space<vmem>> -> memref<32x8x64xf32, #tpu.memory_space<vmem>>
        %parallel_loop3A_199 = arith.index_cast %parallel_loop3A_191 : i32 to index
        %parallel_loop3A_200 = arith.index_cast %parallel_loop3A_193 : i32 to index
        %parallel_loop3A_201 = arith.constant 32 : index
        %parallel_loop3A_202 = tpu.vector_load %parallel_loop3A_198[%parallel_loop3A_199, %parallel_loop3A_200, %parallel_loop3A_201] {strides = array<i32>} : memref<32x8x64xf32, #tpu.memory_space<vmem>>, vector<16xf32>,
        %parallel_loop3A_203 = arith.constant 0 : i32
        %parallel_loop3A_204 = arith.constant 0 : i32
        %parallel_loop3A_205 = tpu.memref_slice %arg5[%parallel_loop3A_106, %parallel_loop3A_203, %parallel_loop3A_204] : memref<2x128x128xf32, #tpu.memory_space<vmem>> -> memref<1x128x128xf32, #tpu.memory_space<vmem>>
        %parallel_loop3A_206 = tpu.memref_squeeze %parallel_loop3A_205 : memref<1x128x128xf32, #tpu.memory_space<vmem>> -> memref<128x128xf32, #tpu.memory_space<vmem>>
        %parallel_loop3A_207 = arith.index_cast %parallel_loop3A_137 : i32 to index
        %parallel_loop3A_208 = arith.constant 32 : index
        %parallel_loop3A_209 = tpu.vector_load %parallel_loop3A_206[%parallel_loop3A_207, %parallel_loop3A_208] {strides = array<i32>} : memref<128x128xf32, #tpu.memory_space<vmem>>, vector<16xf32>,
        tpu.vector_store %parallel_loop3A_206[%parallel_loop3A_207, %parallel_loop3A_208], %parallel_loop3A_202 {strides = array<i32>} : memref<128x128xf32, #tpu.memory_space<vmem>>, vector<16xf32>,
        %parallel_loop3A_210 = arith.constant 2 : i32
        %parallel_loop3A_211 = arith.muli %parallel_loop3A_210, %parallel_loop3A_137 : i32
        %parallel_loop3A_212 = arith.constant 0 : i32
        %parallel_loop3A_213 = arith.addi %parallel_loop3A_211, %parallel_loop3A_212 : i32
        %parallel_loop3A_214 = arith.constant 3 : i32
        %parallel_loop3A_215 = arith.shrui %parallel_loop3A_213, %parallel_loop3A_214 : i32
        %parallel_loop3A_216 = arith.constant 7 : i32
        %parallel_loop3A_217 = arith.andi %parallel_loop3A_213, %parallel_loop3A_216 : i32
        %parallel_loop3A_218 = arith.constant 0 : i32
        %parallel_loop3A_219 = arith.constant 0 : i32
        %parallel_loop3A_220 = arith.constant 0 : i32
        %parallel_loop3A_221 = tpu.memref_slice %arg4[%parallel_loop3A_105, %parallel_loop3A_218, %parallel_loop3A_219, %parallel_loop3A_220] : memref<2x32x8x64xf32, #tpu.memory_space<vmem>> -> memref<1x32x8x64xf32, #tpu.memory_space<vmem>>
        %parallel_loop3A_222 = tpu.memref_squeeze %parallel_loop3A_221 : memref<1x32x8x64xf32, #tpu.memory_space<vmem>> -> memref<32x8x64xf32, #tpu.memory_space<vmem>>
        %parallel_loop3A_223 = arith.index_cast %parallel_loop3A_215 : i32 to index
        %parallel_loop3A_224 = arith.index_cast %parallel_loop3A_217 : i32 to index
        %parallel_loop3A_225 = arith.constant 48 : index
        %parallel_loop3A_226 = tpu.vector_load %parallel_loop3A_222[%parallel_loop3A_223, %parallel_loop3A_224, %parallel_loop3A_225] {strides = array<i32>} : memref<32x8x64xf32, #tpu.memory_space<vmem>>, vector<16xf32>,
        %parallel_loop3A_227 = arith.constant 0 : i32
        %parallel_loop3A_228 = arith.constant 0 : i32
        %parallel_loop3A_229 = tpu.memref_slice %arg5[%parallel_loop3A_106, %parallel_loop3A_227, %parallel_loop3A_228] : memref<2x128x128xf32, #tpu.memory_space<vmem>> -> memref<1x128x128xf32, #tpu.memory_space<vmem>>
        %parallel_loop3A_230 = tpu.memref_squeeze %parallel_loop3A_229 : memref<1x128x128xf32, #tpu.memory_space<vmem>> -> memref<128x128xf32, #tpu.memory_space<vmem>>
        %parallel_loop3A_231 = arith.index_cast %parallel_loop3A_137 : i32 to index
        %parallel_loop3A_232 = arith.constant 48 : index
        %parallel_loop3A_233 = tpu.vector_load %parallel_loop3A_230[%parallel_loop3A_231, %parallel_loop3A_232] {strides = array<i32>} : memref<128x128xf32, #tpu.memory_space<vmem>>, vector<16xf32>,
        tpu.vector_store %parallel_loop3A_230[%parallel_loop3A_231, %parallel_loop3A_232], %parallel_loop3A_226 {strides = array<i32>} : memref<128x128xf32, #tpu.memory_space<vmem>>, vector<16xf32>,
        %parallel_loop3A_234 = arith.constant 2 : i32
        %parallel_loop3A_235 = arith.muli %parallel_loop3A_234, %parallel_loop3A_137 : i32
        %parallel_loop3A_236 = arith.constant 1 : i32
        %parallel_loop3A_237 = arith.addi %parallel_loop3A_235, %parallel_loop3A_236 : i32
        %parallel_loop3A_238 = arith.constant 3 : i32
        %parallel_loop3A_239 = arith.shrui %parallel_loop3A_237, %parallel_loop3A_238 : i32
        %parallel_loop3A_240 = arith.constant 7 : i32
        %parallel_loop3A_241 = arith.andi %parallel_loop3A_237, %parallel_loop3A_240 : i32
        %parallel_loop3A_242 = arith.constant 0 : i32
        %parallel_loop3A_243 = arith.constant 0 : i32
        %parallel_loop3A_244 = arith.constant 0 : i32
        %parallel_loop3A_245 = tpu.memref_slice %arg4[%parallel_loop3A_105, %parallel_loop3A_242, %parallel_loop3A_243, %parallel_loop3A_244] : memref<2x32x8x64xf32, #tpu.memory_space<vmem>> -> memref<1x32x8x64xf32, #tpu.memory_space<vmem>>
        %parallel_loop3A_246 = tpu.memref_squeeze %parallel_loop3A_245 : memref<1x32x8x64xf32, #tpu.memory_space<vmem>> -> memref<32x8x64xf32, #tpu.memory_space<vmem>>
        %parallel_loop3A_247 = arith.index_cast %parallel_loop3A_239 : i32 to index
        %parallel_loop3A_248 = arith.index_cast %parallel_loop3A_241 : i32 to index
        %parallel_loop3A_249 = arith.constant 0 : index
        %parallel_loop3A_250 = tpu.vector_load %parallel_loop3A_246[%parallel_loop3A_247, %parallel_loop3A_248, %parallel_loop3A_249] {strides = array<i32>} : memref<32x8x64xf32, #tpu.memory_space<vmem>>, vector<16xf32>,
        %parallel_loop3A_251 = arith.constant 0 : i32
        %parallel_loop3A_252 = arith.constant 0 : i32
        %parallel_loop3A_253 = tpu.memref_slice %arg5[%parallel_loop3A_106, %parallel_loop3A_251, %parallel_loop3A_252] : memref<2x128x128xf32, #tpu.memory_space<vmem>> -> memref<1x128x128xf32, #tpu.memory_space<vmem>>
        %parallel_loop3A_254 = tpu.memref_squeeze %parallel_loop3A_253 : memref<1x128x128xf32, #tpu.memory_space<vmem>> -> memref<128x128xf32, #tpu.memory_space<vmem>>
        %parallel_loop3A_255 = arith.index_cast %parallel_loop3A_137 : i32 to index
        %parallel_loop3A_256 = arith.constant 64 : index
        %parallel_loop3A_257 = tpu.vector_load %parallel_loop3A_254[%parallel_loop3A_255, %parallel_loop3A_256] {strides = array<i32>} : memref<128x128xf32, #tpu.memory_space<vmem>>, vector<16xf32>,
        tpu.vector_store %parallel_loop3A_254[%parallel_loop3A_255, %parallel_loop3A_256], %parallel_loop3A_250 {strides = array<i32>} : memref<128x128xf32, #tpu.memory_space<vmem>>, vector<16xf32>,
        %parallel_loop3A_258 = arith.constant 2 : i32
        %parallel_loop3A_259 = arith.muli %parallel_loop3A_258, %parallel_loop3A_137 : i32
        %parallel_loop3A_260 = arith.constant 1 : i32
        %parallel_loop3A_261 = arith.addi %parallel_loop3A_259, %parallel_loop3A_260 : i32
        %parallel_loop3A_262 = arith.constant 3 : i32
        %parallel_loop3A_263 = arith.shrui %parallel_loop3A_261, %parallel_loop3A_262 : i32
        %parallel_loop3A_264 = arith.constant 7 : i32
        %parallel_loop3A_265 = arith.andi %parallel_loop3A_261, %parallel_loop3A_264 : i32
        %parallel_loop3A_266 = arith.constant 0 : i32
        %parallel_loop3A_267 = arith.constant 0 : i32
        %parallel_loop3A_268 = arith.constant 0 : i32
        %parallel_loop3A_269 = tpu.memref_slice %arg4[%parallel_loop3A_105, %parallel_loop3A_266, %parallel_loop3A_267, %parallel_loop3A_268] : memref<2x32x8x64xf32, #tpu.memory_space<vmem>> -> memref<1x32x8x64xf32, #tpu.memory_space<vmem>>
        %parallel_loop3A_270 = tpu.memref_squeeze %parallel_loop3A_269 : memref<1x32x8x64xf32, #tpu.memory_space<vmem>> -> memref<32x8x64xf32, #tpu.memory_space<vmem>>
        %parallel_loop3A_271 = arith.index_cast %parallel_loop3A_263 : i32 to index
        %parallel_loop3A_272 = arith.index_cast %parallel_loop3A_265 : i32 to index
        %parallel_loop3A_273 = arith.constant 16 : index
        %parallel_loop3A_274 = tpu.vector_load %parallel_loop3A_270[%parallel_loop3A_271, %parallel_loop3A_272, %parallel_loop3A_273] {strides = array<i32>} : memref<32x8x64xf32, #tpu.memory_space<vmem>>, vector<16xf32>,
        %parallel_loop3A_275 = arith.constant 0 : i32
        %parallel_loop3A_276 = arith.constant 0 : i32
        %parallel_loop3A_277 = tpu.memref_slice %arg5[%parallel_loop3A_106, %parallel_loop3A_275, %parallel_loop3A_276] : memref<2x128x128xf32, #tpu.memory_space<vmem>> -> memref<1x128x128xf32, #tpu.memory_space<vmem>>
        %parallel_loop3A_278 = tpu.memref_squeeze %parallel_loop3A_277 : memref<1x128x128xf32, #tpu.memory_space<vmem>> -> memref<128x128xf32, #tpu.memory_space<vmem>>
        %parallel_loop3A_279 = arith.index_cast %parallel_loop3A_137 : i32 to index
        %parallel_loop3A_280 = arith.constant 80 : index
        %parallel_loop3A_281 = tpu.vector_load %parallel_loop3A_278[%parallel_loop3A_279, %parallel_loop3A_280] {strides = array<i32>} : memref<128x128xf32, #tpu.memory_space<vmem>>, vector<16xf32>,
        tpu.vector_store %parallel_loop3A_278[%parallel_loop3A_279, %parallel_loop3A_280], %parallel_loop3A_274 {strides = array<i32>} : memref<128x128xf32, #tpu.memory_space<vmem>>, vector<16xf32>,
        %parallel_loop3A_282 = arith.constant 2 : i32
        %parallel_loop3A_283 = arith.muli %parallel_loop3A_282, %parallel_loop3A_137 : i32
        %parallel_loop3A_284 = arith.constant 1 : i32
        %parallel_loop3A_285 = arith.addi %parallel_loop3A_283, %parallel_loop3A_284 : i32
        %parallel_loop3A_286 = arith.constant 3 : i32
        %parallel_loop3A_287 = arith.shrui %parallel_loop3A_285, %parallel_loop3A_286 : i32
        %parallel_loop3A_288 = arith.constant 7 : i32
        %parallel_loop3A_289 = arith.andi %parallel_loop3A_285, %parallel_loop3A_288 : i32
        %parallel_loop3A_290 = arith.constant 0 : i32
        %parallel_loop3A_291 = arith.constant 0 : i32
        %parallel_loop3A_292 = arith.constant 0 : i32
        %parallel_loop3A_293 = tpu.memref_slice %arg4[%parallel_loop3A_105, %parallel_loop3A_290, %parallel_loop3A_291, %parallel_loop3A_292] : memref<2x32x8x64xf32, #tpu.memory_space<vmem>> -> memref<1x32x8x64xf32, #tpu.memory_space<vmem>>
        %parallel_loop3A_294 = tpu.memref_squeeze %parallel_loop3A_293 : memref<1x32x8x64xf32, #tpu.memory_space<vmem>> -> memref<32x8x64xf32, #tpu.memory_space<vmem>>
        %parallel_loop3A_295 = arith.index_cast %parallel_loop3A_287 : i32 to index
        %parallel_loop3A_296 = arith.index_cast %parallel_loop3A_289 : i32 to index
        %parallel_loop3A_297 = arith.constant 32 : index
        %parallel_loop3A_298 = tpu.vector_load %parallel_loop3A_294[%parallel_loop3A_295, %parallel_loop3A_296, %parallel_loop3A_297] {strides = array<i32>} : memref<32x8x64xf32, #tpu.memory_space<vmem>>, vector<16xf32>,
        %parallel_loop3A_299 = arith.constant 0 : i32
        %parallel_loop3A_300 = arith.constant 0 : i32
        %parallel_loop3A_301 = tpu.memref_slice %arg5[%parallel_loop3A_106, %parallel_loop3A_299, %parallel_loop3A_300] : memref<2x128x128xf32, #tpu.memory_space<vmem>> -> memref<1x128x128xf32, #tpu.memory_space<vmem>>
        %parallel_loop3A_302 = tpu.memref_squeeze %parallel_loop3A_301 : memref<1x128x128xf32, #tpu.memory_space<vmem>> -> memref<128x128xf32, #tpu.memory_space<vmem>>
        %parallel_loop3A_303 = arith.index_cast %parallel_loop3A_137 : i32 to index
        %parallel_loop3A_304 = arith.constant 96 : index
        %parallel_loop3A_305 = tpu.vector_load %parallel_loop3A_302[%parallel_loop3A_303, %parallel_loop3A_304] {strides = array<i32>} : memref<128x128xf32, #tpu.memory_space<vmem>>, vector<16xf32>,
        tpu.vector_store %parallel_loop3A_302[%parallel_loop3A_303, %parallel_loop3A_304], %parallel_loop3A_298 {strides = array<i32>} : memref<128x128xf32, #tpu.memory_space<vmem>>, vector<16xf32>,
        %parallel_loop3A_306 = arith.constant 2 : i32
        %parallel_loop3A_307 = arith.muli %parallel_loop3A_306, %parallel_loop3A_137 : i32
        %parallel_loop3A_308 = arith.constant 1 : i32
        %parallel_loop3A_309 = arith.addi %parallel_loop3A_307, %parallel_loop3A_308 : i32
        %parallel_loop3A_310 = arith.constant 3 : i32
        %parallel_loop3A_311 = arith.shrui %parallel_loop3A_309, %parallel_loop3A_310 : i32
        %parallel_loop3A_312 = arith.constant 7 : i32
        %parallel_loop3A_313 = arith.andi %parallel_loop3A_309, %parallel_loop3A_312 : i32
        %parallel_loop3A_314 = arith.constant 0 : i32
        %parallel_loop3A_315 = arith.constant 0 : i32
        %parallel_loop3A_316 = arith.constant 0 : i32
        %parallel_loop3A_317 = tpu.memref_slice %arg4[%parallel_loop3A_105, %parallel_loop3A_314, %parallel_loop3A_315, %parallel_loop3A_316] : memref<2x32x8x64xf32, #tpu.memory_space<vmem>> -> memref<1x32x8x64xf32, #tpu.memory_space<vmem>>
        %parallel_loop3A_318 = tpu.memref_squeeze %parallel_loop3A_317 : memref<1x32x8x64xf32, #tpu.memory_space<vmem>> -> memref<32x8x64xf32, #tpu.memory_space<vmem>>
        %parallel_loop3A_319 = arith.index_cast %parallel_loop3A_311 : i32 to index
        %parallel_loop3A_320 = arith.index_cast %parallel_loop3A_313 : i32 to index
        %parallel_loop3A_321 = arith.constant 48 : index
        %parallel_loop3A_322 = tpu.vector_load %parallel_loop3A_318[%parallel_loop3A_319, %parallel_loop3A_320, %parallel_loop3A_321] {strides = array<i32>} : memref<32x8x64xf32, #tpu.memory_space<vmem>>, vector<16xf32>,
        %parallel_loop3A_323 = arith.constant 0 : i32
        %parallel_loop3A_324 = arith.constant 0 : i32
        %parallel_loop3A_325 = tpu.memref_slice %arg5[%parallel_loop3A_106, %parallel_loop3A_323, %parallel_loop3A_324] : memref<2x128x128xf32, #tpu.memory_space<vmem>> -> memref<1x128x128xf32, #tpu.memory_space<vmem>>
        %parallel_loop3A_326 = tpu.memref_squeeze %parallel_loop3A_325 : memref<1x128x128xf32, #tpu.memory_space<vmem>> -> memref<128x128xf32, #tpu.memory_space<vmem>>
        %parallel_loop3A_327 = arith.index_cast %parallel_loop3A_137 : i32 to index
        %parallel_loop3A_328 = arith.constant 112 : index
        %parallel_loop3A_329 = tpu.vector_load %parallel_loop3A_326[%parallel_loop3A_327, %parallel_loop3A_328] {strides = array<i32>} : memref<128x128xf32, #tpu.memory_space<vmem>>, vector<16xf32>,
        tpu.vector_store %parallel_loop3A_326[%parallel_loop3A_327, %parallel_loop3A_328], %parallel_loop3A_322 {strides = array<i32>} : memref<128x128xf32, #tpu.memory_space<vmem>>, vector<16xf32>,
      } {sc.loop_unroll_factor = 4 : i64, sc.parallel_access}
      %multiple_of3A_107 = arith.constant 499968 : i32
      %multiple_of3A_108 = tpu.assume_multiple %multiple_of3A_107, 8 : i32
      %dma_start3A_109 = arith.constant 0 : i32
      %dma_start3A_110 = arith.constant 0 : i32
      %dma_start3A_111 = arith.constant 0 : i32
      %dma_start3A_112 = tpu.memref_slice %arg5[%dma_start3A_109, %dma_start3A_110, %dma_start3A_111] : memref<2x128x128xf32, #tpu.memory_space<vmem>> -> memref<1x32x128xf32, #tpu.memory_space<vmem>>
      %dma_start3A_113 = tpu.memref_squeeze %dma_start3A_112 : memref<1x32x128xf32, #tpu.memory_space<vmem>> -> memref<32x128xf32, #tpu.memory_space<vmem>>
      %dma_start3A_114 = arith.constant 0 : i32
      %dma_start3A_115 = tpu.memref_slice %arg3[%multiple_of3A_108, %dma_start3A_114] : memref<500000x128xf32, #tpu.memory_space<hbm>> -> memref<32x128xf32, #tpu.memory_space<hbm>>
      %dma_start3A_116 = arith.constant 0 : i32
      %dma_start3A_117 = tpu.memref_slice %arg3[%multiple_of3A_108, %dma_start3A_116] : memref<500000x128xf32, #tpu.memory_space<hbm>> -> memref<32x128xf32, #tpu.memory_space<hbm>>
      %dma_start3A_118 = arith.constant 0 : i32
      %dma_start3A_119 = arith.constant 0 : i32
      %dma_start3A_120 = tpu.memref_slice %arg5[%dma_start3A_109, %dma_start3A_118, %dma_start3A_119] : memref<2x128x128xf32, #tpu.memory_space<vmem>> -> memref<1x32x128xf32, #tpu.memory_space<vmem>>
      %dma_start3A_121 = tpu.memref_squeeze %dma_start3A_120 : memref<1x32x128xf32, #tpu.memory_space<vmem>> -> memref<32x128xf32, #tpu.memory_space<vmem>>
      tpu.enqueue_dma source(%dma_start3A_121 : memref<32x128xf32, #tpu.memory_space<vmem>>) target(%dma_start3A_117 : memref<32x128xf32, #tpu.memory_space<hbm>>) target_semaphore(%arg8 : memref<!tpu.dma_semaphore, #tpu.memory_space<semaphore_mem>>)
      %multiple_of3A_122 = arith.constant 499968 : i32
      %multiple_of3A_123 = tpu.assume_multiple %multiple_of3A_122, 8 : i32
      %dma_wait3A_124 = arith.constant 0 : i32
      %dma_wait3A_125 = arith.constant 0 : i32
      %dma_wait3A_126 = arith.constant 0 : i32
      %dma_wait3A_127 = tpu.memref_slice %arg5[%dma_wait3A_124, %dma_wait3A_125, %dma_wait3A_126] : memref<2x128x128xf32, #tpu.memory_space<vmem>> -> memref<1x32x128xf32, #tpu.memory_space<vmem>>
      %dma_wait3A_128 = tpu.memref_squeeze %dma_wait3A_127 : memref<1x32x128xf32, #tpu.memory_space<vmem>> -> memref<32x128xf32, #tpu.memory_space<vmem>>
      %dma_wait3A_129 = arith.constant 0 : i32
      %dma_wait3A_130 = tpu.memref_slice %arg3[%multiple_of3A_123, %dma_wait3A_129] : memref<500000x128xf32, #tpu.memory_space<hbm>> -> memref<32x128xf32, #tpu.memory_space<hbm>>
      %dma_wait3A_131 = arith.constant 0 : i32
      %dma_wait3A_132 = tpu.memref_slice %arg3[%multiple_of3A_123, %dma_wait3A_131] : memref<500000x128xf32, #tpu.memory_space<hbm>> -> memref<32x128xf32, #tpu.memory_space<hbm>>
      %dma_wait3A_133 = arith.constant 0 : i32
      %dma_wait3A_134 = arith.constant 0 : i32
      %dma_wait3A_135 = tpu.memref_slice %arg5[%dma_wait3A_124, %dma_wait3A_133, %dma_wait3A_134] : memref<2x128x128xf32, #tpu.memory_space<vmem>> -> memref<1x32x128xf32, #tpu.memory_space<vmem>>
      %dma_wait3A_136 = tpu.memref_squeeze %dma_wait3A_135 : memref<1x32x128xf32, #tpu.memory_space<vmem>> -> memref<32x128xf32, #tpu.memory_space<vmem>>
      tpu.wait_dma2 semaphore(%arg8 : memref<!tpu.dma_semaphore, #tpu.memory_space<semaphore_mem>>) src(%dma_wait3A_136 : memref<32x128xf32, #tpu.memory_space<vmem>>) dst(%dma_wait3A_132 : memref<32x128xf32, #tpu.memory_space<hbm>>)
    } else {
    }
    return
  }
}

</mosaic_0001>

<sc_bundles>
// kernel: kernel.4.cloned.1.call-start
scs
__scs_entry_jumppad:
0x0: {  	(pc) =	sbr.rel $0x88, $3  }
0x1: {  	(tag) =	ssettag $0x0;
	lr =	simm.s32 $0x1  }
0x2: {  	[smem:$0x3F9E] =	sst lr;
	_ =	strace $0xD0000000  }
0x3: {  	_ = 	snop  }
0x4: {  	_ = 	snop  }
0x5: {  	_ = 	snop  }
0x6: {  	_ = 	snop  }
0x7: {  	_ = 	snop  }
__scs_overlays_trampoline_lowered:
0x8: {  	[smem:$0x3FAD] =	sst s0  }
0x9: {  	[smem:$0x3FAE] =	sst s1  }
0xa: {  	[smem:$0x3FAF] =	sst s2  }
0xb: {  	[smem:$0x3FB0] =	sst s3  }
0xc: {  	[smem:$0x3FB1] =	sst s4  }
0xd: {  	[smem:$0x3FB2] =	sst s5  }
0xe: {  	[smem:$0x3FB3] =	sst s6  }
0xf: {  	[smem:$0x3FB4] =	sst s7  }
0x10: {  	[smem:$0x3FB5] =	sst s8  }
0x11: {  	[smem:$0x3FB6] =	sst s9;
	s0 =	simm.s32 @!p0 $0x0  }
0x12: {  	s1 =	sld [smem:$0x3F9C];
	s0 =	simm.s32 @p0 $0x1  }
0x13: {  	[smem:$0x3FB7] =	sst s0;
	s0 =	simm.s32 @!p1 $0x0  }
0x14: {  	s2 =	sld [smem:$0x3F9B];
	s0 =	simm.s32 @p1 $0x1  }
0x15: {  	[smem:$0x3FB8] =	sst s0;
	s0 =	simm.s32 @!p2 $0x0  }
0x16: {  	s3 =	sld [smem:$0x3FDB];
	s0 =	simm.s32 @p2 $0x1  }
0x17: {  	s4 =	simm.s32 $0x1BF5;
	[smem:$0x3FBA] =	sst s0  }
0x18: {  	s0 =	sld [smem:$0x3F9D];
	_ =	swait.ge [sflag:s4], $0x0  }
0x19: {  	s7 =	sld [smem:$0x3F9E]  }
0x1a: {  	s8 =	sadd.s32 $0xFFFFE003, lr  }
0x1b: {  	s9 =	sadd.s32 $0xFFFFFEF7, lr;
	s5 =	simm.s32 $0xFFFFFFFF;
	p2 =	slt.u32 s8, $0xFFFFF086  }
0x1c: {  	p1 =	slt.u32 s9, $0xF7A;
	s5 =	simm.s32 @!p2 $0x0  }
0x1d: {  	s5 =	simm.s32 @p1 $0x1;
	p0 =	seq.s32 s7, s2  }
0x1e: {  	s7 =	smul.u32 @!p0 $0xF7A, s2;
	p2 =	seq.s32 @!p0 s5, $0x0  }
0x1f: {  	s9 =	smul.u32 $0xF7A, s1;
	s8 =	simm.s32 @!p0 $0x1BF5;
	p2 =	por !p2, p0  }
0x20: {  	[sflag:s8] =	ssyncset.s32 @!p0 $0xFFFFF086;
	s6 =	sadd.s32 @!p0 s3, s7;
	s7 =	simm.s32 @!p0 $0x108  }
0x21: {  	s3 =	sadd.s32 s3, s9;
	s6 =	sadd.s32 @!p0 $0x88, s6;
	s7 =	simm.s32 @p2 $0x1082  }
0x22: {  	[simem:s7], [sflag:s8] =	dma.local @!p0 [hbm:s6], $0xF7A  }
0x23: {  	s9 =	sor.u32 $0xD0000000, s2;
	s6 =	simm.s32 $0x108;
	_ =	swait.ge @!p0 [sflag:s8], $0x0  }
0x24: {  	s3 =	sadd.s32 $0x88, s3;
	s6 =	simm.s32 @!p1 $0x1082;
	[sflag:s4] =	ssyncset.s32 $0xFFFFF086  }
0x25: {  	[simem:s6], [sflag:s4] =	dma.local [hbm:s3], $0xF7A  }
0x26: {  	[smem:$0x3F9E] =	sst s1;
	(tag) =	ssettag s2;
	_ =	strace s9  }
0x27: {  	s1 =	sld [smem:$0x3FAE]  }
0x28: {  	s2 =	sld [smem:$0x3FAF]  }
0x29: {  	s4 =	sld [smem:$0x3FB1]  }
0x2a: {  	p0 =	seq.s32 s5, $0x0;
	s5 =	sld [smem:$0x3FB2]  }
0x2b: {  	s6 =	sld [smem:$0x3FB3]  }
0x2c: {  	s7 =	sld [smem:$0x3FB4]  }
0x2d: {  	s3 =	simm.s32 $0x108;
	s8 =	sld [smem:$0x3FB5]  }
0x2e: {  	s3 =	simm.s32 @!p0 $0x1082;
	s9 =	sld [smem:$0x3FB6]  }
0x2f: {  	lr =	sadd.s32 s0, s3;
	s0 =	sld [smem:$0x3FAD]  }
0x30: {  	s3 =	sld [smem:$0x3FB0]  }
0x31: {  	[smem:$0x3FB9] =	sst s10  }
0x32: {  	s10 =	sld [smem:$0x3FB7];
	_ =	sdelay $0x3  }
0x33: {  	p0 =	seq.s32 s10, $0x1;
	s10 =	sld [smem:$0x3FB9];
	_ =	sdelay $0x3  }
0x34: {  	[smem:$0x3FB9] =	sst s10  }
0x35: {  	s10 =	sld [smem:$0x3FB8];
	_ =	sdelay $0x3  }
0x36: {  	p1 =	seq.s32 s10, $0x1;
	s10 =	sld [smem:$0x3FB9];
	_ =	sdelay $0x3  }
0x37: {  	[smem:$0x3FB9] =	sst s10  }
0x38: {  	s10 =	sld [smem:$0x3FBA]  }
0x39: {  	_ = 	snop;
	(pc) =	sbr.ind lr, $3  }
0x3a: {  	_ = 	snop  }
0x3b: {  	_ = 	snop  }
0x3c: {  	p2 =	seq.s32 s10, $0x1;
	s10 =	sld [smem:$0x3FB9]  }
0x3d: {  	_ =	shalt  }
0x3e: {  	_ =	shalt  }
0x3f: {  	_ =	shalt  }
0x40: {  	_ =	shalt  }
0x41: {  	_ =	shalt  }
0x42: {  	_ =	shalt  }
0x43: {  	_ =	shalt  }
0x44: {  	_ =	shalt  }
0x45: {  	_ =	shalt  }
0x46: {  	_ =	shalt  }
0x47: {  	_ =	shalt  }
0x48: {  	_ =	shalt  }
0x49: {  	_ =	shalt  }
0x4a: {  	_ =	shalt  }
0x4b: {  	_ =	shalt  }
0x4c: {  	_ =	shalt  }
0x4d: {  	_ =	shalt  }
0x4e: {  	_ =	shalt  }
0x4f: {  	_ =	shalt  }
0x50: {  	_ =	shalt  }
0x51: {  	_ =	shalt  }
0x52: {  	_ =	shalt  }
0x53: {  	_ =	shalt  }
0x54: {  	_ =	shalt  }
0x55: {  	_ =	shalt  }
0x56: {  	_ =	shalt  }
0x57: {  	_ =	shalt  }
0x58: {  	_ =	shalt  }
0x59: {  	_ =	shalt  }
0x5a: {  	_ =	shalt  }
0x5b: {  	_ =	shalt  }
0x5c: {  	_ =	shalt  }
0x5d: {  	_ =	shalt  }
0x5e: {  	_ =	shalt  }
0x5f: {  	_ =	shalt  }
0x60: {  	_ =	shalt  }
0x61: {  	_ =	shalt  }
0x62: {  	_ =	shalt  }
0x63: {  	_ =	shalt  }
0x64: {  	_ =	shalt  }
0x65: {  	_ =	shalt  }
0x66: {  	_ =	shalt  }
0x67: {  	_ =	shalt  }
0x68: {  	_ =	shalt  }
0x69: {  	_ =	shalt  }
0x6a: {  	_ =	shalt  }
0x6b: {  	_ =	shalt  }
0x6c: {  	_ =	shalt  }
0x6d: {  	_ =	shalt  }
0x6e: {  	_ =	shalt  }
0x6f: {  	_ =	shalt  }
0x70: {  	_ =	shalt  }
0x71: {  	_ =	shalt  }
0x72: {  	_ =	shalt  }
0x73: {  	_ =	shalt  }
0x74: {  	_ =	shalt  }
0x75: {  	_ =	shalt  }
0x76: {  	_ =	shalt  }
0x77: {  	_ =	shalt  }
0x78: {  	_ =	shalt  }
0x79: {  	_ =	shalt  }
0x7a: {  	_ =	shalt  }
0x7b: {  	_ =	shalt  }
0x7c: {  	_ =	shalt  }
0x7d: {  	_ =	shalt  }
0x7e: {  	_ =	shalt  }
0x7f: {  	_ =	shalt  }
0x80: {  	_ =	shalt  }
0x81: {  	_ =	shalt  }
0x82: {  	_ =	shalt  }
0x83: {  	_ =	shalt  }
0x84: {  	_ =	shalt  }
0x85: {  	_ =	shalt  }
0x86: {  	_ =	shalt  }
0x87: {  	_ =	shalt  }
.Lfunc_end0:
.L_simem_size_0:
called_computation_lowered:
.L_overlay_start_0:
0x88: {  	s2 =	sld [smem:$0x3FD9]  }
0x89: {  	s3 =	sld [smem:$0x3FFE];
	_ =	sdelay $0x1  }
0x8a: {  	s1 =	srdreg.scid  }
0x8b: {  	s0 =	sand.u32 $0x1, s1  }
0x8c: {  	s16 =	sshll.u32 s0, $0xA;
	s2 =	sadd.s32 s3, s2  }
0x8d: {  	s2 =	sadd.s32 s2, s16  }
0x8e: {  	[smem:$0x3FC5] =	sst s2  }
0x8f: {  	_ = 	snop  }
0x90: {  	(tm) =	ssettm $0x1  }
0x91: {  	s17 =	sld [smem:$0x3FFB];
	_ =	sdelay $0x3  }
0x92: {  	_ =	strace s17  }
0x93: {  	s2 =	sld [smem:$0x3FFC];
	_ =	sdelay $0x3  }
0x94: {  	_ =	strace s2  }
0x95: {  	s2 =	sld [smem:$0x3FFD];
	_ =	sdelay $0x3  }
0x96: {  	_ =	strace s2  }
0x97: {  	_ =	strace $0x8FFFFFFF  }
0x98: {  	s18 =	sld [smem:$0x3FDB];
	_ =	sdelay $0x1  }
0x99: {  	s19 =	simm.s32 $_scs_section_size  }
0x9a: {  	s4 =	simm.s32 $_size__tile_overlayer_lowered;
	s5 =	simm.s32 $_tile_overlayer_lowered  }
0x9b: {  	s22 =	simm.s32 $0x1BFF;
	s21 =	sshll.u32 s5, $0x1;
	s2 =	sadd.s32 s19, s18  }
0x9c: {  	s6 =	simm.s32 $0x0;
	s20 =	sshll.u32 s4, $0x1;
	s4 =	sadd.s32 s21, s2  }
0x9d: {  	[timem:s6], [sflag:s22] =	dma.local [hbm:s4], s20  }
0x9e: {  	_ =	swait.ge [sflag:s22], s20  }
0x9f: {  	s3 =	ssub.s32 $0x0, s20;
	[sflag:s22] =	ssyncset.done $0x0  }
0xa0: {  	[sflag:s22] =	ssyncadd.s32 s3;
	_ =	sdelay $0x1  }
0xa1: {  	s23 =	simm.s32 $0x1B8B  }
0xa2: {  	_ =	swait.ge [sflag:s23], $0x1  }
0xa3: {  	[sflag:s23] =	ssyncset.done $0x0  }
0xa4: {  	s25 =	simm.s32 $0x1B8E;
	s24 =	sld [smem:$0x3FFE];
	[sflag:s23] =	ssyncadd.s32 $0xFFFFFFFF  }
0xa5: {  	s26 =	simm.s32 $execute0_lowered;
	[smem:$0x3FD2] =	sst s25  }
0xa6: {  	s4 =	sshll.u32 s26, $0x1;
	_ =	strace $0x80000046;
	[dreg:$0x1] =	wrdreg $0xFFFFFFFF  }
0xa7: {  	s28 =	simm.s32 $_size_execute0_lowered;
	s2 =	sadd.s32 s2, s4;
	[dreg:$0x0] =	wrdreg $0x0  }
0xa8: {  	s4 =	sshll.u32 s28, $0x1;
	[dreg:$0x2] =	wrdreg s2  }
0xa9: {  	[dreg:$0x3] =	wrdreg s4  }
0xaa: {  	[dreg:$0x4] =	wrdreg $0xC0  }
0xab: {  	_ =	task [dreg:s6], $0x5FFFF  }
0xac: {  	[dreg:$0x1] =	wrdreg $0xFFFFFFFF  }
0xad: {  	[dreg:$0x0] =	wrdreg $0x60  }
0xae: {  	[dreg:$0x2] =	wrdreg s24  }
0xaf: {  	[dreg:$0x3] =	wrdreg $0x9  }
0xb0: {  	_ =	task.clear_ibuf [dreg:s6], $0x4FFFF;
	_ =	strace $0x90000046  }
0xb1: {  	s29 =	simm.s32 $0x9;
	_ =	strace $0x80000048  }
0xb2: {  	_ =	swait.ge [sflag:s29], $0x1  }
0xb3: {  	[sflag:s29] =	ssyncadd.s32 $0xFFFFFFFF  }
0xb4: {  	_ =	strace $0x90000048  }
0xb5: {  	_ =	sfence  }
0xb6: {  	s30 =	sld [smem:$0x0];
	_ =	sdelay $0x2  }
0xb7: {  	s31 =	sshll.u32 s1, $0xD;
	s1 =	sshrl.u32 s1, $0x2  }
0xb8: {  	s3 =	sand.u32 $0x4000, s31;
	s1 =	sadd.s32 s1, s30  }
0xb9: {  	s0 =	sor.u32 s3, s0;
	s1 =	sshll.u32 s1, $0x11  }
0xba: {  	s0 =	sor.u32 s1, s0  }
0xbb: {  	s0 =	sadd.s32 $0x8F2B, s0  }
0xbc: {  	[sflag:s0] =	ssyncadd.remote.s32 $0x1  }
0xbd: {  	_ =	sfence.sel $0xFFFF  }
0xbe: {  	[dreg:$0x0] =	wrdreg $0xFFFFFFFF;
	(pc) =	sbr.abs _section_cstart, $3  }
0xbf: {  	[dreg:$0x1] =	wrdreg $0xFFFFFFFF  }
0xc0: {  	_ =	task.clear_ibuf [dreg:s6], $0x2FFFF;
	_ =	strace $0x9FFFFFFF  }
0xc1: {  	(tm) =	ssettm $0x7FFFFFFF  }
tec
execute0_lowered:
.L_overlay_start_1:
0x0: {  	(tag) =	ssettag $0x1  }
0x1: {  	s9 =	rddreg [dreg:$0x0]  }
0x2: {  	s0 =	rddreg [dreg:$0x1];
	s1 =	simm.s32 $0x0  }
0x3: {  	s2 =	srdreg.scid;
	s12 =	simm.s32 $0x1;
	s13 =	simm.s32 $0x10000  }
0x4: {  	s14 =	simm.s32 $0x2;
	s15 =	simm.s32 $0x4;
	s16 =	simm.s32 $0x14000  }
0x5: {  	s17 =	simm.s32 $0x3;
	[smem:$0x7FF] =	sst s1;
	s6 =	sadd.s32 $0xE00, s9  }
0x6: {  	s3 =	sand.u32 $0x1, s2;
	s2 =	stileid.u32;
	s7 =	sadd.s32 $0xF43200, s9  }
0x7: {  	_ =	strace $0x80000047;
	s4 =	ssub.s32 $0x2, s3;
	s3 =	sshll.u32 s3, $0x4  }
0x8: {  	s8 =	sor.u32 $0xF40, s2;
	s5 =	sshrl.u32 s4, $0x1;
	s18 =	sor.u32 s2, s3  }
0x9: {  	s11 =	sshll.u32 s8, $0xC;
	s8 =	sshll.u32 s8, $0xB;
	s10 =	ssub.s32 s4, s5  }
.Ltmp0:
0xa: {  	s3 =	sshll.u32 s18, $0xC;
	s31 =	sshll.u32 s18, $0xB;
	(pc) =	sbr.rel .LBB2_1-.Ltmp0, $4  }
0xb: {  	p0 =	sgt.u32 s18, $0x1;
	p1 =	sne.s32 s18, $0x2;
	s18 =	simm.s32 $0x0  }
0xc: {  	s3 =	sadd.s32 s6, s3;
	s4 =	sadd.s32 s7, s31;
	s6 =	sadd.s32 s6, s11  }
0xd: {  	s7 =	sadd.s32 s7, s8;
	s8 =	sadd.s32 $0xF42E00, s9;
	s9 =	sadd.s32 $0x16E4200, s9  }
0xe: {  	s10 =	smax.u32 s10, $0x1;
	s11 =	simm.s32 $0x8000;
	s5 =	sadd.s32 $0x40000, s3  }
.LBB2_19:
0xf: {  	s18 =	sadd.s32 $0x1, s18  }
0x10: {  	p2 =	sne.s32 s18, s10  }
.Ltmp1:
0x11: {  	_ = 	snop;
	(pc) =	sbr.rel @!p2 .LBB2_20-.Ltmp1, $1  }
0x12: {  	_ =	sdelay $0x3  }
.LBB2_1:
0x13: {  	[tilespmem:s1], [sflag:$0x1] =	stream.linear.gather [hbm4b:s3+s1], $0x8000, $0x38;
	[tilespmem:$0x18000] =	vst v63  }
0x14: {  	s19 =	simm.s32 $0x0  }
.LBB2_2:
0x15: {  	s20 =	sshllo.u32 s19, $0x1  }
0x16: {  	s21 =	sshll.u32 s20, $0x11  }
0x17: {  	s21 =	sadd.s32 s21, s3  }
0x18: {  	[tilespmem:s11], [sflag:$0x2] =	stream.linear.gather [hbm4b:s21+s1], $0x8000, $0x38;
	[tilespmem:$0x18000] =	vst v63  }
0x19: {  	_ =	swait.ge [sflag:s12], $0x8000  }
0x1a: {  	p2 =	seq.s32 s19, $0x0;
	[sflag:s12] =	ssyncset.done $0x0  }
0x1b: {  	s21 =	simm.s32 @!p2 $0x3;
	[sflag:s12] =	ssyncadd.s32 $0xFFFF8000  }
0x1c: {  	_ =	swait.ge @!p2 [sflag:s21], $0x4000  }
0x1d: {  	[sflag:s21] =	ssyncset.done @!p2 $0x0  }
0x1e: {  	s24 =	simm.s32 $0x200;
	[sflag:s21] =	ssyncadd.s32 @!p2 $0xFFFFC000  }
0x1f: {  	v0 =	vld [tilespmem:s24+$0x100]  }
0x20: {  	v2 =	vld [tilespmem:s24+$0x0]  }
0x21: {  	v1 =	vld [tilespmem:s24+$0xFFFFFF00]  }
0x22: {  	v3 =	vld [tilespmem:s24+$0xFFFFFE00]  }
0x23: {  	s21 =	simm.s32 $0x10100  }
0x24: {  	[tilespmem:s21+$0x80] =	vst v0  }
0x25: {  	[tilespmem:s21+$0x0] =	vst v2;
	v0 =	vld [tilespmem:s24+$0x110]  }
0x26: {  	[tilespmem:s21+$0xFFFFFF80] =	vst v1;
	v2 =	vld [tilespmem:s24+$0x10]  }
0x27: {  	[tilespmem:s21+$0xFFFFFF00] =	vst v3;
	v1 =	vld [tilespmem:s24+$0xFFFFFF10]  }
0x28: {  	v3 =	vld [tilespmem:s24+$0xFFFFFE10];
	_ =	sdelay $0x1  }
0x29: {  	[tilespmem:s21+$0x90] =	vst v0  }
0x2a: {  	[tilespmem:s21+$0x10] =	vst v2;
	v0 =	vld [tilespmem:s24+$0x120]  }
0x2b: {  	[tilespmem:s21+$0xFFFFFF90] =	vst v1;
	v2 =	vld [tilespmem:s24+$0x20]  }
0x2c: {  	[tilespmem:s21+$0xFFFFFF10] =	vst v3;
	v1 =	vld [tilespmem:s24+$0xFFFFFF20]  }
0x2d: {  	v3 =	vld [tilespmem:s24+$0xFFFFFE20];
	_ =	sdelay $0x1  }
0x2e: {  	[tilespmem:s21+$0xA0] =	vst v0  }
0x2f: {  	[tilespmem:s21+$0x20] =	vst v2;
	v0 =	vld [tilespmem:s24+$0x130]  }
0x30: {  	[tilespmem:s21+$0xFFFFFFA0] =	vst v1;
	v2 =	vld [tilespmem:s24+$0x30]  }
0x31: {  	[tilespmem:s21+$0xFFFFFF20] =	vst v3;
	v1 =	vld [tilespmem:s24+$0xFFFFFF30]  }
0x32: {  	v3 =	vld [tilespmem:s24+$0xFFFFFE30];
	_ =	sdelay $0x1  }
0x33: {  	[tilespmem:s21+$0xB0] =	vst v0  }
0x34: {  	[tilespmem:s21+$0x30] =	vst v2;
	v0 =	vld [tilespmem:s24+$0x180]  }
0x35: {  	[tilespmem:s21+$0xFFFFFFB0] =	vst v1;
	v2 =	vld [tilespmem:s24+$0x80]  }
0x36: {  	[tilespmem:s21+$0xFFFFFF30] =	vst v3;
	v1 =	vld [tilespmem:s24+$0xFFFFFF80]  }
0x37: {  	v3 =	vld [tilespmem:s24+$0xFFFFFE80]  }
0x38: {  	s22 =	simm.s32 $0x600  }
0x39: {  	v4 =	vld [tilespmem:s22+$0x100];
	[tilespmem:s21+$0xC0] =	vst v0  }
0x3a: {  	[tilespmem:s21+$0x40] =	vst v2;
	v2 =	vld [tilespmem:s22+$0xFFFFFF00]  }
0x3b: {  	[tilespmem:s21+$0xFFFFFFC0] =	vst v1;
	v0 =	vld [tilespmem:s24+$0x190]  }
0x3c: {  	[tilespmem:s21+$0xFFFFFF40] =	vst v3;
	v3 =	vld [tilespmem:s22+$0x0]  }
0x3d: {  	s23 =	simm.s32 $0x10300;
	v1 =	vld [tilespmem:s24+$0xFFFFFF90]  }
0x3e: {  	v5 =	vld [tilespmem:s22+$0xFFFFFE00];
	[tilespmem:s23+$0x80] =	vst v4  }
0x3f: {  	[tilespmem:s23+$0xFFFFFF80] =	vst v2;
	v2 =	vld [tilespmem:s22+$0x110]  }
0x40: {  	[tilespmem:s21+$0xD0] =	vst v0;
	v4 =	vld [tilespmem:s22+$0xFFFFFF10]  }
0x41: {  	[tilespmem:s23+$0x0] =	vst v3;
	v0 =	vld [tilespmem:s24+$0x1A0]  }
0x42: {  	[tilespmem:s21+$0xFFFFFFD0] =	vst v1;
	v1 =	vld [tilespmem:s24+$0xFFFFFE90]  }
0x43: {  	[tilespmem:s23+$0xFFFFFF00] =	vst v5;
	v3 =	vld [tilespmem:s22+$0x10]  }
0x44: {  	v5 =	vld [tilespmem:s22+$0xFFFFFE10];
	[tilespmem:s23+$0x90] =	vst v2  }
0x45: {  	[tilespmem:s23+$0xFFFFFF90] =	vst v4;
	v2 =	vld [tilespmem:s22+$0x120]  }
0x46: {  	[tilespmem:s21+$0xE0] =	vst v0;
	v4 =	vld [tilespmem:s22+$0xFFFFFF20]  }
0x47: {  	[tilespmem:s21+$0xFFFFFF50] =	vst v1;
	v0 =	vld [tilespmem:s24+$0x1B0]  }
0x48: {  	v1 =	vld [tilespmem:s24+$0x90];
	[tilespmem:s23+$0x10] =	vst v3  }
0x49: {  	[tilespmem:s23+$0xFFFFFF10] =	vst v5;
	v3 =	vld [tilespmem:s22+$0x20]  }
0x4a: {  	v5 =	vld [tilespmem:s22+$0xFFFFFE20];
	[tilespmem:s23+$0xA0] =	vst v2  }
0x4b: {  	[tilespmem:s23+$0xFFFFFFA0] =	vst v4;
	v2 =	vld [tilespmem:s22+$0x130]  }
0x4c: {  	[tilespmem:s21+$0xF0] =	vst v0;
	v0 =	vld [tilespmem:s24+$0xFFFFFEA0]  }
0x4d: {  	[tilespmem:s21+$0x50] =	vst v1;
	v4 =	vld [tilespmem:s22+$0xFFFFFF30]  }
0x4e: {  	v1 =	vld [tilespmem:s24+$0xFFFFFFA0];
	[tilespmem:s23+$0x20] =	vst v3  }
0x4f: {  	[tilespmem:s23+$0xFFFFFF20] =	vst v5;
	v3 =	vld [tilespmem:s22+$0x30]  }
0x50: {  	v5 =	vld [tilespmem:s22+$0xFFFFFE30];
	[tilespmem:s23+$0xB0] =	vst v2  }
0x51: {  	[tilespmem:s21+$0xFFFFFF60] =	vst v0;
	v0 =	vld [tilespmem:s24+$0xA0]  }
0x52: {  	[tilespmem:s23+$0xFFFFFFB0] =	vst v4;
	v4 =	vld [tilespmem:s22+$0x180]  }
0x53: {  	[tilespmem:s21+$0xFFFFFFE0] =	vst v1;
	v1 =	vld [tilespmem:s24+$0xFFFFFEB0]  }
0x54: {  	[tilespmem:s23+$0x30] =	vst v3;
	v6 =	vld [tilespmem:s22+$0xFFFFFF80]  }
0x55: {  	[tilespmem:s23+$0xFFFFFF30] =	vst v5;
	v5 =	vld [tilespmem:s22+$0x80]  }
0x56: {  	v2 =	vld [tilespmem:s22+$0xFFFFFE80];
	[tilespmem:s21+$0x60] =	vst v0  }
0x57: {  	v0 =	vld [tilespmem:s24+$0xFFFFFFB0];
	[tilespmem:s23+$0xC0] =	vst v4  }
0x58: {  	[tilespmem:s21+$0xFFFFFF70] =	vst v1;
	v1 =	vld [tilespmem:s24+$0xB0]  }
0x59: {  	[tilespmem:s23+$0xFFFFFFC0] =	vst v6;
	v4 =	vld [tilespmem:s22+$0x190]  }
0x5a: {  	s25 =	simm.s32 $0xA00;
	s24 =	simm.s32 $0x4;
	[tilespmem:s23+$0x40] =	vst v5;
	v3 =	vld [tilespmem:s22+$0xFFFFFF90]  }
.LBB2_3:
0x5b: {  	v5 =	vld [tilespmem:s25+$0x100];
	s24 =	sadd.s32 $0x4, s24;
	[tilespmem:s23+$0xFFFFFF40] =	vst v2  }
0x5c: {  	v2 =	vld [tilespmem:s25+$0xFFFFFF00];
	p3 =	slt.u32 s24, $0x7C;
	[tilespmem:s21+$0xFFFFFFF0] =	vst v0  }
0x5d: {  	v0 =	vld [tilespmem:s25+$0x0];
	[tilespmem:s21+$0x70] =	vst v1;
	s21 =	smov.u32 s23  }
0x5e: {  	v1 =	vld [tilespmem:s25+$0xFFFFFE00];
	[tilespmem:s23+$0xD0] =	vst v4  }
0x5f: {  	s23 =	sadd.s32 $0x200, s23;
	[tilespmem:s21+$0xFFFFFFD0] =	vst v3;
	v3 =	vld [tilespmem:s22+$0x1A0]  }
0x60: {  	[tilespmem:s23+$0x80] =	vst v5;
	v4 =	vld [tilespmem:s22+$0xFFFFFE90]  }
0x61: {  	[tilespmem:s23+$0xFFFFFF80] =	vst v2;
	v2 =	vld [tilespmem:s25+$0x110]  }
0x62: {  	v5 =	vld [tilespmem:s25+$0xFFFFFF10];
	[tilespmem:s23+$0x0] =	vst v0  }
0x63: {  	[tilespmem:s23+$0xFFFFFF00] =	vst v1;
	v0 =	vld [tilespmem:s25+$0x10]  }
0x64: {  	v1 =	vld [tilespmem:s25+$0xFFFFFE10];
	[tilespmem:s21+$0xE0] =	vst v3  }
0x65: {  	[tilespmem:s21+$0xFFFFFF50] =	vst v4;
	v3 =	vld [tilespmem:s22+$0x1B0]  }
0x66: {  	[tilespmem:s23+$0x90] =	vst v2;
	v2 =	vld [tilespmem:s22+$0x90]  }
0x67: {  	[tilespmem:s23+$0xFFFFFF90] =	vst v5;
	v4 =	vld [tilespmem:s25+$0x120]  }
0x68: {  	v5 =	vld [tilespmem:s25+$0xFFFFFF20];
	[tilespmem:s23+$0x10] =	vst v0  }
0x69: {  	[tilespmem:s23+$0xFFFFFF10] =	vst v1;
	v0 =	vld [tilespmem:s25+$0x20]  }
0x6a: {  	v1 =	vld [tilespmem:s25+$0xFFFFFE20];
	[tilespmem:s21+$0xF0] =	vst v3  }
0x6b: {  	v3 =	vld [tilespmem:s22+$0xFFFFFEA0];
	[tilespmem:s21+$0x50] =	vst v2  }
0x6c: {  	[tilespmem:s23+$0xA0] =	vst v4;
	v2 =	vld [tilespmem:s22+$0xFFFFFFA0]  }
0x6d: {  	[tilespmem:s23+$0xFFFFFFA0] =	vst v5;
	v4 =	vld [tilespmem:s25+$0x130]  }
0x6e: {  	v5 =	vld [tilespmem:s25+$0xFFFFFF30];
	[tilespmem:s23+$0x20] =	vst v0  }
0x6f: {  	[tilespmem:s23+$0xFFFFFF20] =	vst v1;
	v0 =	vld [tilespmem:s25+$0x30]  }
0x70: {  	v1 =	vld [tilespmem:s25+$0xFFFFFE30];
	[tilespmem:s21+$0xFFFFFF60] =	vst v3  }
0x71: {  	[tilespmem:s21+$0xFFFFFFE0] =	vst v2;
	v3 =	vld [tilespmem:s22+$0xA0]  }
0x72: {  	[tilespmem:s23+$0xB0] =	vst v4;
	v4 =	vld [tilespmem:s22+$0xFFFFFEB0]  }
0x73: {  	[tilespmem:s23+$0xFFFFFFB0] =	vst v5;
	v5 =	vld [tilespmem:s25+$0x180]  }
0x74: {  	v6 =	vld [tilespmem:s25+$0xFFFFFF80];
	[tilespmem:s23+$0x30] =	vst v0  }
0x75: {  	[tilespmem:s23+$0xFFFFFF30] =	vst v1;
	v7 =	vld [tilespmem:s25+$0x80]  }
.Ltmp2:
0x76: {  	v2 =	vld [tilespmem:s25+$0xFFFFFE80];
	[tilespmem:s21+$0x60] =	vst v3;
	(pc) =	sbr.rel @p3 .LBB2_3-.Ltmp2, $4  }
0x77: {  	[tilespmem:s21+$0xFFFFFF70] =	vst v4;
	v0 =	vld [tilespmem:s22+$0xFFFFFFB0]  }
0x78: {  	[tilespmem:s23+$0xC0] =	vst v5;
	v1 =	vld [tilespmem:s22+$0xB0];
	s22 =	smov.u32 s25  }
0x79: {  	[tilespmem:s23+$0xFFFFFFC0] =	vst v6;
	v4 =	vld [tilespmem:s25+$0x190]  }
0x7a: {  	s25 =	sadd.s32 $0x400, s25;
	v3 =	vld [tilespmem:s22+$0xFFFFFF90];
	[tilespmem:s23+$0x40] =	vst v7  }
0x7b: {  	[tilespmem:s23+$0xFFFFFF40] =	vst v2;
	v5 =	vld [tilespmem:s22+$0x90]  }
0x7c: {  	v2 =	vld [tilespmem:s22+$0xFFFFFE90];
	_ =	sdelay $0x1  }
0x7d: {  	[tilespmem:s23+$0xD0] =	vst v4  }
0x7e: {  	v4 =	vld [tilespmem:s22+$0x1A0];
	[tilespmem:s23+$0xFFFFFFD0] =	vst v3  }
0x7f: {  	[tilespmem:s23+$0x50] =	vst v5;
	v3 =	vld [tilespmem:s22+$0xFFFFFFA0]  }
0x80: {  	[tilespmem:s23+$0xFFFFFF50] =	vst v2;
	v5 =	vld [tilespmem:s22+$0xA0]  }
0x81: {  	v2 =	vld [tilespmem:s22+$0xFFFFFEA0];
	_ =	sdelay $0x1  }
0x82: {  	[tilespmem:s23+$0xE0] =	vst v4  }
0x83: {  	v60 =	vld [tilespmem:s22+$0x1B0];
	[tilespmem:s23+$0xFFFFFFE0] =	vst v3  }
0x84: {  	[tilespmem:s23+$0x60] =	vst v5;
	v62 =	vld [tilespmem:s22+$0xFFFFFFB0]  }
0x85: {  	[tilespmem:s23+$0xFFFFFF60] =	vst v2;
	v63 =	vld [tilespmem:s22+$0xB0]  }
0x86: {  	[tilespmem:s21+$0xFFFFFFF0] =	vst v0;
	v61 =	vld [tilespmem:s22+$0xFFFFFEB0]  }
0x87: {  	p3 =	sne.s32 s19, $0x3C;
	[tilespmem:s21+$0x70] =	vst v1  }
.Ltmp3:
0x88: {  	[tilespmem:s23+$0xF0] =	vst v60;
	(pc) =	sbr.rel @p3 .LBB2_6-.Ltmp3, $4  }
0x89: {  	[tilespmem:s23+$0xFFFFFFF0] =	vst v62  }
0x8a: {  	s31 =	sshll.u32 s19, $0x11;
	[tilespmem:s23+$0x70] =	vst v63  }
0x8b: {  	s21 =	sadd.s32 s31, s4;
	[tilespmem:s23+$0xFFFFFF70] =	vst v61  }
0x8c: {  	[hbm4b:s21+s1] =	stream.linear.scatter [tilespmem:s13], [sflag:$0x3], $0x4000, $0x38;
	[tilespmem:$0x18000] =	vst v63  }
.Ltmp4:
0x8d: {  	(pc) =	sbr.rel .LBB2_7-.Ltmp4, $4  }
0x8e: {  	_ = 	snop  }
0x8f: {  	_ =	swait.ge [sflag:s14], $0x8000  }
0x90: {  	[sflag:s14] =	ssyncset.done $0x0  }
0x91: {  	[sflag:s14] =	ssyncadd.s32 $0xFFFF8000  }
.LBB2_6:
0x92: {  	s21 =	sshll.u32 s19, $0x12  }
.Ltmp5:
0x93: {  	s21 =	sadd.s32 s21, s5;
	(pc) =	sbr.rel @p2 .LBB2_8-.Ltmp5, $4  }
0x94: {  	[tilespmem:s1], [sflag:$0x1] =	stream.linear.gather [hbm4b:s21+s1], $0x8000, $0x38;
	[tilespmem:$0x18000] =	vst v63  }
0x95: {  	_ =	swait.ge [sflag:s14], $0x8000  }
0x96: {  	[sflag:s14] =	ssyncset.done $0x0  }
0x97: {  	[sflag:s14] =	ssyncadd.s32 $0xFFFF8000  }
.LBB2_7:
0x98: {  	_ =	swait.ge [sflag:s15], $0x4000  }
0x99: {  	[sflag:s15] =	ssyncset.done $0x0  }
0x9a: {  	[sflag:s15] =	ssyncadd.s32 $0xFFFFC000  }
.LBB2_8:
0x9b: {  	s24 =	simm.s32 $0x8000  }
0x9c: {  	v0 =	vld [tilespmem:s24+$0x300]  }
0x9d: {  	v2 =	vld [tilespmem:s24+$0x200]  }
0x9e: {  	v1 =	vld [tilespmem:s24+$0x100]  }
0x9f: {  	v3 =	vld [tilespmem:s24+$0x0]  }
0xa0: {  	s21 =	simm.s32 $0x14000  }
0xa1: {  	[tilespmem:s21+$0x180] =	vst v0  }
0xa2: {  	[tilespmem:s21+$0x100] =	vst v2;
	v0 =	vld [tilespmem:s24+$0x310]  }
0xa3: {  	[tilespmem:s21+$0x80] =	vst v1;
	v2 =	vld [tilespmem:s24+$0x210]  }
0xa4: {  	[tilespmem:s21+$0x0] =	vst v3;
	v1 =	vld [tilespmem:s24+$0x110]  }
0xa5: {  	v3 =	vld [tilespmem:s24+$0x10];
	_ =	sdelay $0x1  }
0xa6: {  	[tilespmem:s21+$0x190] =	vst v0  }
0xa7: {  	[tilespmem:s21+$0x110] =	vst v2;
	v0 =	vld [tilespmem:s24+$0x320]  }
0xa8: {  	[tilespmem:s21+$0x90] =	vst v1;
	v2 =	vld [tilespmem:s24+$0x220]  }
0xa9: {  	[tilespmem:s21+$0x10] =	vst v3;
	v1 =	vld [tilespmem:s24+$0x120]  }
0xaa: {  	v3 =	vld [tilespmem:s24+$0x20];
	_ =	sdelay $0x1  }
0xab: {  	[tilespmem:s21+$0x1A0] =	vst v0  }
0xac: {  	[tilespmem:s21+$0x120] =	vst v2;
	v0 =	vld [tilespmem:s24+$0x330]  }
0xad: {  	[tilespmem:s21+$0xA0] =	vst v1;
	v2 =	vld [tilespmem:s24+$0x230]  }
0xae: {  	[tilespmem:s21+$0x20] =	vst v3;
	v1 =	vld [tilespmem:s24+$0x130]  }
0xaf: {  	v3 =	vld [tilespmem:s24+$0x30];
	_ =	sdelay $0x1  }
0xb0: {  	[tilespmem:s21+$0x1B0] =	vst v0  }
0xb1: {  	[tilespmem:s21+$0x130] =	vst v2;
	v0 =	vld [tilespmem:s24+$0x380]  }
0xb2: {  	[tilespmem:s21+$0xB0] =	vst v1;
	v2 =	vld [tilespmem:s24+$0x280]  }
0xb3: {  	[tilespmem:s21+$0x30] =	vst v3;
	v1 =	vld [tilespmem:s24+$0x180]  }
0xb4: {  	v3 =	vld [tilespmem:s24+$0x80]  }
0xb5: {  	s22 =	simm.s32 $0x8400  }
0xb6: {  	v4 =	vld [tilespmem:s22+$0x300];
	[tilespmem:s21+$0x1C0] =	vst v0  }
0xb7: {  	[tilespmem:s21+$0x140] =	vst v2;
	v2 =	vld [tilespmem:s22+$0x100]  }
0xb8: {  	[tilespmem:s21+$0xC0] =	vst v1;
	v0 =	vld [tilespmem:s24+$0x390]  }
0xb9: {  	[tilespmem:s21+$0x40] =	vst v3;
	v3 =	vld [tilespmem:s22+$0x200]  }
0xba: {  	s23 =	simm.s32 $0x14200;
	v1 =	vld [tilespmem:s24+$0x190]  }
0xbb: {  	v5 =	vld [tilespmem:s22+$0x0];
	[tilespmem:s23+$0x180] =	vst v4  }
0xbc: {  	[tilespmem:s23+$0x80] =	vst v2;
	v2 =	vld [tilespmem:s22+$0x310]  }
0xbd: {  	[tilespmem:s21+$0x1D0] =	vst v0;
	v4 =	vld [tilespmem:s22+$0x110]  }
0xbe: {  	[tilespmem:s23+$0x100] =	vst v3;
	v0 =	vld [tilespmem:s24+$0x3A0]  }
0xbf: {  	[tilespmem:s21+$0xD0] =	vst v1;
	v1 =	vld [tilespmem:s24+$0x90]  }
0xc0: {  	[tilespmem:s23+$0x0] =	vst v5;
	v3 =	vld [tilespmem:s22+$0x210]  }
0xc1: {  	v5 =	vld [tilespmem:s22+$0x10];
	[tilespmem:s23+$0x190] =	vst v2  }
0xc2: {  	[tilespmem:s23+$0x90] =	vst v4;
	v2 =	vld [tilespmem:s22+$0x320]  }
0xc3: {  	[tilespmem:s21+$0x1E0] =	vst v0;
	v4 =	vld [tilespmem:s22+$0x120]  }
0xc4: {  	[tilespmem:s21+$0x50] =	vst v1;
	v0 =	vld [tilespmem:s24+$0x3B0]  }
0xc5: {  	v1 =	vld [tilespmem:s24+$0x290];
	[tilespmem:s23+$0x110] =	vst v3  }
0xc6: {  	[tilespmem:s23+$0x10] =	vst v5;
	v3 =	vld [tilespmem:s22+$0x220]  }
0xc7: {  	v5 =	vld [tilespmem:s22+$0x20];
	[tilespmem:s23+$0x1A0] =	vst v2  }
0xc8: {  	[tilespmem:s23+$0xA0] =	vst v4;
	v2 =	vld [tilespmem:s22+$0x330]  }
0xc9: {  	[tilespmem:s21+$0x1F0] =	vst v0;
	v0 =	vld [tilespmem:s24+$0xA0]  }
0xca: {  	[tilespmem:s21+$0x150] =	vst v1;
	v4 =	vld [tilespmem:s22+$0x130]  }
0xcb: {  	v1 =	vld [tilespmem:s24+$0x1A0];
	[tilespmem:s23+$0x120] =	vst v3  }
0xcc: {  	[tilespmem:s23+$0x20] =	vst v5;
	v3 =	vld [tilespmem:s22+$0x230]  }
0xcd: {  	v5 =	vld [tilespmem:s22+$0x30];
	[tilespmem:s23+$0x1B0] =	vst v2  }
0xce: {  	[tilespmem:s21+$0x60] =	vst v0;
	v0 =	vld [tilespmem:s24+$0x2A0]  }
0xcf: {  	[tilespmem:s23+$0xB0] =	vst v4;
	v4 =	vld [tilespmem:s22+$0x380]  }
0xd0: {  	[tilespmem:s21+$0xE0] =	vst v1;
	v1 =	vld [tilespmem:s24+$0xB0]  }
0xd1: {  	[tilespmem:s23+$0x130] =	vst v3;
	v6 =	vld [tilespmem:s22+$0x180]  }
0xd2: {  	[tilespmem:s23+$0x30] =	vst v5;
	v5 =	vld [tilespmem:s22+$0x280]  }
0xd3: {  	v2 =	vld [tilespmem:s22+$0x80];
	[tilespmem:s21+$0x160] =	vst v0  }
0xd4: {  	v0 =	vld [tilespmem:s24+$0x1B0];
	[tilespmem:s23+$0x1C0] =	vst v4  }
0xd5: {  	[tilespmem:s21+$0x70] =	vst v1;
	v1 =	vld [tilespmem:s24+$0x2B0]  }
0xd6: {  	[tilespmem:s23+$0xC0] =	vst v6;
	v4 =	vld [tilespmem:s22+$0x390]  }
0xd7: {  	s25 =	simm.s32 $0x8800;
	s24 =	simm.s32 $0x4;
	[tilespmem:s23+$0x140] =	vst v5;
	v3 =	vld [tilespmem:s22+$0x190]  }
.LBB2_9:
0xd8: {  	v5 =	vld [tilespmem:s25+$0x300];
	s24 =	sadd.s32 $0x4, s24;
	[tilespmem:s23+$0x40] =	vst v2  }
0xd9: {  	v2 =	vld [tilespmem:s25+$0x100];
	p2 =	slt.u32 s24, $0x7C;
	[tilespmem:s21+$0xF0] =	vst v0  }
0xda: {  	v0 =	vld [tilespmem:s25+$0x200];
	[tilespmem:s21+$0x170] =	vst v1;
	s21 =	smov.u32 s23  }
0xdb: {  	v1 =	vld [tilespmem:s25+$0x0];
	[tilespmem:s23+$0x1D0] =	vst v4  }
0xdc: {  	s23 =	sadd.s32 $0x200, s23;
	[tilespmem:s21+$0xD0] =	vst v3;
	v3 =	vld [tilespmem:s22+$0x3A0]  }
0xdd: {  	[tilespmem:s23+$0x180] =	vst v5;
	v4 =	vld [tilespmem:s22+$0x90]  }
0xde: {  	[tilespmem:s23+$0x80] =	vst v2;
	v2 =	vld [tilespmem:s25+$0x310]  }
0xdf: {  	v5 =	vld [tilespmem:s25+$0x110];
	[tilespmem:s23+$0x100] =	vst v0  }
0xe0: {  	[tilespmem:s23+$0x0] =	vst v1;
	v0 =	vld [tilespmem:s25+$0x210]  }
0xe1: {  	v1 =	vld [tilespmem:s25+$0x10];
	[tilespmem:s21+$0x1E0] =	vst v3  }
0xe2: {  	[tilespmem:s21+$0x50] =	vst v4;
	v3 =	vld [tilespmem:s22+$0x3B0]  }
0xe3: {  	[tilespmem:s23+$0x190] =	vst v2;
	v2 =	vld [tilespmem:s22+$0x290]  }
0xe4: {  	[tilespmem:s23+$0x90] =	vst v5;
	v4 =	vld [tilespmem:s25+$0x320]  }
0xe5: {  	v5 =	vld [tilespmem:s25+$0x120];
	[tilespmem:s23+$0x110] =	vst v0  }
0xe6: {  	[tilespmem:s23+$0x10] =	vst v1;
	v0 =	vld [tilespmem:s25+$0x220]  }
0xe7: {  	v1 =	vld [tilespmem:s25+$0x20];
	[tilespmem:s21+$0x1F0] =	vst v3  }
0xe8: {  	v3 =	vld [tilespmem:s22+$0xA0];
	[tilespmem:s21+$0x150] =	vst v2  }
0xe9: {  	[tilespmem:s23+$0x1A0] =	vst v4;
	v2 =	vld [tilespmem:s22+$0x1A0]  }
0xea: {  	[tilespmem:s23+$0xA0] =	vst v5;
	v4 =	vld [tilespmem:s25+$0x330]  }
0xeb: {  	v5 =	vld [tilespmem:s25+$0x130];
	[tilespmem:s23+$0x120] =	vst v0  }
0xec: {  	[tilespmem:s23+$0x20] =	vst v1;
	v0 =	vld [tilespmem:s25+$0x230]  }
0xed: {  	v1 =	vld [tilespmem:s25+$0x30];
	[tilespmem:s21+$0x60] =	vst v3  }
0xee: {  	[tilespmem:s21+$0xE0] =	vst v2;
	v3 =	vld [tilespmem:s22+$0x2A0]  }
0xef: {  	[tilespmem:s23+$0x1B0] =	vst v4;
	v4 =	vld [tilespmem:s22+$0xB0]  }
0xf0: {  	[tilespmem:s23+$0xB0] =	vst v5;
	v5 =	vld [tilespmem:s25+$0x380]  }
0xf1: {  	v6 =	vld [tilespmem:s25+$0x180];
	[tilespmem:s23+$0x130] =	vst v0  }
0xf2: {  	[tilespmem:s23+$0x30] =	vst v1;
	v7 =	vld [tilespmem:s25+$0x280]  }
.Ltmp6:
0xf3: {  	v2 =	vld [tilespmem:s25+$0x80];
	[tilespmem:s21+$0x160] =	vst v3;
	(pc) =	sbr.rel @p2 .LBB2_9-.Ltmp6, $4  }
0xf4: {  	[tilespmem:s21+$0x70] =	vst v4;
	v0 =	vld [tilespmem:s22+$0x1B0]  }
0xf5: {  	[tilespmem:s23+$0x1C0] =	vst v5;
	v1 =	vld [tilespmem:s22+$0x2B0];
	s22 =	smov.u32 s25  }
0xf6: {  	[tilespmem:s23+$0xC0] =	vst v6;
	v4 =	vld [tilespmem:s25+$0x390]  }
0xf7: {  	s25 =	sadd.s32 $0x400, s25;
	v3 =	vld [tilespmem:s22+$0x190];
	[tilespmem:s23+$0x140] =	vst v7  }
0xf8: {  	[tilespmem:s23+$0x40] =	vst v2;
	v5 =	vld [tilespmem:s22+$0x290]  }
0xf9: {  	v2 =	vld [tilespmem:s22+$0x90];
	_ =	sdelay $0x1  }
0xfa: {  	[tilespmem:s23+$0x1D0] =	vst v4  }
0xfb: {  	v4 =	vld [tilespmem:s22+$0x3A0];
	[tilespmem:s23+$0xD0] =	vst v3  }
0xfc: {  	[tilespmem:s23+$0x150] =	vst v5;
	v3 =	vld [tilespmem:s22+$0x1A0]  }
0xfd: {  	[tilespmem:s23+$0x50] =	vst v2;
	v5 =	vld [tilespmem:s22+$0x2A0]  }
0xfe: {  	v2 =	vld [tilespmem:s22+$0xA0];
	_ =	sdelay $0x1  }
0xff: {  	[tilespmem:s23+$0x1E0] =	vst v4  }
0x100: {  	v60 =	vld [tilespmem:s22+$0x3B0];
	[tilespmem:s23+$0xE0] =	vst v3  }
0x101: {  	[tilespmem:s23+$0x160] =	vst v5;
	v62 =	vld [tilespmem:s22+$0x1B0]  }
0x102: {  	[tilespmem:s23+$0x60] =	vst v2;
	v63 =	vld [tilespmem:s22+$0x2B0]  }
0x103: {  	s19 =	sadd.s32 $0x1, s19;
	[tilespmem:s21+$0xF0] =	vst v0;
	v61 =	vld [tilespmem:s22+$0xB0]  }
0x104: {  	p2 =	sne.s32 s19, $0x3D;
	[tilespmem:s21+$0x170] =	vst v1  }
.Ltmp7:
0x105: {  	[tilespmem:s23+$0x1F0] =	vst v60;
	(pc) =	sbr.rel @p2 .LBB2_2-.Ltmp7, $4  }
0x106: {  	[tilespmem:s23+$0xF0] =	vst v62  }
0x107: {  	s20 =	sshll.u32 s20, $0x10;
	[tilespmem:s23+$0x170] =	vst v63  }
0x108: {  	s20 =	sadd.s32 s20, s4;
	[tilespmem:s23+$0x70] =	vst v61  }
0x109: {  	[hbm4b:s20+s1] =	stream.linear.scatter [tilespmem:s16], [sflag:$0x4], $0x4000, $0x38;
	[tilespmem:$0x18000] =	vst v63  }
0x10a: {  	_ =	swait.ge [sflag:s17], $0x4000  }
.Ltmp8:
0x10b: {  	[sflag:s17] =	ssyncset.done $0x0;
	(pc) =	sbr.rel @p0 .LBB2_15-.Ltmp8, $4  }
0x10c: {  	[sflag:s17] =	ssyncadd.s32 $0xFFFFC000  }
0x10d: {  	_ =	swait.ge [sflag:s15], $0x4000  }
0x10e: {  	[sflag:s15] =	ssyncset.done $0x0  }
0x10f: {  	[sflag:s15] =	ssyncadd.s32 $0xFFFFC000  }
0x110: {  	[tilespmem:s1], [sflag:$0x1] =	stream.linear.gather [hbm4b:s6+s1], $0x8000, $0x38;
	[tilespmem:$0x18000] =	vst v63  }
0x111: {  	_ =	swait.ge [sflag:s12], $0x8000  }
0x112: {  	[sflag:s12] =	ssyncset.done $0x0  }
0x113: {  	s22 =	simm.s32 $0x200;
	[sflag:s12] =	ssyncadd.s32 $0xFFFF8000  }
0x114: {  	v0 =	vld [tilespmem:s22+$0x100]  }
0x115: {  	v2 =	vld [tilespmem:s22+$0x0]  }
0x116: {  	v1 =	vld [tilespmem:s22+$0xFFFFFF00]  }
0x117: {  	v3 =	vld [tilespmem:s22+$0xFFFFFE00]  }
0x118: {  	s19 =	simm.s32 $0x10100  }
0x119: {  	[tilespmem:s19+$0x80] =	vst v0  }
0x11a: {  	[tilespmem:s19+$0x0] =	vst v2;
	v0 =	vld [tilespmem:s22+$0x110]  }
0x11b: {  	[tilespmem:s19+$0xFFFFFF80] =	vst v1;
	v2 =	vld [tilespmem:s22+$0x10]  }
0x11c: {  	[tilespmem:s19+$0xFFFFFF00] =	vst v3;
	v1 =	vld [tilespmem:s22+$0xFFFFFF10]  }
0x11d: {  	v3 =	vld [tilespmem:s22+$0xFFFFFE10];
	_ =	sdelay $0x1  }
0x11e: {  	[tilespmem:s19+$0x90] =	vst v0  }
0x11f: {  	[tilespmem:s19+$0x10] =	vst v2;
	v0 =	vld [tilespmem:s22+$0x120]  }
0x120: {  	[tilespmem:s19+$0xFFFFFF90] =	vst v1;
	v2 =	vld [tilespmem:s22+$0x20]  }
0x121: {  	[tilespmem:s19+$0xFFFFFF10] =	vst v3;
	v1 =	vld [tilespmem:s22+$0xFFFFFF20]  }
0x122: {  	v3 =	vld [tilespmem:s22+$0xFFFFFE20];
	_ =	sdelay $0x1  }
0x123: {  	[tilespmem:s19+$0xA0] =	vst v0  }
0x124: {  	[tilespmem:s19+$0x20] =	vst v2;
	v0 =	vld [tilespmem:s22+$0x130]  }
0x125: {  	[tilespmem:s19+$0xFFFFFFA0] =	vst v1;
	v2 =	vld [tilespmem:s22+$0x30]  }
0x126: {  	[tilespmem:s19+$0xFFFFFF20] =	vst v3;
	v1 =	vld [tilespmem:s22+$0xFFFFFF30]  }
0x127: {  	v3 =	vld [tilespmem:s22+$0xFFFFFE30];
	_ =	sdelay $0x1  }
0x128: {  	[tilespmem:s19+$0xB0] =	vst v0  }
0x129: {  	[tilespmem:s19+$0x30] =	vst v2;
	v0 =	vld [tilespmem:s22+$0x180]  }
0x12a: {  	[tilespmem:s19+$0xFFFFFFB0] =	vst v1;
	v2 =	vld [tilespmem:s22+$0x80]  }
0x12b: {  	[tilespmem:s19+$0xFFFFFF30] =	vst v3;
	v1 =	vld [tilespmem:s22+$0xFFFFFF80]  }
0x12c: {  	v3 =	vld [tilespmem:s22+$0xFFFFFE80]  }
0x12d: {  	s20 =	simm.s32 $0x600  }
0x12e: {  	v4 =	vld [tilespmem:s20+$0x100];
	[tilespmem:s19+$0xC0] =	vst v0  }
0x12f: {  	[tilespmem:s19+$0x40] =	vst v2;
	v2 =	vld [tilespmem:s20+$0xFFFFFF00]  }
0x130: {  	[tilespmem:s19+$0xFFFFFFC0] =	vst v1;
	v0 =	vld [tilespmem:s22+$0x190]  }
0x131: {  	[tilespmem:s19+$0xFFFFFF40] =	vst v3;
	v3 =	vld [tilespmem:s20+$0x0]  }
0x132: {  	s21 =	simm.s32 $0x10300;
	v1 =	vld [tilespmem:s22+$0xFFFFFF90]  }
0x133: {  	v5 =	vld [tilespmem:s20+$0xFFFFFE00];
	[tilespmem:s21+$0x80] =	vst v4  }
0x134: {  	[tilespmem:s21+$0xFFFFFF80] =	vst v2;
	v2 =	vld [tilespmem:s20+$0x110]  }
0x135: {  	[tilespmem:s19+$0xD0] =	vst v0;
	v4 =	vld [tilespmem:s20+$0xFFFFFF10]  }
0x136: {  	[tilespmem:s21+$0x0] =	vst v3;
	v0 =	vld [tilespmem:s22+$0x1A0]  }
0x137: {  	[tilespmem:s19+$0xFFFFFFD0] =	vst v1;
	v1 =	vld [tilespmem:s22+$0xFFFFFE90]  }
0x138: {  	[tilespmem:s21+$0xFFFFFF00] =	vst v5;
	v3 =	vld [tilespmem:s20+$0x10]  }
0x139: {  	v5 =	vld [tilespmem:s20+$0xFFFFFE10];
	[tilespmem:s21+$0x90] =	vst v2  }
0x13a: {  	[tilespmem:s21+$0xFFFFFF90] =	vst v4;
	v2 =	vld [tilespmem:s20+$0x120]  }
0x13b: {  	[tilespmem:s19+$0xE0] =	vst v0;
	v4 =	vld [tilespmem:s20+$0xFFFFFF20]  }
0x13c: {  	[tilespmem:s19+$0xFFFFFF50] =	vst v1;
	v0 =	vld [tilespmem:s22+$0x1B0]  }
0x13d: {  	v1 =	vld [tilespmem:s22+$0x90];
	[tilespmem:s21+$0x10] =	vst v3  }
0x13e: {  	[tilespmem:s21+$0xFFFFFF10] =	vst v5;
	v3 =	vld [tilespmem:s20+$0x20]  }
0x13f: {  	v5 =	vld [tilespmem:s20+$0xFFFFFE20];
	[tilespmem:s21+$0xA0] =	vst v2  }
0x140: {  	[tilespmem:s21+$0xFFFFFFA0] =	vst v4;
	v2 =	vld [tilespmem:s20+$0x130]  }
0x141: {  	[tilespmem:s19+$0xF0] =	vst v0;
	v0 =	vld [tilespmem:s22+$0xFFFFFEA0]  }
0x142: {  	[tilespmem:s19+$0x50] =	vst v1;
	v4 =	vld [tilespmem:s20+$0xFFFFFF30]  }
0x143: {  	v1 =	vld [tilespmem:s22+$0xFFFFFFA0];
	[tilespmem:s21+$0x20] =	vst v3  }
0x144: {  	[tilespmem:s21+$0xFFFFFF20] =	vst v5;
	v3 =	vld [tilespmem:s20+$0x30]  }
0x145: {  	v5 =	vld [tilespmem:s20+$0xFFFFFE30];
	[tilespmem:s21+$0xB0] =	vst v2  }
0x146: {  	[tilespmem:s19+$0xFFFFFF60] =	vst v0;
	v0 =	vld [tilespmem:s22+$0xA0]  }
0x147: {  	[tilespmem:s21+$0xFFFFFFB0] =	vst v4;
	v4 =	vld [tilespmem:s20+$0x180]  }
0x148: {  	[tilespmem:s19+$0xFFFFFFE0] =	vst v1;
	v1 =	vld [tilespmem:s22+$0xFFFFFEB0]  }
0x149: {  	[tilespmem:s21+$0x30] =	vst v3;
	v6 =	vld [tilespmem:s20+$0xFFFFFF80]  }
0x14a: {  	[tilespmem:s21+$0xFFFFFF30] =	vst v5;
	v5 =	vld [tilespmem:s20+$0x80]  }
0x14b: {  	v2 =	vld [tilespmem:s20+$0xFFFFFE80];
	[tilespmem:s19+$0x60] =	vst v0  }
0x14c: {  	v0 =	vld [tilespmem:s22+$0xFFFFFFB0];
	[tilespmem:s21+$0xC0] =	vst v4  }
0x14d: {  	[tilespmem:s19+$0xFFFFFF70] =	vst v1;
	v1 =	vld [tilespmem:s22+$0xB0]  }
0x14e: {  	[tilespmem:s21+$0xFFFFFFC0] =	vst v6;
	v4 =	vld [tilespmem:s20+$0x190]  }
0x14f: {  	s23 =	simm.s32 $0xA00;
	s22 =	simm.s32 $0x4;
	[tilespmem:s21+$0x40] =	vst v5;
	v3 =	vld [tilespmem:s20+$0xFFFFFF90]  }
.LBB2_13:
0x150: {  	v5 =	vld [tilespmem:s23+$0x100];
	s22 =	sadd.s32 $0x4, s22;
	[tilespmem:s21+$0xFFFFFF40] =	vst v2  }
0x151: {  	v2 =	vld [tilespmem:s23+$0xFFFFFF00];
	p2 =	slt.u32 s22, $0x7C;
	[tilespmem:s19+$0xFFFFFFF0] =	vst v0  }
0x152: {  	v0 =	vld [tilespmem:s23+$0x0];
	[tilespmem:s19+$0x70] =	vst v1;
	s19 =	smov.u32 s21  }
0x153: {  	v1 =	vld [tilespmem:s23+$0xFFFFFE00];
	[tilespmem:s21+$0xD0] =	vst v4  }
0x154: {  	s21 =	sadd.s32 $0x200, s21;
	[tilespmem:s19+$0xFFFFFFD0] =	vst v3;
	v3 =	vld [tilespmem:s20+$0x1A0]  }
0x155: {  	[tilespmem:s21+$0x80] =	vst v5;
	v4 =	vld [tilespmem:s20+$0xFFFFFE90]  }
0x156: {  	[tilespmem:s21+$0xFFFFFF80] =	vst v2;
	v2 =	vld [tilespmem:s23+$0x110]  }
0x157: {  	v5 =	vld [tilespmem:s23+$0xFFFFFF10];
	[tilespmem:s21+$0x0] =	vst v0  }
0x158: {  	[tilespmem:s21+$0xFFFFFF00] =	vst v1;
	v0 =	vld [tilespmem:s23+$0x10]  }
0x159: {  	v1 =	vld [tilespmem:s23+$0xFFFFFE10];
	[tilespmem:s19+$0xE0] =	vst v3  }
0x15a: {  	[tilespmem:s19+$0xFFFFFF50] =	vst v4;
	v3 =	vld [tilespmem:s20+$0x1B0]  }
0x15b: {  	[tilespmem:s21+$0x90] =	vst v2;
	v2 =	vld [tilespmem:s20+$0x90]  }
0x15c: {  	[tilespmem:s21+$0xFFFFFF90] =	vst v5;
	v4 =	vld [tilespmem:s23+$0x120]  }
0x15d: {  	v5 =	vld [tilespmem:s23+$0xFFFFFF20];
	[tilespmem:s21+$0x10] =	vst v0  }
0x15e: {  	[tilespmem:s21+$0xFFFFFF10] =	vst v1;
	v0 =	vld [tilespmem:s23+$0x20]  }
0x15f: {  	v1 =	vld [tilespmem:s23+$0xFFFFFE20];
	[tilespmem:s19+$0xF0] =	vst v3  }
0x160: {  	v3 =	vld [tilespmem:s20+$0xFFFFFEA0];
	[tilespmem:s19+$0x50] =	vst v2  }
0x161: {  	[tilespmem:s21+$0xA0] =	vst v4;
	v2 =	vld [tilespmem:s20+$0xFFFFFFA0]  }
0x162: {  	[tilespmem:s21+$0xFFFFFFA0] =	vst v5;
	v4 =	vld [tilespmem:s23+$0x130]  }
0x163: {  	v5 =	vld [tilespmem:s23+$0xFFFFFF30];
	[tilespmem:s21+$0x20] =	vst v0  }
0x164: {  	[tilespmem:s21+$0xFFFFFF20] =	vst v1;
	v0 =	vld [tilespmem:s23+$0x30]  }
0x165: {  	v1 =	vld [tilespmem:s23+$0xFFFFFE30];
	[tilespmem:s19+$0xFFFFFF60] =	vst v3  }
0x166: {  	[tilespmem:s19+$0xFFFFFFE0] =	vst v2;
	v3 =	vld [tilespmem:s20+$0xA0]  }
0x167: {  	[tilespmem:s21+$0xB0] =	vst v4;
	v4 =	vld [tilespmem:s20+$0xFFFFFEB0]  }
0x168: {  	[tilespmem:s21+$0xFFFFFFB0] =	vst v5;
	v5 =	vld [tilespmem:s23+$0x180]  }
0x169: {  	v6 =	vld [tilespmem:s23+$0xFFFFFF80];
	[tilespmem:s21+$0x30] =	vst v0  }
0x16a: {  	[tilespmem:s21+$0xFFFFFF30] =	vst v1;
	v7 =	vld [tilespmem:s23+$0x80]  }
.Ltmp9:
0x16b: {  	v2 =	vld [tilespmem:s23+$0xFFFFFE80];
	[tilespmem:s19+$0x60] =	vst v3;
	(pc) =	sbr.rel @p2 .LBB2_13-.Ltmp9, $4  }
0x16c: {  	[tilespmem:s19+$0xFFFFFF70] =	vst v4;
	v0 =	vld [tilespmem:s20+$0xFFFFFFB0]  }
0x16d: {  	[tilespmem:s21+$0xC0] =	vst v5;
	v1 =	vld [tilespmem:s20+$0xB0];
	s20 =	smov.u32 s23  }
0x16e: {  	[tilespmem:s21+$0xFFFFFFC0] =	vst v6;
	v4 =	vld [tilespmem:s23+$0x190]  }
0x16f: {  	s23 =	sadd.s32 $0x400, s23;
	v3 =	vld [tilespmem:s20+$0xFFFFFF90];
	[tilespmem:s21+$0x40] =	vst v7  }
0x170: {  	[tilespmem:s21+$0xFFFFFF40] =	vst v2;
	v5 =	vld [tilespmem:s20+$0x90]  }
0x171: {  	v2 =	vld [tilespmem:s20+$0xFFFFFE90];
	_ =	sdelay $0x1  }
0x172: {  	[tilespmem:s21+$0xD0] =	vst v4  }
0x173: {  	v4 =	vld [tilespmem:s20+$0x1A0];
	[tilespmem:s21+$0xFFFFFFD0] =	vst v3  }
0x174: {  	[tilespmem:s21+$0x50] =	vst v5;
	v3 =	vld [tilespmem:s20+$0xFFFFFFA0]  }
0x175: {  	[tilespmem:s21+$0xFFFFFF50] =	vst v2;
	v5 =	vld [tilespmem:s20+$0xA0]  }
0x176: {  	v2 =	vld [tilespmem:s20+$0xFFFFFEA0];
	_ =	sdelay $0x1  }
0x177: {  	[tilespmem:s21+$0xE0] =	vst v4  }
0x178: {  	v60 =	vld [tilespmem:s20+$0x1B0];
	[tilespmem:s21+$0xFFFFFFE0] =	vst v3  }
0x179: {  	[tilespmem:s21+$0x60] =	vst v5;
	v62 =	vld [tilespmem:s20+$0xFFFFFFB0]  }
0x17a: {  	[tilespmem:s21+$0xFFFFFF60] =	vst v2;
	v63 =	vld [tilespmem:s20+$0xB0]  }
0x17b: {  	[tilespmem:s19+$0xFFFFFFF0] =	vst v0;
	v61 =	vld [tilespmem:s20+$0xFFFFFEB0]  }
0x17c: {  	[tilespmem:s19+$0x70] =	vst v1  }
0x17d: {  	[tilespmem:s21+$0xF0] =	vst v60  }
0x17e: {  	[tilespmem:s21+$0xFFFFFFF0] =	vst v62  }
0x17f: {  	[tilespmem:s21+$0x70] =	vst v63  }
.Ltmp10:
0x180: {  	[tilespmem:s21+$0xFFFFFF70] =	vst v61;
	(pc) =	sbr.rel .LBB2_19-.Ltmp10, $4  }
0x181: {  	[hbm4b:s7+s1] =	stream.linear.scatter [tilespmem:s13], [sflag:$0x3], $0x4000, $0x38;
	[tilespmem:$0x18000] =	vst v63  }
0x182: {  	_ =	swait.ge [sflag:s17], $0x4000  }
0x183: {  	[sflag:s17] =	ssyncset.done $0x0  }
0x184: {  	[sflag:s17] =	ssyncadd.s32 $0xFFFFC000  }
.LBB2_15:
.Ltmp11:
0x185: {  	(pc) =	sbr.rel @p1 .LBB2_19-.Ltmp11, $1  }
0x186: {  	_ =	sdelay $0x3  }
0x187: {  	[tilespmem:s1], [sflag:$0x1] =	stream.linear.gather [hbm4b:s8+s1], $0x2000, $0x38;
	[tilespmem:$0x18000] =	vst v63  }
0x188: {  	_ =	swait.ge [sflag:s12], $0x2000  }
0x189: {  	[sflag:s12] =	ssyncset.done $0x0  }
0x18a: {  	s22 =	simm.s32 $0x200;
	[sflag:s12] =	ssyncadd.s32 $0xFFFFE000  }
0x18b: {  	v0 =	vld [tilespmem:s22+$0x100]  }
0x18c: {  	v2 =	vld [tilespmem:s22+$0x0]  }
0x18d: {  	v1 =	vld [tilespmem:s22+$0xFFFFFF00]  }
0x18e: {  	v3 =	vld [tilespmem:s22+$0xFFFFFE00]  }
0x18f: {  	s19 =	simm.s32 $0x10100  }
0x190: {  	[tilespmem:s19+$0x80] =	vst v0  }
0x191: {  	[tilespmem:s19+$0x0] =	vst v2;
	v0 =	vld [tilespmem:s22+$0x110]  }
0x192: {  	[tilespmem:s19+$0xFFFFFF80] =	vst v1;
	v2 =	vld [tilespmem:s22+$0x10]  }
0x193: {  	[tilespmem:s19+$0xFFFFFF00] =	vst v3;
	v1 =	vld [tilespmem:s22+$0xFFFFFF10]  }
0x194: {  	v3 =	vld [tilespmem:s22+$0xFFFFFE10];
	_ =	sdelay $0x1  }
0x195: {  	[tilespmem:s19+$0x90] =	vst v0  }
0x196: {  	[tilespmem:s19+$0x10] =	vst v2;
	v0 =	vld [tilespmem:s22+$0x120]  }
0x197: {  	[tilespmem:s19+$0xFFFFFF90] =	vst v1;
	v2 =	vld [tilespmem:s22+$0x20]  }
0x198: {  	[tilespmem:s19+$0xFFFFFF10] =	vst v3;
	v1 =	vld [tilespmem:s22+$0xFFFFFF20]  }
0x199: {  	v3 =	vld [tilespmem:s22+$0xFFFFFE20];
	_ =	sdelay $0x1  }
0x19a: {  	[tilespmem:s19+$0xA0] =	vst v0  }
0x19b: {  	[tilespmem:s19+$0x20] =	vst v2;
	v0 =	vld [tilespmem:s22+$0x130]  }
0x19c: {  	[tilespmem:s19+$0xFFFFFFA0] =	vst v1;
	v2 =	vld [tilespmem:s22+$0x30]  }
0x19d: {  	[tilespmem:s19+$0xFFFFFF20] =	vst v3;
	v1 =	vld [tilespmem:s22+$0xFFFFFF30]  }
0x19e: {  	v3 =	vld [tilespmem:s22+$0xFFFFFE30];
	_ =	sdelay $0x1  }
0x19f: {  	[tilespmem:s19+$0xB0] =	vst v0  }
0x1a0: {  	[tilespmem:s19+$0x30] =	vst v2;
	v0 =	vld [tilespmem:s22+$0x180]  }
0x1a1: {  	[tilespmem:s19+$0xFFFFFFB0] =	vst v1;
	v2 =	vld [tilespmem:s22+$0x80]  }
0x1a2: {  	[tilespmem:s19+$0xFFFFFF30] =	vst v3;
	v1 =	vld [tilespmem:s22+$0xFFFFFF80]  }
0x1a3: {  	v3 =	vld [tilespmem:s22+$0xFFFFFE80]  }
0x1a4: {  	s20 =	simm.s32 $0x600  }
0x1a5: {  	v4 =	vld [tilespmem:s20+$0x100];
	[tilespmem:s19+$0xC0] =	vst v0  }
0x1a6: {  	[tilespmem:s19+$0x40] =	vst v2;
	v2 =	vld [tilespmem:s20+$0xFFFFFF00]  }
0x1a7: {  	[tilespmem:s19+$0xFFFFFFC0] =	vst v1;
	v0 =	vld [tilespmem:s22+$0x190]  }
0x1a8: {  	[tilespmem:s19+$0xFFFFFF40] =	vst v3;
	v3 =	vld [tilespmem:s20+$0x0]  }
0x1a9: {  	s21 =	simm.s32 $0x10300;
	v1 =	vld [tilespmem:s22+$0xFFFFFF90]  }
0x1aa: {  	v5 =	vld [tilespmem:s20+$0xFFFFFE00];
	[tilespmem:s21+$0x80] =	vst v4  }
0x1ab: {  	[tilespmem:s21+$0xFFFFFF80] =	vst v2;
	v2 =	vld [tilespmem:s20+$0x110]  }
0x1ac: {  	[tilespmem:s19+$0xD0] =	vst v0;
	v4 =	vld [tilespmem:s20+$0xFFFFFF10]  }
0x1ad: {  	[tilespmem:s21+$0x0] =	vst v3;
	v0 =	vld [tilespmem:s22+$0x1A0]  }
0x1ae: {  	[tilespmem:s19+$0xFFFFFFD0] =	vst v1;
	v1 =	vld [tilespmem:s22+$0xFFFFFE90]  }
0x1af: {  	[tilespmem:s21+$0xFFFFFF00] =	vst v5;
	v3 =	vld [tilespmem:s20+$0x10]  }
0x1b0: {  	v5 =	vld [tilespmem:s20+$0xFFFFFE10];
	[tilespmem:s21+$0x90] =	vst v2  }
0x1b1: {  	[tilespmem:s21+$0xFFFFFF90] =	vst v4;
	v2 =	vld [tilespmem:s20+$0x120]  }
0x1b2: {  	[tilespmem:s19+$0xE0] =	vst v0;
	v4 =	vld [tilespmem:s20+$0xFFFFFF20]  }
0x1b3: {  	[tilespmem:s19+$0xFFFFFF50] =	vst v1;
	v0 =	vld [tilespmem:s22+$0x1B0]  }
0x1b4: {  	v1 =	vld [tilespmem:s22+$0x90];
	[tilespmem:s21+$0x10] =	vst v3  }
0x1b5: {  	[tilespmem:s21+$0xFFFFFF10] =	vst v5;
	v3 =	vld [tilespmem:s20+$0x20]  }
0x1b6: {  	v5 =	vld [tilespmem:s20+$0xFFFFFE20];
	[tilespmem:s21+$0xA0] =	vst v2  }
0x1b7: {  	[tilespmem:s21+$0xFFFFFFA0] =	vst v4;
	v2 =	vld [tilespmem:s20+$0x130]  }
0x1b8: {  	[tilespmem:s19+$0xF0] =	vst v0;
	v0 =	vld [tilespmem:s22+$0xFFFFFEA0]  }
0x1b9: {  	[tilespmem:s19+$0x50] =	vst v1;
	v4 =	vld [tilespmem:s20+$0xFFFFFF30]  }
0x1ba: {  	v1 =	vld [tilespmem:s22+$0xFFFFFFA0];
	[tilespmem:s21+$0x20] =	vst v3  }
0x1bb: {  	[tilespmem:s21+$0xFFFFFF20] =	vst v5;
	v3 =	vld [tilespmem:s20+$0x30]  }
0x1bc: {  	v5 =	vld [tilespmem:s20+$0xFFFFFE30];
	[tilespmem:s21+$0xB0] =	vst v2  }
0x1bd: {  	[tilespmem:s19+$0xFFFFFF60] =	vst v0;
	v0 =	vld [tilespmem:s22+$0xA0]  }
0x1be: {  	[tilespmem:s21+$0xFFFFFFB0] =	vst v4;
	v4 =	vld [tilespmem:s20+$0x180]  }
0x1bf: {  	[tilespmem:s19+$0xFFFFFFE0] =	vst v1;
	v1 =	vld [tilespmem:s22+$0xFFFFFEB0]  }
0x1c0: {  	[tilespmem:s21+$0x30] =	vst v3;
	v6 =	vld [tilespmem:s20+$0xFFFFFF80]  }
0x1c1: {  	[tilespmem:s21+$0xFFFFFF30] =	vst v5;
	v5 =	vld [tilespmem:s20+$0x80]  }
0x1c2: {  	v2 =	vld [tilespmem:s20+$0xFFFFFE80];
	[tilespmem:s19+$0x60] =	vst v0  }
0x1c3: {  	v0 =	vld [tilespmem:s22+$0xFFFFFFB0];
	[tilespmem:s21+$0xC0] =	vst v4  }
0x1c4: {  	[tilespmem:s19+$0xFFFFFF70] =	vst v1;
	v1 =	vld [tilespmem:s22+$0xB0]  }
0x1c5: {  	[tilespmem:s21+$0xFFFFFFC0] =	vst v6;
	v4 =	vld [tilespmem:s20+$0x190]  }
0x1c6: {  	s23 =	simm.s32 $0xA00;
	s22 =	simm.s32 $0x4;
	[tilespmem:s21+$0x40] =	vst v5;
	v3 =	vld [tilespmem:s20+$0xFFFFFF90]  }
.LBB2_17:
0x1c7: {  	v5 =	vld [tilespmem:s23+$0x100];
	s22 =	sadd.s32 $0x4, s22;
	[tilespmem:s21+$0xFFFFFF40] =	vst v2  }
0x1c8: {  	v2 =	vld [tilespmem:s23+$0xFFFFFF00];
	p2 =	slt.u32 s22, $0x1C;
	[tilespmem:s19+$0xFFFFFFF0] =	vst v0  }
0x1c9: {  	v0 =	vld [tilespmem:s23+$0x0];
	[tilespmem:s19+$0x70] =	vst v1;
	s19 =	smov.u32 s21  }
0x1ca: {  	v1 =	vld [tilespmem:s23+$0xFFFFFE00];
	[tilespmem:s21+$0xD0] =	vst v4  }
0x1cb: {  	s21 =	sadd.s32 $0x200, s21;
	[tilespmem:s19+$0xFFFFFFD0] =	vst v3;
	v3 =	vld [tilespmem:s20+$0x1A0]  }
0x1cc: {  	[tilespmem:s21+$0x80] =	vst v5;
	v4 =	vld [tilespmem:s20+$0xFFFFFE90]  }
0x1cd: {  	[tilespmem:s21+$0xFFFFFF80] =	vst v2;
	v2 =	vld [tilespmem:s23+$0x110]  }
0x1ce: {  	v5 =	vld [tilespmem:s23+$0xFFFFFF10];
	[tilespmem:s21+$0x0] =	vst v0  }
0x1cf: {  	[tilespmem:s21+$0xFFFFFF00] =	vst v1;
	v0 =	vld [tilespmem:s23+$0x10]  }
0x1d0: {  	v1 =	vld [tilespmem:s23+$0xFFFFFE10];
	[tilespmem:s19+$0xE0] =	vst v3  }
0x1d1: {  	[tilespmem:s19+$0xFFFFFF50] =	vst v4;
	v3 =	vld [tilespmem:s20+$0x1B0]  }
0x1d2: {  	[tilespmem:s21+$0x90] =	vst v2;
	v2 =	vld [tilespmem:s20+$0x90]  }
0x1d3: {  	[tilespmem:s21+$0xFFFFFF90] =	vst v5;
	v4 =	vld [tilespmem:s23+$0x120]  }
0x1d4: {  	v5 =	vld [tilespmem:s23+$0xFFFFFF20];
	[tilespmem:s21+$0x10] =	vst v0  }
0x1d5: {  	[tilespmem:s21+$0xFFFFFF10] =	vst v1;
	v0 =	vld [tilespmem:s23+$0x20]  }
0x1d6: {  	v1 =	vld [tilespmem:s23+$0xFFFFFE20];
	[tilespmem:s19+$0xF0] =	vst v3  }
0x1d7: {  	v3 =	vld [tilespmem:s20+$0xFFFFFEA0];
	[tilespmem:s19+$0x50] =	vst v2  }
0x1d8: {  	[tilespmem:s21+$0xA0] =	vst v4;
	v2 =	vld [tilespmem:s20+$0xFFFFFFA0]  }
0x1d9: {  	[tilespmem:s21+$0xFFFFFFA0] =	vst v5;
	v4 =	vld [tilespmem:s23+$0x130]  }
0x1da: {  	v5 =	vld [tilespmem:s23+$0xFFFFFF30];
	[tilespmem:s21+$0x20] =	vst v0  }
0x1db: {  	[tilespmem:s21+$0xFFFFFF20] =	vst v1;
	v0 =	vld [tilespmem:s23+$0x30]  }
0x1dc: {  	v1 =	vld [tilespmem:s23+$0xFFFFFE30];
	[tilespmem:s19+$0xFFFFFF60] =	vst v3  }
0x1dd: {  	[tilespmem:s19+$0xFFFFFFE0] =	vst v2;
	v3 =	vld [tilespmem:s20+$0xA0]  }
0x1de: {  	[tilespmem:s21+$0xB0] =	vst v4;
	v4 =	vld [tilespmem:s20+$0xFFFFFEB0]  }
0x1df: {  	[tilespmem:s21+$0xFFFFFFB0] =	vst v5;
	v5 =	vld [tilespmem:s23+$0x180]  }
0x1e0: {  	v6 =	vld [tilespmem:s23+$0xFFFFFF80];
	[tilespmem:s21+$0x30] =	vst v0  }
0x1e1: {  	[tilespmem:s21+$0xFFFFFF30] =	vst v1;
	v7 =	vld [tilespmem:s23+$0x80]  }
.Ltmp12:
0x1e2: {  	v2 =	vld [tilespmem:s23+$0xFFFFFE80];
	[tilespmem:s19+$0x60] =	vst v3;
	(pc) =	sbr.rel @p2 .LBB2_17-.Ltmp12, $4  }
0x1e3: {  	[tilespmem:s19+$0xFFFFFF70] =	vst v4;
	v0 =	vld [tilespmem:s20+$0xFFFFFFB0]  }
0x1e4: {  	[tilespmem:s21+$0xC0] =	vst v5;
	v1 =	vld [tilespmem:s20+$0xB0];
	s20 =	smov.u32 s23  }
0x1e5: {  	[tilespmem:s21+$0xFFFFFFC0] =	vst v6;
	v4 =	vld [tilespmem:s23+$0x190]  }
0x1e6: {  	s23 =	sadd.s32 $0x400, s23;
	v3 =	vld [tilespmem:s20+$0xFFFFFF90];
	[tilespmem:s21+$0x40] =	vst v7  }
0x1e7: {  	[tilespmem:s21+$0xFFFFFF40] =	vst v2;
	v5 =	vld [tilespmem:s20+$0x90]  }
0x1e8: {  	v2 =	vld [tilespmem:s20+$0xFFFFFE90];
	_ =	sdelay $0x1  }
0x1e9: {  	[tilespmem:s21+$0xD0] =	vst v4  }
0x1ea: {  	v4 =	vld [tilespmem:s20+$0x1A0];
	[tilespmem:s21+$0xFFFFFFD0] =	vst v3  }
0x1eb: {  	[tilespmem:s21+$0x50] =	vst v5;
	v3 =	vld [tilespmem:s20+$0xFFFFFFA0]  }
0x1ec: {  	[tilespmem:s21+$0xFFFFFF50] =	vst v2;
	v5 =	vld [tilespmem:s20+$0xA0]  }
0x1ed: {  	v2 =	vld [tilespmem:s20+$0xFFFFFEA0];
	_ =	sdelay $0x1  }
0x1ee: {  	[tilespmem:s21+$0xE0] =	vst v4  }
0x1ef: {  	v60 =	vld [tilespmem:s20+$0x1B0];
	[tilespmem:s21+$0xFFFFFFE0] =	vst v3  }
0x1f0: {  	[tilespmem:s21+$0x60] =	vst v5;
	v62 =	vld [tilespmem:s20+$0xFFFFFFB0]  }
0x1f1: {  	[tilespmem:s21+$0xFFFFFF60] =	vst v2;
	v63 =	vld [tilespmem:s20+$0xB0]  }
0x1f2: {  	[tilespmem:s19+$0xFFFFFFF0] =	vst v0;
	v61 =	vld [tilespmem:s20+$0xFFFFFEB0]  }
0x1f3: {  	[tilespmem:s19+$0x70] =	vst v1  }
0x1f4: {  	[tilespmem:s21+$0xF0] =	vst v60  }
0x1f5: {  	[tilespmem:s21+$0xFFFFFFF0] =	vst v62  }
0x1f6: {  	[tilespmem:s21+$0x70] =	vst v63  }
.Ltmp13:
0x1f7: {  	[tilespmem:s21+$0xFFFFFF70] =	vst v61;
	(pc) =	sbr.rel .LBB2_19-.Ltmp13, $4  }
0x1f8: {  	[hbm4b:s9+s1] =	stream.linear.scatter [tilespmem:s13], [sflag:$0x3], $0x1000, $0x38;
	[tilespmem:$0x18000] =	vst v63  }
0x1f9: {  	_ =	swait.ge [sflag:s17], $0x1000  }
0x1fa: {  	[sflag:s17] =	ssyncset.done $0x0  }
0x1fb: {  	[sflag:s17] =	ssyncadd.s32 $0xFFFFF000  }
.LBB2_20:
0x1fc: {  	_ =	sfence.sel $0x180000  }
0x1fd: {  	[bflag:$0x0] =	sbarrier.arrive $0xFFFF  }
0x1fe: {  	p0 =	sne.s32 s2, $0x0;
	_ =	strace $0x90000047  }
0x1ff: {  	s0 =	sadd.s32 @!p0 $0x100000, s0;
	[bflag:$0x2] =	sbarrier.arrive $0xFFFF  }
0x200: {  	[sflag:s0] =	ssyncadd.tile.s32 @!p0 $0x1;
	_ =	shalt  }
.Lfunc_end2:
_tile_overlayer_lowered:
.L_overlay_start_2:
0x201: {  	(tag) =	ssettag $0x2  }
0x202: {  	s0 =	rddreg [dreg:$0x0];
	s2 =	stileid.u32  }
0x203: {  	s1 =	rddreg [dreg:$0x1];
	p0 =	sne.s32 s2, $0x0  }
0x204: {  	s3 =	rddreg [dreg:$0x2];
	[bflag:$0x3] =	sbarrier.arrive $0xFFFF;
	s2 =	simm.s32 @!p0 $0x1C05  }
0x205: {  	[timem:s3], [sflag:s2] =	dma.local @!p0 [hbm:s0], s1  }
0x206: {  	s0 =	simm.s32 @!p0 $0x5  }
0x207: {  	_ =	swait.ge @!p0 [sflag:s0], s1  }
0x208: {  	s1 =	ssub.s32 @!p0 $0x0, s1;
	[sflag:s0] =	ssyncset.done @!p0 $0x0  }
0x209: {  	[sflag:s0] =	ssyncadd.s32 @!p0 s1  }
0x20a: {  	[bflag:$0x3] =	sbarrier.arrive $0xFFFF  }
0x20b: {  	_ =	shalt  }

// kernel: kernel.7.cloned.1.call-start
scs
__scs_entry_jumppad:
0x0: {  	(pc) =	sbr.rel $0x88, $3  }
0x1: {  	(tag) =	ssettag $0x0;
	lr =	simm.s32 $0x1  }
0x2: {  	[smem:$0x3F9E] =	sst lr;
	_ =	strace $0xD0000000  }
0x3: {  	_ = 	snop  }
0x4: {  	_ = 	snop  }
0x5: {  	_ = 	snop  }
0x6: {  	_ = 	snop  }
0x7: {  	_ = 	snop  }
__scs_overlays_trampoline_lowered:
0x8: {  	[smem:$0x3FAD] =	sst s0  }
0x9: {  	[smem:$0x3FAE] =	sst s1  }
0xa: {  	[smem:$0x3FAF] =	sst s2  }
0xb: {  	[smem:$0x3FB0] =	sst s3  }
0xc: {  	[smem:$0x3FB1] =	sst s4  }
0xd: {  	[smem:$0x3FB2] =	sst s5  }
0xe: {  	[smem:$0x3FB3] =	sst s6  }
0xf: {  	[smem:$0x3FB4] =	sst s7  }
0x10: {  	[smem:$0x3FB5] =	sst s8  }
0x11: {  	[smem:$0x3FB6] =	sst s9;
	s0 =	simm.s32 @!p0 $0x0  }
0x12: {  	s1 =	sld [smem:$0x3F9C];
	s0 =	simm.s32 @p0 $0x1  }
0x13: {  	[smem:$0x3FB7] =	sst s0;
	s0 =	simm.s32 @!p1 $0x0  }
0x14: {  	s2 =	sld [smem:$0x3F9B];
	s0 =	simm.s32 @p1 $0x1  }
0x15: {  	[smem:$0x3FB8] =	sst s0;
	s0 =	simm.s32 @!p2 $0x0  }
0x16: {  	s3 =	sld [smem:$0x3FDB];
	s0 =	simm.s32 @p2 $0x1  }
0x17: {  	s4 =	simm.s32 $0x1BF5;
	[smem:$0x3FBA] =	sst s0  }
0x18: {  	s0 =	sld [smem:$0x3F9D];
	_ =	swait.ge [sflag:s4], $0x0  }
0x19: {  	s7 =	sld [smem:$0x3F9E]  }
0x1a: {  	s8 =	sadd.s32 $0xFFFFE003, lr  }
0x1b: {  	s9 =	sadd.s32 $0xFFFFFEF7, lr;
	s5 =	simm.s32 $0xFFFFFFFF;
	p2 =	slt.u32 s8, $0xFFFFF086  }
0x1c: {  	p1 =	slt.u32 s9, $0xF7A;
	s5 =	simm.s32 @!p2 $0x0  }
0x1d: {  	s5 =	simm.s32 @p1 $0x1;
	p0 =	seq.s32 s7, s2  }
0x1e: {  	s7 =	smul.u32 @!p0 $0xF7A, s2;
	p2 =	seq.s32 @!p0 s5, $0x0  }
0x1f: {  	s9 =	smul.u32 $0xF7A, s1;
	s8 =	simm.s32 @!p0 $0x1BF5;
	p2 =	por !p2, p0  }
0x20: {  	[sflag:s8] =	ssyncset.s32 @!p0 $0xFFFFF086;
	s6 =	sadd.s32 @!p0 s3, s7;
	s7 =	simm.s32 @!p0 $0x108  }
0x21: {  	s3 =	sadd.s32 s3, s9;
	s6 =	sadd.s32 @!p0 $0x88, s6;
	s7 =	simm.s32 @p2 $0x1082  }
0x22: {  	[simem:s7], [sflag:s8] =	dma.local @!p0 [hbm:s6], $0xF7A  }
0x23: {  	s9 =	sor.u32 $0xD0000000, s2;
	s6 =	simm.s32 $0x108;
	_ =	swait.ge @!p0 [sflag:s8], $0x0  }
0x24: {  	s3 =	sadd.s32 $0x88, s3;
	s6 =	simm.s32 @!p1 $0x1082;
	[sflag:s4] =	ssyncset.s32 $0xFFFFF086  }
0x25: {  	[simem:s6], [sflag:s4] =	dma.local [hbm:s3], $0xF7A  }
0x26: {  	[smem:$0x3F9E] =	sst s1;
	(tag) =	ssettag s2;
	_ =	strace s9  }
0x27: {  	s1 =	sld [smem:$0x3FAE]  }
0x28: {  	s2 =	sld [smem:$0x3FAF]  }
0x29: {  	s4 =	sld [smem:$0x3FB1]  }
0x2a: {  	p0 =	seq.s32 s5, $0x0;
	s5 =	sld [smem:$0x3FB2]  }
0x2b: {  	s6 =	sld [smem:$0x3FB3]  }
0x2c: {  	s7 =	sld [smem:$0x3FB4]  }
0x2d: {  	s3 =	simm.s32 $0x108;
	s8 =	sld [smem:$0x3FB5]  }
0x2e: {  	s3 =	simm.s32 @!p0 $0x1082;
	s9 =	sld [smem:$0x3FB6]  }
0x2f: {  	lr =	sadd.s32 s0, s3;
	s0 =	sld [smem:$0x3FAD]  }
0x30: {  	s3 =	sld [smem:$0x3FB0]  }
0x31: {  	[smem:$0x3FB9] =	sst s10  }
0x32: {  	s10 =	sld [smem:$0x3FB7];
	_ =	sdelay $0x3  }
0x33: {  	p0 =	seq.s32 s10, $0x1;
	s10 =	sld [smem:$0x3FB9];
	_ =	sdelay $0x3  }
0x34: {  	[smem:$0x3FB9] =	sst s10  }
0x35: {  	s10 =	sld [smem:$0x3FB8];
	_ =	sdelay $0x3  }
0x36: {  	p1 =	seq.s32 s10, $0x1;
	s10 =	sld [smem:$0x3FB9];
	_ =	sdelay $0x3  }
0x37: {  	[smem:$0x3FB9] =	sst s10  }
0x38: {  	s10 =	sld [smem:$0x3FBA]  }
0x39: {  	_ = 	snop;
	(pc) =	sbr.ind lr, $3  }
0x3a: {  	_ = 	snop  }
0x3b: {  	_ = 	snop  }
0x3c: {  	p2 =	seq.s32 s10, $0x1;
	s10 =	sld [smem:$0x3FB9]  }
0x3d: {  	_ =	shalt  }
0x3e: {  	_ =	shalt  }
0x3f: {  	_ =	shalt  }
0x40: {  	_ =	shalt  }
0x41: {  	_ =	shalt  }
0x42: {  	_ =	shalt  }
0x43: {  	_ =	shalt  }
0x44: {  	_ =	shalt  }
0x45: {  	_ =	shalt  }
0x46: {  	_ =	shalt  }
0x47: {  	_ =	shalt  }
0x48: {  	_ =	shalt  }
0x49: {  	_ =	shalt  }
0x4a: {  	_ =	shalt  }
0x4b: {  	_ =	shalt  }
0x4c: {  	_ =	shalt  }
0x4d: {  	_ =	shalt  }
0x4e: {  	_ =	shalt  }
0x4f: {  	_ =	shalt  }
0x50: {  	_ =	shalt  }
0x51: {  	_ =	shalt  }
0x52: {  	_ =	shalt  }
0x53: {  	_ =	shalt  }
0x54: {  	_ =	shalt  }
0x55: {  	_ =	shalt  }
0x56: {  	_ =	shalt  }
0x57: {  	_ =	shalt  }
0x58: {  	_ =	shalt  }
0x59: {  	_ =	shalt  }
0x5a: {  	_ =	shalt  }
0x5b: {  	_ =	shalt  }
0x5c: {  	_ =	shalt  }
0x5d: {  	_ =	shalt  }
0x5e: {  	_ =	shalt  }
0x5f: {  	_ =	shalt  }
0x60: {  	_ =	shalt  }
0x61: {  	_ =	shalt  }
0x62: {  	_ =	shalt  }
0x63: {  	_ =	shalt  }
0x64: {  	_ =	shalt  }
0x65: {  	_ =	shalt  }
0x66: {  	_ =	shalt  }
0x67: {  	_ =	shalt  }
0x68: {  	_ =	shalt  }
0x69: {  	_ =	shalt  }
0x6a: {  	_ =	shalt  }
0x6b: {  	_ =	shalt  }
0x6c: {  	_ =	shalt  }
0x6d: {  	_ =	shalt  }
0x6e: {  	_ =	shalt  }
0x6f: {  	_ =	shalt  }
0x70: {  	_ =	shalt  }
0x71: {  	_ =	shalt  }
0x72: {  	_ =	shalt  }
0x73: {  	_ =	shalt  }
0x74: {  	_ =	shalt  }
0x75: {  	_ =	shalt  }
0x76: {  	_ =	shalt  }
0x77: {  	_ =	shalt  }
0x78: {  	_ =	shalt  }
0x79: {  	_ =	shalt  }
0x7a: {  	_ =	shalt  }
0x7b: {  	_ =	shalt  }
0x7c: {  	_ =	shalt  }
0x7d: {  	_ =	shalt  }
0x7e: {  	_ =	shalt  }
0x7f: {  	_ =	shalt  }
0x80: {  	_ =	shalt  }
0x81: {  	_ =	shalt  }
0x82: {  	_ =	shalt  }
0x83: {  	_ =	shalt  }
0x84: {  	_ =	shalt  }
0x85: {  	_ =	shalt  }
0x86: {  	_ =	shalt  }
0x87: {  	_ =	shalt  }
.Lfunc_end0:
.L_simem_size_0:
called_computation.1_lowered:
.L_overlay_start_0:
0x88: {  	s2 =	sld [smem:$0x3FD9]  }
0x89: {  	s3 =	sld [smem:$0x3FFE];
	_ =	sdelay $0x1  }
0x8a: {  	s1 =	srdreg.scid  }
0x8b: {  	s0 =	sand.u32 $0x1, s1  }
0x8c: {  	s17 =	sshll.u32 s0, $0xA;
	s2 =	sadd.s32 s3, s2  }
0x8d: {  	s2 =	sadd.s32 s2, s17  }
0x8e: {  	[smem:$0x3FC5] =	sst s2  }
0x8f: {  	_ = 	snop  }
0x90: {  	s2 =	sld [smem:$0x3FD0];
	(tm) =	ssettm $0x1  }
0x91: {  	s18 =	sld [smem:$0x3FFB];
	_ =	sdelay $0x3  }
0x92: {  	_ =	strace s18  }
0x93: {  	s3 =	sld [smem:$0x3FFC];
	_ =	sdelay $0x3  }
0x94: {  	_ =	strace s3  }
0x95: {  	s3 =	sld [smem:$0x3FFD];
	_ =	sdelay $0x3  }
0x96: {  	_ =	strace s3  }
0x97: {  	_ =	strace $0x8FFFFFFF  }
0x98: {  	s19 =	sld [smem:$0x3FDB];
	_ =	sdelay $0x1  }
0x99: {  	s4 =	simm.s32 $_scs_section_size  }
0x9a: {  	s5 =	simm.s32 $_size__tile_overlayer_lowered;
	s6 =	simm.s32 $_tile_overlayer_lowered  }
0x9b: {  	s22 =	simm.s32 $0x1BFF;
	s21 =	sshll.u32 s6, $0x1;
	s3 =	sadd.s32 s4, s19  }
0x9c: {  	s7 =	simm.s32 $0x0;
	s20 =	sshll.u32 s5, $0x1;
	s5 =	sadd.s32 s21, s3  }
0x9d: {  	[timem:s7], [sflag:s22] =	dma.local [hbm:s5], s20  }
0x9e: {  	_ =	swait.ge [sflag:s22], s20  }
0x9f: {  	s4 =	ssub.s32 $0x0, s20;
	[sflag:s22] =	ssyncset.done $0x0  }
0xa0: {  	[sflag:s22] =	ssyncadd.s32 s4;
	_ =	sdelay $0x1  }
0xa1: {  	s23 =	simm.s32 $0x1B8B  }
0xa2: {  	_ =	swait.ge [sflag:s23], $0x1  }
0xa3: {  	[sflag:s23] =	ssyncset.done $0x0  }
0xa4: {  	s25 =	simm.s32 $0x1B8E;
	s24 =	sld [smem:$0x3FFE];
	[sflag:s23] =	ssyncadd.s32 $0xFFFFFFFF  }
0xa5: {  	s26 =	simm.s32 $execute0_lowered;
	[smem:$0x3FD2] =	sst s25  }
0xa6: {  	s5 =	sshll.u32 s26, $0x1;
	_ =	strace $0x80000049;
	[dreg:$0x1] =	wrdreg $0xFFFFFFFF  }
0xa7: {  	s28 =	simm.s32 $_size_execute0_lowered;
	s3 =	sadd.s32 s3, s5;
	[dreg:$0x0] =	wrdreg $0x0  }
0xa8: {  	s5 =	sshll.u32 s28, $0x1;
	[dreg:$0x2] =	wrdreg s3  }
0xa9: {  	[dreg:$0x3] =	wrdreg s5  }
0xaa: {  	[dreg:$0x4] =	wrdreg $0xC0  }
0xab: {  	_ =	task [dreg:s7], $0x5FFFF  }
0xac: {  	[dreg:$0x1] =	wrdreg $0xFFFFFFFF  }
0xad: {  	[dreg:$0x0] =	wrdreg $0x60  }
0xae: {  	[dreg:$0x2] =	wrdreg s24  }
0xaf: {  	[dreg:$0x3] =	wrdreg s2  }
0xb0: {  	[dreg:$0x4] =	wrdreg $0x9  }
0xb1: {  	_ =	task.clear_ibuf [dreg:s7], $0x5FFFF;
	_ =	strace $0x90000049  }
0xb2: {  	s29 =	simm.s32 $0x9;
	_ =	strace $0x8000004B  }
0xb3: {  	_ =	swait.ge [sflag:s29], $0x1  }
0xb4: {  	[sflag:s29] =	ssyncadd.s32 $0xFFFFFFFF  }
0xb5: {  	_ =	strace $0x9000004B  }
0xb6: {  	_ =	sfence  }
0xb7: {  	s30 =	sld [smem:$0x0];
	_ =	sdelay $0x2  }
0xb8: {  	s31 =	sshll.u32 s1, $0xD;
	s1 =	sshrl.u32 s1, $0x2  }
0xb9: {  	s3 =	sand.u32 $0x4000, s31;
	s1 =	sadd.s32 s1, s30  }
0xba: {  	s0 =	sor.u32 s3, s0;
	s1 =	sshll.u32 s1, $0x11  }
0xbb: {  	s0 =	sor.u32 s1, s0  }
0xbc: {  	s0 =	sadd.s32 $0x8F2B, s0  }
0xbd: {  	[sflag:s0] =	ssyncadd.remote.s32 $0x1  }
0xbe: {  	_ =	sfence.sel $0xFFFF  }
0xbf: {  	[dreg:$0x0] =	wrdreg $0xFFFFFFFF;
	(pc) =	sbr.abs _section_cstart, $3  }
0xc0: {  	[dreg:$0x1] =	wrdreg $0xFFFFFFFF  }
0xc1: {  	_ =	task.clear_ibuf [dreg:s7], $0x2FFFF;
	_ =	strace $0x9FFFFFFF  }
0xc2: {  	(tm) =	ssettm $0x7FFFFFFF  }
0xc3: {  	_ =	shalt  }
tec
execute0_lowered:
.L_overlay_start_1:
0x0: {  	(tag) =	ssettag $0x1  }
0x1: {  	v0 =	vlaneseq.u32;
	s0 =	srdreg.scid;
	s5 =	rddreg [dreg:$0x0]  }
0x2: {  	s2 =	rddreg [dreg:$0x1];
	s3 =	simm.s32 $0x0;
	v7 =	vmul.u32 $0x88, v0;
	s4 =	sand.u32 $0x1, s0  }
0x3: {  	s0 =	stileid.u32;
	[smem:$0x7FF] =	sst s3;
	s1 =	sshll.u32 s4, $0x4  }
0x4: {  	s7 =	sor.u32 s0, s1;
	s1 =	rddreg [dreg:$0x2];
	_ =	strace $0x8000004A;
	v0 =	vadd.s32 $0x1987, v7;
	[tilespmem:$0x1FEC0] =	vst v7  }
0x5: {  	v8 =	vor.u32 $0x1, v7;
	[tilespmem:$0x1FEB0] =	vst v0  }
0x6: {  	v13 =	vor.u32 $0x2, v7;
	[tilespmem:$0x1FED0] =	vst v8  }
0x7: {  	v32 =	vor.u32 $0x3, v7;
	[tilespmem:$0x1FEE0] =	vst v13  }
0x8: {  	v18 =	vor.u32 $0x4, v7;
	[tilespmem:$0x1FEF0] =	vst v32  }
0x9: {  	v22 =	vor.u32 $0x5, v7;
	[tilespmem:$0x1FF00] =	vst v18  }
0xa: {  	v29 =	vor.u32 $0x6, v7;
	[tilespmem:$0x1FF10] =	vst v22  }
0xb: {  	v28 =	vor.u32 $0x7, v7;
	[tilespmem:$0x1FF20] =	vst v29  }
0xc: {  	v2 =	vadd.s32 $0x887, v7;
	[tilespmem:$0x1FF30] =	vst v28  }
0xd: {  	v3 =	vadd.s32 $0x880, v7;
	[tilespmem:$0x1FF40] =	vst v2  }
0xe: {  	v11 =	vadd.s32 $0x1102, v7;
	[tilespmem:$0x1FF50] =	vst v3  }
0xf: {  	v5 =	vadd.s32 $0x881, v7;
	[tilespmem:$0x1FF60] =	vst v11  }
0x10: {  	v19 =	vadd.s32 $0x883, v7;
	[tilespmem:$0x1FF70] =	vst v5  }
0x11: {  	s10 =	simm.s32 $0x6400;
	v21 =	vadd.s32 $0x1984, v7;
	[tilespmem:$0x1FF80] =	vst v19  }
0x12: {  	v1 =	vimm.s32 $0x0;
	vm0 =	vcmask $0x300;
	s11 =	simm.s32 $0x80;
	s12 =	simm.s32 $0x9600;
	s13 =	simm.s32 $0xB600;
	v24 =	vadd.s32 $0x1106, v7;
	[tilespmem:$0x1FF90] =	vst v21  }
0x13: {  	s14 =	simm.s32 $0x1;
	s15 =	simm.s32 $0xD600;
	s16 =	simm.s32 $0x2;
	v12 =	vadd.s32 $0x1100, v7;
	v50 =	vadd.s32 $0x1980, v7;
	v39 =	vadd.s32 $0x1986, v7;
	[tilespmem:$0x1FFA0] =	vst v24  }
0x14: {  	s17 =	simm.s32 $0x4;
	s18 =	simm.s32 $0xF800;
	s8 =	ssub.s32 $0x2, s4;
	v9 =	vadd.s32 $0x1101, v7;
	v10 =	vadd.s32 $0x1981, v7;
	v23 =	vadd.s32 $0x1983, v7;
	[tilespmem:$0x1FFB0] =	vst v39  }
0x15: {  	s19 =	simm.s32 $0x3;
	v15 =	vadd.s32 $0x882, v7;
	s9 =	sshrl.u32 s8, $0x1;
	v14 =	vadd.s32 $0x1982, v7;
	v30 =	vadd.s32 $0x1103, v7;
	s6 =	smul.u32 $0xC80, s7;
	[tilespmem:$0x1FFC0] =	vst v23  }
0x16: {  	s20 =	simm.s32 $0x0;
	s4 =	sadd.s32 $0x16E4400, s5;
	v20 =	vadd.s32 $0x884, v7;
	v17 =	vadd.s32 $0x1104, v7;
	v26 =	vadd.s32 $0x1985, v7;
	s8 =	ssub.s32 s8, s9;
	[tilespmem:$0x1FFD0] =	vst v14  }
0x17: {  	v63 =	vadd.s32 $0x885, v7;
	v25 =	vadd.s32 $0x1105, v7;
	v27 =	vadd.s32 $0x886, v7;
	s7 =	sshll.u32 s7, $0xA;
	s9 =	simm.s32 $0x5;
	[tilespmem:$0x1FFE0] =	vst v26;
	s6 =	sadd.s32 s6, s5  }
0x18: {  	v1 =	vsel vm0, $0x3, v1;
	v4 =	vadd.s32 $0x1107, v7;
	[tilespmem:$0x1FFF0] =	vst v50;
	s8 =	smax.u32 s8, $0x1;
	s5 =	sadd.s32 $0xF43200, s5;
	v0 =	vmov v21;
	s6 =	sadd.s32 $0x16E4C00, s6  }
.LBB2_1:
0x19: {  	[tilespmem:s3], [sflag:$0x5] =	stream.linear.gather [hbm4b:s6+s3], $0x6400, $0x38;
	[tilespmem:$0x11A00] =	vst v63  }
0x1a: {  	_ =	swait.ge [sflag:s9], $0x6400  }
0x1b: {  	[sflag:s9] =	ssyncset.done $0x0  }
0x1c: {  	[sflag:s9] =	ssyncadd.s32 $0xFFFF9C00  }
0x1d: {  	[tilespmem:s10], [sflag:$0x5] =	stream.linear.gather [hbm4b:s4+s3], $0x3200, $0x38;
	[tilespmem:$0x11A00] =	vst v63  }
0x1e: {  	_ =	swait.ge [sflag:s9], $0x3200  }
0x1f: {  	[sflag:s9] =	ssyncset.done $0x0  }
0x20: {  	s21 =	simm.s32 $0x0;
	[sflag:s9] =	ssyncadd.s32 $0xFFFFCE00  }
0x21: {  	[tilespmem:s12], [sflag:$0x1] =	stream.indirect.gather [hbm4b:s5+s11], $0x40, s3, s11, $0xb8;
	[tilespmem:$0x11A00] =	vst v63  }
.LBB2_2:
0x22: {  	s22 =	sshllo.u32 s21, $0x1  }
0x23: {  	s23 =	sshll.u32 s22, $0x7  }
0x24: {  	s23 =	sand.u32 $0x3FFFFF80, s23  }
0x25: {  	[tilespmem:s13], [sflag:$0x2] =	stream.indirect.gather [hbm4b:s5+s11], $0x40, s23, s11, $0xb8;
	[tilespmem:$0x11A00] =	vst v63  }
0x26: {  	p0 =	seq.s32 s21, $0x0;
	s24 =	simm.s32 $0x0;
	_ =	swait.ge [sflag:s14], $0x2000  }
0x27: {  	s30 =	simm.s32 $0x1;
	s31 =	simm.s32 $0x2;
	[sflag:s14] =	ssyncset.done $0x0  }
0x28: {  	s26 =	simm.s32 $0x4;
	s23 =	simm.s32 @!p0 $0x3;
	[sflag:s14] =	ssyncadd.s32 $0xFFFFE000  }
0x29: {  	s28 =	simm.s32 $0x5;
	s29 =	simm.s32 $0x6;
	v33 =	vmov s24;
	v34 =	vmov s30;
	v37 =	vmov s31;
	_ =	swait.ge @!p0 [sflag:s23], $0x2000  }
0x2a: {  	s25 =	sshll.u32 s21, $0x7;
	s24 =	simm.s32 $0x3;
	v39 =	vmov s26;
	v40 =	vmov s28;
	v41 =	vmov s29;
	[sflag:s23] =	ssyncset.done @!p0 $0x0  }
0x2b: {  	s25 =	sand.u32 $0x3FFFFF80, s25;
	v33 =	vshrl.u32 v33, $0x3;
	v38 =	vmov s24;
	v42 =	vshrl.u32 v34, $0x3;
	[sflag:s23] =	ssyncadd.s32 @!p0 $0xFFFFE000  }
0x2c: {  	s30 =	simm.s32 $0x7;
	v37 =	vshrl.u32 v37, $0x3;
	v39 =	vshrl.u32 v39, $0x3;
	v40 =	vshrl.u32 v40, $0x3;
	v36 =	vld [tilespmem:s25+$0x6400]  }
0x2d: {  	v41 =	vshrl.u32 v41, $0x3;
	v43 =	vmov s30;
	v33 =	vshll.u32 v33, v1;
	s23 =	simm.s32 $0x9700;
	v35 =	vld [tilespmem:s25+$0x6410]  }
0x2e: {  	v38 =	vshrl.u32 v38, $0x3;
	v42 =	vshll.u32 v42, v1;
	v44 =	vshrl.u32 v43, $0x3;
	v46 =	vld [tilespmem:s23+$0xC0]  }
0x2f: {  	v37 =	vshll.u32 v37, v1;
	v39 =	vshll.u32 v39, v1;
	v58 =	vshll.u32 v44, v1;
	v47 =	vld [tilespmem:s23+$0xFFFFFF00]  }
0x30: {  	v40 =	vshll.u32 v40, v1;
	v59 =	vshll.u32 v41, v1;
	v45 =	vbroadcast v58, $0x0;
	v48 =	vld [tilespmem:s23+$0xFFFFFF40]  }
0x31: {  	v38 =	vshll.u32 v38, v1;
	v43 =	vbroadcast v33, $0x0;
	v44 =	vbroadcast v42, $0x0;
	v49 =	vld [tilespmem:s23+$0xFFFFFF80]  }
0x32: {  	v42 =	vbroadcast v37, $0x0;
	v39 =	vbroadcast v39, $0x0;
	v50 =	vadd.s32 v28, v45;
	v52 =	vld [tilespmem:s23+$0x0]  }
0x33: {  	v40 =	vbroadcast v40, $0x0;
	v51 =	vadd.s32 v7, v43;
	v60 =	vld [tilespmem:s23+$0xFFFFFFC0];
	v46 =	vmul.f32 $8.000000000e+00, v46  }
0x34: {  	v41 =	vbroadcast v38, $0x0;
	v53 =	vadd.s32 v8, v44;
	v34 =	vld [tilespmem:s25+$0x6420];
	v47 =	vmul.f32 $8.000000000e+00, v47  }
0x35: {  	v55 =	vadd.s32 v13, v42;
	v54 =	vld [tilespmem:s23+$0x40];
	v48 =	vmul.f32 $8.000000000e+00, v48;
	v46 =	vadd.f32 v46, v36  }
0x36: {  	v58 =	vadd.s32 v18, v39;
	v56 =	vld [tilespmem:s23+$0x80];
	v49 =	vmul.f32 $8.000000000e+00, v49;
	v47 =	vadd.f32 v47, v36  }
0x37: {  	v57 =	vadd.s32 v32, v41;
	v33 =	vld [tilespmem:s25+$0x6430];
	v62 =	vmul.f32 $8.000000000e+00, v52;
	v48 =	vadd.f32 v48, v36;
	[tilespmem:v50+s15+$0x0] =	vst.idx.msk $0xffff, v46  }
0x38: {  	v6 =	vbroadcast v59, $0x0;
	v37 =	vmul.f32 $8.000000000e+00, v60;
	v61 =	vadd.f32 v49, v36;
	[tilespmem:v51+s15+$0x0] =	vst.idx.msk $0xffff, v47;
	v50 =	vld [tilespmem:s23+$0xD0]  }
0x39: {  	v49 =	vadd.s32 v22, v40;
	v60 =	vadd.f32 v62, v36;
	[tilespmem:v53+s15+$0x0] =	vst.idx.msk $0xffff, v48;
	v51 =	vld [tilespmem:s23+$0xFFFFFF10]  }
0x3a: {  	s31 =	simm.s32 $0x8;
	v38 =	vmul.f32 $8.000000000e+00, v54;
	v52 =	vadd.s32 v29, v6;
	v37 =	vadd.f32 v37, v36;
	[tilespmem:v55+s15+$0x0] =	vst.idx.msk $0xffff, v61;
	v54 =	vld [tilespmem:s23+$0xFFFFFF50]  }
0x3b: {  	v59 =	vmov s31;
	v61 =	vmul.f32 $8.000000000e+00, v56;
	[tilespmem:v58+s15+$0x0] =	vst.idx.msk $0xffff, v60;
	v55 =	vld [tilespmem:s23+$0xFFFFFF90]  }
0x3c: {  	v62 =	vadd.f32 v38, v36;
	v53 =	vshrl.u32 v59, $0x3;
	[tilespmem:v57+s15+$0x0] =	vst.idx.msk $0xffff, v37;
	v47 =	vadd.s32 v2, v45;
	v59 =	vld [tilespmem:s23+$0x10]  }
0x3d: {  	v58 =	vadd.s32 v3, v43;
	v56 =	vld [tilespmem:s23+$0xFFFFFFD0];
	v46 =	vadd.f32 v61, v36;
	v37 =	vmul.f32 $8.000000000e+00, v50  }
0x3e: {  	[tilespmem:v49+s15+$0x0] =	vst.idx.msk $0xffff, v62;
	v50 =	vmul.f32 $8.000000000e+00, v51;
	v51 =	vadd.s32 v5, v44  }
0x3f: {  	v60 =	vld [tilespmem:s23+$0x50];
	[tilespmem:v52+s15+$0x0] =	vst.idx.msk $0xffff, v46;
	v52 =	vadd.s32 v15, v42;
	v46 =	vmul.f32 $8.000000000e+00, v54;
	v37 =	vadd.f32 v37, v35  }
0x40: {  	v62 =	vadd.s32 v20, v39;
	v54 =	vld [tilespmem:s23+$0x90];
	v55 =	vmul.f32 $8.000000000e+00, v55;
	v50 =	vadd.f32 v50, v35  }
0x41: {  	v61 =	vadd.s32 v19, v41;
	v38 =	vmul.f32 $8.000000000e+00, v59;
	v46 =	vadd.f32 v46, v35;
	[tilespmem:v47+s15+$0x0] =	vst.idx.msk $0xffff, v37  }
0x42: {  	v56 =	vmul.f32 $8.000000000e+00, v56;
	[tilespmem:v58+s15+$0x0] =	vst.idx.msk $0xffff, v50;
	v37 =	vadd.f32 v55, v35  }
0x43: {  	v47 =	vadd.f32 v38, v35;
	v55 =	vld [tilespmem:s23+$0xE0];
	[tilespmem:v51+s15+$0x0] =	vst.idx.msk $0xffff, v46  }
0x44: {  	v50 =	vadd.s32 v63, v40;
	v58 =	vld [tilespmem:s23+$0xFFFFFF20];
	v46 =	vadd.f32 v56, v35;
	[tilespmem:v52+s15+$0x0] =	vst.idx.msk $0xffff, v37  }
0x45: {  	s26 =	simm.s32 $0xA;
	s25 =	simm.s32 $0x9;
	v51 =	vmul.f32 $8.000000000e+00, v60;
	v56 =	vadd.s32 v27, v6;
	v60 =	vld [tilespmem:s23+$0xFFFFFF60];
	v52 =	vmul.f32 $8.000000000e+00, v54;
	[tilespmem:v62+s15+$0x0] =	vst.idx.msk $0xffff, v47  }
0x46: {  	v48 =	vmov s25;
	v57 =	vmov s26;
	v54 =	vld [tilespmem:s23+$0xFFFFFFA0];
	[tilespmem:v61+s15+$0x0] =	vst.idx.msk $0xffff, v46  }
0x47: {  	v38 =	vadd.f32 v51, v35;
	v61 =	vld [tilespmem:s23+$0xFFFFFFE0];
	v47 =	vadd.f32 v52, v35;
	v52 =	vadd.s32 v4, v45  }
0x48: {  	v21 =	vmovc v63;
	v62 =	vshrl.u32 v48, $0x3;
	v48 =	vadd.s32 v12, v43;
	v63 =	vld [tilespmem:s23+$0x20];
	v46 =	vmul.f32 $8.000000000e+00, v55  }
0x49: {  	[tilespmem:v50+s15+$0x0] =	vst.idx.msk $0xffff, v38;
	v50 =	vshrl.u32 v57, $0x3;
	v57 =	vadd.s32 v9, v44;
	v38 =	vmul.f32 $8.000000000e+00, v58  }
0x4a: {  	[tilespmem:v56+s15+$0x0] =	vst.idx.msk $0xffff, v47;
	v56 =	vadd.s32 v11, v42;
	v47 =	vmul.f32 $8.000000000e+00, v60;
	v46 =	vadd.f32 v46, v34  }
0x4b: {  	v55 =	vadd.f32 v38, v34;
	v54 =	vmul.f32 $8.000000000e+00, v54;
	v38 =	vadd.s32 v30, v41  }
0x4c: {  	[tilespmem:v52+s15+$0x0] =	vst.idx.msk $0xffff, v46;
	v46 =	vadd.f32 v47, v34;
	v47 =	vmul.f32 $8.000000000e+00, v61;
	v52 =	vadd.s32 v17, v39  }
0x4d: {  	v58 =	vld [tilespmem:s23+$0x60];
	[tilespmem:v48+s15+$0x0] =	vst.idx.msk $0xffff, v55;
	v48 =	vadd.f32 v54, v34;
	v54 =	vmul.f32 $8.000000000e+00, v63  }
0x4e: {  	v60 =	vld [tilespmem:s23+$0xA0];
	[tilespmem:v57+s15+$0x0] =	vst.idx.msk $0xffff, v46;
	v46 =	vadd.f32 v47, v34  }
0x4f: {  	v61 =	vld [tilespmem:s23+$0xF0];
	[tilespmem:v56+s15+$0x0] =	vst.idx.msk $0xffff, v48;
	v54 =	vadd.f32 v54, v34  }
0x50: {  	v57 =	vld [tilespmem:s23+$0xFFFFFF30];
	[tilespmem:v38+s15+$0x0] =	vst.idx.msk $0xffff, v46  }
0x51: {  	v56 =	vld [tilespmem:s23+$0xFFFFFF70];
	[tilespmem:v52+s15+$0x0] =	vst.idx.msk $0xffff, v54  }
0x52: {  	v16 =	vmov v13;
	s28 =	simm.s32 $0xB;
	v55 =	vadd.s32 v25, v40;
	v13 =	vld [tilespmem:$0x1FEB0]  }
0x53: {  	v23 =	vmovc v29;
	s30 =	simm.s32 $0xD;
	v49 =	vmov s28;
	v63 =	vadd.s32 v24, v6;
	v58 =	vmul.f32 $8.000000000e+00, v58;
	v29 =	vld [tilespmem:$0x1FFF0]  }
0x54: {  	v37 =	vshll.u32 v53, v1;
	v53 =	vmov s30;
	v60 =	vmul.f32 $8.000000000e+00, v60  }
0x55: {  	v48 =	vshrl.u32 v49, $0x3;
	v49 =	vshrl.u32 v53, $0x3;
	v53 =	vadd.f32 v58, v34  }
0x56: {  	v44 =	vadd.s32 v10, v44;
	v52 =	vadd.f32 v60, v34;
	v54 =	vshll.u32 v62, v1  }
0x57: {  	[tilespmem:v55+s15+$0x0] =	vst.idx.msk $0xffff, v53;
	v62 =	vmul.f32 $8.000000000e+00, v57;
	v56 =	vmul.f32 $8.000000000e+00, v56;
	v45 =	vadd.s32 v13, v45  }
0x58: {  	v31 =	vmovc v14;
	v14 =	vmov v12;
	v61 =	vmul.f32 $8.000000000e+00, v61;
	[tilespmem:v63+s15+$0x0] =	vst.idx.msk $0xffff, v52;
	v58 =	vadd.s32 v29, v43  }
0x59: {  	s31 =	simm.s32 $0xE;
	v55 =	vshll.u32 v50, v1;
	v50 =	vadd.f32 v62, v33;
	v62 =	vadd.f32 v56, v33;
	v12 =	vmovc v13;
	v13 =	vld [tilespmem:$0x1FFC0]  }
0x5a: {  	s29 =	simm.s32 $0xC;
	v51 =	vmov s31;
	v38 =	vld [tilespmem:s23+$0xFFFFFFB0];
	v61 =	vadd.f32 v61, v33  }
0x5b: {  	v59 =	vmov s29;
	v46 =	vshrl.u32 v51, $0x3;
	v51 =	vld [tilespmem:s23+$0xFFFFFFF0];
	[tilespmem:v44+s15+$0x0] =	vst.idx.msk $0xffff, v62  }
0x5c: {  	v47 =	vshrl.u32 v59, $0x3;
	v59 =	vld [tilespmem:s23+$0x30];
	[tilespmem:v45+s15+$0x0] =	vst.idx.msk $0xffff, v61  }
0x5d: {  	v60 =	vld [tilespmem:s23+$0x70];
	[tilespmem:v58+s15+$0x0] =	vst.idx.msk $0xffff, v50  }
0x5e: {  	v43 =	vadd.s32 v13, v41;
	v13 =	vld [tilespmem:$0x1FFB0];
	_ =	sdelay $0x1  }
0x5f: {  	v38 =	vmul.f32 $8.000000000e+00, v38  }
0x60: {  	v53 =	vadd.s32 v31, v42;
	v42 =	vadd.s32 v0, v39;
	v63 =	vmul.f32 $8.000000000e+00, v51  }
0x61: {  	v39 =	vadd.s32 v26, v40;
	v56 =	vadd.f32 v38, v33;
	v51 =	vmul.f32 $8.000000000e+00, v59  }
0x62: {  	v52 =	vadd.f32 v63, v33;
	v40 =	vmul.f32 $8.000000000e+00, v60;
	v31 =	vmovc v13;
	v38 =	vadd.s32 v13, v6;
	v13 =	vmovc v32  }
0x63: {  	s24 =	simm.s32 $0x10;
	s25 =	simm.s32 $0xF;
	v41 =	vld [tilespmem:s23+$0xB0];
	v32 =	vmovc v29;
	v6 =	vmovc v14;
	v29 =	vmov v2;
	v14 =	vmov v26;
	v26 =	vmov v0  }
.LBB2_3:
0x64: {  	_ =	sdelay $0x1  }
0x65: {  	v44 =	vmov s25;
	s23 =	sadd.s32 $0x200, s23;
	v48 =	vshll.u32 v48, v1;
	v47 =	vshll.u32 v47, v1  }
0x66: {  	v49 =	vshll.u32 v49, v1;
	[tilespmem:v53+s15+$0x0] =	vst.idx.msk $0xffff, v56;
	v45 =	vadd.f32 v51, v33;
	v63 =	vld [tilespmem:s23+$0xC0];
	v44 =	vshrl.u32 v44, $0x3  }
0x67: {  	[tilespmem:v43+s15+$0x0] =	vst.idx.msk $0xffff, v52;
	v57 =	vld [tilespmem:s23+$0xFFFFFF00];
	v43 =	vbroadcast v55, $0x0;
	v58 =	vshll.u32 v44, v1;
	v44 =	vbroadcast v54, $0x0  }
0x68: {  	v40 =	vadd.f32 v40, v33;
	v60 =	vld [tilespmem:s23+$0xFFFFFF40];
	[tilespmem:v42+s15+$0x0] =	vst.idx.msk $0xffff, v45;
	v45 =	vbroadcast v58, $0x0;
	v50 =	vmul.f32 $8.000000000e+00, v41  }
0x69: {  	v46 =	vshll.u32 v46, v1;
	v42 =	vbroadcast v48, $0x0;
	v41 =	vbroadcast v37, $0x0;
	v37 =	vld [tilespmem:s23+$0xFFFFFF80]  }
0x6a: {  	v53 =	vld [tilespmem:s23+$0xFFFFFFC0];
	[tilespmem:v39+s15+$0x0] =	vst.idx.msk $0xffff, v40;
	v40 =	vbroadcast v47, $0x0;
	v47 =	vadd.s32 v28, v45;
	v59 =	vadd.f32 v50, v33  }
0x6b: {  	v39 =	vbroadcast v49, $0x0;
	v54 =	vld [tilespmem:s23+$0x0];
	v48 =	vadd.s32 v7, v41;
	v49 =	vmul.f32 $8.000000000e+00, v63  }
0x6c: {  	v62 =	vadd.s32 v8, v44;
	v55 =	vld [tilespmem:s23+$0x40];
	v58 =	vadd.s32 v18, v40;
	v61 =	vmul.f32 $8.000000000e+00, v57;
	[tilespmem:v38+s15+$0x0] =	vst.idx.msk $0xffff, v59  }
0x6d: {  	v63 =	vmul.f32 $8.000000000e+00, v60;
	v60 =	vadd.s32 v16, v43;
	v49 =	vadd.f32 v49, v36;
	v56 =	vld [tilespmem:s23+$0x80]  }
0x6e: {  	v57 =	vadd.s32 v13, v42;
	v51 =	vadd.f32 v61, v36;
	v37 =	vmul.f32 $8.000000000e+00, v37  }
0x6f: {  	v53 =	vmul.f32 $8.000000000e+00, v53;
	v38 =	vbroadcast v46, $0x0;
	v46 =	vadd.f32 v63, v36;
	[tilespmem:v47+s15+$0x0] =	vst.idx.msk $0xffff, v49  }
0x70: {  	v61 =	vmul.f32 $8.000000000e+00, v54;
	[tilespmem:v48+s15+$0x0] =	vst.idx.msk $0xffff, v51;
	v37 =	vadd.f32 v37, v36;
	v48 =	vadd.s32 v22, v39;
	v49 =	vld [tilespmem:s23+$0xD0]  }
0x71: {  	v63 =	vmul.f32 $8.000000000e+00, v55;
	[tilespmem:v62+s15+$0x0] =	vst.idx.msk $0xffff, v46;
	v62 =	vadd.f32 v53, v36;
	v53 =	vadd.s32 v23, v38;
	v51 =	vld [tilespmem:s23+$0xFFFFFF10]  }
0x72: {  	v55 =	vld [tilespmem:s23+$0xFFFFFF50];
	[tilespmem:v60+s15+$0x0] =	vst.idx.msk $0xffff, v37;
	v60 =	vadd.f32 v61, v36;
	v61 =	vmul.f32 $8.000000000e+00, v56  }
0x73: {  	[tilespmem:v57+s15+$0x0] =	vst.idx.msk $0xffff, v62;
	v62 =	vadd.f32 v63, v36;
	v54 =	vld [tilespmem:s23+$0xFFFFFF90]  }
0x74: {  	v59 =	vmov s24;
	v47 =	vadd.s32 v29, v45;
	v56 =	vld [tilespmem:s23+$0xFFFFFFD0];
	[tilespmem:v58+s15+$0x0] =	vst.idx.msk $0xffff, v60;
	v37 =	vadd.f32 v61, v36  }
0x75: {  	v50 =	vshrl.u32 v59, $0x3;
	v58 =	vadd.s32 v3, v41;
	v59 =	vld [tilespmem:s23+$0x10];
	[tilespmem:v48+s15+$0x0] =	vst.idx.msk $0xffff, v62;
	v46 =	vmul.f32 $8.000000000e+00, v49  }
0x76: {  	v49 =	vmul.f32 $8.000000000e+00, v51;
	v51 =	vadd.s32 v5, v44;
	v60 =	vld [tilespmem:s23+$0x50];
	[tilespmem:v53+s15+$0x0] =	vst.idx.msk $0xffff, v37  }
0x77: {  	v37 =	vmul.f32 $8.000000000e+00, v55;
	v53 =	vadd.s32 v15, v43;
	v46 =	vadd.f32 v46, v35;
	v55 =	vld [tilespmem:s23+$0x90]  }
0x78: {  	v61 =	vadd.s32 v19, v42;
	v49 =	vadd.f32 v49, v35;
	v54 =	vmul.f32 $8.000000000e+00, v54  }
0x79: {  	v62 =	vadd.s32 v20, v40;
	v56 =	vmul.f32 $8.000000000e+00, v56;
	v37 =	vadd.f32 v37, v35;
	[tilespmem:v47+s15+$0x0] =	vst.idx.msk $0xffff, v46  }
0x7a: {  	[tilespmem:v58+s15+$0x0] =	vst.idx.msk $0xffff, v49;
	v46 =	vadd.f32 v54, v35;
	v47 =	vmul.f32 $8.000000000e+00, v59;
	v49 =	vadd.s32 v21, v39;
	v54 =	vld [tilespmem:s23+$0xE0]  }
0x7b: {  	v58 =	vld [tilespmem:s23+$0xFFFFFF20];
	[tilespmem:v51+s15+$0x0] =	vst.idx.msk $0xffff, v37;
	v51 =	vadd.f32 v56, v35;
	v56 =	vmul.f32 $8.000000000e+00, v60  }
0x7c: {  	v59 =	vadd.s32 v27, v38;
	v63 =	vld [tilespmem:s23+$0xFFFFFF60];
	[tilespmem:v53+s15+$0x0] =	vst.idx.msk $0xffff, v46;
	v46 =	vadd.f32 v47, v35;
	v47 =	vmul.f32 $8.000000000e+00, v55  }
0x7d: {  	s31 =	sadd.s32 $0x1, s24;
	v53 =	vld [tilespmem:s23+$0xFFFFFFA0];
	[tilespmem:v61+s15+$0x0] =	vst.idx.msk $0xffff, v51;
	v51 =	vadd.f32 v56, v35  }
0x7e: {  	s26 =	sadd.s32 $0x2, s24;
	v52 =	vmov s31;
	v56 =	vld [tilespmem:s23+$0xFFFFFFE0];
	[tilespmem:v62+s15+$0x0] =	vst.idx.msk $0xffff, v46;
	v46 =	vadd.f32 v47, v35;
	v47 =	vadd.s32 v4, v45  }
0x7f: {  	v57 =	vmov s26;
	v61 =	vadd.s32 v6, v41;
	v62 =	vld [tilespmem:s23+$0x20];
	[tilespmem:v49+s15+$0x0] =	vst.idx.msk $0xffff, v51;
	v49 =	vmul.f32 $8.000000000e+00, v54  }
0x80: {  	v51 =	vshrl.u32 v57, $0x3;
	v57 =	vadd.s32 v9, v44;
	v54 =	vmul.f32 $8.000000000e+00, v58  }
0x81: {  	v58 =	vld [tilespmem:s23+$0x60];
	[tilespmem:v59+s15+$0x0] =	vst.idx.msk $0xffff, v46;
	v46 =	vmul.f32 $8.000000000e+00, v63;
	v59 =	vadd.s32 v11, v43;
	v49 =	vadd.f32 v49, v34  }
0x82: {  	v0 =	vadd.s32 v30, v42;
	v54 =	vadd.f32 v54, v34;
	v53 =	vmul.f32 $8.000000000e+00, v53  }
0x83: {  	v2 =	vadd.s32 v17, v40;
	v63 =	vld [tilespmem:s23+$0xA0];
	v46 =	vadd.f32 v46, v34;
	v56 =	vmul.f32 $8.000000000e+00, v56;
	[tilespmem:v47+s15+$0x0] =	vst.idx.msk $0xffff, v49  }
0x84: {  	v37 =	vshll.u32 v50, v1;
	[tilespmem:v61+s15+$0x0] =	vst.idx.msk $0xffff, v54;
	v47 =	vadd.f32 v53, v34;
	v49 =	vmul.f32 $8.000000000e+00, v62;
	v61 =	vld [tilespmem:s23+$0xF0]  }
0x85: {  	s30 =	sadd.s32 $0x5, s24;
	v52 =	vshrl.u32 v52, $0x3;
	v53 =	vadd.s32 v25, v39;
	v62 =	vld [tilespmem:s23+$0xFFFFFF30];
	[tilespmem:v57+s15+$0x0] =	vst.idx.msk $0xffff, v46;
	v46 =	vadd.f32 v56, v34  }
0x86: {  	s28 =	sadd.s32 $0x3, s24;
	s29 =	sadd.s32 $0x4, s24;
	v50 =	vmov s30;
	v54 =	vmul.f32 $8.000000000e+00, v58;
	v57 =	vld [tilespmem:s23+$0xFFFFFF70];
	[tilespmem:v59+s15+$0x0] =	vst.idx.msk $0xffff, v47;
	v58 =	vadd.f32 v49, v34  }
0x87: {  	v48 =	vmov s28;
	v60 =	vmov s29;
	v49 =	vshrl.u32 v50, $0x3;
	v50 =	vld [tilespmem:s23+$0xFFFFFFB0];
	[tilespmem:v0+s15+$0x0] =	vst.idx.msk $0xffff, v46  }
0x88: {  	s31 =	sadd.s32 $0x6, s24;
	v56 =	vadd.s32 v24, v38;
	v47 =	vshrl.u32 v60, $0x3;
	v0 =	vadd.f32 v54, v34;
	v60 =	vld [tilespmem:s23+$0xFFFFFFF0];
	[tilespmem:v2+s15+$0x0] =	vst.idx.msk $0xffff, v58  }
0x89: {  	v48 =	vshrl.u32 v48, $0x3;
	v55 =	vmov s31;
	v59 =	vmul.f32 $8.000000000e+00, v63;
	v58 =	vld [tilespmem:s23+$0x30]  }
0x8a: {  	v45 =	vadd.s32 v12, v45;
	v54 =	vshll.u32 v52, v1;
	[tilespmem:v53+s15+$0x0] =	vst.idx.msk $0xffff, v0;
	v0 =	vmul.f32 $8.000000000e+00, v61;
	v61 =	vld [tilespmem:$0x1FFD0]  }
0x8b: {  	v52 =	vadd.s32 v32, v41;
	v2 =	vadd.f32 v59, v34;
	v63 =	vmul.f32 $8.000000000e+00, v62;
	v62 =	vld [tilespmem:$0x1FFC0]  }
0x8c: {  	p1 =	slt.u32 s24, $0x78;
	v44 =	vadd.s32 v10, v44;
	v39 =	vadd.s32 v14, v39;
	v38 =	vadd.s32 v31, v38;
	v59 =	vld [tilespmem:s23+$0x70]  }
.Ltmp0:
0x8d: {  	[tilespmem:v56+s15+$0x0] =	vst.idx.msk $0xffff, v2;
	v2 =	vmul.f32 $8.000000000e+00, v57;
	v0 =	vadd.f32 v0, v33;
	v50 =	vmul.f32 $8.000000000e+00, v50;
	(pc) =	sbr.rel @p1 .LBB2_3-.Ltmp0, $4  }
0x8e: {  	v46 =	vshrl.u32 v55, $0x3;
	v55 =	vshll.u32 v51, v1;
	v51 =	vadd.f32 v63, v33  }
0x8f: {  	v2 =	vadd.f32 v2, v33;
	v63 =	vmul.f32 $8.000000000e+00, v60;
	[tilespmem:v45+s15+$0x0] =	vst.idx.msk $0xffff, v0;
	v56 =	vadd.f32 v50, v33  }
0x90: {  	[tilespmem:v52+s15+$0x0] =	vst.idx.msk $0xffff, v51;
	v51 =	vmul.f32 $8.000000000e+00, v58;
	v53 =	vadd.s32 v61, v43;
	v43 =	vadd.s32 v62, v42  }
0x91: {  	s25 =	sadd.s32 $0x7, s24;
	s24 =	sadd.s32 $0x8, s24;
	v41 =	vld [tilespmem:s23+$0xB0];
	v42 =	vadd.s32 v26, v40;
	[tilespmem:v44+s15+$0x0] =	vst.idx.msk $0xffff, v2;
	v52 =	vadd.f32 v63, v33;
	v40 =	vmul.f32 $8.000000000e+00, v59  }
0x92: {  	v0 =	vmov s25;
	s23 =	sadd.s32 $0x200, s23  }
0x93: {  	v2 =	vld [tilespmem:s23+$0xC0];
	v0 =	vshrl.u32 v0, $0x3  }
0x94: {  	v44 =	vshll.u32 v48, v1;
	v61 =	vbroadcast v37, $0x0;
	v45 =	vld [tilespmem:s23+$0xFFFFFF00];
	v0 =	vshll.u32 v0, v1  }
0x95: {  	v63 =	vshll.u32 v47, v1;
	v58 =	vshll.u32 v49, v1;
	v57 =	vld [tilespmem:s23+$0xFFFFFF40];
	v50 =	vbroadcast v0, $0x0  }
0x96: {  	v49 =	vbroadcast v54, $0x0;
	v47 =	vbroadcast v55, $0x0;
	v54 =	vshll.u32 v46, v1;
	v0 =	vld [tilespmem:s23+$0xFFFFFF80]  }
0x97: {  	v55 =	vld [tilespmem:s23+$0xFFFFFFC0];
	v46 =	vbroadcast v44, $0x0;
	v48 =	vbroadcast v63, $0x0;
	v59 =	vadd.s32 v28, v50  }
0x98: {  	v60 =	vadd.s32 v7, v61;
	v7 =	vmovc v61;
	v61 =	vld [tilespmem:s23+$0x0];
	v28 =	vbroadcast v58, $0x0;
	v2 =	vmul.f32 $8.000000000e+00, v2  }
0x99: {  	v63 =	vld [tilespmem:s23+$0x40];
	v62 =	vadd.s32 v8, v49;
	v37 =	vmul.f32 $8.000000000e+00, v45;
	v45 =	vbroadcast v54, $0x0  }
0x9a: {  	v44 =	vld [tilespmem:s23+$0x80];
	v54 =	vmul.f32 $8.000000000e+00, v57;
	v57 =	vadd.s32 v16, v47;
	v2 =	vadd.f32 v2, v36  }
0x9b: {  	v58 =	vadd.f32 v37, v36;
	v0 =	vmul.f32 $8.000000000e+00, v0;
	v37 =	vadd.s32 v13, v46  }
0x9c: {  	[tilespmem:v59+s15+$0x0] =	vst.idx.msk $0xffff, v2;
	v2 =	vadd.f32 v54, v36;
	v54 =	vmul.f32 $8.000000000e+00, v55;
	v55 =	vadd.s32 v18, v48  }
0x9d: {  	[tilespmem:v60+s15+$0x0] =	vst.idx.msk $0xffff, v58;
	v0 =	vadd.f32 v0, v36;
	v58 =	vmul.f32 $8.000000000e+00, v61;
	v59 =	vadd.s32 v22, v28;
	v60 =	vld [tilespmem:s23+$0xD0]  }
0x9e: {  	v61 =	vmul.f32 $8.000000000e+00, v63;
	[tilespmem:v62+s15+$0x0] =	vst.idx.msk $0xffff, v2;
	v2 =	vld [tilespmem:s23+$0xFFFFFF10];
	v54 =	vadd.f32 v54, v36;
	v62 =	vadd.s32 v23, v45  }
0x9f: {  	v44 =	vmul.f32 $8.000000000e+00, v44;
	[tilespmem:v57+s15+$0x0] =	vst.idx.msk $0xffff, v0;
	v63 =	vadd.f32 v58, v36;
	v0 =	vld [tilespmem:s23+$0xFFFFFF50]  }
0xa0: {  	v61 =	vadd.f32 v61, v36;
	[tilespmem:v37+s15+$0x0] =	vst.idx.msk $0xffff, v54;
	v37 =	vld [tilespmem:s23+$0xFFFFFF90]  }
0xa1: {  	v36 =	vadd.f32 v44, v36;
	v44 =	vadd.s32 v29, v50;
	v58 =	vld [tilespmem:s23+$0xFFFFFFD0];
	[tilespmem:v55+s15+$0x0] =	vst.idx.msk $0xffff, v63  }
0xa2: {  	v55 =	vadd.s32 v3, v7;
	[tilespmem:v59+s15+$0x0] =	vst.idx.msk $0xffff, v61;
	v57 =	vld [tilespmem:s23+$0x10];
	v54 =	vmul.f32 $8.000000000e+00, v60  }
0xa3: {  	v59 =	vadd.s32 v5, v49;
	v60 =	vld [tilespmem:s23+$0x50];
	v2 =	vmul.f32 $8.000000000e+00, v2;
	[tilespmem:v62+s15+$0x0] =	vst.idx.msk $0xffff, v36  }
0xa4: {  	[tilespmem:v53+s15+$0x0] =	vst.idx.msk $0xffff, v56;
	v36 =	vadd.s32 v15, v47;
	v0 =	vmul.f32 $8.000000000e+00, v0;
	v61 =	vld [tilespmem:s23+$0x90];
	v54 =	vadd.f32 v54, v35  }
0xa5: {  	[tilespmem:v43+s15+$0x0] =	vst.idx.msk $0xffff, v52;
	v53 =	vadd.s32 v19, v46;
	v2 =	vadd.f32 v2, v35;
	v37 =	vmul.f32 $8.000000000e+00, v37  }
0xa6: {  	[tilespmem:v44+s15+$0x0] =	vst.idx.msk $0xffff, v54;
	v0 =	vadd.f32 v0, v35;
	v44 =	vmul.f32 $8.000000000e+00, v58;
	v54 =	vadd.s32 v20, v48  }
0xa7: {  	[tilespmem:v55+s15+$0x0] =	vst.idx.msk $0xffff, v2;
	v2 =	vadd.f32 v37, v35;
	v63 =	vmul.f32 $8.000000000e+00, v57;
	v55 =	vadd.s32 v21, v28;
	v56 =	vld [tilespmem:s23+$0xE0]  }
0xa8: {  	v58 =	vadd.s32 v27, v45;
	v57 =	vmul.f32 $8.000000000e+00, v60;
	[tilespmem:v59+s15+$0x0] =	vst.idx.msk $0xffff, v0;
	v0 =	vld [tilespmem:s23+$0xFFFFFF20];
	v44 =	vadd.f32 v44, v35  }
0xa9: {  	[tilespmem:v36+s15+$0x0] =	vst.idx.msk $0xffff, v2;
	v2 =	vld [tilespmem:s23+$0xFFFFFF60];
	v60 =	vadd.f32 v63, v35;
	v63 =	vmul.f32 $8.000000000e+00, v61  }
0xaa: {  	v57 =	vadd.f32 v57, v35;
	[tilespmem:v53+s15+$0x0] =	vst.idx.msk $0xffff, v44;
	v44 =	vld [tilespmem:s23+$0xFFFFFFA0]  }
0xab: {  	v37 =	vadd.s32 v4, v50;
	[tilespmem:v54+s15+$0x0] =	vst.idx.msk $0xffff, v60;
	v36 =	vld [tilespmem:s23+$0xFFFFFFE0];
	v59 =	vadd.f32 v63, v35  }
0xac: {  	v51 =	vadd.f32 v51, v33;
	v53 =	vadd.s32 v6, v7;
	[tilespmem:v55+s15+$0x0] =	vst.idx.msk $0xffff, v57;
	v54 =	vld [tilespmem:s23+$0x20];
	v55 =	vmul.f32 $8.000000000e+00, v56  }
0xad: {  	v40 =	vadd.f32 v40, v33;
	v60 =	vadd.s32 v9, v49;
	v0 =	vmul.f32 $8.000000000e+00, v0;
	[tilespmem:v58+s15+$0x0] =	vst.idx.msk $0xffff, v59;
	v63 =	vld [tilespmem:s23+$0x60]  }
0xae: {  	v43 =	vadd.s32 v11, v47;
	[tilespmem:v42+s15+$0x0] =	vst.idx.msk $0xffff, v51;
	v2 =	vmul.f32 $8.000000000e+00, v2;
	v52 =	vld [tilespmem:s23+$0xA0];
	v55 =	vadd.f32 v55, v34  }
0xaf: {  	[tilespmem:v39+s15+$0x0] =	vst.idx.msk $0xffff, v40;
	v57 =	vadd.s32 v30, v46;
	v0 =	vadd.f32 v0, v34;
	v51 =	vmul.f32 $8.000000000e+00, v44  }
0xb0: {  	v58 =	vadd.s32 v17, v48;
	[tilespmem:v37+s15+$0x0] =	vst.idx.msk $0xffff, v55;
	v2 =	vadd.f32 v2, v34;
	v36 =	vmul.f32 $8.000000000e+00, v36  }
0xb1: {  	[tilespmem:v53+s15+$0x0] =	vst.idx.msk $0xffff, v0;
	v0 =	vadd.f32 v51, v34;
	v59 =	vmul.f32 $8.000000000e+00, v54;
	v51 =	vadd.s32 v25, v28  }
0xb2: {  	v54 =	vadd.s32 v24, v45;
	[tilespmem:v60+s15+$0x0] =	vst.idx.msk $0xffff, v2;
	v60 =	vadd.f32 v36, v34;
	v63 =	vmul.f32 $8.000000000e+00, v63  }
0xb3: {  	v22 =	vmov v25;
	[tilespmem:v43+s15+$0x0] =	vst.idx.msk $0xffff, v0;
	v42 =	vadd.f32 v59, v34;
	v25 =	vmul.f32 $8.000000000e+00, v52  }
0xb4: {  	v11 =	vmovc v46;
	v46 =	vmov v48;
	v55 =	vmul.f32 $8.000000000e+00, v41;
	v53 =	vld [tilespmem:s23+$0xF0];
	[tilespmem:v57+s15+$0x0] =	vst.idx.msk $0xffff, v60;
	v48 =	vadd.f32 v63, v34  }
0xb5: {  	v2 =	vld [tilespmem:s23+$0xFFFFFF30];
	[tilespmem:v58+s15+$0x0] =	vst.idx.msk $0xffff, v42;
	v57 =	vadd.f32 v25, v34  }
0xb6: {  	v36 =	vadd.f32 v55, v33;
	v0 =	vld [tilespmem:s23+$0xFFFFFF70];
	[tilespmem:v51+s15+$0x0] =	vst.idx.msk $0xffff, v48  }
0xb7: {  	v52 =	vld [tilespmem:s23+$0xFFFFFFB0];
	[tilespmem:v54+s15+$0x0] =	vst.idx.msk $0xffff, v57  }
0xb8: {  	v3 =	vmov v9;
	v9 =	vld [tilespmem:$0x1FFD0];
	[tilespmem:v38+s15+$0x0] =	vst.idx.msk $0xffff, v36  }
0xb9: {  	v13 =	vmov v18;
	v18 =	vld [tilespmem:$0x1FFC0]  }
0xba: {  	v56 =	vld [tilespmem:s23+$0xFFFFFFF0];
	v58 =	vadd.s32 v12, v50  }
0xbb: {  	v59 =	vadd.s32 v32, v7;
	v60 =	vld [tilespmem:s23+$0x30];
	v63 =	vmul.f32 $8.000000000e+00, v53  }
0xbc: {  	v24 =	vadd.s32 v10, v49;
	v2 =	vmul.f32 $8.000000000e+00, v2;
	v25 =	vld [tilespmem:s23+$0x70]  }
0xbd: {  	v0 =	vmul.f32 $8.000000000e+00, v0;
	v51 =	vld [tilespmem:s23+$0xB0];
	v35 =	vadd.f32 v63, v33;
	v50 =	vadd.s32 v9, v47  }
0xbe: {  	v2 =	vadd.f32 v2, v33;
	v53 =	vmul.f32 $8.000000000e+00, v52;
	v54 =	vadd.s32 v18, v11  }
0xbf: {  	v0 =	vadd.f32 v0, v33;
	v55 =	vmul.f32 $8.000000000e+00, v56;
	v56 =	vadd.s32 v26, v46;
	[tilespmem:v58+s15+$0x0] =	vst.idx.msk $0xffff, v35  }
0xc0: {  	v58 =	vadd.s32 v14, v28;
	[tilespmem:v59+s15+$0x0] =	vst.idx.msk $0xffff, v2;
	v2 =	vadd.f32 v53, v33;
	v57 =	vmul.f32 $8.000000000e+00, v60  }
0xc1: {  	v60 =	vadd.s32 v31, v45;
	[tilespmem:v24+s15+$0x0] =	vst.idx.msk $0xffff, v0;
	v0 =	vadd.f32 v55, v33;
	v59 =	vmul.f32 $8.000000000e+00, v25  }
0xc2: {  	v63 =	vmul.f32 $8.000000000e+00, v51;
	[tilespmem:v50+s15+$0x0] =	vst.idx.msk $0xffff, v2;
	v2 =	vadd.f32 v57, v33  }
0xc3: {  	s24 =	sshll.u32 s21, $0x13;
	[tilespmem:v54+s15+$0x0] =	vst.idx.msk $0xffff, v0;
	v0 =	vadd.f32 v59, v33  }
0xc4: {  	s23 =	sor.u32 s7, s24;
	[tilespmem:v56+s15+$0x0] =	vst.idx.msk $0xffff, v2;
	v2 =	vadd.f32 v63, v33  }
0xc5: {  	s23 =	sshrl.u32 s23, $0x3;
	[tilespmem:v58+s15+$0x0] =	vst.idx.msk $0xffff, v0  }
0xc6: {  	s25 =	simm.s32 $0xD600;
	s24 =	sadd.s32 s2, s23;
	[tilespmem:v60+s15+$0x0] =	vst.idx.msk $0xffff, v2  }
0xc7: {  	[hbm4b:s24+s3] =	stream.linear.scatter [tilespmem:s25], [sflag:$0x3], $0x80, $0x38;
	[tilespmem:$0x11A00] =	vst v63  }
0xc8: {  	s26 =	simm.s32 $0xD688;
	s29 =	sadd.s32 $0x10, s24  }
0xc9: {  	[hbm4b:s29+s3] =	stream.linear.scatter [tilespmem:s26], [sflag:$0x3], $0x80, $0x38;
	[tilespmem:$0x11A00] =	vst v63  }
0xca: {  	s30 =	simm.s32 $0xD710;
	s23 =	simm.s32 $0x440;
	s31 =	sadd.s32 $0x20, s24  }
0xcb: {  	[hbm4b:s31+s3] =	stream.linear.scatter [tilespmem:s30], [sflag:$0x3], $0x80, $0x38;
	[tilespmem:$0x11A00] =	vst v63  }
0xcc: {  	s28 =	sadd.s32 $0x70, s24;
	s26 =	simm.s32 $0xD798;
	s29 =	sadd.s32 $0x30, s24  }
0xcd: {  	[hbm4b:s29+s3] =	stream.linear.scatter [tilespmem:s26], [sflag:$0x3], $0x80, $0x38;
	[tilespmem:$0x11A00] =	vst v63  }
0xce: {  	s25 =	simm.s32 $0x2200;
	s30 =	simm.s32 $0xD820;
	s31 =	sadd.s32 $0x40, s24  }
0xcf: {  	[hbm4b:s31+s3] =	stream.linear.scatter [tilespmem:s30], [sflag:$0x3], $0x80, $0x38;
	[tilespmem:$0x11A00] =	vst v63  }
0xd0: {  	s26 =	simm.s32 $0xD8A8;
	s29 =	sadd.s32 $0x50, s24;
	s30 =	simm.s32 $0xD930  }
0xd1: {  	v8 =	vmov v16;
	v19 =	vmov v20;
	[hbm4b:s29+s3] =	stream.linear.scatter [tilespmem:s26], [sflag:$0x3], $0x80, $0x38;
	[tilespmem:$0x11A00] =	vst v63  }
0xd2: {  	v16 =	vmovc v23;
	v29 =	vmovc v27;
	v5 =	vmov v10;
	v62 =	vmov v15;
	v15 =	vmov v17;
	s31 =	sadd.s32 $0x60, s24;
	s24 =	sadd.s32 $0x1000, s24;
	s26 =	simm.s32 $0xD9B8  }
0xd3: {  	v61 =	vmovc v6;
	v6 =	vmovc v32;
	v17 =	vmov v30;
	v32 =	vmov v14;
	v14 =	vmov v9;
	[hbm4b:s31+s3] =	stream.linear.scatter [tilespmem:s30], [sflag:$0x3], $0x80, $0x38;
	[tilespmem:$0x11A00] =	vst v63  }
.LBB2_5:
0xd4: {  	[hbm4b:s28+s3] =	stream.linear.scatter [tilespmem:s26], [sflag:$0x3], $0x80, $0x38;
	[tilespmem:$0x11A00] =	vst v63  }
0xd5: {  	s26 =	smov.u32 s23;
	s23 =	smov.u32 s25  }
0xd6: {  	s29 =	sadd.s32 $0x1100, s25;
	s23 =	sshra.s32 s23, $0x2;
	s28 =	sadd.s32 $0xD600, s26  }
0xd7: {  	[hbm4b:s24+s3] =	stream.linear.scatter [tilespmem:s28], [sflag:$0x3], $0x80, $0x38;
	[tilespmem:$0x11A00] =	vst v63  }
0xd8: {  	p1 =	sne.s32 s25, $0x7700;
	s25 =	sadd.s32 $0xD688, s26;
	s28 =	sadd.s32 $0x10, s24  }
0xd9: {  	[hbm4b:s28+s3] =	stream.linear.scatter [tilespmem:s25], [sflag:$0x3], $0x80, $0x38;
	[tilespmem:$0x11A00] =	vst v63  }
0xda: {  	s25 =	sadd.s32 $0xD710, s26;
	s28 =	sadd.s32 $0x20, s24  }
0xdb: {  	[hbm4b:s28+s3] =	stream.linear.scatter [tilespmem:s25], [sflag:$0x3], $0x80, $0x38;
	[tilespmem:$0x11A00] =	vst v63  }
0xdc: {  	s25 =	sadd.s32 $0xD798, s26;
	s28 =	sadd.s32 $0x30, s24  }
0xdd: {  	[hbm4b:s28+s3] =	stream.linear.scatter [tilespmem:s25], [sflag:$0x3], $0x80, $0x38;
	[tilespmem:$0x11A00] =	vst v63  }
0xde: {  	s25 =	sadd.s32 $0xD820, s26;
	s28 =	sadd.s32 $0x40, s24  }
0xdf: {  	[hbm4b:s28+s3] =	stream.linear.scatter [tilespmem:s25], [sflag:$0x3], $0x80, $0x38;
	[tilespmem:$0x11A00] =	vst v63  }
.Ltmp1:
0xe0: {  	s25 =	sadd.s32 $0xD8A8, s26;
	s28 =	sadd.s32 $0x50, s24;
	(pc) =	sbr.rel @p1 .LBB2_5-.Ltmp1, $4  }
0xe1: {  	[hbm4b:s28+s3] =	stream.linear.scatter [tilespmem:s25], [sflag:$0x3], $0x80, $0x38;
	[tilespmem:$0x11A00] =	vst v63  }
0xe2: {  	s25 =	sadd.s32 $0xD930, s26;
	s28 =	sadd.s32 $0x60, s24;
	s26 =	sadd.s32 $0xD9B8, s26  }
0xe3: {  	[hbm4b:s28+s3] =	stream.linear.scatter [tilespmem:s25], [sflag:$0x3], $0x80, $0x38;
	[tilespmem:$0x11A00] =	vst v63  }
0xe4: {  	s28 =	sadd.s32 $0x70, s24;
	s24 =	sadd.s32 $0x1000, s24;
	s25 =	smov.u32 s29  }
0xe5: {  	[hbm4b:s28+s3] =	stream.linear.scatter [tilespmem:s26], [sflag:$0x3], $0x80, $0x38;
	[tilespmem:$0x11A00] =	vst v63  }
0xe6: {  	s25 =	sadd.s32 $0xD600, s23  }
0xe7: {  	[hbm4b:s24+s3] =	stream.linear.scatter [tilespmem:s25], [sflag:$0x3], $0x80, $0x38;
	[tilespmem:$0x11A00] =	vst v63  }
0xe8: {  	s30 =	sadd.s32 $0xD688, s23;
	s31 =	sadd.s32 $0x10, s24  }
0xe9: {  	[hbm4b:s31+s3] =	stream.linear.scatter [tilespmem:s30], [sflag:$0x3], $0x80, $0x38;
	[tilespmem:$0x11A00] =	vst v63  }
0xea: {  	s28 =	sadd.s32 $0xD710, s23;
	s29 =	sadd.s32 $0x20, s24  }
0xeb: {  	[hbm4b:s29+s3] =	stream.linear.scatter [tilespmem:s28], [sflag:$0x3], $0x80, $0x38;
	[tilespmem:$0x11A00] =	vst v63  }
0xec: {  	s30 =	sadd.s32 $0xD798, s23;
	s31 =	sadd.s32 $0x30, s24  }
0xed: {  	[hbm4b:s31+s3] =	stream.linear.scatter [tilespmem:s30], [sflag:$0x3], $0x80, $0x38;
	[tilespmem:$0x11A00] =	vst v63  }
0xee: {  	s28 =	sadd.s32 $0xD820, s23;
	s29 =	sadd.s32 $0x40, s24  }
0xef: {  	[hbm4b:s29+s3] =	stream.linear.scatter [tilespmem:s28], [sflag:$0x3], $0x80, $0x38;
	[tilespmem:$0x11A00] =	vst v63  }
0xf0: {  	p1 =	sne.s32 s21, $0x63;
	s30 =	sadd.s32 $0xD8A8, s23;
	s31 =	sadd.s32 $0x50, s24  }
0xf1: {  	[hbm4b:s31+s3] =	stream.linear.scatter [tilespmem:s30], [sflag:$0x3], $0x80, $0x38;
	[tilespmem:$0x11A00] =	vst v63  }
.Ltmp2:
0xf2: {  	_ = 	snop;
	(pc) =	sbr.rel @p1 .LBB2_8-.Ltmp2, $4  }
0xf3: {  	s28 =	sadd.s32 $0xD930, s23;
	s29 =	sadd.s32 $0x60, s24  }
0xf4: {  	[hbm4b:s29+s3] =	stream.linear.scatter [tilespmem:s28], [sflag:$0x3], $0x80, $0x38;
	[tilespmem:$0x11A00] =	vst v63  }
0xf5: {  	s30 =	sadd.s32 $0xD9B8, s23;
	s31 =	sadd.s32 $0x70, s24  }
0xf6: {  	v24 =	vmov v21;
	[hbm4b:s31+s3] =	stream.linear.scatter [tilespmem:s30], [sflag:$0x3], $0x80, $0x38;
	[tilespmem:$0x11A00] =	vst v63  }
.Ltmp3:
0xf7: {  	(pc) =	sbr.rel .LBB2_9-.Ltmp3, $4  }
0xf8: {  	_ = 	snop  }
0xf9: {  	_ =	swait.ge [sflag:s16], $0x2000  }
0xfa: {  	v9 =	vmov v3;
	v11 =	vmov v8;
	v10 =	vmov v5;
	[sflag:s16] =	ssyncset.done $0x0;
	v63 =	vld [tilespmem:$0x1FF50]  }
0xfb: {  	v12 =	vmovc v62;
	v21 =	vmovc v15;
	v20 =	vmov v19;
	v25 =	vmov v22;
	v27 =	vmov v16;
	v31 =	vld [tilespmem:$0x1FF30];
	[sflag:s16] =	ssyncadd.s32 $0xFFFFE000  }
.LBB2_8:
0xfc: {  	s23 =	sshll.u32 s21, $0x8  }
0xfd: {  	s23 =	sand.u32 $0x3FFFFF00, s23  }
.Ltmp4:
0xfe: {  	s23 =	sadd.s32 $0x100, s23;
	(pc) =	sbr.rel @p0 .LBB2_10-.Ltmp4, $4  }
0xff: {  	[tilespmem:s12], [sflag:$0x1] =	stream.indirect.gather [hbm4b:s5+s11], $0x40, s23, s11, $0xb8;
	[tilespmem:$0x11A00] =	vst v63  }
0x100: {  	_ =	swait.ge [sflag:s16], $0x2000  }
0x101: {  	v9 =	vmov v3;
	v11 =	vmov v8;
	v10 =	vmov v5;
	[sflag:s16] =	ssyncset.done $0x0;
	v63 =	vld [tilespmem:$0x1FF50]  }
0x102: {  	v12 =	vmovc v62;
	v21 =	vmovc v15;
	v20 =	vmov v19;
	v25 =	vmov v22;
	v27 =	vmov v16;
	v31 =	vld [tilespmem:$0x1FF30];
	[sflag:s16] =	ssyncadd.s32 $0xFFFFE000  }
.LBB2_9:
0x103: {  	_ =	swait.ge [sflag:s17], $0x2000  }
0x104: {  	[sflag:s17] =	ssyncset.done $0x0  }
0x105: {  	[sflag:s17] =	ssyncadd.s32 $0xFFFFE000  }
.LBB2_10:
0x106: {  	s23 =	simm.s32 $0x0;
	s31 =	simm.s32 $0x1  }
0x107: {  	s24 =	simm.s32 $0x2;
	s26 =	simm.s32 $0x4;
	s29 =	simm.s32 $0x6;
	v5 =	vld [tilespmem:$0x1FEC0];
	v0 =	vmov s23;
	v2 =	vmov s31  }
0x108: {  	s30 =	simm.s32 $0x7;
	v7 =	vld [tilespmem:$0x1FED0];
	v33 =	vmov s24;
	v37 =	vmov s26;
	v39 =	vmov s29;
	s23 =	simm.s32 $0xB7F0  }
0x109: {  	s25 =	sshll.u32 s22, $0x6;
	v41 =	vmov s30;
	v0 =	vshrl.u32 v0, $0x3;
	v2 =	vshrl.u32 v2, $0x3;
	v47 =	vld [tilespmem:s23+$0xFFFFFE10]  }
0x10a: {  	s25 =	sand.u32 $0x3FFFFFC0, s25;
	v37 =	vshrl.u32 v37, $0x3;
	v46 =	vld [tilespmem:s23+$0xFFFFFFD0];
	v41 =	vshrl.u32 v41, $0x3;
	v0 =	vshll.u32 v0, v1  }
0x10b: {  	v36 =	vld [tilespmem:s25+$0x6400];
	v39 =	vshrl.u32 v39, $0x3;
	v43 =	vbroadcast v0, $0x0;
	v0 =	vshll.u32 v41, v1  }
0x10c: {  	v15 =	vld [tilespmem:$0x1FEF0];
	v2 =	vshll.u32 v2, v1;
	v37 =	vshll.u32 v37, v1;
	v45 =	vbroadcast v0, $0x0  }
0x10d: {  	v35 =	vld [tilespmem:s25+$0x6410];
	v44 =	vbroadcast v2, $0x0;
	v2 =	vshll.u32 v39, v1;
	v50 =	vadd.s32 v5, v43  }
0x10e: {  	s24 =	simm.s32 $0x3;
	v48 =	vld [tilespmem:s23+$0xFFFFFE50];
	v39 =	vbroadcast v37, $0x0;
	v37 =	vadd.s32 v31, v45;
	v59 =	vmul.f32 $8.000000000e+00, v47  }
0x10f: {  	v34 =	vmov s24;
	v33 =	vshrl.u32 v33, $0x3;
	v49 =	vld [tilespmem:s23+$0xFFFFFED0];
	v58 =	vmul.f32 $8.000000000e+00, v46  }
0x110: {  	v40 =	vshrl.u32 v34, $0x3;
	v34 =	vld [tilespmem:s25+$0x6420];
	v33 =	vshll.u32 v33, v1;
	v46 =	vadd.f32 v59, v36  }
0x111: {  	s28 =	simm.s32 $0x5;
	v42 =	vbroadcast v33, $0x0;
	v33 =	vld [tilespmem:s25+$0x6430];
	v54 =	vadd.f32 v58, v36  }
0x112: {  	v38 =	vmov s28;
	v0 =	vld [tilespmem:s23+$0xFFFFFE90];
	[tilespmem:v50+s18+$0x0] =	vst.idx.msk $0xffff, v46  }
0x113: {  	v38 =	vshrl.u32 v38, $0x3;
	v51 =	vld [tilespmem:s23+$0xFFFFFF10];
	[tilespmem:v37+s18+$0x0] =	vst.idx.msk $0xffff, v54  }
0x114: {  	v38 =	vshll.u32 v38, v1;
	v40 =	vshll.u32 v40, v1;
	v23 =	vld [tilespmem:$0x1FF10]  }
0x115: {  	v52 =	vld [tilespmem:s23+$0xFFFFFF50];
	v41 =	vbroadcast v40, $0x0;
	v40 =	vbroadcast v38, $0x0;
	v60 =	vadd.s32 v7, v44  }
0x116: {  	v38 =	vbroadcast v2, $0x0;
	v62 =	vadd.s32 v11, v42;
	v2 =	vmul.f32 $8.000000000e+00, v48  }
0x117: {  	v53 =	vld [tilespmem:s23+$0xFFFFFF90];
	v55 =	vadd.s32 v15, v41;
	v0 =	vmul.f32 $8.000000000e+00, v0  }
0x118: {  	v56 =	vadd.s32 v13, v39;
	v49 =	vmul.f32 $8.000000000e+00, v49;
	v2 =	vadd.f32 v2, v36  }
0x119: {  	v57 =	vmul.f32 $8.000000000e+00, v51;
	v0 =	vadd.f32 v0, v36;
	v46 =	vadd.s32 v23, v40  }
0x11a: {  	v58 =	vmul.f32 $8.000000000e+00, v52;
	[tilespmem:v60+s18+$0x0] =	vst.idx.msk $0xffff, v2;
	v2 =	vadd.f32 v49, v36  }
0x11b: {  	v51 =	vld [tilespmem:s23+$0xFFFFFE20];
	v49 =	vadd.s32 v27, v38;
	[tilespmem:v62+s18+$0x0] =	vst.idx.msk $0xffff, v0;
	v0 =	vadd.f32 v57, v36  }
0x11c: {  	v50 =	vld [tilespmem:s23+$0xFFFFFFE0];
	v60 =	vmul.f32 $8.000000000e+00, v53;
	[tilespmem:v55+s18+$0x0] =	vst.idx.msk $0xffff, v2;
	v2 =	vadd.f32 v58, v36  }
0x11d: {  	v54 =	vld [tilespmem:s23+$0xFFFFFE60];
	[tilespmem:v56+s18+$0x0] =	vst.idx.msk $0xffff, v0  }
0x11e: {  	v0 =	vadd.f32 v60, v36;
	v26 =	vld [tilespmem:$0x1FF40];
	[tilespmem:v46+s18+$0x0] =	vst.idx.msk $0xffff, v2  }
0x11f: {  	v8 =	vld [tilespmem:$0x1FF70]  }
0x120: {  	v52 =	vld [tilespmem:s23+$0xFFFFFEA0];
	[tilespmem:v49+s18+$0x0] =	vst.idx.msk $0xffff, v0  }
0x121: {  	v16 =	vld [tilespmem:$0x1FF80]  }
0x122: {  	s31 =	simm.s32 $0x8;
	v62 =	vld [tilespmem:s23+$0xFFFFFEE0];
	v56 =	vadd.s32 v63, v43  }
0x123: {  	v59 =	vmov s31;
	v57 =	vld [tilespmem:s23+$0xFFFFFF20];
	v60 =	vmul.f32 $8.000000000e+00, v51;
	v37 =	vadd.s32 v26, v45  }
0x124: {  	v48 =	vshrl.u32 v59, $0x3;
	v2 =	vmul.f32 $8.000000000e+00, v50;
	v58 =	vld [tilespmem:s23+$0xFFFFFF60];
	v51 =	vadd.s32 v8, v44  }
0x125: {  	v50 =	vadd.f32 v60, v35;
	v0 =	vmul.f32 $8.000000000e+00, v54;
	v49 =	vadd.s32 v12, v42;
	v54 =	vld [tilespmem:s23+$0xFFFFFFA0]  }
0x126: {  	v52 =	vmul.f32 $8.000000000e+00, v52;
	v2 =	vadd.f32 v2, v35;
	v59 =	vadd.s32 v16, v41  }
0x127: {  	v53 =	vmul.f32 $8.000000000e+00, v62;
	v60 =	vadd.s32 v20, v39;
	[tilespmem:v56+s18+$0x0] =	vst.idx.msk $0xffff, v50;
	v0 =	vadd.f32 v0, v35  }
0x128: {  	v62 =	vmul.f32 $8.000000000e+00, v57;
	v50 =	vadd.s32 v24, v40;
	[tilespmem:v37+s18+$0x0] =	vst.idx.msk $0xffff, v2;
	v2 =	vadd.f32 v52, v35  }
0x129: {  	v56 =	vld [tilespmem:s23+$0xFFFFFE30];
	[tilespmem:v51+s18+$0x0] =	vst.idx.msk $0xffff, v0;
	v0 =	vadd.f32 v53, v35;
	v51 =	vmul.f32 $8.000000000e+00, v58;
	v53 =	vadd.s32 v29, v38  }
0x12a: {  	v52 =	vld [tilespmem:s23+$0xFFFFFFF0];
	[tilespmem:v49+s18+$0x0] =	vst.idx.msk $0xffff, v2;
	v2 =	vadd.f32 v62, v35;
	v62 =	vmul.f32 $8.000000000e+00, v54  }
0x12b: {  	s25 =	simm.s32 $0x9;
	v37 =	vshll.u32 v48, v1;
	v48 =	vld [tilespmem:s23+$0xFFFFFEB0];
	[tilespmem:v59+s18+$0x0] =	vst.idx.msk $0xffff, v0;
	v0 =	vadd.f32 v51, v35  }
0x12c: {  	v47 =	vmov s25;
	[tilespmem:v60+s18+$0x0] =	vst.idx.msk $0xffff, v2;
	v2 =	vadd.f32 v62, v35;
	v58 =	vld [tilespmem:s23+$0xFFFFFE70]  }
0x12d: {  	v3 =	vmov v61;
	v60 =	vshrl.u32 v47, $0x3;
	v47 =	vadd.s32 v61, v43;
	v61 =	vld [tilespmem:s23+$0xFFFFFF30];
	[tilespmem:v50+s18+$0x0] =	vst.idx.msk $0xffff, v0  }
0x12e: {  	s26 =	simm.s32 $0xA;
	v49 =	vadd.s32 v4, v45;
	v59 =	vld [tilespmem:s23+$0xFFFFFEF0];
	[tilespmem:v53+s18+$0x0] =	vst.idx.msk $0xffff, v2  }
0x12f: {  	v19 =	vmov v13;
	v55 =	vmov s26;
	v0 =	vmul.f32 $8.000000000e+00, v52;
	v13 =	vld [tilespmem:$0x1FF60]  }
0x130: {  	v62 =	vmul.f32 $8.000000000e+00, v56;
	v50 =	vshrl.u32 v55, $0x3  }
0x131: {  	v55 =	vadd.s32 v9, v44;
	v2 =	vmul.f32 $8.000000000e+00, v58;
	v0 =	vadd.f32 v0, v34  }
0x132: {  	v52 =	vadd.f32 v62, v34;
	v62 =	vadd.s32 v17, v41  }
0x133: {  	[tilespmem:v49+s18+$0x0] =	vst.idx.msk $0xffff, v0;
	v0 =	vadd.f32 v2, v34;
	v2 =	vmul.f32 $8.000000000e+00, v59;
	v59 =	vadd.s32 v21, v39  }
0x134: {  	s28 =	simm.s32 $0xB;
	v48 =	vmul.f32 $8.000000000e+00, v48;
	v49 =	vmul.f32 $8.000000000e+00, v61;
	v53 =	vadd.s32 v13, v42  }
0x135: {  	v46 =	vmov s28;
	[tilespmem:v47+s18+$0x0] =	vst.idx.msk $0xffff, v52;
	v2 =	vadd.f32 v2, v34  }
0x136: {  	v56 =	vld [tilespmem:s23+$0xFFFFFF70];
	v47 =	vadd.f32 v48, v34;
	v48 =	vshrl.u32 v46, $0x3;
	[tilespmem:v55+s18+$0x0] =	vst.idx.msk $0xffff, v0;
	v46 =	vadd.f32 v49, v34  }
0x137: {  	v28 =	vmov v29;
	v29 =	vld [tilespmem:$0x1FFA0];
	[tilespmem:v62+s18+$0x0] =	vst.idx.msk $0xffff, v2  }
0x138: {  	v58 =	vld [tilespmem:s23+$0xFFFFFFB0];
	[tilespmem:v59+s18+$0x0] =	vst.idx.msk $0xffff, v46  }
0x139: {  	v61 =	vld [tilespmem:s23+$0x0];
	[tilespmem:v53+s18+$0x0] =	vst.idx.msk $0xffff, v47  }
0x13a: {  	v62 =	vld [tilespmem:$0x1FEB0]  }
0x13b: {  	s29 =	simm.s32 $0xC;
	s30 =	simm.s32 $0xD  }
0x13c: {  	s31 =	simm.s32 $0xE;
	v57 =	vmov s29;
	v54 =	vmov s30;
	v0 =	vld [tilespmem:s23+$0xFFFFFE40]  }
0x13d: {  	v51 =	vmov s31;
	v52 =	vadd.s32 v25, v40;
	v55 =	vmul.f32 $8.000000000e+00, v56;
	v53 =	vld [tilespmem:s23+$0xFFFFFE80]  }
0x13e: {  	v44 =	vadd.s32 v10, v44;
	v58 =	vmul.f32 $8.000000000e+00, v58;
	v56 =	vadd.s32 v29, v38  }
0x13f: {  	v55 =	vadd.f32 v55, v34;
	v61 =	vmul.f32 $8.000000000e+00, v61;
	v45 =	vadd.s32 v62, v45  }
0x140: {  	v47 =	vshrl.u32 v57, $0x3;
	v57 =	vadd.f32 v58, v34;
	v58 =	vadd.s32 v6, v43  }
0x141: {  	v49 =	vshrl.u32 v54, $0x3;
	v54 =	vshll.u32 v60, v1;
	v0 =	vmul.f32 $8.000000000e+00, v0  }
0x142: {  	v46 =	vshrl.u32 v51, $0x3;
	v51 =	vld [tilespmem:s23+$0xFFFFFF00];
	v61 =	vadd.f32 v61, v33;
	[tilespmem:v52+s18+$0x0] =	vst.idx.msk $0xffff, v55;
	v60 =	vmul.f32 $8.000000000e+00, v53  }
0x143: {  	v2 =	vld [tilespmem:s23+$0xFFFFFEC0];
	v0 =	vadd.f32 v0, v33;
	[tilespmem:v56+s18+$0x0] =	vst.idx.msk $0xffff, v57  }
0x144: {  	v52 =	vld [tilespmem:s23+$0xFFFFFF40];
	v60 =	vadd.f32 v60, v33;
	[tilespmem:v45+s18+$0x0] =	vst.idx.msk $0xffff, v61  }
0x145: {  	v30 =	vmov v4;
	v4 =	vld [tilespmem:$0x1FF90];
	[tilespmem:v58+s18+$0x0] =	vst.idx.msk $0xffff, v0  }
0x146: {  	v55 =	vshll.u32 v50, v1;
	v50 =	vld [tilespmem:s23+$0xFFFFFF80];
	[tilespmem:v44+s18+$0x0] =	vst.idx.msk $0xffff, v60  }
0x147: {  	v0 =	vld [tilespmem:$0x1FFB0]  }
0x148: {  	v2 =	vmul.f32 $8.000000000e+00, v2  }
0x149: {  	v61 =	vmul.f32 $8.000000000e+00, v51  }
0x14a: {  	v43 =	vadd.s32 v18, v41;
	v53 =	vadd.s32 v14, v42;
	v56 =	vadd.f32 v2, v33  }
0x14b: {  	v22 =	vmovc v63;
	v18 =	vmovc v3;
	v51 =	vmul.f32 $8.000000000e+00, v52;
	v52 =	vadd.f32 v61, v33;
	v42 =	vadd.s32 v4, v39  }
0x14c: {  	s24 =	simm.s32 $0x10;
	s25 =	simm.s32 $0xF;
	v41 =	vld [tilespmem:s23+$0xFFFFFFC0];
	v39 =	vadd.s32 v32, v40;
	v40 =	vmul.f32 $8.000000000e+00, v50;
	v32 =	vmovc v26;
	v26 =	vmovc v62;
	v38 =	vadd.s32 v0, v38  }
.LBB2_11:
0x14d: {  	_ =	sdelay $0x1  }
0x14e: {  	v0 =	vmov s25;
	s23 =	sadd.s32 $0x200, s23  }
0x14f: {  	v48 =	vshll.u32 v48, v1;
	v47 =	vshll.u32 v47, v1;
	v49 =	vshll.u32 v49, v1;
	v50 =	vld [tilespmem:s23+$0xFFFFFFD0]  }
0x150: {  	[tilespmem:v53+s18+$0x0] =	vst.idx.msk $0xffff, v56;
	v2 =	vadd.f32 v51, v33;
	v0 =	vshrl.u32 v0, $0x3;
	v58 =	vld [tilespmem:s23+$0xFFFFFE10];
	v44 =	vmul.f32 $8.000000000e+00, v41  }
0x151: {  	[tilespmem:v43+s18+$0x0] =	vst.idx.msk $0xffff, v52;
	v40 =	vadd.f32 v40, v33;
	v59 =	vld [tilespmem:s23+$0xFFFFFE50];
	v0 =	vshll.u32 v0, v1  }
0x152: {  	v43 =	vbroadcast v55, $0x0;
	[tilespmem:v42+s18+$0x0] =	vst.idx.msk $0xffff, v2;
	v45 =	vbroadcast v0, $0x0;
	v2 =	vadd.f32 v44, v33  }
0x153: {  	v46 =	vshll.u32 v46, v1;
	[tilespmem:v39+s18+$0x0] =	vst.idx.msk $0xffff, v40;
	v0 =	vld [tilespmem:s23+$0xFFFFFE90];
	v42 =	vbroadcast v48, $0x0;
	v41 =	vbroadcast v37, $0x0  }
0x154: {  	v40 =	vbroadcast v47, $0x0;
	v47 =	vadd.s32 v31, v45;
	v44 =	vbroadcast v54, $0x0;
	[tilespmem:v38+s18+$0x0] =	vst.idx.msk $0xffff, v2;
	v2 =	vld [tilespmem:s23+$0xFFFFFED0]  }
0x155: {  	v39 =	vbroadcast v49, $0x0;
	v52 =	vld [tilespmem:s23+$0xFFFFFF10];
	v48 =	vadd.s32 v5, v41;
	v60 =	vmul.f32 $8.000000000e+00, v50  }
0x156: {  	v63 =	vld [tilespmem:s23+$0xFFFFFF50];
	v61 =	vmul.f32 $8.000000000e+00, v58;
	v37 =	vmul.f32 $8.000000000e+00, v59;
	v62 =	vadd.s32 v7, v44  }
0x157: {  	v38 =	vbroadcast v46, $0x0;
	v46 =	vadd.s32 v11, v43;
	v49 =	vadd.f32 v60, v36  }
0x158: {  	v55 =	vadd.s32 v15, v42;
	v50 =	vadd.f32 v61, v36;
	v0 =	vmul.f32 $8.000000000e+00, v0;
	v54 =	vld [tilespmem:s23+$0xFFFFFF90]  }
0x159: {  	v56 =	vadd.s32 v19, v40;
	v37 =	vadd.f32 v37, v36;
	[tilespmem:v47+s18+$0x0] =	vst.idx.msk $0xffff, v49;
	v2 =	vmul.f32 $8.000000000e+00, v2  }
0x15a: {  	v60 =	vmul.f32 $8.000000000e+00, v52;
	v0 =	vadd.f32 v0, v36;
	[tilespmem:v48+s18+$0x0] =	vst.idx.msk $0xffff, v50;
	v48 =	vadd.s32 v23, v39;
	v49 =	vld [tilespmem:s23+$0xFFFFFFE0]  }
0x15b: {  	v61 =	vmul.f32 $8.000000000e+00, v63;
	v50 =	vld [tilespmem:s23+$0xFFFFFE20];
	[tilespmem:v62+s18+$0x0] =	vst.idx.msk $0xffff, v37;
	v2 =	vadd.f32 v2, v36  }
0x15c: {  	v51 =	vadd.s32 v27, v38;
	[tilespmem:v46+s18+$0x0] =	vst.idx.msk $0xffff, v0;
	v0 =	vadd.f32 v60, v36;
	v63 =	vld [tilespmem:s23+$0xFFFFFE60]  }
0x15d: {  	v59 =	vmul.f32 $8.000000000e+00, v54;
	v60 =	vld [tilespmem:s23+$0xFFFFFEA0];
	[tilespmem:v55+s18+$0x0] =	vst.idx.msk $0xffff, v2;
	v2 =	vadd.f32 v61, v36  }
0x15e: {  	v62 =	vmov s24;
	v46 =	vadd.s32 v32, v45;
	[tilespmem:v56+s18+$0x0] =	vst.idx.msk $0xffff, v0;
	v61 =	vld [tilespmem:s23+$0xFFFFFEE0]  }
0x15f: {  	v56 =	vadd.s32 v22, v41;
	v0 =	vadd.f32 v59, v36;
	v57 =	vld [tilespmem:s23+$0xFFFFFF20];
	[tilespmem:v48+s18+$0x0] =	vst.idx.msk $0xffff, v2;
	v2 =	vmul.f32 $8.000000000e+00, v49  }
0x160: {  	v47 =	vshrl.u32 v62, $0x3;
	v62 =	vmul.f32 $8.000000000e+00, v50;
	v50 =	vadd.s32 v8, v44;
	v58 =	vld [tilespmem:s23+$0xFFFFFF60]  }
0x161: {  	[tilespmem:v51+s18+$0x0] =	vst.idx.msk $0xffff, v0;
	v51 =	vadd.s32 v12, v43;
	v0 =	vmul.f32 $8.000000000e+00, v63;
	v2 =	vadd.f32 v2, v35  }
0x162: {  	v59 =	vadd.s32 v16, v42;
	v53 =	vld [tilespmem:s23+$0xFFFFFFA0];
	v49 =	vadd.f32 v62, v35;
	v52 =	vmul.f32 $8.000000000e+00, v60  }
0x163: {  	v60 =	vadd.s32 v20, v40;
	v0 =	vadd.f32 v0, v35;
	v37 =	vmul.f32 $8.000000000e+00, v61;
	[tilespmem:v46+s18+$0x0] =	vst.idx.msk $0xffff, v2  }
0x164: {  	[tilespmem:v56+s18+$0x0] =	vst.idx.msk $0xffff, v49;
	v49 =	vadd.s32 v24, v39;
	v2 =	vadd.f32 v52, v35;
	v46 =	vmul.f32 $8.000000000e+00, v57;
	v52 =	vld [tilespmem:s23+$0xFFFFFFF0]  }
0x165: {  	v56 =	vld [tilespmem:s23+$0xFFFFFE30];
	[tilespmem:v50+s18+$0x0] =	vst.idx.msk $0xffff, v0;
	v0 =	vadd.f32 v37, v35;
	v50 =	vmul.f32 $8.000000000e+00, v58  }
0x166: {  	v57 =	vadd.s32 v28, v38;
	v61 =	vld [tilespmem:s23+$0xFFFFFE70];
	[tilespmem:v51+s18+$0x0] =	vst.idx.msk $0xffff, v2;
	v2 =	vadd.f32 v46, v35  }
0x167: {  	s26 =	sadd.s32 $0x2, s24;
	v63 =	vmul.f32 $8.000000000e+00, v53;
	[tilespmem:v59+s18+$0x0] =	vst.idx.msk $0xffff, v0;
	v0 =	vadd.f32 v50, v35  }
0x168: {  	v55 =	vmov s26;
	v37 =	vshll.u32 v47, v1;
	v46 =	vadd.s32 v30, v45;
	v47 =	vld [tilespmem:s23+$0xFFFFFEB0];
	[tilespmem:v60+s18+$0x0] =	vst.idx.msk $0xffff, v2  }
0x169: {  	v2 =	vadd.f32 v63, v35;
	v59 =	vadd.s32 v18, v41;
	v53 =	vld [tilespmem:s23+$0xFFFFFEF0];
	[tilespmem:v49+s18+$0x0] =	vst.idx.msk $0xffff, v0;
	v0 =	vmul.f32 $8.000000000e+00, v52  }
0x16a: {  	v60 =	vld [tilespmem:s23+$0xFFFFFF30];
	v52 =	vshrl.u32 v55, $0x3;
	v49 =	vmul.f32 $8.000000000e+00, v56;
	v55 =	vadd.s32 v9, v44  }
0x16b: {  	[tilespmem:v57+s18+$0x0] =	vst.idx.msk $0xffff, v2;
	v2 =	vmul.f32 $8.000000000e+00, v61;
	v56 =	vld [tilespmem:s23+$0xFFFFFF70];
	v0 =	vadd.f32 v0, v34  }
0x16c: {  	v57 =	vadd.s32 v13, v43;
	v61 =	vld [tilespmem:s23+$0xFFFFFFB0];
	v49 =	vadd.f32 v49, v34  }
0x16d: {  	v62 =	vadd.s32 v17, v42;
	v47 =	vmul.f32 $8.000000000e+00, v47;
	v2 =	vadd.f32 v2, v34;
	[tilespmem:v46+s18+$0x0] =	vst.idx.msk $0xffff, v0  }
0x16e: {  	v63 =	vadd.s32 v21, v40;
	v53 =	vmul.f32 $8.000000000e+00, v53;
	[tilespmem:v59+s18+$0x0] =	vst.idx.msk $0xffff, v49  }
0x16f: {  	v0 =	vadd.f32 v47, v34;
	v46 =	vmul.f32 $8.000000000e+00, v60;
	v59 =	vadd.s32 v25, v39;
	v60 =	vld [tilespmem:s23+$0x0];
	[tilespmem:v55+s18+$0x0] =	vst.idx.msk $0xffff, v2  }
0x170: {  	s30 =	sadd.s32 $0x5, s24;
	v2 =	vadd.f32 v53, v34;
	v53 =	vmul.f32 $8.000000000e+00, v56;
	v56 =	vadd.s32 v29, v38;
	v4 =	vld [tilespmem:s23+$0xFFFFFE80]  }
0x171: {  	v51 =	vmov s30;
	v3 =	vld [tilespmem:s23+$0xFFFFFE40];
	[tilespmem:v57+s18+$0x0] =	vst.idx.msk $0xffff, v0;
	v0 =	vadd.f32 v46, v34;
	v57 =	vmul.f32 $8.000000000e+00, v61  }
0x172: {  	s31 =	sadd.s32 $0x1, s24;
	v49 =	vshrl.u32 v51, $0x3;
	v51 =	vld [tilespmem:s23+$0xFFFFFEC0];
	[tilespmem:v62+s18+$0x0] =	vst.idx.msk $0xffff, v2;
	v2 =	vadd.f32 v53, v34  }
0x173: {  	v54 =	vmov s31;
	s31 =	sadd.s32 $0x6, s24;
	v45 =	vadd.s32 v26, v45;
	[tilespmem:v63+s18+$0x0] =	vst.idx.msk $0xffff, v0;
	v0 =	vadd.f32 v57, v34;
	v62 =	vld [tilespmem:$0x1FFC0]  }
0x174: {  	v50 =	vmov s31;
	v44 =	vadd.s32 v10, v44;
	v63 =	vld [tilespmem:$0x1FF90];
	[tilespmem:v59+s18+$0x0] =	vst.idx.msk $0xffff, v2;
	v2 =	vmul.f32 $8.000000000e+00, v60  }
0x175: {  	v46 =	vshrl.u32 v50, $0x3;
	v50 =	vld [tilespmem:s23+$0xFFFFFF00];
	[tilespmem:v56+s18+$0x0] =	vst.idx.msk $0xffff, v0;
	v0 =	vmul.f32 $8.000000000e+00, v4  }
0x176: {  	v61 =	vld [tilespmem:s23+$0xFFFFFF40];
	v2 =	vadd.f32 v2, v33  }
0x177: {  	s28 =	sadd.s32 $0x3, s24;
	v54 =	vshrl.u32 v54, $0x3;
	v59 =	vld [tilespmem:s23+$0xFFFFFF80];
	v0 =	vadd.f32 v0, v33  }
0x178: {  	s29 =	sadd.s32 $0x4, s24;
	v54 =	vshll.u32 v54, v1;
	v48 =	vmov s28;
	[tilespmem:v45+s18+$0x0] =	vst.idx.msk $0xffff, v2;
	v2 =	vld [tilespmem:$0x1FFE0]  }
0x179: {  	p0 =	slt.u32 s24, $0x78;
	v48 =	vshrl.u32 v48, $0x3;
	v58 =	vmov s29;
	v57 =	vadd.s32 v6, v41;
	[tilespmem:v44+s18+$0x0] =	vst.idx.msk $0xffff, v0;
	v0 =	vld [tilespmem:$0x1FFB0]  }
.Ltmp5:
0x17a: {  	v47 =	vshrl.u32 v58, $0x3;
	v55 =	vshll.u32 v52, v1;
	v3 =	vmul.f32 $8.000000000e+00, v3;
	(pc) =	sbr.rel @p0 .LBB2_11-.Ltmp5, $4  }
0x17b: {  	v53 =	vadd.s32 v14, v43;
	v4 =	vmul.f32 $8.000000000e+00, v51;
	v50 =	vmul.f32 $8.000000000e+00, v50  }
0x17c: {  	v3 =	vadd.f32 v3, v33;
	v43 =	vadd.s32 v62, v42;
	v42 =	vadd.s32 v63, v40  }
0x17d: {  	v56 =	vadd.f32 v4, v33;
	v51 =	vmul.f32 $8.000000000e+00, v61;
	v52 =	vadd.f32 v50, v33  }
0x17e: {  	s25 =	sadd.s32 $0x7, s24;
	s24 =	sadd.s32 $0x8, s24;
	v41 =	vld [tilespmem:s23+$0xFFFFFFC0];
	[tilespmem:v57+s18+$0x0] =	vst.idx.msk $0xffff, v3;
	v40 =	vmul.f32 $8.000000000e+00, v59;
	v39 =	vadd.s32 v2, v39;
	v38 =	vadd.s32 v0, v38  }
0x17f: {  	v0 =	vmov s25;
	s23 =	sadd.s32 $0x200, s23  }
0x180: {  	v2 =	vld [tilespmem:s23+$0xFFFFFFD0];
	v0 =	vshrl.u32 v0, $0x3  }
0x181: {  	v3 =	vshll.u32 v48, v1;
	v48 =	vbroadcast v37, $0x0;
	v4 =	vld [tilespmem:s23+$0xFFFFFE10];
	v0 =	vshll.u32 v0, v1  }
0x182: {  	v63 =	vshll.u32 v47, v1;
	v45 =	vshll.u32 v49, v1;
	v57 =	vld [tilespmem:s23+$0xFFFFFE50];
	v50 =	vbroadcast v0, $0x0  }
0x183: {  	v49 =	vbroadcast v54, $0x0;
	v47 =	vbroadcast v55, $0x0;
	v54 =	vshll.u32 v46, v1;
	v0 =	vld [tilespmem:s23+$0xFFFFFE90]  }
0x184: {  	v55 =	vld [tilespmem:s23+$0xFFFFFED0];
	v46 =	vbroadcast v3, $0x0;
	v44 =	vbroadcast v63, $0x0;
	v3 =	vadd.s32 v31, v50  }
0x185: {  	v59 =	vld [tilespmem:s23+$0xFFFFFF10];
	v37 =	vbroadcast v45, $0x0;
	v58 =	vadd.s32 v5, v48;
	v2 =	vmul.f32 $8.000000000e+00, v2  }
0x186: {  	v61 =	vld [tilespmem:s23+$0xFFFFFF50];
	v45 =	vbroadcast v54, $0x0;
	v60 =	vadd.s32 v7, v49;
	v4 =	vmul.f32 $8.000000000e+00, v4  }
0x187: {  	v62 =	vld [tilespmem:s23+$0xFFFFFF90];
	v54 =	vmul.f32 $8.000000000e+00, v57;
	v57 =	vadd.s32 v11, v47;
	v2 =	vadd.f32 v2, v36  }
0x188: {  	v63 =	vadd.s32 v15, v46;
	v4 =	vadd.f32 v4, v36;
	v0 =	vmul.f32 $8.000000000e+00, v0  }
0x189: {  	[tilespmem:v3+s18+$0x0] =	vst.idx.msk $0xffff, v2;
	v2 =	vadd.f32 v54, v36;
	v3 =	vmul.f32 $8.000000000e+00, v55;
	v54 =	vadd.s32 v19, v44  }
0x18a: {  	[tilespmem:v58+s18+$0x0] =	vst.idx.msk $0xffff, v4;
	v0 =	vadd.f32 v0, v36;
	v4 =	vmul.f32 $8.000000000e+00, v59;
	v55 =	vadd.s32 v23, v37;
	v58 =	vld [tilespmem:s23+$0xFFFFFFE0]  }
0x18b: {  	v23 =	vmul.f32 $8.000000000e+00, v61;
	[tilespmem:v60+s18+$0x0] =	vst.idx.msk $0xffff, v2;
	v2 =	vld [tilespmem:s23+$0xFFFFFE20];
	v3 =	vadd.f32 v3, v36;
	v60 =	vadd.s32 v27, v45  }
0x18c: {  	v7 =	vmul.f32 $8.000000000e+00, v62;
	[tilespmem:v57+s18+$0x0] =	vst.idx.msk $0xffff, v0;
	v4 =	vadd.f32 v4, v36;
	v0 =	vld [tilespmem:s23+$0xFFFFFE60]  }
0x18d: {  	v59 =	vadd.f32 v23, v36;
	[tilespmem:v63+s18+$0x0] =	vst.idx.msk $0xffff, v3;
	v3 =	vld [tilespmem:s23+$0xFFFFFEA0]  }
0x18e: {  	v61 =	vld [tilespmem:s23+$0xFFFFFEE0];
	[tilespmem:v54+s18+$0x0] =	vst.idx.msk $0xffff, v4;
	v4 =	vadd.f32 v7, v36;
	v36 =	vadd.s32 v32, v50  }
0x18f: {  	v54 =	vadd.s32 v22, v48;
	[tilespmem:v55+s18+$0x0] =	vst.idx.msk $0xffff, v59;
	v57 =	vld [tilespmem:s23+$0xFFFFFF20];
	v23 =	vmul.f32 $8.000000000e+00, v58  }
0x190: {  	v32 =	vadd.s32 v8, v49;
	v59 =	vld [tilespmem:s23+$0xFFFFFF60];
	v2 =	vmul.f32 $8.000000000e+00, v2;
	[tilespmem:v60+s18+$0x0] =	vst.idx.msk $0xffff, v4  }
0x191: {  	v4 =	vadd.s32 v12, v47;
	v0 =	vmul.f32 $8.000000000e+00, v0;
	v60 =	vld [tilespmem:s23+$0xFFFFFFA0];
	v55 =	vadd.f32 v23, v35  }
0x192: {  	[tilespmem:v53+s18+$0x0] =	vst.idx.msk $0xffff, v56;
	v53 =	vadd.s32 v16, v46;
	v2 =	vadd.f32 v2, v35;
	v3 =	vmul.f32 $8.000000000e+00, v3  }
0x193: {  	v23 =	vadd.s32 v20, v44;
	[tilespmem:v36+s18+$0x0] =	vst.idx.msk $0xffff, v55;
	v0 =	vadd.f32 v0, v35;
	v7 =	vmul.f32 $8.000000000e+00, v61  }
0x194: {  	[tilespmem:v54+s18+$0x0] =	vst.idx.msk $0xffff, v2;
	v2 =	vadd.f32 v3, v35;
	v3 =	vmul.f32 $8.000000000e+00, v57;
	v54 =	vadd.s32 v24, v37;
	v56 =	vld [tilespmem:s23+$0xFFFFFFF0]  }
0x195: {  	v58 =	vadd.s32 v28, v45;
	[tilespmem:v32+s18+$0x0] =	vst.idx.msk $0xffff, v0;
	v0 =	vld [tilespmem:s23+$0xFFFFFE30];
	v36 =	vadd.f32 v7, v35;
	v32 =	vmul.f32 $8.000000000e+00, v59  }
0x196: {  	[tilespmem:v4+s18+$0x0] =	vst.idx.msk $0xffff, v2;
	v2 =	vld [tilespmem:s23+$0xFFFFFE70];
	v3 =	vadd.f32 v3, v35;
	v4 =	vmul.f32 $8.000000000e+00, v60  }
0x197: {  	[tilespmem:v53+s18+$0x0] =	vst.idx.msk $0xffff, v36;
	v59 =	vadd.f32 v32, v35  }
0x198: {  	v36 =	vld [tilespmem:s23+$0xFFFFFEB0];
	[tilespmem:v23+s18+$0x0] =	vst.idx.msk $0xffff, v3;
	v4 =	vadd.f32 v4, v35;
	v23 =	vadd.s32 v30, v50  }
0x199: {  	v53 =	vadd.s32 v18, v48;
	v3 =	vld [tilespmem:s23+$0xFFFFFEF0];
	[tilespmem:v54+s18+$0x0] =	vst.idx.msk $0xffff, v59;
	v60 =	vmul.f32 $8.000000000e+00, v56  }
0x19a: {  	v51 =	vadd.f32 v51, v33;
	v54 =	vld [tilespmem:s23+$0xFFFFFF30];
	v0 =	vmul.f32 $8.000000000e+00, v0;
	[tilespmem:v58+s18+$0x0] =	vst.idx.msk $0xffff, v4;
	v4 =	vadd.s32 v9, v49  }
0x19b: {  	[tilespmem:v43+s18+$0x0] =	vst.idx.msk $0xffff, v52;
	v43 =	vadd.s32 v13, v47;
	v7 =	vld [tilespmem:s23+$0xFFFFFF70];
	v2 =	vmul.f32 $8.000000000e+00, v2;
	v55 =	vadd.f32 v60, v34  }
0x19c: {  	[tilespmem:v42+s18+$0x0] =	vst.idx.msk $0xffff, v51;
	v42 =	vadd.s32 v17, v46;
	v52 =	vld [tilespmem:s23+$0xFFFFFFB0];
	v0 =	vadd.f32 v0, v34  }
0x19d: {  	v51 =	vadd.s32 v25, v37;
	v36 =	vmul.f32 $8.000000000e+00, v36;
	[tilespmem:v23+s18+$0x0] =	vst.idx.msk $0xffff, v55;
	v2 =	vadd.f32 v2, v34  }
0x19e: {  	v3 =	vmul.f32 $8.000000000e+00, v3;
	v23 =	vadd.s32 v21, v44;
	v55 =	vadd.f32 v40, v33;
	[tilespmem:v53+s18+$0x0] =	vst.idx.msk $0xffff, v0  }
0x19f: {  	v61 =	vmov v30;
	v0 =	vadd.f32 v36, v34;
	v32 =	vmul.f32 $8.000000000e+00, v54;
	[tilespmem:v4+s18+$0x0] =	vst.idx.msk $0xffff, v2  }
0x1a0: {  	v54 =	vadd.s32 v29, v45;
	v3 =	vadd.f32 v3, v34;
	v4 =	vmul.f32 $8.000000000e+00, v7;
	[tilespmem:v39+s18+$0x0] =	vst.idx.msk $0xffff, v55  }
0x1a1: {  	v30 =	vmovc v17;
	v17 =	vmov v21;
	[tilespmem:v43+s18+$0x0] =	vst.idx.msk $0xffff, v0;
	v36 =	vadd.f32 v32, v34;
	v21 =	vmul.f32 $8.000000000e+00, v52  }
0x1a2: {  	[tilespmem:v42+s18+$0x0] =	vst.idx.msk $0xffff, v3;
	v3 =	vadd.f32 v4, v34;
	v4 =	vmul.f32 $8.000000000e+00, v41  }
0x1a3: {  	[tilespmem:v23+s18+$0x0] =	vst.idx.msk $0xffff, v36;
	v23 =	vadd.f32 v21, v34  }
0x1a4: {  	v59 =	vld [tilespmem:s23+$0x0];
	[tilespmem:v51+s18+$0x0] =	vst.idx.msk $0xffff, v3;
	v4 =	vadd.f32 v4, v33  }
0x1a5: {  	v2 =	vld [tilespmem:s23+$0xFFFFFE40];
	[tilespmem:v54+s18+$0x0] =	vst.idx.msk $0xffff, v23  }
0x1a6: {  	v0 =	vld [tilespmem:s23+$0xFFFFFE80];
	[tilespmem:v38+s18+$0x0] =	vst.idx.msk $0xffff, v4  }
0x1a7: {  	v5 =	vld [tilespmem:$0x1FFC0];
	_ =	sdelay $0x1  }
0x1a8: {  	v35 =	vadd.s32 v26, v50;
	v52 =	vld [tilespmem:s23+$0xFFFFFEC0]  }
0x1a9: {  	v40 =	vadd.s32 v6, v48;
	v3 =	vmul.f32 $8.000000000e+00, v59  }
0x1aa: {  	v59 =	vadd.s32 v10, v49;
	v2 =	vmul.f32 $8.000000000e+00, v2  }
0x1ab: {  	v0 =	vmul.f32 $8.000000000e+00, v0;
	v3 =	vadd.f32 v3, v33;
	v53 =	vadd.s32 v5, v46;
	v5 =	vld [tilespmem:$0x1FF90]  }
0x1ac: {  	v41 =	vld [tilespmem:s23+$0xFFFFFF00];
	v2 =	vadd.f32 v2, v33  }
0x1ad: {  	v56 =	vld [tilespmem:s23+$0xFFFFFF40];
	v4 =	vmul.f32 $8.000000000e+00, v52;
	v0 =	vadd.f32 v0, v33;
	[tilespmem:v35+s18+$0x0] =	vst.idx.msk $0xffff, v3  }
0x1ae: {  	v21 =	vld [tilespmem:s23+$0xFFFFFF80];
	[tilespmem:v40+s18+$0x0] =	vst.idx.msk $0xffff, v2  }
0x1af: {  	v2 =	vadd.f32 v4, v33;
	v4 =	vld [tilespmem:$0x1FFE0];
	[tilespmem:v59+s18+$0x0] =	vst.idx.msk $0xffff, v0  }
0x1b0: {  	v46 =	vmov v5;
	v55 =	vadd.s32 v5, v44;
	v5 =	vld [tilespmem:$0x1FFB0]  }
0x1b1: {  	v23 =	vadd.s32 v14, v47;
	v50 =	vld [tilespmem:s23+$0xFFFFFFC0];
	_ =	sdelay $0x1  }
0x1b2: {  	v54 =	vmul.f32 $8.000000000e+00, v41  }
0x1b3: {  	v3 =	vmul.f32 $8.000000000e+00, v56;
	v40 =	vmov v4;
	v4 =	vadd.s32 v4, v37  }
0x1b4: {  	v56 =	vmul.f32 $8.000000000e+00, v21;
	v0 =	vadd.f32 v54, v33;
	v59 =	vadd.s32 v5, v45  }
0x1b5: {  	[tilespmem:v23+s18+$0x0] =	vst.idx.msk $0xffff, v2;
	v2 =	vadd.f32 v3, v33;
	v3 =	vmul.f32 $8.000000000e+00, v50  }
0x1b6: {  	s22 =	sshll.u32 s22, $0x12;
	[tilespmem:v53+s18+$0x0] =	vst.idx.msk $0xffff, v0;
	v0 =	vadd.f32 v56, v33  }
0x1b7: {  	s22 =	sor.u32 s7, s22;
	[tilespmem:v55+s18+$0x0] =	vst.idx.msk $0xffff, v2;
	v2 =	vadd.f32 v3, v33  }
0x1b8: {  	s22 =	sshrl.u32 s22, $0x3;
	[tilespmem:v4+s18+$0x0] =	vst.idx.msk $0xffff, v0  }
0x1b9: {  	s25 =	simm.s32 $0xF800;
	s23 =	sadd.s32 s2, s22;
	[tilespmem:v59+s18+$0x0] =	vst.idx.msk $0xffff, v2  }
0x1ba: {  	[hbm4b:s23+s3] =	stream.linear.scatter [tilespmem:s25], [sflag:$0x4], $0x80, $0x38;
	[tilespmem:$0x11A00] =	vst v63  }
0x1bb: {  	s26 =	simm.s32 $0xF888;
	s24 =	sadd.s32 $0x10, s23  }
0x1bc: {  	[hbm4b:s24+s3] =	stream.linear.scatter [tilespmem:s26], [sflag:$0x4], $0x80, $0x38;
	[tilespmem:$0x11A00] =	vst v63  }
0x1bd: {  	s28 =	simm.s32 $0xF910;
	s30 =	simm.s32 $0xF998;
	s29 =	sadd.s32 $0x20, s23  }
0x1be: {  	[hbm4b:s29+s3] =	stream.linear.scatter [tilespmem:s28], [sflag:$0x4], $0x80, $0x38;
	[tilespmem:$0x11A00] =	vst v63  }
0x1bf: {  	s22 =	simm.s32 $0x440;
	s31 =	sadd.s32 $0x30, s23;
	s25 =	simm.s32 $0xFA20  }
0x1c0: {  	[hbm4b:s31+s3] =	stream.linear.scatter [tilespmem:s30], [sflag:$0x4], $0x80, $0x38;
	[tilespmem:$0x11A00] =	vst v63  }
0x1c1: {  	s26 =	sadd.s32 $0x40, s23;
	s24 =	simm.s32 $0x2200;
	s28 =	simm.s32 $0xFAA8  }
0x1c2: {  	[hbm4b:s26+s3] =	stream.linear.scatter [tilespmem:s25], [sflag:$0x4], $0x80, $0x38;
	[tilespmem:$0x11A00] =	vst v63  }
0x1c3: {  	s29 =	sadd.s32 $0x50, s23;
	s30 =	simm.s32 $0xFB30;
	s31 =	sadd.s32 $0x60, s23  }
0x1c4: {  	v15 =	vmovc v12;
	v11 =	vmov v8;
	v62 =	vmov v28;
	v19 =	vmov v16;
	[hbm4b:s29+s3] =	stream.linear.scatter [tilespmem:s28], [sflag:$0x4], $0x80, $0x38;
	[tilespmem:$0x11A00] =	vst v63  }
0x1c5: {  	v27 =	vmovc v20;
	v63 =	vmovc v24;
	v12 =	vmov v18;
	v57 =	vmov v9;
	v24 =	vmov v29;
	s25 =	simm.s32 $0xFBB8;
	s26 =	sadd.s32 $0x70, s23;
	s23 =	sadd.s32 $0x1000, s23  }
0x1c6: {  	v58 =	vmovc v13;
	v60 =	vmovc v25;
	v51 =	vmov v10;
	v49 =	vmov v14;
	v3 =	vmov v22;
	[hbm4b:s31+s3] =	stream.linear.scatter [tilespmem:s30], [sflag:$0x4], $0x80, $0x38;
	[tilespmem:$0x11A00] =	vst v63  }
.LBB2_13:
0x1c7: {  	[hbm4b:s26+s3] =	stream.linear.scatter [tilespmem:s25], [sflag:$0x4], $0x80, $0x38;
	[tilespmem:$0x11A00] =	vst v63  }
0x1c8: {  	s25 =	smov.u32 s22;
	s22 =	smov.u32 s24  }
0x1c9: {  	s28 =	sadd.s32 $0x1100, s24;
	s22 =	sshra.s32 s22, $0x2;
	s26 =	sadd.s32 $0xF800, s25  }
0x1ca: {  	[hbm4b:s23+s3] =	stream.linear.scatter [tilespmem:s26], [sflag:$0x4], $0x80, $0x38;
	[tilespmem:$0x11A00] =	vst v63  }
0x1cb: {  	p0 =	sne.s32 s24, $0x7700;
	s24 =	sadd.s32 $0xF888, s25;
	s26 =	sadd.s32 $0x10, s23  }
0x1cc: {  	[hbm4b:s26+s3] =	stream.linear.scatter [tilespmem:s24], [sflag:$0x4], $0x80, $0x38;
	[tilespmem:$0x11A00] =	vst v63  }
0x1cd: {  	s24 =	sadd.s32 $0xF910, s25;
	s26 =	sadd.s32 $0x20, s23  }
0x1ce: {  	[hbm4b:s26+s3] =	stream.linear.scatter [tilespmem:s24], [sflag:$0x4], $0x80, $0x38;
	[tilespmem:$0x11A00] =	vst v63  }
0x1cf: {  	s24 =	sadd.s32 $0xF998, s25;
	s26 =	sadd.s32 $0x30, s23  }
0x1d0: {  	[hbm4b:s26+s3] =	stream.linear.scatter [tilespmem:s24], [sflag:$0x4], $0x80, $0x38;
	[tilespmem:$0x11A00] =	vst v63  }
0x1d1: {  	s24 =	sadd.s32 $0xFA20, s25;
	s26 =	sadd.s32 $0x40, s23  }
0x1d2: {  	[hbm4b:s26+s3] =	stream.linear.scatter [tilespmem:s24], [sflag:$0x4], $0x80, $0x38;
	[tilespmem:$0x11A00] =	vst v63  }
.Ltmp6:
0x1d3: {  	s24 =	sadd.s32 $0xFAA8, s25;
	s26 =	sadd.s32 $0x50, s23;
	(pc) =	sbr.rel @p0 .LBB2_13-.Ltmp6, $4  }
0x1d4: {  	[hbm4b:s26+s3] =	stream.linear.scatter [tilespmem:s24], [sflag:$0x4], $0x80, $0x38;
	[tilespmem:$0x11A00] =	vst v63  }
0x1d5: {  	s24 =	sadd.s32 $0xFB30, s25;
	s26 =	sadd.s32 $0x60, s23;
	s25 =	sadd.s32 $0xFBB8, s25  }
0x1d6: {  	[hbm4b:s26+s3] =	stream.linear.scatter [tilespmem:s24], [sflag:$0x4], $0x80, $0x38;
	[tilespmem:$0x11A00] =	vst v63  }
0x1d7: {  	s26 =	sadd.s32 $0x70, s23;
	s23 =	sadd.s32 $0x1000, s23;
	s24 =	smov.u32 s28  }
0x1d8: {  	[hbm4b:s26+s3] =	stream.linear.scatter [tilespmem:s25], [sflag:$0x4], $0x80, $0x38;
	[tilespmem:$0x11A00] =	vst v63  }
0x1d9: {  	s24 =	sadd.s32 $0xF800, s22  }
0x1da: {  	[hbm4b:s23+s3] =	stream.linear.scatter [tilespmem:s24], [sflag:$0x4], $0x80, $0x38;
	[tilespmem:$0x11A00] =	vst v63  }
0x1db: {  	s30 =	sadd.s32 $0xF888, s22;
	s31 =	sadd.s32 $0x10, s23  }
0x1dc: {  	[hbm4b:s31+s3] =	stream.linear.scatter [tilespmem:s30], [sflag:$0x4], $0x80, $0x38;
	[tilespmem:$0x11A00] =	vst v63  }
0x1dd: {  	s25 =	sadd.s32 $0xF910, s22;
	s26 =	sadd.s32 $0x20, s23  }
0x1de: {  	[hbm4b:s26+s3] =	stream.linear.scatter [tilespmem:s25], [sflag:$0x4], $0x80, $0x38;
	[tilespmem:$0x11A00] =	vst v63  }
0x1df: {  	s28 =	sadd.s32 $0xF998, s22;
	s29 =	sadd.s32 $0x30, s23  }
0x1e0: {  	[hbm4b:s29+s3] =	stream.linear.scatter [tilespmem:s28], [sflag:$0x4], $0x80, $0x38;
	[tilespmem:$0x11A00] =	vst v63  }
0x1e1: {  	s21 =	sadd.s32 $0x1, s21;
	v7 =	vld [tilespmem:$0x1FEC0];
	s30 =	sadd.s32 $0xFA20, s22;
	s31 =	sadd.s32 $0x40, s23  }
0x1e2: {  	v8 =	vld [tilespmem:$0x1FED0];
	[hbm4b:s31+s3] =	stream.linear.scatter [tilespmem:s30], [sflag:$0x4], $0x80, $0x38  }
0x1e3: {  	v13 =	vld [tilespmem:$0x1FEE0];
	p0 =	sne.s32 s21, $0x64;
	s25 =	sadd.s32 $0xFAA8, s22;
	s26 =	sadd.s32 $0x50, s23  }
0x1e4: {  	v32 =	vld [tilespmem:$0x1FEF0];
	[hbm4b:s26+s3] =	stream.linear.scatter [tilespmem:s25], [sflag:$0x4], $0x80, $0x38  }
.Ltmp7:
0x1e5: {  	v18 =	vld [tilespmem:$0x1FF00];
	(pc) =	sbr.rel @p0 .LBB2_2-.Ltmp7, $4  }
0x1e6: {  	v22 =	vld [tilespmem:$0x1FF10];
	s28 =	sadd.s32 $0xFB30, s22;
	s29 =	sadd.s32 $0x60, s23  }
0x1e7: {  	v5 =	vmov v11;
	v29 =	vld [tilespmem:$0x1FF20];
	[hbm4b:s29+s3] =	stream.linear.scatter [tilespmem:s28], [sflag:$0x4], $0x80, $0x38  }
0x1e8: {  	v9 =	vmovc v57;
	v10 =	vmovc v51;
	v11 =	vmov v58;
	v14 =	vmov v49;
	v20 =	vmov v27;
	v28 =	vld [tilespmem:$0x1FF30];
	s30 =	sadd.s32 $0xFBB8, s22;
	s31 =	sadd.s32 $0x70, s23  }
0x1e9: {  	v0 =	vmovc v46;
	v25 =	vmovc v60;
	v26 =	vmov v40;
	v27 =	vmov v62;
	v2 =	vld [tilespmem:$0x1FF40];
	v4 =	vmov v61;
	[hbm4b:s31+s3] =	stream.linear.scatter [tilespmem:s30], [sflag:$0x4], $0x80, $0x38  }
0x1ea: {  	s20 =	sadd.s32 $0x1, s20  }
0x1eb: {  	_ =	swait.ge [sflag:s19], $0x2000;
	p0 =	sne.s32 s20, s8  }
.Ltmp8:
0x1ec: {  	[sflag:s19] =	ssyncset.done $0x0;
	(pc) =	sbr.rel @p0 .LBB2_1-.Ltmp8, $4  }
0x1ed: {  	[sflag:s19] =	ssyncadd.s32 $0xFFFFE000  }
0x1ee: {  	_ =	swait.ge [sflag:s17], $0x2000  }
0x1ef: {  	[sflag:s17] =	ssyncset.done $0x0  }
0x1f0: {  	[sflag:s17] =	ssyncadd.s32 $0xFFFFE000  }
0x1f1: {  	_ =	sfence.sel $0x180000  }
0x1f2: {  	[bflag:$0x0] =	sbarrier.arrive $0xFFFF  }
0x1f3: {  	p0 =	sne.s32 s0, $0x0;
	_ =	strace $0x9000004A  }
0x1f4: {  	s0 =	sadd.s32 @!p0 $0x100000, s1;
	[bflag:$0x2] =	sbarrier.arrive $0xFFFF  }
0x1f5: {  	[sflag:s0] =	ssyncadd.tile.s32 @!p0 $0x1;
	_ =	shalt  }
.Lfunc_end2:
_tile_overlayer_lowered:
.L_overlay_start_2:
0x1f6: {  	(tag) =	ssettag $0x2  }
0x1f7: {  	s0 =	rddreg [dreg:$0x0];
	s2 =	stileid.u32  }
0x1f8: {  	s1 =	rddreg [dreg:$0x1];
	p0 =	sne.s32 s2, $0x0  }
0x1f9: {  	s3 =	rddreg [dreg:$0x2];
	[bflag:$0x3] =	sbarrier.arrive $0xFFFF;
	s2 =	simm.s32 @!p0 $0x1C05  }
0x1fa: {  	[timem:s3], [sflag:s2] =	dma.local @!p0 [hbm:s0], s1  }
0x1fb: {  	s0 =	simm.s32 @!p0 $0x5  }
0x1fc: {  	_ =	swait.ge @!p0 [sflag:s0], s1  }
0x1fd: {  	s1 =	ssub.s32 @!p0 $0x0, s1;
	[sflag:s0] =	ssyncset.done @!p0 $0x0  }
0x1fe: {  	[sflag:s0] =	ssyncadd.s32 @!p0 s1  }
0x1ff: {  	[bflag:$0x3] =	sbarrier.arrive $0xFFFF  }
0x200: {  	_ =	shalt  }

</sc_bundles>
